<compile_context>
chip_gen: v7x
topology: tpu7x:2x2x1
jax: 0.10.2.dev20260603
libtpu: 0.0.44.dev20260713+nightly
codegen_flags: <defaults>
</compile_context>

<pallas_src>
import functools

import jax
import jax.numpy as jnp
from jax import lax
from jax.experimental import pallas as pl
from jax.experimental.pallas import tpu as pltpu
from jax.experimental.pallas import tpu_sc as plsc

KP_EXTENT = 0.66
_LANES = 16
_NTILES = 32
_BN = 512


def _h_body(K, x_ref, g_ref, W_ref, b_ref, es_ref, h_ref):
    xb = x_ref[...]
    dn = (((1,), (1,)), ((), ()))
    inner = lax.dot_general(xb, g_ref[...], dn,
                            precision=lax.Precision.HIGHEST,
                            preferred_element_type=jnp.float32)
    ci = jnp.maximum(-inner, 1.0 + 1e-7)
    dis = jnp.log(ci + jnp.sqrt(ci * ci - 1.0))
    w = jnp.maximum(1.0 - dis / KP_EXTENT, 0.0)
    lane = lax.broadcasted_iota(jnp.int32, xb.shape, 1)
    acc = jnp.zeros_like(xb)
    for k in range(K):
        y = lax.dot_general(xb, W_ref[k], dn,
                            preferred_element_type=jnp.float32)
        y = y + b_ref[k:k + 1, :]
        y0 = y[:, 0:1]
        es = es_ref[k:k + 1, 0:1]
        t = es / (1.0 + jnp.exp(-y0)) + 1.0001
        tot = jnp.sum(y * y, axis=1, keepdims=True)
        xnsq = jnp.maximum(tot - y0 * y0, 1e-8)
        r = jnp.sqrt((t * t - 1.0) / xnsq)
        f = jnp.where(lane == 0, t, y * r)
        acc = acc + w[:, k:k + 1] * f
    h_ref[...] = acc


def _bcast_lane(vec, j):
    dnums = lax.GatherDimensionNumbers(
        offset_dims=(), collapsed_slice_dims=(0,), start_index_map=(0,))
    return lax.gather(vec, jnp.full((_LANES, 1), j, jnp.int32), dnums, (1,),
                      mode=lax.GatherScatterMode.PROMISE_IN_BOUNDS)


_NBUF = 2


def _agg_body(NP, NN, D, C, h_hbm, nei_hbm, mask_hbm, s_hbm, *scratch):
    idx_bufs = scratch[:_NBUF]
    mask_bufs = scratch[_NBUF:2 * _NBUF]
    rows_bufs = scratch[2 * _NBUF:3 * _NBUF]
    table = scratch[3 * _NBUF]
    out_v = scratch[3 * _NBUF + 1]
    sems = scratch[3 * _NBUF + 2:]
    DC = D // _LANES
    tpw = NP // _NTILES
    E = C * NN
    CH = tpw // C
    wid = lax.axis_index("s") * 2 + lax.axis_index("c")
    node0 = wid * tpw
    ch0 = wid * CH

    sid = lax.axis_index("s")
    seg = NP // 16
    pltpu.sync_copy(h_hbm.at[pl.ds(sid * seg, seg)],
                    table.at[pl.ds(sid * seg, seg)])
    plsc.subcore_barrier()
    for b in range(_NBUF):
        pltpu.sync_copy(nei_hbm.at[ch0 + b], idx_bufs[b])
        pltpu.sync_copy(mask_hbm.at[ch0 + b], mask_bufs[b])
        pltpu.async_copy(table.at[idx_bufs[b]], rows_bufs[b], sems[b])

    def make_phase(b, idx_v, mask_v, rows, sem):
        def body(ci):
            pltpu.make_async_copy(table.at[idx_v], rows, sem).wait()

            def node_body(i, carry):
                accs = [jnp.zeros((_LANES,), jnp.float32) for _ in range(DC)]
                for grp in range(NN // _LANES):
                    mv = mask_v[pl.ds(i * NN + grp * _LANES, _LANES)]
                    for j in range(_LANES):
                        mval = _bcast_lane(mv, j)
                        ridx = i * NN + grp * _LANES + j
                        for c in range(DC):
                            accs[c] = accs[c] + mval * rows[
                                ridx, pl.ds(c * _LANES, _LANES)]
                for c in range(DC):
                    out_v[i, pl.ds(c * _LANES, _LANES)] = accs[c]
                return carry

            lax.fori_loop(0, C, node_body, 0)
            pltpu.sync_copy(out_v, s_hbm.at[pl.ds(node0 + ci * C, C)])

            @pl.when(ci + _NBUF < CH)
            def _():
                pltpu.sync_copy(nei_hbm.at[ch0 + ci + _NBUF], idx_v)
                pltpu.sync_copy(mask_hbm.at[ch0 + ci + _NBUF], mask_v)
                pltpu.async_copy(table.at[idx_v], rows, sem)

        return body

    def ring_body(p, carry):
        for b in range(_NBUF):
            make_phase(b, idx_bufs[b], mask_bufs[b], rows_bufs[b],
                       sems[b])(p * _NBUF + b)
        return carry

    lax.fori_loop(0, CH // _NBUF, ring_body, 0)


def _norm_body(s_ref, o_ref):
    s = s_ref[...]
    s0 = s[:, 0:1]
    tot = jnp.sum(s * s, axis=1, keepdims=True)
    denom = jnp.maximum(2.0 * s0 * s0 - tot, 1e-8)
    o_ref[...] = s * lax.rsqrt(denom)


def kernel(x, nei, nei_mask, kernel_points, W, b, scale):
    N, D = x.shape
    NN = nei.shape[1]
    K = W.shape[0]
    C = 4
    step = _BN
    while step % (_NTILES * C) != 0:
        step += _BN
    NP = ((N + step - 1) // step) * step

    sp = kernel_points[:, 1:]
    nrm = jnp.sqrt(jnp.maximum(jnp.sum(sp * sp, axis=-1, keepdims=True), 1e-8))
    kern = jnp.concatenate([jnp.cosh(nrm), jnp.sinh(nrm) * sp / nrm], axis=-1)
    g = jnp.concatenate([-kern[:, :1], kern[:, 1:]], axis=-1)
    esb = jnp.broadcast_to(jnp.exp(scale)[:, None], (K, D))

    pad = NP - N
    E = C * NN
    xp = jnp.concatenate([x, jnp.zeros((pad, D), x.dtype)])
    neif = jnp.concatenate(
        [nei, jnp.zeros((pad, NN), nei.dtype)]).reshape(NP // C, E)
    maskf = jnp.concatenate(
        [nei_mask, jnp.zeros((pad, NN), nei_mask.dtype)]).reshape(NP // C, E)

    grid = NP // _BN
    h = pl.pallas_call(
        functools.partial(_h_body, K),
        grid=(grid,),
        in_specs=[
            pl.BlockSpec((_BN, D), lambda i: (i, 0)),
            pl.BlockSpec((K, D), lambda i: (0, 0)),
            pl.BlockSpec((K, D, D), lambda i: (0, 0, 0)),
            pl.BlockSpec((K, D), lambda i: (0, 0)),
            pl.BlockSpec((K, D), lambda i: (0, 0)),
        ],
        out_specs=pl.BlockSpec((_BN, D), lambda i: (i, 0)),
        out_shape=jax.ShapeDtypeStruct((NP, D), jnp.float32),
    )(xp, g, W, b, esb)

    tpw = NP // _NTILES
    CH = tpw // C
    agg = pl.kernel(
        functools.partial(_agg_body, NP, NN, D, C),
        out_type=jax.ShapeDtypeStruct((NP, D), jnp.float32),
        mesh=plsc.VectorSubcoreMesh(core_axis_name="c", subcore_axis_name="s"),
        scratch_types=(
            [pltpu.VMEM((E,), jnp.int32) for _ in range(_NBUF)]
            + [pltpu.VMEM((E,), jnp.float32) for _ in range(_NBUF)]
            + [pltpu.VMEM((E, D), jnp.float32) for _ in range(_NBUF)]
            + [pltpu.VMEM_SHARED((NP, D), jnp.float32)]
            + [pltpu.VMEM((C, D), jnp.float32)]
            + [pltpu.SemaphoreType.DMA for _ in range(_NBUF)]
        ),
    )
    s = agg(h, neif, maskf)

    out = pl.pallas_call(
        _norm_body,
        grid=(grid,),
        in_specs=[pl.BlockSpec((_BN, D), lambda i: (i, 0))],
        out_specs=pl.BlockSpec((_BN, D), lambda i: (i, 0)),
        out_shape=jax.ShapeDtypeStruct((NP, D), jnp.float32),
    )(s)
    return out[:N]

# --- scband reference (transcript-rebuilt; emitter-appended) ---
"""Pipeline reference for scband-kernel-point-aggregation-5205500363353 (READ-ONLY COPY).

The authoritative reference and input builder live on the scoring server;
editing this copy changes nothing except your own understanding.
"""

import jax, jax.numpy as jnp
import numpy as np

KP_EXTENT = 0.66
N, NN, D, K = 10000, 32, 128, 8


def expmap0(u):
    # u: tangent vector at Lorentz origin, u[..., 0] == 0
    sp = u[..., 1:]
    nrm = jnp.sqrt(jnp.clip(jnp.sum(sp * sp, axis=-1, keepdims=True), 1e-8))
    return jnp.concatenate([jnp.cosh(nrm), jnp.sinh(nrm) * sp / nrm], axis=-1)


def lorentz_linear(x, W, b, scale):
    # Faithful translation of LorentzLinear.forward (eval mode: dropout inactive, nonlin=None)
    x = x @ W.T + b
    x_narrow = x[..., 1:]
    time = jax.nn.sigmoid(x[..., :1]) * jnp.exp(scale) + 1.0 + 0.0001
    sc = (time * time - 1.0) / jnp.clip(jnp.sum(x_narrow * x_narrow, axis=-1, keepdims=True), 1e-8)
    return jnp.concatenate([time, x_narrow * jnp.sqrt(sc)], axis=-1)


def setup_inputs(seed: int = 0) -> dict:
    key = jax.random.key(seed)
    ks = jax.random.split(key, 6)
    # x: randn tangent vectors projected onto the Lorentz hyperboloid (points must live on the manifold)
    x_tan = jax.random.normal(ks[0], (N, D), dtype=jnp.float32) * 0.1
    x_tan = x_tan.at[:, 0].set(0.0)
    x = expmap0(x_tan)
    nei = jax.random.randint(ks[1], (N, NN), 0, N, dtype=jnp.int32)
    nei_mask = jnp.ones((N, NN), dtype=jnp.float32)
    # kernel points: fixed (non-trainable) tangent vectors at origin, scaled to KP_extent
    kernel_points = jax.random.normal(ks[2], (K, D), dtype=jnp.float32) * (KP_EXTENT / np.sqrt(D))
    kernel_points = kernel_points.at[:, 0].set(0.0)
    # per-kernel-point LorentzLinear parameters (K linears: in_channels=128 -> out_channels=128)
    W = jax.random.normal(ks[3], (K, D, D), dtype=jnp.float32) * (1.0 / np.sqrt(D))
    b = jnp.zeros((K, D), dtype=jnp.float32)
    scale = jnp.full((K,), np.log(10.0), dtype=jnp.float32)
    return {"x": x, "nei": nei, "nei_mask": nei_mask, "kernel_points": kernel_points, "W": W, "b": b, "scale": scale}


def reference(x, nei, nei_mask, kernel_points, W, b, scale):
    # KernelPointAggregation forward (transp=False, deformable=False, corr=0, nei_agg=0,
    # KP_influence='linear', aggregation_mode='sum')
    kernels = expmap0(kernel_points)  # (K, D) kernel positions on the hyperboloid
    x_nei = x[nei]  # gather neighbors: (N, NN, D)
    # Lorentz inner product <x_nei, kernels>_L via matmul with time-flipped kernels
    g = jnp.concatenate([-kernels[:, :1], kernels[:, 1:]], axis=-1)  # (K, D)
    inner = x_nei @ g.T  # (N, NN, K)
    dis = jnp.arccosh(jnp.clip(-inner, 1.0 + 1e-7))  # Lorentz geodesic distance (N, NN, K)
    # linear KP influence, masked by neighbor validity
    infl = jnp.clip(1.0 - dis / KP_EXTENT, 0.0, None) * nei_mask[..., None]  # (N, NN, K)
    s = jnp.zeros((x.shape[0], W.shape[1]), dtype=x.dtype)
    for k in range(K):
        f = lorentz_linear(x_nei, W[k], b[k], scale[k])  # (N, NN, D)
        s = s + jnp.sum(f * infl[..., k:k + 1], axis=1)  # sum over neighbors
    # Lorentz midpoint: project weighted sum back onto the hyperboloid
    inner_ss = -s[:, :1] * s[:, :1] + jnp.sum(s[:, 1:] * s[:, 1:], axis=-1, keepdims=True)
    out = s / jnp.sqrt(jnp.clip(-inner_ss, 1e-8))
    return out

if __name__ == "__main__":
    import jax
    _d = setup_inputs()
    print(jax.jit(kernel)(*tuple(_d.values())))

</pallas_src>

<mosaic_0001>
#map = affine_map<(d0, d1) -> (0, 0)>
module attributes {stable_mosaic.version = 14 : i64} {
  func.func @_agg_body(%arg0: i32, %arg1: i32, %arg2: memref<10240x128xf32, #tpu.memory_space<hbm>>, %arg3: memref<2560x128xi32, #tpu.memory_space<hbm>>, %arg4: memref<2560x128xf32, #tpu.memory_space<hbm>>, %arg5: memref<10240x128xf32, #tpu.memory_space<hbm>>, %arg6: memref<128xi32, #tpu.memory_space<vmem>>, %arg7: memref<128xi32, #tpu.memory_space<vmem>>, %arg8: memref<128xf32, #tpu.memory_space<vmem>>, %arg9: memref<128xf32, #tpu.memory_space<vmem>>, %arg10: memref<128x128xf32, #tpu.memory_space<vmem>>, %arg11: memref<128x128xf32, #tpu.memory_space<vmem>>, %arg12: memref<10240x128xf32, #tpu.memory_space<vmem_shared>>, %arg13: memref<4x128xf32, #tpu.memory_space<vmem>>, %arg14: memref<!tpu.dma_semaphore, #tpu.memory_space<semaphore_mem>>, %arg15: memref<!tpu.dma_semaphore, #tpu.memory_space<semaphore_mem>>) attributes {dimension_semantics = [#tpu.dimension_semantics<core_parallel>, #tpu.dimension_semantics<subcore_parallel>], iteration_bounds = array<i64: 2, 16>, scalar_prefetch = 0 : i64, scratch_operands = 10 : i64, tpu.core_type = #tpu.core_type<sc_vector_subcore>, window_params = [{transform_indices = #map}, {transform_indices = #map}, {transform_indices = #map}, {transform_indices = #map}]} {
    %mul3A = arith.constant 2 : i32
    %mul3A_0 = arith.muli %arg1, %mul3A : i32
    %add3A = arith.addi %mul3A_0, %arg0 : i32
    %mul3A_1 = arith.constant 320 : i32
    %mul3A_2 = arith.muli %add3A, %mul3A_1 : i32
    %mul3A_3 = arith.constant 80 : i32
    %mul3A_4 = arith.muli %add3A, %mul3A_3 : i32
    %mul3A_5 = arith.constant 640 : i32
    %mul3A_6 = arith.muli %arg1, %mul3A_5 : i32
    %mul3A_7 = arith.constant 640 : i32
    %mul3A_8 = arith.muli %arg1, %mul3A_7 : i32
    "tpu.region"() ({
      %run_scoped3A = tpu.sem_alloc : memref<!tpu.dma_semaphore, #tpu.memory_space<semaphore_mem>>
      %dma_start3A_27 = arith.constant 0 : i32
      %dma_start3A_28 = tpu.memref_slice %arg12[%mul3A_8, %dma_start3A_27] : memref<10240x128xf32, #tpu.memory_space<vmem_shared>> -> memref<640x128xf32, #tpu.memory_space<vmem_shared>>
      %dma_start3A_29 = arith.constant 0 : i32
      %dma_start3A_30 = tpu.memref_slice %arg2[%mul3A_6, %dma_start3A_29] : memref<10240x128xf32, #tpu.memory_space<hbm>> -> memref<640x128xf32, #tpu.memory_space<hbm>>
      tpu.enqueue_dma source(%dma_start3A_30 : memref<640x128xf32, #tpu.memory_space<hbm>>) target(%dma_start3A_28 : memref<640x128xf32, #tpu.memory_space<vmem_shared>>) target_semaphore(%run_scoped3A : memref<!tpu.dma_semaphore, #tpu.memory_space<semaphore_mem>>)
      %dma_wait3A = arith.constant 0 : i32
      %dma_wait3A_31 = tpu.memref_slice %arg12[%mul3A_8, %dma_wait3A] : memref<10240x128xf32, #tpu.memory_space<vmem_shared>> -> memref<640x128xf32, #tpu.memory_space<vmem_shared>>
      %dma_wait3A_32 = arith.constant 0 : i32
      %dma_wait3A_33 = tpu.memref_slice %arg2[%mul3A_6, %dma_wait3A_32] : memref<10240x128xf32, #tpu.memory_space<hbm>> -> memref<640x128xf32, #tpu.memory_space<hbm>>
      tpu.wait_dma2 semaphore(%run_scoped3A : memref<!tpu.dma_semaphore, #tpu.memory_space<semaphore_mem>>) src(%dma_wait3A_33 : memref<640x128xf32, #tpu.memory_space<hbm>>) dst(%dma_wait3A_31 : memref<640x128xf32, #tpu.memory_space<vmem_shared>>)
      tpu.yield
    }) : () -> ()
    %barrier3A = arith.constant 0 : index
    tpu.barrier barrier_id(%barrier3A)
    %add3A_9 = arith.constant 0 : i32
    %add3A_10 = arith.addi %mul3A_4, %add3A_9 : i32
    "tpu.region"() ({
      %run_scoped3A = tpu.sem_alloc : memref<!tpu.dma_semaphore, #tpu.memory_space<semaphore_mem>>
      %dma_start3A_27 = arith.constant 0 : i32
      %dma_start3A_28 = tpu.memref_slice %arg3[%add3A_10, %dma_start3A_27] : memref<2560x128xi32, #tpu.memory_space<hbm>> -> memref<1x128xi32, #tpu.memory_space<hbm>>
      %dma_start3A_29 = tpu.memref_squeeze %dma_start3A_28 : memref<1x128xi32, #tpu.memory_space<hbm>> -> memref<128xi32, #tpu.memory_space<hbm>>
      %dma_start3A_30 = arith.constant 0 : i32
      %dma_start3A_31 = tpu.memref_slice %arg3[%add3A_10, %dma_start3A_30] : memref<2560x128xi32, #tpu.memory_space<hbm>> -> memref<1x128xi32, #tpu.memory_space<hbm>>
      %dma_start3A_32 = tpu.memref_squeeze %dma_start3A_31 : memref<1x128xi32, #tpu.memory_space<hbm>> -> memref<128xi32, #tpu.memory_space<hbm>>
      tpu.enqueue_dma source(%dma_start3A_32 : memref<128xi32, #tpu.memory_space<hbm>>) target(%arg6 : memref<128xi32, #tpu.memory_space<vmem>>) target_semaphore(%run_scoped3A : memref<!tpu.dma_semaphore, #tpu.memory_space<semaphore_mem>>)
      %dma_wait3A = arith.constant 0 : i32
      %dma_wait3A_33 = tpu.memref_slice %arg3[%add3A_10, %dma_wait3A] : memref<2560x128xi32, #tpu.memory_space<hbm>> -> memref<1x128xi32, #tpu.memory_space<hbm>>
      %dma_wait3A_34 = tpu.memref_squeeze %dma_wait3A_33 : memref<1x128xi32, #tpu.memory_space<hbm>> -> memref<128xi32, #tpu.memory_space<hbm>>
      %dma_wait3A_35 = arith.constant 0 : i32
      %dma_wait3A_36 = tpu.memref_slice %arg3[%add3A_10, %dma_wait3A_35] : memref<2560x128xi32, #tpu.memory_space<hbm>> -> memref<1x128xi32, #tpu.memory_space<hbm>>
      %dma_wait3A_37 = tpu.memref_squeeze %dma_wait3A_36 : memref<1x128xi32, #tpu.memory_space<hbm>> -> memref<128xi32, #tpu.memory_space<hbm>>
      tpu.wait_dma2 semaphore(%run_scoped3A : memref<!tpu.dma_semaphore, #tpu.memory_space<semaphore_mem>>) src(%dma_wait3A_37 : memref<128xi32, #tpu.memory_space<hbm>>) dst(%arg6 : memref<128xi32, #tpu.memory_space<vmem>>)
      tpu.yield
    }) : () -> ()
    %add3A_11 = arith.constant 0 : i32
    %add3A_12 = arith.addi %mul3A_4, %add3A_11 : i32
    "tpu.region"() ({
      %run_scoped3A = tpu.sem_alloc : memref<!tpu.dma_semaphore, #tpu.memory_space<semaphore_mem>>
      %dma_start3A_27 = arith.constant 0 : i32
      %dma_start3A_28 = tpu.memref_slice %arg4[%add3A_12, %dma_start3A_27] : memref<2560x128xf32, #tpu.memory_space<hbm>> -> memref<1x128xf32, #tpu.memory_space<hbm>>
      %dma_start3A_29 = tpu.memref_squeeze %dma_start3A_28 : memref<1x128xf32, #tpu.memory_space<hbm>> -> memref<128xf32, #tpu.memory_space<hbm>>
      %dma_start3A_30 = arith.constant 0 : i32
      %dma_start3A_31 = tpu.memref_slice %arg4[%add3A_12, %dma_start3A_30] : memref<2560x128xf32, #tpu.memory_space<hbm>> -> memref<1x128xf32, #tpu.memory_space<hbm>>
      %dma_start3A_32 = tpu.memref_squeeze %dma_start3A_31 : memref<1x128xf32, #tpu.memory_space<hbm>> -> memref<128xf32, #tpu.memory_space<hbm>>
      tpu.enqueue_dma source(%dma_start3A_32 : memref<128xf32, #tpu.memory_space<hbm>>) target(%arg8 : memref<128xf32, #tpu.memory_space<vmem>>) target_semaphore(%run_scoped3A : memref<!tpu.dma_semaphore, #tpu.memory_space<semaphore_mem>>)
      %dma_wait3A = arith.constant 0 : i32
      %dma_wait3A_33 = tpu.memref_slice %arg4[%add3A_12, %dma_wait3A] : memref<2560x128xf32, #tpu.memory_space<hbm>> -> memref<1x128xf32, #tpu.memory_space<hbm>>
      %dma_wait3A_34 = tpu.memref_squeeze %dma_wait3A_33 : memref<1x128xf32, #tpu.memory_space<hbm>> -> memref<128xf32, #tpu.memory_space<hbm>>
      %dma_wait3A_35 = arith.constant 0 : i32
      %dma_wait3A_36 = tpu.memref_slice %arg4[%add3A_12, %dma_wait3A_35] : memref<2560x128xf32, #tpu.memory_space<hbm>> -> memref<1x128xf32, #tpu.memory_space<hbm>>
      %dma_wait3A_37 = tpu.memref_squeeze %dma_wait3A_36 : memref<1x128xf32, #tpu.memory_space<hbm>> -> memref<128xf32, #tpu.memory_space<hbm>>
      tpu.wait_dma2 semaphore(%run_scoped3A : memref<!tpu.dma_semaphore, #tpu.memory_space<semaphore_mem>>) src(%dma_wait3A_37 : memref<128xf32, #tpu.memory_space<hbm>>) dst(%arg8 : memref<128xf32, #tpu.memory_space<vmem>>)
      tpu.yield
    }) : () -> ()
    %dma_start3A = arith.constant 0 : i32
    %dma_start3A_13 = arith.constant 0 : i32
    %dma_start3A_14 = tpu.memref_slice %arg12[%dma_start3A, %dma_start3A_13] : memref<10240x128xf32, #tpu.memory_space<vmem_shared>> -> memref<10240x128xf32, #tpu.memory_space<vmem_shared>>
    tpu.enqueue_indirect_dma source(%dma_start3A_14 : memref<10240x128xf32, #tpu.memory_space<vmem_shared>>) target(%arg10 : memref<128x128xf32, #tpu.memory_space<vmem>>) offsets(%arg6 : memref<128xi32, #tpu.memory_space<vmem>>) semaphore(%arg14 : memref<!tpu.dma_semaphore, #tpu.memory_space<semaphore_mem>>)
    %add3A_15 = arith.constant 1 : i32
    %add3A_16 = arith.addi %mul3A_4, %add3A_15 : i32
    "tpu.region"() ({
      %run_scoped3A = tpu.sem_alloc : memref<!tpu.dma_semaphore, #tpu.memory_space<semaphore_mem>>
      %dma_start3A_27 = arith.constant 0 : i32
      %dma_start3A_28 = tpu.memref_slice %arg3[%add3A_16, %dma_start3A_27] : memref<2560x128xi32, #tpu.memory_space<hbm>> -> memref<1x128xi32, #tpu.memory_space<hbm>>
      %dma_start3A_29 = tpu.memref_squeeze %dma_start3A_28 : memref<1x128xi32, #tpu.memory_space<hbm>> -> memref<128xi32, #tpu.memory_space<hbm>>
      %dma_start3A_30 = arith.constant 0 : i32
      %dma_start3A_31 = tpu.memref_slice %arg3[%add3A_16, %dma_start3A_30] : memref<2560x128xi32, #tpu.memory_space<hbm>> -> memref<1x128xi32, #tpu.memory_space<hbm>>
      %dma_start3A_32 = tpu.memref_squeeze %dma_start3A_31 : memref<1x128xi32, #tpu.memory_space<hbm>> -> memref<128xi32, #tpu.memory_space<hbm>>
      tpu.enqueue_dma source(%dma_start3A_32 : memref<128xi32, #tpu.memory_space<hbm>>) target(%arg7 : memref<128xi32, #tpu.memory_space<vmem>>) target_semaphore(%run_scoped3A : memref<!tpu.dma_semaphore, #tpu.memory_space<semaphore_mem>>)
      %dma_wait3A = arith.constant 0 : i32
      %dma_wait3A_33 = tpu.memref_slice %arg3[%add3A_16, %dma_wait3A] : memref<2560x128xi32, #tpu.memory_space<hbm>> -> memref<1x128xi32, #tpu.memory_space<hbm>>
      %dma_wait3A_34 = tpu.memref_squeeze %dma_wait3A_33 : memref<1x128xi32, #tpu.memory_space<hbm>> -> memref<128xi32, #tpu.memory_space<hbm>>
      %dma_wait3A_35 = arith.constant 0 : i32
      %dma_wait3A_36 = tpu.memref_slice %arg3[%add3A_16, %dma_wait3A_35] : memref<2560x128xi32, #tpu.memory_space<hbm>> -> memref<1x128xi32, #tpu.memory_space<hbm>>
      %dma_wait3A_37 = tpu.memref_squeeze %dma_wait3A_36 : memref<1x128xi32, #tpu.memory_space<hbm>> -> memref<128xi32, #tpu.memory_space<hbm>>
      tpu.wait_dma2 semaphore(%run_scoped3A : memref<!tpu.dma_semaphore, #tpu.memory_space<semaphore_mem>>) src(%dma_wait3A_37 : memref<128xi32, #tpu.memory_space<hbm>>) dst(%arg7 : memref<128xi32, #tpu.memory_space<vmem>>)
      tpu.yield
    }) : () -> ()
    %add3A_17 = arith.constant 1 : i32
    %add3A_18 = arith.addi %mul3A_4, %add3A_17 : i32
    "tpu.region"() ({
      %run_scoped3A = tpu.sem_alloc : memref<!tpu.dma_semaphore, #tpu.memory_space<semaphore_mem>>
      %dma_start3A_27 = arith.constant 0 : i32
      %dma_start3A_28 = tpu.memref_slice %arg4[%add3A_18, %dma_start3A_27] : memref<2560x128xf32, #tpu.memory_space<hbm>> -> memref<1x128xf32, #tpu.memory_space<hbm>>
      %dma_start3A_29 = tpu.memref_squeeze %dma_start3A_28 : memref<1x128xf32, #tpu.memory_space<hbm>> -> memref<128xf32, #tpu.memory_space<hbm>>
      %dma_start3A_30 = arith.constant 0 : i32
      %dma_start3A_31 = tpu.memref_slice %arg4[%add3A_18, %dma_start3A_30] : memref<2560x128xf32, #tpu.memory_space<hbm>> -> memref<1x128xf32, #tpu.memory_space<hbm>>
      %dma_start3A_32 = tpu.memref_squeeze %dma_start3A_31 : memref<1x128xf32, #tpu.memory_space<hbm>> -> memref<128xf32, #tpu.memory_space<hbm>>
      tpu.enqueue_dma source(%dma_start3A_32 : memref<128xf32, #tpu.memory_space<hbm>>) target(%arg9 : memref<128xf32, #tpu.memory_space<vmem>>) target_semaphore(%run_scoped3A : memref<!tpu.dma_semaphore, #tpu.memory_space<semaphore_mem>>)
      %dma_wait3A = arith.constant 0 : i32
      %dma_wait3A_33 = tpu.memref_slice %arg4[%add3A_18, %dma_wait3A] : memref<2560x128xf32, #tpu.memory_space<hbm>> -> memref<1x128xf32, #tpu.memory_space<hbm>>
      %dma_wait3A_34 = tpu.memref_squeeze %dma_wait3A_33 : memref<1x128xf32, #tpu.memory_space<hbm>> -> memref<128xf32, #tpu.memory_space<hbm>>
      %dma_wait3A_35 = arith.constant 0 : i32
      %dma_wait3A_36 = tpu.memref_slice %arg4[%add3A_18, %dma_wait3A_35] : memref<2560x128xf32, #tpu.memory_space<hbm>> -> memref<1x128xf32, #tpu.memory_space<hbm>>
      %dma_wait3A_37 = tpu.memref_squeeze %dma_wait3A_36 : memref<1x128xf32, #tpu.memory_space<hbm>> -> memref<128xf32, #tpu.memory_space<hbm>>
      tpu.wait_dma2 semaphore(%run_scoped3A : memref<!tpu.dma_semaphore, #tpu.memory_space<semaphore_mem>>) src(%dma_wait3A_37 : memref<128xf32, #tpu.memory_space<hbm>>) dst(%arg9 : memref<128xf32, #tpu.memory_space<vmem>>)
      tpu.yield
    }) : () -> ()
    %dma_start3A_19 = arith.constant 0 : i32
    %dma_start3A_20 = arith.constant 0 : i32
    %dma_start3A_21 = tpu.memref_slice %arg12[%dma_start3A_19, %dma_start3A_20] : memref<10240x128xf32, #tpu.memory_space<vmem_shared>> -> memref<10240x128xf32, #tpu.memory_space<vmem_shared>>
    tpu.enqueue_indirect_dma source(%dma_start3A_21 : memref<10240x128xf32, #tpu.memory_space<vmem_shared>>) target(%arg11 : memref<128x128xf32, #tpu.memory_space<vmem>>) offsets(%arg7 : memref<128xi32, #tpu.memory_space<vmem>>) semaphore(%arg15 : memref<!tpu.dma_semaphore, #tpu.memory_space<semaphore_mem>>)
    %scan3A = arith.constant 0 : i32
    %scan3A_22 = arith.constant 0 : i32
    %scan3A_23 = arith.constant 40 : i32
    %scan3A_24 = arith.addi %scan3A_22, %scan3A_23 : i32
    %scan3A_25 = arith.constant 1 : i32
    scf.for %scan3A_27 = %scan3A_22 to %scan3A_24 step %scan3A_25  : i32 {
      %mul3A_28 = arith.constant 2 : i32
      %mul3A_29 = arith.muli %scan3A_27, %mul3A_28 : i32
      %add3A_30 = arith.constant 0 : i32
      %add3A_31 = arith.addi %mul3A_29, %add3A_30 : i32
      %dma_wait3A = arith.constant 0 : i32
      %dma_wait3A_32 = arith.constant 0 : i32
      %dma_wait3A_33 = tpu.memref_slice %arg12[%dma_wait3A, %dma_wait3A_32] : memref<10240x128xf32, #tpu.memory_space<vmem_shared>> -> memref<10240x128xf32, #tpu.memory_space<vmem_shared>>
      tpu.wait_indirect_dma semaphore(%arg14 : memref<!tpu.dma_semaphore, #tpu.memory_space<semaphore_mem>>) src(%dma_wait3A_33 : memref<10240x128xf32, #tpu.memory_space<vmem_shared>>) dst(%arg10 : memref<128x128xf32, #tpu.memory_space<vmem>>)
      %scan3A_34 = arith.constant 0 : i32
      %scan3A_35 = arith.constant 0 : i32
      %scan3A_36 = arith.constant 4 : i32
      %scan3A_37 = arith.addi %scan3A_35, %scan3A_36 : i32
      %scan3A_38 = arith.constant 1 : i32
      scf.for %scan3A_70 = %scan3A_35 to %scan3A_37 step %scan3A_38  : i32 {
        %broadcast_in_dim3A = arith.constant 0.000000e+00 : f32
        %broadcast_in_dim3A_71 = vector.broadcast %broadcast_in_dim3A : f32 to vector<16xf32>
        %broadcast_in_dim3A_72 = arith.constant 0.000000e+00 : f32
        %broadcast_in_dim3A_73 = vector.broadcast %broadcast_in_dim3A_72 : f32 to vector<16xf32>
        %broadcast_in_dim3A_74 = arith.constant 0.000000e+00 : f32
        %broadcast_in_dim3A_75 = vector.broadcast %broadcast_in_dim3A_74 : f32 to vector<16xf32>
        %broadcast_in_dim3A_76 = arith.constant 0.000000e+00 : f32
        %broadcast_in_dim3A_77 = vector.broadcast %broadcast_in_dim3A_76 : f32 to vector<16xf32>
        %broadcast_in_dim3A_78 = arith.constant 0.000000e+00 : f32
        %broadcast_in_dim3A_79 = vector.broadcast %broadcast_in_dim3A_78 : f32 to vector<16xf32>
        %broadcast_in_dim3A_80 = arith.constant 0.000000e+00 : f32
        %broadcast_in_dim3A_81 = vector.broadcast %broadcast_in_dim3A_80 : f32 to vector<16xf32>
        %broadcast_in_dim3A_82 = arith.constant 0.000000e+00 : f32
        %broadcast_in_dim3A_83 = vector.broadcast %broadcast_in_dim3A_82 : f32 to vector<16xf32>
        %broadcast_in_dim3A_84 = arith.constant 0.000000e+00 : f32
        %broadcast_in_dim3A_85 = vector.broadcast %broadcast_in_dim3A_84 : f32 to vector<16xf32>
        %mul3A_86 = arith.constant 32 : i32
        %mul3A_87 = arith.muli %scan3A_70, %mul3A_86 : i32
        %add3A_88 = arith.constant 0 : i32
        %add3A_89 = arith.addi %mul3A_87, %add3A_88 : i32
        %get3A = arith.index_cast %add3A_89 : i32 to index
        %get3A_90 = tpu.vector_load %arg8[%get3A] {strides = array<i32>} : memref<128xf32, #tpu.memory_space<vmem>>, vector<16xf32>,
        %get3A_91 = vector.shape_cast %get3A_90 : vector<16xf32> to vector<16xf32>
        %broadcast_in_dim3A_92 = arith.constant 0 : i32
        %broadcast_in_dim3A_93 = vector.broadcast %broadcast_in_dim3A_92 : i32 to vector<16x1xi32>
        %gather3A = vector.shape_cast %broadcast_in_dim3A_93 : vector<16x1xi32> to vector<16xi32>
        %gather3A_94 = tpu.dynamic_gather %get3A_91[%gather3A] in [0] : vector<16xf32>, vector<16xi32> -> vector<16xf32>
        %mul3A_95 = arith.constant 32 : i32
        %mul3A_96 = arith.muli %scan3A_70, %mul3A_95 : i32
        %add3A_97 = arith.constant 0 : i32
        %add3A_98 = arith.addi %mul3A_96, %add3A_97 : i32
        %add3A_99 = arith.constant 0 : i32
        %add3A_100 = arith.addi %add3A_98, %add3A_99 : i32
        %get3A_101 = arith.index_cast %add3A_100 : i32 to index
        %get3A_102 = arith.constant 0 : index
        %get3A_103 = tpu.vector_load %arg10[%get3A_101, %get3A_102] {strides = array<i32>} : memref<128x128xf32, #tpu.memory_space<vmem>>, vector<1x16xf32>,
        %get3A_104 = vector.shape_cast %get3A_103 : vector<1x16xf32> to vector<16xf32>
        %mul3A_105 = arith.mulf %gather3A_94, %get3A_104 : vector<16xf32>
        %add3A_106 = arith.addf %broadcast_in_dim3A_71, %mul3A_105 : vector<16xf32>
        %get3A_107 = arith.index_cast %add3A_100 : i32 to index
        %get3A_108 = arith.constant 16 : index
        %get3A_109 = tpu.vector_load %arg10[%get3A_107, %get3A_108] {strides = array<i32>} : memref<128x128xf32, #tpu.memory_space<vmem>>, vector<1x16xf32>,
        %get3A_110 = vector.shape_cast %get3A_109 : vector<1x16xf32> to vector<16xf32>
        %mul3A_111 = arith.mulf %gather3A_94, %get3A_110 : vector<16xf32>
        %add3A_112 = arith.addf %broadcast_in_dim3A_73, %mul3A_111 : vector<16xf32>
        %get3A_113 = arith.index_cast %add3A_100 : i32 to index
        %get3A_114 = arith.constant 32 : index
        %get3A_115 = tpu.vector_load %arg10[%get3A_113, %get3A_114] {strides = array<i32>} : memref<128x128xf32, #tpu.memory_space<vmem>>, vector<1x16xf32>,
        %get3A_116 = vector.shape_cast %get3A_115 : vector<1x16xf32> to vector<16xf32>
        %mul3A_117 = arith.mulf %gather3A_94, %get3A_116 : vector<16xf32>
        %add3A_118 = arith.addf %broadcast_in_dim3A_75, %mul3A_117 : vector<16xf32>
        %get3A_119 = arith.index_cast %add3A_100 : i32 to index
        %get3A_120 = arith.constant 48 : index
        %get3A_121 = tpu.vector_load %arg10[%get3A_119, %get3A_120] {strides = array<i32>} : memref<128x128xf32, #tpu.memory_space<vmem>>, vector<1x16xf32>,
        %get3A_122 = vector.shape_cast %get3A_121 : vector<1x16xf32> to vector<16xf32>
        %mul3A_123 = arith.mulf %gather3A_94, %get3A_122 : vector<16xf32>
        %add3A_124 = arith.addf %broadcast_in_dim3A_77, %mul3A_123 : vector<16xf32>
        %get3A_125 = arith.index_cast %add3A_100 : i32 to index
        %get3A_126 = arith.constant 64 : index
        %get3A_127 = tpu.vector_load %arg10[%get3A_125, %get3A_126] {strides = array<i32>} : memref<128x128xf32, #tpu.memory_space<vmem>>, vector<1x16xf32>,
        %get3A_128 = vector.shape_cast %get3A_127 : vector<1x16xf32> to vector<16xf32>
        %mul3A_129 = arith.mulf %gather3A_94, %get3A_128 : vector<16xf32>
        %add3A_130 = arith.addf %broadcast_in_dim3A_79, %mul3A_129 : vector<16xf32>
        %get3A_131 = arith.index_cast %add3A_100 : i32 to index
        %get3A_132 = arith.constant 80 : index
        %get3A_133 = tpu.vector_load %arg10[%get3A_131, %get3A_132] {strides = array<i32>} : memref<128x128xf32, #tpu.memory_space<vmem>>, vector<1x16xf32>,
        %get3A_134 = vector.shape_cast %get3A_133 : vector<1x16xf32> to vector<16xf32>
        %mul3A_135 = arith.mulf %gather3A_94, %get3A_134 : vector<16xf32>
        %add3A_136 = arith.addf %broadcast_in_dim3A_81, %mul3A_135 : vector<16xf32>
        %get3A_137 = arith.index_cast %add3A_100 : i32 to index
        %get3A_138 = arith.constant 96 : index
        %get3A_139 = tpu.vector_load %arg10[%get3A_137, %get3A_138] {strides = array<i32>} : memref<128x128xf32, #tpu.memory_space<vmem>>, vector<1x16xf32>,
        %get3A_140 = vector.shape_cast %get3A_139 : vector<1x16xf32> to vector<16xf32>
        %mul3A_141 = arith.mulf %gather3A_94, %get3A_140 : vector<16xf32>
        %add3A_142 = arith.addf %broadcast_in_dim3A_83, %mul3A_141 : vector<16xf32>
        %get3A_143 = arith.index_cast %add3A_100 : i32 to index
        %get3A_144 = arith.constant 112 : index
        %get3A_145 = tpu.vector_load %arg10[%get3A_143, %get3A_144] {strides = array<i32>} : memref<128x128xf32, #tpu.memory_space<vmem>>, vector<1x16xf32>,
        %get3A_146 = vector.shape_cast %get3A_145 : vector<1x16xf32> to vector<16xf32>
        %mul3A_147 = arith.mulf %gather3A_94, %get3A_146 : vector<16xf32>
        %add3A_148 = arith.addf %broadcast_in_dim3A_85, %mul3A_147 : vector<16xf32>
        %broadcast_in_dim3A_149 = arith.constant 1 : i32
        %broadcast_in_dim3A_150 = vector.broadcast %broadcast_in_dim3A_149 : i32 to vector<16x1xi32>
        %gather3A_151 = vector.shape_cast %broadcast_in_dim3A_150 : vector<16x1xi32> to vector<16xi32>
        %gather3A_152 = tpu.dynamic_gather %get3A_91[%gather3A_151] in [0] : vector<16xf32>, vector<16xi32> -> vector<16xf32>
        %mul3A_153 = arith.constant 32 : i32
        %mul3A_154 = arith.muli %scan3A_70, %mul3A_153 : i32
        %add3A_155 = arith.constant 0 : i32
        %add3A_156 = arith.addi %mul3A_154, %add3A_155 : i32
        %add3A_157 = arith.constant 1 : i32
        %add3A_158 = arith.addi %add3A_156, %add3A_157 : i32
        %get3A_159 = arith.index_cast %add3A_158 : i32 to index
        %get3A_160 = arith.constant 0 : index
        %get3A_161 = tpu.vector_load %arg10[%get3A_159, %get3A_160] {strides = array<i32>} : memref<128x128xf32, #tpu.memory_space<vmem>>, vector<1x16xf32>,
        %get3A_162 = vector.shape_cast %get3A_161 : vector<1x16xf32> to vector<16xf32>
        %mul3A_163 = arith.mulf %gather3A_152, %get3A_162 : vector<16xf32>
        %add3A_164 = arith.addf %add3A_106, %mul3A_163 : vector<16xf32>
        %get3A_165 = arith.index_cast %add3A_158 : i32 to index
        %get3A_166 = arith.constant 16 : index
        %get3A_167 = tpu.vector_load %arg10[%get3A_165, %get3A_166] {strides = array<i32>} : memref<128x128xf32, #tpu.memory_space<vmem>>, vector<1x16xf32>,
        %get3A_168 = vector.shape_cast %get3A_167 : vector<1x16xf32> to vector<16xf32>
        %mul3A_169 = arith.mulf %gather3A_152, %get3A_168 : vector<16xf32>
        %add3A_170 = arith.addf %add3A_112, %mul3A_169 : vector<16xf32>
        %get3A_171 = arith.index_cast %add3A_158 : i32 to index
        %get3A_172 = arith.constant 32 : index
        %get3A_173 = tpu.vector_load %arg10[%get3A_171, %get3A_172] {strides = array<i32>} : memref<128x128xf32, #tpu.memory_space<vmem>>, vector<1x16xf32>,
        %get3A_174 = vector.shape_cast %get3A_173 : vector<1x16xf32> to vector<16xf32>
        %mul3A_175 = arith.mulf %gather3A_152, %get3A_174 : vector<16xf32>
        %add3A_176 = arith.addf %add3A_118, %mul3A_175 : vector<16xf32>
        %get3A_177 = arith.index_cast %add3A_158 : i32 to index
        %get3A_178 = arith.constant 48 : index
        %get3A_179 = tpu.vector_load %arg10[%get3A_177, %get3A_178] {strides = array<i32>} : memref<128x128xf32, #tpu.memory_space<vmem>>, vector<1x16xf32>,
        %get3A_180 = vector.shape_cast %get3A_179 : vector<1x16xf32> to vector<16xf32>
        %mul3A_181 = arith.mulf %gather3A_152, %get3A_180 : vector<16xf32>
        %add3A_182 = arith.addf %add3A_124, %mul3A_181 : vector<16xf32>
        %get3A_183 = arith.index_cast %add3A_158 : i32 to index
        %get3A_184 = arith.constant 64 : index
        %get3A_185 = tpu.vector_load %arg10[%get3A_183, %get3A_184] {strides = array<i32>} : memref<128x128xf32, #tpu.memory_space<vmem>>, vector<1x16xf32>,
        %get3A_186 = vector.shape_cast %get3A_185 : vector<1x16xf32> to vector<16xf32>
        %mul3A_187 = arith.mulf %gather3A_152, %get3A_186 : vector<16xf32>
        %add3A_188 = arith.addf %add3A_130, %mul3A_187 : vector<16xf32>
        %get3A_189 = arith.index_cast %add3A_158 : i32 to index
        %get3A_190 = arith.constant 80 : index
        %get3A_191 = tpu.vector_load %arg10[%get3A_189, %get3A_190] {strides = array<i32>} : memref<128x128xf32, #tpu.memory_space<vmem>>, vector<1x16xf32>,
        %get3A_192 = vector.shape_cast %get3A_191 : vector<1x16xf32> to vector<16xf32>
        %mul3A_193 = arith.mulf %gather3A_152, %get3A_192 : vector<16xf32>
        %add3A_194 = arith.addf %add3A_136, %mul3A_193 : vector<16xf32>
        %get3A_195 = arith.index_cast %add3A_158 : i32 to index
        %get3A_196 = arith.constant 96 : index
        %get3A_197 = tpu.vector_load %arg10[%get3A_195, %get3A_196] {strides = array<i32>} : memref<128x128xf32, #tpu.memory_space<vmem>>, vector<1x16xf32>,
        %get3A_198 = vector.shape_cast %get3A_197 : vector<1x16xf32> to vector<16xf32>
        %mul3A_199 = arith.mulf %gather3A_152, %get3A_198 : vector<16xf32>
        %add3A_200 = arith.addf %add3A_142, %mul3A_199 : vector<16xf32>
        %get3A_201 = arith.index_cast %add3A_158 : i32 to index
        %get3A_202 = arith.constant 112 : index
        %get3A_203 = tpu.vector_load %arg10[%get3A_201, %get3A_202] {strides = array<i32>} : memref<128x128xf32, #tpu.memory_space<vmem>>, vector<1x16xf32>,
        %get3A_204 = vector.shape_cast %get3A_203 : vector<1x16xf32> to vector<16xf32>
        %mul3A_205 = arith.mulf %gather3A_152, %get3A_204 : vector<16xf32>
        %add3A_206 = arith.addf %add3A_148, %mul3A_205 : vector<16xf32>
        %broadcast_in_dim3A_207 = arith.constant 2 : i32
        %broadcast_in_dim3A_208 = vector.broadcast %broadcast_in_dim3A_207 : i32 to vector<16x1xi32>
        %gather3A_209 = vector.shape_cast %broadcast_in_dim3A_208 : vector<16x1xi32> to vector<16xi32>
        %gather3A_210 = tpu.dynamic_gather %get3A_91[%gather3A_209] in [0] : vector<16xf32>, vector<16xi32> -> vector<16xf32>
        %mul3A_211 = arith.constant 32 : i32
        %mul3A_212 = arith.muli %scan3A_70, %mul3A_211 : i32
        %add3A_213 = arith.constant 0 : i32
        %add3A_214 = arith.addi %mul3A_212, %add3A_213 : i32
        %add3A_215 = arith.constant 2 : i32
        %add3A_216 = arith.addi %add3A_214, %add3A_215 : i32
        %get3A_217 = arith.index_cast %add3A_216 : i32 to index
        %get3A_218 = arith.constant 0 : index
        %get3A_219 = tpu.vector_load %arg10[%get3A_217, %get3A_218] {strides = array<i32>} : memref<128x128xf32, #tpu.memory_space<vmem>>, vector<1x16xf32>,
        %get3A_220 = vector.shape_cast %get3A_219 : vector<1x16xf32> to vector<16xf32>
        %mul3A_221 = arith.mulf %gather3A_210, %get3A_220 : vector<16xf32>
        %add3A_222 = arith.addf %add3A_164, %mul3A_221 : vector<16xf32>
        %get3A_223 = arith.index_cast %add3A_216 : i32 to index
        %get3A_224 = arith.constant 16 : index
        %get3A_225 = tpu.vector_load %arg10[%get3A_223, %get3A_224] {strides = array<i32>} : memref<128x128xf32, #tpu.memory_space<vmem>>, vector<1x16xf32>,
        %get3A_226 = vector.shape_cast %get3A_225 : vector<1x16xf32> to vector<16xf32>
        %mul3A_227 = arith.mulf %gather3A_210, %get3A_226 : vector<16xf32>
        %add3A_228 = arith.addf %add3A_170, %mul3A_227 : vector<16xf32>
        %get3A_229 = arith.index_cast %add3A_216 : i32 to index
        %get3A_230 = arith.constant 32 : index
        %get3A_231 = tpu.vector_load %arg10[%get3A_229, %get3A_230] {strides = array<i32>} : memref<128x128xf32, #tpu.memory_space<vmem>>, vector<1x16xf32>,
        %get3A_232 = vector.shape_cast %get3A_231 : vector<1x16xf32> to vector<16xf32>
        %mul3A_233 = arith.mulf %gather3A_210, %get3A_232 : vector<16xf32>
        %add3A_234 = arith.addf %add3A_176, %mul3A_233 : vector<16xf32>
        %get3A_235 = arith.index_cast %add3A_216 : i32 to index
        %get3A_236 = arith.constant 48 : index
        %get3A_237 = tpu.vector_load %arg10[%get3A_235, %get3A_236] {strides = array<i32>} : memref<128x128xf32, #tpu.memory_space<vmem>>, vector<1x16xf32>,
        %get3A_238 = vector.shape_cast %get3A_237 : vector<1x16xf32> to vector<16xf32>
        %mul3A_239 = arith.mulf %gather3A_210, %get3A_238 : vector<16xf32>
        %add3A_240 = arith.addf %add3A_182, %mul3A_239 : vector<16xf32>
        %get3A_241 = arith.index_cast %add3A_216 : i32 to index
        %get3A_242 = arith.constant 64 : index
        %get3A_243 = tpu.vector_load %arg10[%get3A_241, %get3A_242] {strides = array<i32>} : memref<128x128xf32, #tpu.memory_space<vmem>>, vector<1x16xf32>,
        %get3A_244 = vector.shape_cast %get3A_243 : vector<1x16xf32> to vector<16xf32>
        %mul3A_245 = arith.mulf %gather3A_210, %get3A_244 : vector<16xf32>
        %add3A_246 = arith.addf %add3A_188, %mul3A_245 : vector<16xf32>
        %get3A_247 = arith.index_cast %add3A_216 : i32 to index
        %get3A_248 = arith.constant 80 : index
        %get3A_249 = tpu.vector_load %arg10[%get3A_247, %get3A_248] {strides = array<i32>} : memref<128x128xf32, #tpu.memory_space<vmem>>, vector<1x16xf32>,
        %get3A_250 = vector.shape_cast %get3A_249 : vector<1x16xf32> to vector<16xf32>
        %mul3A_251 = arith.mulf %gather3A_210, %get3A_250 : vector<16xf32>
        %add3A_252 = arith.addf %add3A_194, %mul3A_251 : vector<16xf32>
        %get3A_253 = arith.index_cast %add3A_216 : i32 to index
        %get3A_254 = arith.constant 96 : index
        %get3A_255 = tpu.vector_load %arg10[%get3A_253, %get3A_254] {strides = array<i32>} : memref<128x128xf32, #tpu.memory_space<vmem>>, vector<1x16xf32>,
        %get3A_256 = vector.shape_cast %get3A_255 : vector<1x16xf32> to vector<16xf32>
        %mul3A_257 = arith.mulf %gather3A_210, %get3A_256 : vector<16xf32>
        %add3A_258 = arith.addf %add3A_200, %mul3A_257 : vector<16xf32>
        %get3A_259 = arith.index_cast %add3A_216 : i32 to index
        %get3A_260 = arith.constant 112 : index
        %get3A_261 = tpu.vector_load %arg10[%get3A_259, %get3A_260] {strides = array<i32>} : memref<128x128xf32, #tpu.memory_space<vmem>>, vector<1x16xf32>,
        %get3A_262 = vector.shape_cast %get3A_261 : vector<1x16xf32> to vector<16xf32>
        %mul3A_263 = arith.mulf %gather3A_210, %get3A_262 : vector<16xf32>
        %add3A_264 = arith.addf %add3A_206, %mul3A_263 : vector<16xf32>
        %broadcast_in_dim3A_265 = arith.constant 3 : i32
        %broadcast_in_dim3A_266 = vector.broadcast %broadcast_in_dim3A_265 : i32 to vector<16x1xi32>
        %gather3A_267 = vector.shape_cast %broadcast_in_dim3A_266 : vector<16x1xi32> to vector<16xi32>
        %gather3A_268 = tpu.dynamic_gather %get3A_91[%gather3A_267] in [0] : vector<16xf32>, vector<16xi32> -> vector<16xf32>
        %mul3A_269 = arith.constant 32 : i32
        %mul3A_270 = arith.muli %scan3A_70, %mul3A_269 : i32
        %add3A_271 = arith.constant 0 : i32
        %add3A_272 = arith.addi %mul3A_270, %add3A_271 : i32
        %add3A_273 = arith.constant 3 : i32
        %add3A_274 = arith.addi %add3A_272, %add3A_273 : i32
        %get3A_275 = arith.index_cast %add3A_274 : i32 to index
        %get3A_276 = arith.constant 0 : index
        %get3A_277 = tpu.vector_load %arg10[%get3A_275, %get3A_276] {strides = array<i32>} : memref<128x128xf32, #tpu.memory_space<vmem>>, vector<1x16xf32>,
        %get3A_278 = vector.shape_cast %get3A_277 : vector<1x16xf32> to vector<16xf32>
        %mul3A_279 = arith.mulf %gather3A_268, %get3A_278 : vector<16xf32>
        %add3A_280 = arith.addf %add3A_222, %mul3A_279 : vector<16xf32>
        %get3A_281 = arith.index_cast %add3A_274 : i32 to index
        %get3A_282 = arith.constant 16 : index
        %get3A_283 = tpu.vector_load %arg10[%get3A_281, %get3A_282] {strides = array<i32>} : memref<128x128xf32, #tpu.memory_space<vmem>>, vector<1x16xf32>,
        %get3A_284 = vector.shape_cast %get3A_283 : vector<1x16xf32> to vector<16xf32>
        %mul3A_285 = arith.mulf %gather3A_268, %get3A_284 : vector<16xf32>
        %add3A_286 = arith.addf %add3A_228, %mul3A_285 : vector<16xf32>
        %get3A_287 = arith.index_cast %add3A_274 : i32 to index
        %get3A_288 = arith.constant 32 : index
        %get3A_289 = tpu.vector_load %arg10[%get3A_287, %get3A_288] {strides = array<i32>} : memref<128x128xf32, #tpu.memory_space<vmem>>, vector<1x16xf32>,
        %get3A_290 = vector.shape_cast %get3A_289 : vector<1x16xf32> to vector<16xf32>
        %mul3A_291 = arith.mulf %gather3A_268, %get3A_290 : vector<16xf32>
        %add3A_292 = arith.addf %add3A_234, %mul3A_291 : vector<16xf32>
        %get3A_293 = arith.index_cast %add3A_274 : i32 to index
        %get3A_294 = arith.constant 48 : index
        %get3A_295 = tpu.vector_load %arg10[%get3A_293, %get3A_294] {strides = array<i32>} : memref<128x128xf32, #tpu.memory_space<vmem>>, vector<1x16xf32>,
        %get3A_296 = vector.shape_cast %get3A_295 : vector<1x16xf32> to vector<16xf32>
        %mul3A_297 = arith.mulf %gather3A_268, %get3A_296 : vector<16xf32>
        %add3A_298 = arith.addf %add3A_240, %mul3A_297 : vector<16xf32>
        %get3A_299 = arith.index_cast %add3A_274 : i32 to index
        %get3A_300 = arith.constant 64 : index
        %get3A_301 = tpu.vector_load %arg10[%get3A_299, %get3A_300] {strides = array<i32>} : memref<128x128xf32, #tpu.memory_space<vmem>>, vector<1x16xf32>,
        %get3A_302 = vector.shape_cast %get3A_301 : vector<1x16xf32> to vector<16xf32>
        %mul3A_303 = arith.mulf %gather3A_268, %get3A_302 : vector<16xf32>
        %add3A_304 = arith.addf %add3A_246, %mul3A_303 : vector<16xf32>
        %get3A_305 = arith.index_cast %add3A_274 : i32 to index
        %get3A_306 = arith.constant 80 : index
        %get3A_307 = tpu.vector_load %arg10[%get3A_305, %get3A_306] {strides = array<i32>} : memref<128x128xf32, #tpu.memory_space<vmem>>, vector<1x16xf32>,
        %get3A_308 = vector.shape_cast %get3A_307 : vector<1x16xf32> to vector<16xf32>
        %mul3A_309 = arith.mulf %gather3A_268, %get3A_308 : vector<16xf32>
        %add3A_310 = arith.addf %add3A_252, %mul3A_309 : vector<16xf32>
        %get3A_311 = arith.index_cast %add3A_274 : i32 to index
        %get3A_312 = arith.constant 96 : index
        %get3A_313 = tpu.vector_load %arg10[%get3A_311, %get3A_312] {strides = array<i32>} : memref<128x128xf32, #tpu.memory_space<vmem>>, vector<1x16xf32>,
        %get3A_314 = vector.shape_cast %get3A_313 : vector<1x16xf32> to vector<16xf32>
        %mul3A_315 = arith.mulf %gather3A_268, %get3A_314 : vector<16xf32>
        %add3A_316 = arith.addf %add3A_258, %mul3A_315 : vector<16xf32>
        %get3A_317 = arith.index_cast %add3A_274 : i32 to index
        %get3A_318 = arith.constant 112 : index
        %get3A_319 = tpu.vector_load %arg10[%get3A_317, %get3A_318] {strides = array<i32>} : memref<128x128xf32, #tpu.memory_space<vmem>>, vector<1x16xf32>,
        %get3A_320 = vector.shape_cast %get3A_319 : vector<1x16xf32> to vector<16xf32>
        %mul3A_321 = arith.mulf %gather3A_268, %get3A_320 : vector<16xf32>
        %add3A_322 = arith.addf %add3A_264, %mul3A_321 : vector<16xf32>
        %broadcast_in_dim3A_323 = arith.constant 4 : i32
        %broadcast_in_dim3A_324 = vector.broadcast %broadcast_in_dim3A_323 : i32 to vector<16x1xi32>
        %gather3A_325 = vector.shape_cast %broadcast_in_dim3A_324 : vector<16x1xi32> to vector<16xi32>
        %gather3A_326 = tpu.dynamic_gather %get3A_91[%gather3A_325] in [0] : vector<16xf32>, vector<16xi32> -> vector<16xf32>
        %mul3A_327 = arith.constant 32 : i32
        %mul3A_328 = arith.muli %scan3A_70, %mul3A_327 : i32
        %add3A_329 = arith.constant 0 : i32
        %add3A_330 = arith.addi %mul3A_328, %add3A_329 : i32
        %add3A_331 = arith.constant 4 : i32
        %add3A_332 = arith.addi %add3A_330, %add3A_331 : i32
        %get3A_333 = arith.index_cast %add3A_332 : i32 to index
        %get3A_334 = arith.constant 0 : index
        %get3A_335 = tpu.vector_load %arg10[%get3A_333, %get3A_334] {strides = array<i32>} : memref<128x128xf32, #tpu.memory_space<vmem>>, vector<1x16xf32>,
        %get3A_336 = vector.shape_cast %get3A_335 : vector<1x16xf32> to vector<16xf32>
        %mul3A_337 = arith.mulf %gather3A_326, %get3A_336 : vector<16xf32>
        %add3A_338 = arith.addf %add3A_280, %mul3A_337 : vector<16xf32>
        %get3A_339 = arith.index_cast %add3A_332 : i32 to index
        %get3A_340 = arith.constant 16 : index
        %get3A_341 = tpu.vector_load %arg10[%get3A_339, %get3A_340] {strides = array<i32>} : memref<128x128xf32, #tpu.memory_space<vmem>>, vector<1x16xf32>,
        %get3A_342 = vector.shape_cast %get3A_341 : vector<1x16xf32> to vector<16xf32>
        %mul3A_343 = arith.mulf %gather3A_326, %get3A_342 : vector<16xf32>
        %add3A_344 = arith.addf %add3A_286, %mul3A_343 : vector<16xf32>
        %get3A_345 = arith.index_cast %add3A_332 : i32 to index
        %get3A_346 = arith.constant 32 : index
        %get3A_347 = tpu.vector_load %arg10[%get3A_345, %get3A_346] {strides = array<i32>} : memref<128x128xf32, #tpu.memory_space<vmem>>, vector<1x16xf32>,
        %get3A_348 = vector.shape_cast %get3A_347 : vector<1x16xf32> to vector<16xf32>
        %mul3A_349 = arith.mulf %gather3A_326, %get3A_348 : vector<16xf32>
        %add3A_350 = arith.addf %add3A_292, %mul3A_349 : vector<16xf32>
        %get3A_351 = arith.index_cast %add3A_332 : i32 to index
        %get3A_352 = arith.constant 48 : index
        %get3A_353 = tpu.vector_load %arg10[%get3A_351, %get3A_352] {strides = array<i32>} : memref<128x128xf32, #tpu.memory_space<vmem>>, vector<1x16xf32>,
        %get3A_354 = vector.shape_cast %get3A_353 : vector<1x16xf32> to vector<16xf32>
        %mul3A_355 = arith.mulf %gather3A_326, %get3A_354 : vector<16xf32>
        %add3A_356 = arith.addf %add3A_298, %mul3A_355 : vector<16xf32>
        %get3A_357 = arith.index_cast %add3A_332 : i32 to index
        %get3A_358 = arith.constant 64 : index
        %get3A_359 = tpu.vector_load %arg10[%get3A_357, %get3A_358] {strides = array<i32>} : memref<128x128xf32, #tpu.memory_space<vmem>>, vector<1x16xf32>,
        %get3A_360 = vector.shape_cast %get3A_359 : vector<1x16xf32> to vector<16xf32>
        %mul3A_361 = arith.mulf %gather3A_326, %get3A_360 : vector<16xf32>
        %add3A_362 = arith.addf %add3A_304, %mul3A_361 : vector<16xf32>
        %get3A_363 = arith.index_cast %add3A_332 : i32 to index
        %get3A_364 = arith.constant 80 : index
        %get3A_365 = tpu.vector_load %arg10[%get3A_363, %get3A_364] {strides = array<i32>} : memref<128x128xf32, #tpu.memory_space<vmem>>, vector<1x16xf32>,
        %get3A_366 = vector.shape_cast %get3A_365 : vector<1x16xf32> to vector<16xf32>
        %mul3A_367 = arith.mulf %gather3A_326, %get3A_366 : vector<16xf32>
        %add3A_368 = arith.addf %add3A_310, %mul3A_367 : vector<16xf32>
        %get3A_369 = arith.index_cast %add3A_332 : i32 to index
        %get3A_370 = arith.constant 96 : index
        %get3A_371 = tpu.vector_load %arg10[%get3A_369, %get3A_370] {strides = array<i32>} : memref<128x128xf32, #tpu.memory_space<vmem>>, vector<1x16xf32>,
        %get3A_372 = vector.shape_cast %get3A_371 : vector<1x16xf32> to vector<16xf32>
        %mul3A_373 = arith.mulf %gather3A_326, %get3A_372 : vector<16xf32>
        %add3A_374 = arith.addf %add3A_316, %mul3A_373 : vector<16xf32>
        %get3A_375 = arith.index_cast %add3A_332 : i32 to index
        %get3A_376 = arith.constant 112 : index
        %get3A_377 = tpu.vector_load %arg10[%get3A_375, %get3A_376] {strides = array<i32>} : memref<128x128xf32, #tpu.memory_space<vmem>>, vector<1x16xf32>,
        %get3A_378 = vector.shape_cast %get3A_377 : vector<1x16xf32> to vector<16xf32>
        %mul3A_379 = arith.mulf %gather3A_326, %get3A_378 : vector<16xf32>
        %add3A_380 = arith.addf %add3A_322, %mul3A_379 : vector<16xf32>
        %broadcast_in_dim3A_381 = arith.constant 5 : i32
        %broadcast_in_dim3A_382 = vector.broadcast %broadcast_in_dim3A_381 : i32 to vector<16x1xi32>
        %gather3A_383 = vector.shape_cast %broadcast_in_dim3A_382 : vector<16x1xi32> to vector<16xi32>
        %gather3A_384 = tpu.dynamic_gather %get3A_91[%gather3A_383] in [0] : vector<16xf32>, vector<16xi32> -> vector<16xf32>
        %mul3A_385 = arith.constant 32 : i32
        %mul3A_386 = arith.muli %scan3A_70, %mul3A_385 : i32
        %add3A_387 = arith.constant 0 : i32
        %add3A_388 = arith.addi %mul3A_386, %add3A_387 : i32
        %add3A_389 = arith.constant 5 : i32
        %add3A_390 = arith.addi %add3A_388, %add3A_389 : i32
        %get3A_391 = arith.index_cast %add3A_390 : i32 to index
        %get3A_392 = arith.constant 0 : index
        %get3A_393 = tpu.vector_load %arg10[%get3A_391, %get3A_392] {strides = array<i32>} : memref<128x128xf32, #tpu.memory_space<vmem>>, vector<1x16xf32>,
        %get3A_394 = vector.shape_cast %get3A_393 : vector<1x16xf32> to vector<16xf32>
        %mul3A_395 = arith.mulf %gather3A_384, %get3A_394 : vector<16xf32>
        %add3A_396 = arith.addf %add3A_338, %mul3A_395 : vector<16xf32>
        %get3A_397 = arith.index_cast %add3A_390 : i32 to index
        %get3A_398 = arith.constant 16 : index
        %get3A_399 = tpu.vector_load %arg10[%get3A_397, %get3A_398] {strides = array<i32>} : memref<128x128xf32, #tpu.memory_space<vmem>>, vector<1x16xf32>,
        %get3A_400 = vector.shape_cast %get3A_399 : vector<1x16xf32> to vector<16xf32>
        %mul3A_401 = arith.mulf %gather3A_384, %get3A_400 : vector<16xf32>
        %add3A_402 = arith.addf %add3A_344, %mul3A_401 : vector<16xf32>
        %get3A_403 = arith.index_cast %add3A_390 : i32 to index
        %get3A_404 = arith.constant 32 : index
        %get3A_405 = tpu.vector_load %arg10[%get3A_403, %get3A_404] {strides = array<i32>} : memref<128x128xf32, #tpu.memory_space<vmem>>, vector<1x16xf32>,
        %get3A_406 = vector.shape_cast %get3A_405 : vector<1x16xf32> to vector<16xf32>
        %mul3A_407 = arith.mulf %gather3A_384, %get3A_406 : vector<16xf32>
        %add3A_408 = arith.addf %add3A_350, %mul3A_407 : vector<16xf32>
        %get3A_409 = arith.index_cast %add3A_390 : i32 to index
        %get3A_410 = arith.constant 48 : index
        %get3A_411 = tpu.vector_load %arg10[%get3A_409, %get3A_410] {strides = array<i32>} : memref<128x128xf32, #tpu.memory_space<vmem>>, vector<1x16xf32>,
        %get3A_412 = vector.shape_cast %get3A_411 : vector<1x16xf32> to vector<16xf32>
        %mul3A_413 = arith.mulf %gather3A_384, %get3A_412 : vector<16xf32>
        %add3A_414 = arith.addf %add3A_356, %mul3A_413 : vector<16xf32>
        %get3A_415 = arith.index_cast %add3A_390 : i32 to index
        %get3A_416 = arith.constant 64 : index
        %get3A_417 = tpu.vector_load %arg10[%get3A_415, %get3A_416] {strides = array<i32>} : memref<128x128xf32, #tpu.memory_space<vmem>>, vector<1x16xf32>,
        %get3A_418 = vector.shape_cast %get3A_417 : vector<1x16xf32> to vector<16xf32>
        %mul3A_419 = arith.mulf %gather3A_384, %get3A_418 : vector<16xf32>
        %add3A_420 = arith.addf %add3A_362, %mul3A_419 : vector<16xf32>
        %get3A_421 = arith.index_cast %add3A_390 : i32 to index
        %get3A_422 = arith.constant 80 : index
        %get3A_423 = tpu.vector_load %arg10[%get3A_421, %get3A_422] {strides = array<i32>} : memref<128x128xf32, #tpu.memory_space<vmem>>, vector<1x16xf32>,
        %get3A_424 = vector.shape_cast %get3A_423 : vector<1x16xf32> to vector<16xf32>
        %mul3A_425 = arith.mulf %gather3A_384, %get3A_424 : vector<16xf32>
        %add3A_426 = arith.addf %add3A_368, %mul3A_425 : vector<16xf32>
        %get3A_427 = arith.index_cast %add3A_390 : i32 to index
        %get3A_428 = arith.constant 96 : index
        %get3A_429 = tpu.vector_load %arg10[%get3A_427, %get3A_428] {strides = array<i32>} : memref<128x128xf32, #tpu.memory_space<vmem>>, vector<1x16xf32>,
        %get3A_430 = vector.shape_cast %get3A_429 : vector<1x16xf32> to vector<16xf32>
        %mul3A_431 = arith.mulf %gather3A_384, %get3A_430 : vector<16xf32>
        %add3A_432 = arith.addf %add3A_374, %mul3A_431 : vector<16xf32>
        %get3A_433 = arith.index_cast %add3A_390 : i32 to index
        %get3A_434 = arith.constant 112 : index
        %get3A_435 = tpu.vector_load %arg10[%get3A_433, %get3A_434] {strides = array<i32>} : memref<128x128xf32, #tpu.memory_space<vmem>>, vector<1x16xf32>,
        %get3A_436 = vector.shape_cast %get3A_435 : vector<1x16xf32> to vector<16xf32>
        %mul3A_437 = arith.mulf %gather3A_384, %get3A_436 : vector<16xf32>
        %add3A_438 = arith.addf %add3A_380, %mul3A_437 : vector<16xf32>
        %broadcast_in_dim3A_439 = arith.constant 6 : i32
        %broadcast_in_dim3A_440 = vector.broadcast %broadcast_in_dim3A_439 : i32 to vector<16x1xi32>
        %gather3A_441 = vector.shape_cast %broadcast_in_dim3A_440 : vector<16x1xi32> to vector<16xi32>
        %gather3A_442 = tpu.dynamic_gather %get3A_91[%gather3A_441] in [0] : vector<16xf32>, vector<16xi32> -> vector<16xf32>
        %mul3A_443 = arith.constant 32 : i32
        %mul3A_444 = arith.muli %scan3A_70, %mul3A_443 : i32
        %add3A_445 = arith.constant 0 : i32
        %add3A_446 = arith.addi %mul3A_444, %add3A_445 : i32
        %add3A_447 = arith.constant 6 : i32
        %add3A_448 = arith.addi %add3A_446, %add3A_447 : i32
        %get3A_449 = arith.index_cast %add3A_448 : i32 to index
        %get3A_450 = arith.constant 0 : index
        %get3A_451 = tpu.vector_load %arg10[%get3A_449, %get3A_450] {strides = array<i32>} : memref<128x128xf32, #tpu.memory_space<vmem>>, vector<1x16xf32>,
        %get3A_452 = vector.shape_cast %get3A_451 : vector<1x16xf32> to vector<16xf32>
        %mul3A_453 = arith.mulf %gather3A_442, %get3A_452 : vector<16xf32>
        %add3A_454 = arith.addf %add3A_396, %mul3A_453 : vector<16xf32>
        %get3A_455 = arith.index_cast %add3A_448 : i32 to index
        %get3A_456 = arith.constant 16 : index
        %get3A_457 = tpu.vector_load %arg10[%get3A_455, %get3A_456] {strides = array<i32>} : memref<128x128xf32, #tpu.memory_space<vmem>>, vector<1x16xf32>,
        %get3A_458 = vector.shape_cast %get3A_457 : vector<1x16xf32> to vector<16xf32>
        %mul3A_459 = arith.mulf %gather3A_442, %get3A_458 : vector<16xf32>
        %add3A_460 = arith.addf %add3A_402, %mul3A_459 : vector<16xf32>
        %get3A_461 = arith.index_cast %add3A_448 : i32 to index
        %get3A_462 = arith.constant 32 : index
        %get3A_463 = tpu.vector_load %arg10[%get3A_461, %get3A_462] {strides = array<i32>} : memref<128x128xf32, #tpu.memory_space<vmem>>, vector<1x16xf32>,
        %get3A_464 = vector.shape_cast %get3A_463 : vector<1x16xf32> to vector<16xf32>
        %mul3A_465 = arith.mulf %gather3A_442, %get3A_464 : vector<16xf32>
        %add3A_466 = arith.addf %add3A_408, %mul3A_465 : vector<16xf32>
        %get3A_467 = arith.index_cast %add3A_448 : i32 to index
        %get3A_468 = arith.constant 48 : index
        %get3A_469 = tpu.vector_load %arg10[%get3A_467, %get3A_468] {strides = array<i32>} : memref<128x128xf32, #tpu.memory_space<vmem>>, vector<1x16xf32>,
        %get3A_470 = vector.shape_cast %get3A_469 : vector<1x16xf32> to vector<16xf32>
        %mul3A_471 = arith.mulf %gather3A_442, %get3A_470 : vector<16xf32>
        %add3A_472 = arith.addf %add3A_414, %mul3A_471 : vector<16xf32>
        %get3A_473 = arith.index_cast %add3A_448 : i32 to index
        %get3A_474 = arith.constant 64 : index
        %get3A_475 = tpu.vector_load %arg10[%get3A_473, %get3A_474] {strides = array<i32>} : memref<128x128xf32, #tpu.memory_space<vmem>>, vector<1x16xf32>,
        %get3A_476 = vector.shape_cast %get3A_475 : vector<1x16xf32> to vector<16xf32>
        %mul3A_477 = arith.mulf %gather3A_442, %get3A_476 : vector<16xf32>
        %add3A_478 = arith.addf %add3A_420, %mul3A_477 : vector<16xf32>
        %get3A_479 = arith.index_cast %add3A_448 : i32 to index
        %get3A_480 = arith.constant 80 : index
        %get3A_481 = tpu.vector_load %arg10[%get3A_479, %get3A_480] {strides = array<i32>} : memref<128x128xf32, #tpu.memory_space<vmem>>, vector<1x16xf32>,
        %get3A_482 = vector.shape_cast %get3A_481 : vector<1x16xf32> to vector<16xf32>
        %mul3A_483 = arith.mulf %gather3A_442, %get3A_482 : vector<16xf32>
        %add3A_484 = arith.addf %add3A_426, %mul3A_483 : vector<16xf32>
        %get3A_485 = arith.index_cast %add3A_448 : i32 to index
        %get3A_486 = arith.constant 96 : index
        %get3A_487 = tpu.vector_load %arg10[%get3A_485, %get3A_486] {strides = array<i32>} : memref<128x128xf32, #tpu.memory_space<vmem>>, vector<1x16xf32>,
        %get3A_488 = vector.shape_cast %get3A_487 : vector<1x16xf32> to vector<16xf32>
        %mul3A_489 = arith.mulf %gather3A_442, %get3A_488 : vector<16xf32>
        %add3A_490 = arith.addf %add3A_432, %mul3A_489 : vector<16xf32>
        %get3A_491 = arith.index_cast %add3A_448 : i32 to index
        %get3A_492 = arith.constant 112 : index
        %get3A_493 = tpu.vector_load %arg10[%get3A_491, %get3A_492] {strides = array<i32>} : memref<128x128xf32, #tpu.memory_space<vmem>>, vector<1x16xf32>,
        %get3A_494 = vector.shape_cast %get3A_493 : vector<1x16xf32> to vector<16xf32>
        %mul3A_495 = arith.mulf %gather3A_442, %get3A_494 : vector<16xf32>
        %add3A_496 = arith.addf %add3A_438, %mul3A_495 : vector<16xf32>
        %broadcast_in_dim3A_497 = arith.constant 7 : i32
        %broadcast_in_dim3A_498 = vector.broadcast %broadcast_in_dim3A_497 : i32 to vector<16x1xi32>
        %gather3A_499 = vector.shape_cast %broadcast_in_dim3A_498 : vector<16x1xi32> to vector<16xi32>
        %gather3A_500 = tpu.dynamic_gather %get3A_91[%gather3A_499] in [0] : vector<16xf32>, vector<16xi32> -> vector<16xf32>
        %mul3A_501 = arith.constant 32 : i32
        %mul3A_502 = arith.muli %scan3A_70, %mul3A_501 : i32
        %add3A_503 = arith.constant 0 : i32
        %add3A_504 = arith.addi %mul3A_502, %add3A_503 : i32
        %add3A_505 = arith.constant 7 : i32
        %add3A_506 = arith.addi %add3A_504, %add3A_505 : i32
        %get3A_507 = arith.index_cast %add3A_506 : i32 to index
        %get3A_508 = arith.constant 0 : index
        %get3A_509 = tpu.vector_load %arg10[%get3A_507, %get3A_508] {strides = array<i32>} : memref<128x128xf32, #tpu.memory_space<vmem>>, vector<1x16xf32>,
        %get3A_510 = vector.shape_cast %get3A_509 : vector<1x16xf32> to vector<16xf32>
        %mul3A_511 = arith.mulf %gather3A_500, %get3A_510 : vector<16xf32>
        %add3A_512 = arith.addf %add3A_454, %mul3A_511 : vector<16xf32>
        %get3A_513 = arith.index_cast %add3A_506 : i32 to index
        %get3A_514 = arith.constant 16 : index
        %get3A_515 = tpu.vector_load %arg10[%get3A_513, %get3A_514] {strides = array<i32>} : memref<128x128xf32, #tpu.memory_space<vmem>>, vector<1x16xf32>,
        %get3A_516 = vector.shape_cast %get3A_515 : vector<1x16xf32> to vector<16xf32>
        %mul3A_517 = arith.mulf %gather3A_500, %get3A_516 : vector<16xf32>
        %add3A_518 = arith.addf %add3A_460, %mul3A_517 : vector<16xf32>
        %get3A_519 = arith.index_cast %add3A_506 : i32 to index
        %get3A_520 = arith.constant 32 : index
        %get3A_521 = tpu.vector_load %arg10[%get3A_519, %get3A_520] {strides = array<i32>} : memref<128x128xf32, #tpu.memory_space<vmem>>, vector<1x16xf32>,
        %get3A_522 = vector.shape_cast %get3A_521 : vector<1x16xf32> to vector<16xf32>
        %mul3A_523 = arith.mulf %gather3A_500, %get3A_522 : vector<16xf32>
        %add3A_524 = arith.addf %add3A_466, %mul3A_523 : vector<16xf32>
        %get3A_525 = arith.index_cast %add3A_506 : i32 to index
        %get3A_526 = arith.constant 48 : index
        %get3A_527 = tpu.vector_load %arg10[%get3A_525, %get3A_526] {strides = array<i32>} : memref<128x128xf32, #tpu.memory_space<vmem>>, vector<1x16xf32>,
        %get3A_528 = vector.shape_cast %get3A_527 : vector<1x16xf32> to vector<16xf32>
        %mul3A_529 = arith.mulf %gather3A_500, %get3A_528 : vector<16xf32>
        %add3A_530 = arith.addf %add3A_472, %mul3A_529 : vector<16xf32>
        %get3A_531 = arith.index_cast %add3A_506 : i32 to index
        %get3A_532 = arith.constant 64 : index
        %get3A_533 = tpu.vector_load %arg10[%get3A_531, %get3A_532] {strides = array<i32>} : memref<128x128xf32, #tpu.memory_space<vmem>>, vector<1x16xf32>,
        %get3A_534 = vector.shape_cast %get3A_533 : vector<1x16xf32> to vector<16xf32>
        %mul3A_535 = arith.mulf %gather3A_500, %get3A_534 : vector<16xf32>
        %add3A_536 = arith.addf %add3A_478, %mul3A_535 : vector<16xf32>
        %get3A_537 = arith.index_cast %add3A_506 : i32 to index
        %get3A_538 = arith.constant 80 : index
        %get3A_539 = tpu.vector_load %arg10[%get3A_537, %get3A_538] {strides = array<i32>} : memref<128x128xf32, #tpu.memory_space<vmem>>, vector<1x16xf32>,
        %get3A_540 = vector.shape_cast %get3A_539 : vector<1x16xf32> to vector<16xf32>
        %mul3A_541 = arith.mulf %gather3A_500, %get3A_540 : vector<16xf32>
        %add3A_542 = arith.addf %add3A_484, %mul3A_541 : vector<16xf32>
        %get3A_543 = arith.index_cast %add3A_506 : i32 to index
        %get3A_544 = arith.constant 96 : index
        %get3A_545 = tpu.vector_load %arg10[%get3A_543, %get3A_544] {strides = array<i32>} : memref<128x128xf32, #tpu.memory_space<vmem>>, vector<1x16xf32>,
        %get3A_546 = vector.shape_cast %get3A_545 : vector<1x16xf32> to vector<16xf32>
        %mul3A_547 = arith.mulf %gather3A_500, %get3A_546 : vector<16xf32>
        %add3A_548 = arith.addf %add3A_490, %mul3A_547 : vector<16xf32>
        %get3A_549 = arith.index_cast %add3A_506 : i32 to index
        %get3A_550 = arith.constant 112 : index
        %get3A_551 = tpu.vector_load %arg10[%get3A_549, %get3A_550] {strides = array<i32>} : memref<128x128xf32, #tpu.memory_space<vmem>>, vector<1x16xf32>,
        %get3A_552 = vector.shape_cast %get3A_551 : vector<1x16xf32> to vector<16xf32>
        %mul3A_553 = arith.mulf %gather3A_500, %get3A_552 : vector<16xf32>
        %add3A_554 = arith.addf %add3A_496, %mul3A_553 : vector<16xf32>
        %broadcast_in_dim3A_555 = arith.constant 8 : i32
        %broadcast_in_dim3A_556 = vector.broadcast %broadcast_in_dim3A_555 : i32 to vector<16x1xi32>
        %gather3A_557 = vector.shape_cast %broadcast_in_dim3A_556 : vector<16x1xi32> to vector<16xi32>
        %gather3A_558 = tpu.dynamic_gather %get3A_91[%gather3A_557] in [0] : vector<16xf32>, vector<16xi32> -> vector<16xf32>
        %mul3A_559 = arith.constant 32 : i32
        %mul3A_560 = arith.muli %scan3A_70, %mul3A_559 : i32
        %add3A_561 = arith.constant 0 : i32
        %add3A_562 = arith.addi %mul3A_560, %add3A_561 : i32
        %add3A_563 = arith.constant 8 : i32
        %add3A_564 = arith.addi %add3A_562, %add3A_563 : i32
        %get3A_565 = arith.index_cast %add3A_564 : i32 to index
        %get3A_566 = arith.constant 0 : index
        %get3A_567 = tpu.vector_load %arg10[%get3A_565, %get3A_566] {strides = array<i32>} : memref<128x128xf32, #tpu.memory_space<vmem>>, vector<1x16xf32>,
        %get3A_568 = vector.shape_cast %get3A_567 : vector<1x16xf32> to vector<16xf32>
        %mul3A_569 = arith.mulf %gather3A_558, %get3A_568 : vector<16xf32>
        %add3A_570 = arith.addf %add3A_512, %mul3A_569 : vector<16xf32>
        %get3A_571 = arith.index_cast %add3A_564 : i32 to index
        %get3A_572 = arith.constant 16 : index
        %get3A_573 = tpu.vector_load %arg10[%get3A_571, %get3A_572] {strides = array<i32>} : memref<128x128xf32, #tpu.memory_space<vmem>>, vector<1x16xf32>,
        %get3A_574 = vector.shape_cast %get3A_573 : vector<1x16xf32> to vector<16xf32>
        %mul3A_575 = arith.mulf %gather3A_558, %get3A_574 : vector<16xf32>
        %add3A_576 = arith.addf %add3A_518, %mul3A_575 : vector<16xf32>
        %get3A_577 = arith.index_cast %add3A_564 : i32 to index
        %get3A_578 = arith.constant 32 : index
        %get3A_579 = tpu.vector_load %arg10[%get3A_577, %get3A_578] {strides = array<i32>} : memref<128x128xf32, #tpu.memory_space<vmem>>, vector<1x16xf32>,
        %get3A_580 = vector.shape_cast %get3A_579 : vector<1x16xf32> to vector<16xf32>
        %mul3A_581 = arith.mulf %gather3A_558, %get3A_580 : vector<16xf32>
        %add3A_582 = arith.addf %add3A_524, %mul3A_581 : vector<16xf32>
        %get3A_583 = arith.index_cast %add3A_564 : i32 to index
        %get3A_584 = arith.constant 48 : index
        %get3A_585 = tpu.vector_load %arg10[%get3A_583, %get3A_584] {strides = array<i32>} : memref<128x128xf32, #tpu.memory_space<vmem>>, vector<1x16xf32>,
        %get3A_586 = vector.shape_cast %get3A_585 : vector<1x16xf32> to vector<16xf32>
        %mul3A_587 = arith.mulf %gather3A_558, %get3A_586 : vector<16xf32>
        %add3A_588 = arith.addf %add3A_530, %mul3A_587 : vector<16xf32>
        %get3A_589 = arith.index_cast %add3A_564 : i32 to index
        %get3A_590 = arith.constant 64 : index
        %get3A_591 = tpu.vector_load %arg10[%get3A_589, %get3A_590] {strides = array<i32>} : memref<128x128xf32, #tpu.memory_space<vmem>>, vector<1x16xf32>,
        %get3A_592 = vector.shape_cast %get3A_591 : vector<1x16xf32> to vector<16xf32>
        %mul3A_593 = arith.mulf %gather3A_558, %get3A_592 : vector<16xf32>
        %add3A_594 = arith.addf %add3A_536, %mul3A_593 : vector<16xf32>
        %get3A_595 = arith.index_cast %add3A_564 : i32 to index
        %get3A_596 = arith.constant 80 : index
        %get3A_597 = tpu.vector_load %arg10[%get3A_595, %get3A_596] {strides = array<i32>} : memref<128x128xf32, #tpu.memory_space<vmem>>, vector<1x16xf32>,
        %get3A_598 = vector.shape_cast %get3A_597 : vector<1x16xf32> to vector<16xf32>
        %mul3A_599 = arith.mulf %gather3A_558, %get3A_598 : vector<16xf32>
        %add3A_600 = arith.addf %add3A_542, %mul3A_599 : vector<16xf32>
        %get3A_601 = arith.index_cast %add3A_564 : i32 to index
        %get3A_602 = arith.constant 96 : index
        %get3A_603 = tpu.vector_load %arg10[%get3A_601, %get3A_602] {strides = array<i32>} : memref<128x128xf32, #tpu.memory_space<vmem>>, vector<1x16xf32>,
        %get3A_604 = vector.shape_cast %get3A_603 : vector<1x16xf32> to vector<16xf32>
        %mul3A_605 = arith.mulf %gather3A_558, %get3A_604 : vector<16xf32>
        %add3A_606 = arith.addf %add3A_548, %mul3A_605 : vector<16xf32>
        %get3A_607 = arith.index_cast %add3A_564 : i32 to index
        %get3A_608 = arith.constant 112 : index
        %get3A_609 = tpu.vector_load %arg10[%get3A_607, %get3A_608] {strides = array<i32>} : memref<128x128xf32, #tpu.memory_space<vmem>>, vector<1x16xf32>,
        %get3A_610 = vector.shape_cast %get3A_609 : vector<1x16xf32> to vector<16xf32>
        %mul3A_611 = arith.mulf %gather3A_558, %get3A_610 : vector<16xf32>
        %add3A_612 = arith.addf %add3A_554, %mul3A_611 : vector<16xf32>
        %broadcast_in_dim3A_613 = arith.constant 9 : i32
        %broadcast_in_dim3A_614 = vector.broadcast %broadcast_in_dim3A_613 : i32 to vector<16x1xi32>
        %gather3A_615 = vector.shape_cast %broadcast_in_dim3A_614 : vector<16x1xi32> to vector<16xi32>
        %gather3A_616 = tpu.dynamic_gather %get3A_91[%gather3A_615] in [0] : vector<16xf32>, vector<16xi32> -> vector<16xf32>
        %mul3A_617 = arith.constant 32 : i32
        %mul3A_618 = arith.muli %scan3A_70, %mul3A_617 : i32
        %add3A_619 = arith.constant 0 : i32
        %add3A_620 = arith.addi %mul3A_618, %add3A_619 : i32
        %add3A_621 = arith.constant 9 : i32
        %add3A_622 = arith.addi %add3A_620, %add3A_621 : i32
        %get3A_623 = arith.index_cast %add3A_622 : i32 to index
        %get3A_624 = arith.constant 0 : index
        %get3A_625 = tpu.vector_load %arg10[%get3A_623, %get3A_624] {strides = array<i32>} : memref<128x128xf32, #tpu.memory_space<vmem>>, vector<1x16xf32>,
        %get3A_626 = vector.shape_cast %get3A_625 : vector<1x16xf32> to vector<16xf32>
        %mul3A_627 = arith.mulf %gather3A_616, %get3A_626 : vector<16xf32>
        %add3A_628 = arith.addf %add3A_570, %mul3A_627 : vector<16xf32>
        %get3A_629 = arith.index_cast %add3A_622 : i32 to index
        %get3A_630 = arith.constant 16 : index
        %get3A_631 = tpu.vector_load %arg10[%get3A_629, %get3A_630] {strides = array<i32>} : memref<128x128xf32, #tpu.memory_space<vmem>>, vector<1x16xf32>,
        %get3A_632 = vector.shape_cast %get3A_631 : vector<1x16xf32> to vector<16xf32>
        %mul3A_633 = arith.mulf %gather3A_616, %get3A_632 : vector<16xf32>
        %add3A_634 = arith.addf %add3A_576, %mul3A_633 : vector<16xf32>
        %get3A_635 = arith.index_cast %add3A_622 : i32 to index
        %get3A_636 = arith.constant 32 : index
        %get3A_637 = tpu.vector_load %arg10[%get3A_635, %get3A_636] {strides = array<i32>} : memref<128x128xf32, #tpu.memory_space<vmem>>, vector<1x16xf32>,
        %get3A_638 = vector.shape_cast %get3A_637 : vector<1x16xf32> to vector<16xf32>
        %mul3A_639 = arith.mulf %gather3A_616, %get3A_638 : vector<16xf32>
        %add3A_640 = arith.addf %add3A_582, %mul3A_639 : vector<16xf32>
        %get3A_641 = arith.index_cast %add3A_622 : i32 to index
        %get3A_642 = arith.constant 48 : index
        %get3A_643 = tpu.vector_load %arg10[%get3A_641, %get3A_642] {strides = array<i32>} : memref<128x128xf32, #tpu.memory_space<vmem>>, vector<1x16xf32>,
        %get3A_644 = vector.shape_cast %get3A_643 : vector<1x16xf32> to vector<16xf32>
        %mul3A_645 = arith.mulf %gather3A_616, %get3A_644 : vector<16xf32>
        %add3A_646 = arith.addf %add3A_588, %mul3A_645 : vector<16xf32>
        %get3A_647 = arith.index_cast %add3A_622 : i32 to index
        %get3A_648 = arith.constant 64 : index
        %get3A_649 = tpu.vector_load %arg10[%get3A_647, %get3A_648] {strides = array<i32>} : memref<128x128xf32, #tpu.memory_space<vmem>>, vector<1x16xf32>,
        %get3A_650 = vector.shape_cast %get3A_649 : vector<1x16xf32> to vector<16xf32>
        %mul3A_651 = arith.mulf %gather3A_616, %get3A_650 : vector<16xf32>
        %add3A_652 = arith.addf %add3A_594, %mul3A_651 : vector<16xf32>
        %get3A_653 = arith.index_cast %add3A_622 : i32 to index
        %get3A_654 = arith.constant 80 : index
        %get3A_655 = tpu.vector_load %arg10[%get3A_653, %get3A_654] {strides = array<i32>} : memref<128x128xf32, #tpu.memory_space<vmem>>, vector<1x16xf32>,
        %get3A_656 = vector.shape_cast %get3A_655 : vector<1x16xf32> to vector<16xf32>
        %mul3A_657 = arith.mulf %gather3A_616, %get3A_656 : vector<16xf32>
        %add3A_658 = arith.addf %add3A_600, %mul3A_657 : vector<16xf32>
        %get3A_659 = arith.index_cast %add3A_622 : i32 to index
        %get3A_660 = arith.constant 96 : index
        %get3A_661 = tpu.vector_load %arg10[%get3A_659, %get3A_660] {strides = array<i32>} : memref<128x128xf32, #tpu.memory_space<vmem>>, vector<1x16xf32>,
        %get3A_662 = vector.shape_cast %get3A_661 : vector<1x16xf32> to vector<16xf32>
        %mul3A_663 = arith.mulf %gather3A_616, %get3A_662 : vector<16xf32>
        %add3A_664 = arith.addf %add3A_606, %mul3A_663 : vector<16xf32>
        %get3A_665 = arith.index_cast %add3A_622 : i32 to index
        %get3A_666 = arith.constant 112 : index
        %get3A_667 = tpu.vector_load %arg10[%get3A_665, %get3A_666] {strides = array<i32>} : memref<128x128xf32, #tpu.memory_space<vmem>>, vector<1x16xf32>,
        %get3A_668 = vector.shape_cast %get3A_667 : vector<1x16xf32> to vector<16xf32>
        %mul3A_669 = arith.mulf %gather3A_616, %get3A_668 : vector<16xf32>
        %add3A_670 = arith.addf %add3A_612, %mul3A_669 : vector<16xf32>
        %broadcast_in_dim3A_671 = arith.constant 10 : i32
        %broadcast_in_dim3A_672 = vector.broadcast %broadcast_in_dim3A_671 : i32 to vector<16x1xi32>
        %gather3A_673 = vector.shape_cast %broadcast_in_dim3A_672 : vector<16x1xi32> to vector<16xi32>
        %gather3A_674 = tpu.dynamic_gather %get3A_91[%gather3A_673] in [0] : vector<16xf32>, vector<16xi32> -> vector<16xf32>
        %mul3A_675 = arith.constant 32 : i32
        %mul3A_676 = arith.muli %scan3A_70, %mul3A_675 : i32
        %add3A_677 = arith.constant 0 : i32
        %add3A_678 = arith.addi %mul3A_676, %add3A_677 : i32
        %add3A_679 = arith.constant 10 : i32
        %add3A_680 = arith.addi %add3A_678, %add3A_679 : i32
        %get3A_681 = arith.index_cast %add3A_680 : i32 to index
        %get3A_682 = arith.constant 0 : index
        %get3A_683 = tpu.vector_load %arg10[%get3A_681, %get3A_682] {strides = array<i32>} : memref<128x128xf32, #tpu.memory_space<vmem>>, vector<1x16xf32>,
        %get3A_684 = vector.shape_cast %get3A_683 : vector<1x16xf32> to vector<16xf32>
        %mul3A_685 = arith.mulf %gather3A_674, %get3A_684 : vector<16xf32>
        %add3A_686 = arith.addf %add3A_628, %mul3A_685 : vector<16xf32>
        %get3A_687 = arith.index_cast %add3A_680 : i32 to index
        %get3A_688 = arith.constant 16 : index
        %get3A_689 = tpu.vector_load %arg10[%get3A_687, %get3A_688] {strides = array<i32>} : memref<128x128xf32, #tpu.memory_space<vmem>>, vector<1x16xf32>,
        %get3A_690 = vector.shape_cast %get3A_689 : vector<1x16xf32> to vector<16xf32>
        %mul3A_691 = arith.mulf %gather3A_674, %get3A_690 : vector<16xf32>
        %add3A_692 = arith.addf %add3A_634, %mul3A_691 : vector<16xf32>
        %get3A_693 = arith.index_cast %add3A_680 : i32 to index
        %get3A_694 = arith.constant 32 : index
        %get3A_695 = tpu.vector_load %arg10[%get3A_693, %get3A_694] {strides = array<i32>} : memref<128x128xf32, #tpu.memory_space<vmem>>, vector<1x16xf32>,
        %get3A_696 = vector.shape_cast %get3A_695 : vector<1x16xf32> to vector<16xf32>
        %mul3A_697 = arith.mulf %gather3A_674, %get3A_696 : vector<16xf32>
        %add3A_698 = arith.addf %add3A_640, %mul3A_697 : vector<16xf32>
        %get3A_699 = arith.index_cast %add3A_680 : i32 to index
        %get3A_700 = arith.constant 48 : index
        %get3A_701 = tpu.vector_load %arg10[%get3A_699, %get3A_700] {strides = array<i32>} : memref<128x128xf32, #tpu.memory_space<vmem>>, vector<1x16xf32>,
        %get3A_702 = vector.shape_cast %get3A_701 : vector<1x16xf32> to vector<16xf32>
        %mul3A_703 = arith.mulf %gather3A_674, %get3A_702 : vector<16xf32>
        %add3A_704 = arith.addf %add3A_646, %mul3A_703 : vector<16xf32>
        %get3A_705 = arith.index_cast %add3A_680 : i32 to index
        %get3A_706 = arith.constant 64 : index
        %get3A_707 = tpu.vector_load %arg10[%get3A_705, %get3A_706] {strides = array<i32>} : memref<128x128xf32, #tpu.memory_space<vmem>>, vector<1x16xf32>,
        %get3A_708 = vector.shape_cast %get3A_707 : vector<1x16xf32> to vector<16xf32>
        %mul3A_709 = arith.mulf %gather3A_674, %get3A_708 : vector<16xf32>
        %add3A_710 = arith.addf %add3A_652, %mul3A_709 : vector<16xf32>
        %get3A_711 = arith.index_cast %add3A_680 : i32 to index
        %get3A_712 = arith.constant 80 : index
        %get3A_713 = tpu.vector_load %arg10[%get3A_711, %get3A_712] {strides = array<i32>} : memref<128x128xf32, #tpu.memory_space<vmem>>, vector<1x16xf32>,
        %get3A_714 = vector.shape_cast %get3A_713 : vector<1x16xf32> to vector<16xf32>
        %mul3A_715 = arith.mulf %gather3A_674, %get3A_714 : vector<16xf32>
        %add3A_716 = arith.addf %add3A_658, %mul3A_715 : vector<16xf32>
        %get3A_717 = arith.index_cast %add3A_680 : i32 to index
        %get3A_718 = arith.constant 96 : index
        %get3A_719 = tpu.vector_load %arg10[%get3A_717, %get3A_718] {strides = array<i32>} : memref<128x128xf32, #tpu.memory_space<vmem>>, vector<1x16xf32>,
        %get3A_720 = vector.shape_cast %get3A_719 : vector<1x16xf32> to vector<16xf32>
        %mul3A_721 = arith.mulf %gather3A_674, %get3A_720 : vector<16xf32>
        %add3A_722 = arith.addf %add3A_664, %mul3A_721 : vector<16xf32>
        %get3A_723 = arith.index_cast %add3A_680 : i32 to index
        %get3A_724 = arith.constant 112 : index
        %get3A_725 = tpu.vector_load %arg10[%get3A_723, %get3A_724] {strides = array<i32>} : memref<128x128xf32, #tpu.memory_space<vmem>>, vector<1x16xf32>,
        %get3A_726 = vector.shape_cast %get3A_725 : vector<1x16xf32> to vector<16xf32>
        %mul3A_727 = arith.mulf %gather3A_674, %get3A_726 : vector<16xf32>
        %add3A_728 = arith.addf %add3A_670, %mul3A_727 : vector<16xf32>
        %broadcast_in_dim3A_729 = arith.constant 11 : i32
        %broadcast_in_dim3A_730 = vector.broadcast %broadcast_in_dim3A_729 : i32 to vector<16x1xi32>
        %gather3A_731 = vector.shape_cast %broadcast_in_dim3A_730 : vector<16x1xi32> to vector<16xi32>
        %gather3A_732 = tpu.dynamic_gather %get3A_91[%gather3A_731] in [0] : vector<16xf32>, vector<16xi32> -> vector<16xf32>
        %mul3A_733 = arith.constant 32 : i32
        %mul3A_734 = arith.muli %scan3A_70, %mul3A_733 : i32
        %add3A_735 = arith.constant 0 : i32
        %add3A_736 = arith.addi %mul3A_734, %add3A_735 : i32
        %add3A_737 = arith.constant 11 : i32
        %add3A_738 = arith.addi %add3A_736, %add3A_737 : i32
        %get3A_739 = arith.index_cast %add3A_738 : i32 to index
        %get3A_740 = arith.constant 0 : index
        %get3A_741 = tpu.vector_load %arg10[%get3A_739, %get3A_740] {strides = array<i32>} : memref<128x128xf32, #tpu.memory_space<vmem>>, vector<1x16xf32>,
        %get3A_742 = vector.shape_cast %get3A_741 : vector<1x16xf32> to vector<16xf32>
        %mul3A_743 = arith.mulf %gather3A_732, %get3A_742 : vector<16xf32>
        %add3A_744 = arith.addf %add3A_686, %mul3A_743 : vector<16xf32>
        %get3A_745 = arith.index_cast %add3A_738 : i32 to index
        %get3A_746 = arith.constant 16 : index
        %get3A_747 = tpu.vector_load %arg10[%get3A_745, %get3A_746] {strides = array<i32>} : memref<128x128xf32, #tpu.memory_space<vmem>>, vector<1x16xf32>,
        %get3A_748 = vector.shape_cast %get3A_747 : vector<1x16xf32> to vector<16xf32>
        %mul3A_749 = arith.mulf %gather3A_732, %get3A_748 : vector<16xf32>
        %add3A_750 = arith.addf %add3A_692, %mul3A_749 : vector<16xf32>
        %get3A_751 = arith.index_cast %add3A_738 : i32 to index
        %get3A_752 = arith.constant 32 : index
        %get3A_753 = tpu.vector_load %arg10[%get3A_751, %get3A_752] {strides = array<i32>} : memref<128x128xf32, #tpu.memory_space<vmem>>, vector<1x16xf32>,
        %get3A_754 = vector.shape_cast %get3A_753 : vector<1x16xf32> to vector<16xf32>
        %mul3A_755 = arith.mulf %gather3A_732, %get3A_754 : vector<16xf32>
        %add3A_756 = arith.addf %add3A_698, %mul3A_755 : vector<16xf32>
        %get3A_757 = arith.index_cast %add3A_738 : i32 to index
        %get3A_758 = arith.constant 48 : index
        %get3A_759 = tpu.vector_load %arg10[%get3A_757, %get3A_758] {strides = array<i32>} : memref<128x128xf32, #tpu.memory_space<vmem>>, vector<1x16xf32>,
        %get3A_760 = vector.shape_cast %get3A_759 : vector<1x16xf32> to vector<16xf32>
        %mul3A_761 = arith.mulf %gather3A_732, %get3A_760 : vector<16xf32>
        %add3A_762 = arith.addf %add3A_704, %mul3A_761 : vector<16xf32>
        %get3A_763 = arith.index_cast %add3A_738 : i32 to index
        %get3A_764 = arith.constant 64 : index
        %get3A_765 = tpu.vector_load %arg10[%get3A_763, %get3A_764] {strides = array<i32>} : memref<128x128xf32, #tpu.memory_space<vmem>>, vector<1x16xf32>,
        %get3A_766 = vector.shape_cast %get3A_765 : vector<1x16xf32> to vector<16xf32>
        %mul3A_767 = arith.mulf %gather3A_732, %get3A_766 : vector<16xf32>
        %add3A_768 = arith.addf %add3A_710, %mul3A_767 : vector<16xf32>
        %get3A_769 = arith.index_cast %add3A_738 : i32 to index
        %get3A_770 = arith.constant 80 : index
        %get3A_771 = tpu.vector_load %arg10[%get3A_769, %get3A_770] {strides = array<i32>} : memref<128x128xf32, #tpu.memory_space<vmem>>, vector<1x16xf32>,
        %get3A_772 = vector.shape_cast %get3A_771 : vector<1x16xf32> to vector<16xf32>
        %mul3A_773 = arith.mulf %gather3A_732, %get3A_772 : vector<16xf32>
        %add3A_774 = arith.addf %add3A_716, %mul3A_773 : vector<16xf32>
        %get3A_775 = arith.index_cast %add3A_738 : i32 to index
        %get3A_776 = arith.constant 96 : index
        %get3A_777 = tpu.vector_load %arg10[%get3A_775, %get3A_776] {strides = array<i32>} : memref<128x128xf32, #tpu.memory_space<vmem>>, vector<1x16xf32>,
        %get3A_778 = vector.shape_cast %get3A_777 : vector<1x16xf32> to vector<16xf32>
        %mul3A_779 = arith.mulf %gather3A_732, %get3A_778 : vector<16xf32>
        %add3A_780 = arith.addf %add3A_722, %mul3A_779 : vector<16xf32>
        %get3A_781 = arith.index_cast %add3A_738 : i32 to index
        %get3A_782 = arith.constant 112 : index
        %get3A_783 = tpu.vector_load %arg10[%get3A_781, %get3A_782] {strides = array<i32>} : memref<128x128xf32, #tpu.memory_space<vmem>>, vector<1x16xf32>,
        %get3A_784 = vector.shape_cast %get3A_783 : vector<1x16xf32> to vector<16xf32>
        %mul3A_785 = arith.mulf %gather3A_732, %get3A_784 : vector<16xf32>
        %add3A_786 = arith.addf %add3A_728, %mul3A_785 : vector<16xf32>
        %broadcast_in_dim3A_787 = arith.constant 12 : i32
        %broadcast_in_dim3A_788 = vector.broadcast %broadcast_in_dim3A_787 : i32 to vector<16x1xi32>
        %gather3A_789 = vector.shape_cast %broadcast_in_dim3A_788 : vector<16x1xi32> to vector<16xi32>
        %gather3A_790 = tpu.dynamic_gather %get3A_91[%gather3A_789] in [0] : vector<16xf32>, vector<16xi32> -> vector<16xf32>
        %mul3A_791 = arith.constant 32 : i32
        %mul3A_792 = arith.muli %scan3A_70, %mul3A_791 : i32
        %add3A_793 = arith.constant 0 : i32
        %add3A_794 = arith.addi %mul3A_792, %add3A_793 : i32
        %add3A_795 = arith.constant 12 : i32
        %add3A_796 = arith.addi %add3A_794, %add3A_795 : i32
        %get3A_797 = arith.index_cast %add3A_796 : i32 to index
        %get3A_798 = arith.constant 0 : index
        %get3A_799 = tpu.vector_load %arg10[%get3A_797, %get3A_798] {strides = array<i32>} : memref<128x128xf32, #tpu.memory_space<vmem>>, vector<1x16xf32>,
        %get3A_800 = vector.shape_cast %get3A_799 : vector<1x16xf32> to vector<16xf32>
        %mul3A_801 = arith.mulf %gather3A_790, %get3A_800 : vector<16xf32>
        %add3A_802 = arith.addf %add3A_744, %mul3A_801 : vector<16xf32>
        %get3A_803 = arith.index_cast %add3A_796 : i32 to index
        %get3A_804 = arith.constant 16 : index
        %get3A_805 = tpu.vector_load %arg10[%get3A_803, %get3A_804] {strides = array<i32>} : memref<128x128xf32, #tpu.memory_space<vmem>>, vector<1x16xf32>,
        %get3A_806 = vector.shape_cast %get3A_805 : vector<1x16xf32> to vector<16xf32>
        %mul3A_807 = arith.mulf %gather3A_790, %get3A_806 : vector<16xf32>
        %add3A_808 = arith.addf %add3A_750, %mul3A_807 : vector<16xf32>
        %get3A_809 = arith.index_cast %add3A_796 : i32 to index
        %get3A_810 = arith.constant 32 : index
        %get3A_811 = tpu.vector_load %arg10[%get3A_809, %get3A_810] {strides = array<i32>} : memref<128x128xf32, #tpu.memory_space<vmem>>, vector<1x16xf32>,
        %get3A_812 = vector.shape_cast %get3A_811 : vector<1x16xf32> to vector<16xf32>
        %mul3A_813 = arith.mulf %gather3A_790, %get3A_812 : vector<16xf32>
        %add3A_814 = arith.addf %add3A_756, %mul3A_813 : vector<16xf32>
        %get3A_815 = arith.index_cast %add3A_796 : i32 to index
        %get3A_816 = arith.constant 48 : index
        %get3A_817 = tpu.vector_load %arg10[%get3A_815, %get3A_816] {strides = array<i32>} : memref<128x128xf32, #tpu.memory_space<vmem>>, vector<1x16xf32>,
        %get3A_818 = vector.shape_cast %get3A_817 : vector<1x16xf32> to vector<16xf32>
        %mul3A_819 = arith.mulf %gather3A_790, %get3A_818 : vector<16xf32>
        %add3A_820 = arith.addf %add3A_762, %mul3A_819 : vector<16xf32>
        %get3A_821 = arith.index_cast %add3A_796 : i32 to index
        %get3A_822 = arith.constant 64 : index
        %get3A_823 = tpu.vector_load %arg10[%get3A_821, %get3A_822] {strides = array<i32>} : memref<128x128xf32, #tpu.memory_space<vmem>>, vector<1x16xf32>,
        %get3A_824 = vector.shape_cast %get3A_823 : vector<1x16xf32> to vector<16xf32>
        %mul3A_825 = arith.mulf %gather3A_790, %get3A_824 : vector<16xf32>
        %add3A_826 = arith.addf %add3A_768, %mul3A_825 : vector<16xf32>
        %get3A_827 = arith.index_cast %add3A_796 : i32 to index
        %get3A_828 = arith.constant 80 : index
        %get3A_829 = tpu.vector_load %arg10[%get3A_827, %get3A_828] {strides = array<i32>} : memref<128x128xf32, #tpu.memory_space<vmem>>, vector<1x16xf32>,
        %get3A_830 = vector.shape_cast %get3A_829 : vector<1x16xf32> to vector<16xf32>
        %mul3A_831 = arith.mulf %gather3A_790, %get3A_830 : vector<16xf32>
        %add3A_832 = arith.addf %add3A_774, %mul3A_831 : vector<16xf32>
        %get3A_833 = arith.index_cast %add3A_796 : i32 to index
        %get3A_834 = arith.constant 96 : index
        %get3A_835 = tpu.vector_load %arg10[%get3A_833, %get3A_834] {strides = array<i32>} : memref<128x128xf32, #tpu.memory_space<vmem>>, vector<1x16xf32>,
        %get3A_836 = vector.shape_cast %get3A_835 : vector<1x16xf32> to vector<16xf32>
        %mul3A_837 = arith.mulf %gather3A_790, %get3A_836 : vector<16xf32>
        %add3A_838 = arith.addf %add3A_780, %mul3A_837 : vector<16xf32>
        %get3A_839 = arith.index_cast %add3A_796 : i32 to index
        %get3A_840 = arith.constant 112 : index
        %get3A_841 = tpu.vector_load %arg10[%get3A_839, %get3A_840] {strides = array<i32>} : memref<128x128xf32, #tpu.memory_space<vmem>>, vector<1x16xf32>,
        %get3A_842 = vector.shape_cast %get3A_841 : vector<1x16xf32> to vector<16xf32>
        %mul3A_843 = arith.mulf %gather3A_790, %get3A_842 : vector<16xf32>
        %add3A_844 = arith.addf %add3A_786, %mul3A_843 : vector<16xf32>
        %broadcast_in_dim3A_845 = arith.constant 13 : i32
        %broadcast_in_dim3A_846 = vector.broadcast %broadcast_in_dim3A_845 : i32 to vector<16x1xi32>
        %gather3A_847 = vector.shape_cast %broadcast_in_dim3A_846 : vector<16x1xi32> to vector<16xi32>
        %gather3A_848 = tpu.dynamic_gather %get3A_91[%gather3A_847] in [0] : vector<16xf32>, vector<16xi32> -> vector<16xf32>
        %mul3A_849 = arith.constant 32 : i32
        %mul3A_850 = arith.muli %scan3A_70, %mul3A_849 : i32
        %add3A_851 = arith.constant 0 : i32
        %add3A_852 = arith.addi %mul3A_850, %add3A_851 : i32
        %add3A_853 = arith.constant 13 : i32
        %add3A_854 = arith.addi %add3A_852, %add3A_853 : i32
        %get3A_855 = arith.index_cast %add3A_854 : i32 to index
        %get3A_856 = arith.constant 0 : index
        %get3A_857 = tpu.vector_load %arg10[%get3A_855, %get3A_856] {strides = array<i32>} : memref<128x128xf32, #tpu.memory_space<vmem>>, vector<1x16xf32>,
        %get3A_858 = vector.shape_cast %get3A_857 : vector<1x16xf32> to vector<16xf32>
        %mul3A_859 = arith.mulf %gather3A_848, %get3A_858 : vector<16xf32>
        %add3A_860 = arith.addf %add3A_802, %mul3A_859 : vector<16xf32>
        %get3A_861 = arith.index_cast %add3A_854 : i32 to index
        %get3A_862 = arith.constant 16 : index
        %get3A_863 = tpu.vector_load %arg10[%get3A_861, %get3A_862] {strides = array<i32>} : memref<128x128xf32, #tpu.memory_space<vmem>>, vector<1x16xf32>,
        %get3A_864 = vector.shape_cast %get3A_863 : vector<1x16xf32> to vector<16xf32>
        %mul3A_865 = arith.mulf %gather3A_848, %get3A_864 : vector<16xf32>
        %add3A_866 = arith.addf %add3A_808, %mul3A_865 : vector<16xf32>
        %get3A_867 = arith.index_cast %add3A_854 : i32 to index
        %get3A_868 = arith.constant 32 : index
        %get3A_869 = tpu.vector_load %arg10[%get3A_867, %get3A_868] {strides = array<i32>} : memref<128x128xf32, #tpu.memory_space<vmem>>, vector<1x16xf32>,
        %get3A_870 = vector.shape_cast %get3A_869 : vector<1x16xf32> to vector<16xf32>
        %mul3A_871 = arith.mulf %gather3A_848, %get3A_870 : vector<16xf32>
        %add3A_872 = arith.addf %add3A_814, %mul3A_871 : vector<16xf32>
        %get3A_873 = arith.index_cast %add3A_854 : i32 to index
        %get3A_874 = arith.constant 48 : index
        %get3A_875 = tpu.vector_load %arg10[%get3A_873, %get3A_874] {strides = array<i32>} : memref<128x128xf32, #tpu.memory_space<vmem>>, vector<1x16xf32>,
        %get3A_876 = vector.shape_cast %get3A_875 : vector<1x16xf32> to vector<16xf32>
        %mul3A_877 = arith.mulf %gather3A_848, %get3A_876 : vector<16xf32>
        %add3A_878 = arith.addf %add3A_820, %mul3A_877 : vector<16xf32>
        %get3A_879 = arith.index_cast %add3A_854 : i32 to index
        %get3A_880 = arith.constant 64 : index
        %get3A_881 = tpu.vector_load %arg10[%get3A_879, %get3A_880] {strides = array<i32>} : memref<128x128xf32, #tpu.memory_space<vmem>>, vector<1x16xf32>,
        %get3A_882 = vector.shape_cast %get3A_881 : vector<1x16xf32> to vector<16xf32>
        %mul3A_883 = arith.mulf %gather3A_848, %get3A_882 : vector<16xf32>
        %add3A_884 = arith.addf %add3A_826, %mul3A_883 : vector<16xf32>
        %get3A_885 = arith.index_cast %add3A_854 : i32 to index
        %get3A_886 = arith.constant 80 : index
        %get3A_887 = tpu.vector_load %arg10[%get3A_885, %get3A_886] {strides = array<i32>} : memref<128x128xf32, #tpu.memory_space<vmem>>, vector<1x16xf32>,
        %get3A_888 = vector.shape_cast %get3A_887 : vector<1x16xf32> to vector<16xf32>
        %mul3A_889 = arith.mulf %gather3A_848, %get3A_888 : vector<16xf32>
        %add3A_890 = arith.addf %add3A_832, %mul3A_889 : vector<16xf32>
        %get3A_891 = arith.index_cast %add3A_854 : i32 to index
        %get3A_892 = arith.constant 96 : index
        %get3A_893 = tpu.vector_load %arg10[%get3A_891, %get3A_892] {strides = array<i32>} : memref<128x128xf32, #tpu.memory_space<vmem>>, vector<1x16xf32>,
        %get3A_894 = vector.shape_cast %get3A_893 : vector<1x16xf32> to vector<16xf32>
        %mul3A_895 = arith.mulf %gather3A_848, %get3A_894 : vector<16xf32>
        %add3A_896 = arith.addf %add3A_838, %mul3A_895 : vector<16xf32>
        %get3A_897 = arith.index_cast %add3A_854 : i32 to index
        %get3A_898 = arith.constant 112 : index
        %get3A_899 = tpu.vector_load %arg10[%get3A_897, %get3A_898] {strides = array<i32>} : memref<128x128xf32, #tpu.memory_space<vmem>>, vector<1x16xf32>,
        %get3A_900 = vector.shape_cast %get3A_899 : vector<1x16xf32> to vector<16xf32>
        %mul3A_901 = arith.mulf %gather3A_848, %get3A_900 : vector<16xf32>
        %add3A_902 = arith.addf %add3A_844, %mul3A_901 : vector<16xf32>
        %broadcast_in_dim3A_903 = arith.constant 14 : i32
        %broadcast_in_dim3A_904 = vector.broadcast %broadcast_in_dim3A_903 : i32 to vector<16x1xi32>
        %gather3A_905 = vector.shape_cast %broadcast_in_dim3A_904 : vector<16x1xi32> to vector<16xi32>
        %gather3A_906 = tpu.dynamic_gather %get3A_91[%gather3A_905] in [0] : vector<16xf32>, vector<16xi32> -> vector<16xf32>
        %mul3A_907 = arith.constant 32 : i32
        %mul3A_908 = arith.muli %scan3A_70, %mul3A_907 : i32
        %add3A_909 = arith.constant 0 : i32
        %add3A_910 = arith.addi %mul3A_908, %add3A_909 : i32
        %add3A_911 = arith.constant 14 : i32
        %add3A_912 = arith.addi %add3A_910, %add3A_911 : i32
        %get3A_913 = arith.index_cast %add3A_912 : i32 to index
        %get3A_914 = arith.constant 0 : index
        %get3A_915 = tpu.vector_load %arg10[%get3A_913, %get3A_914] {strides = array<i32>} : memref<128x128xf32, #tpu.memory_space<vmem>>, vector<1x16xf32>,
        %get3A_916 = vector.shape_cast %get3A_915 : vector<1x16xf32> to vector<16xf32>
        %mul3A_917 = arith.mulf %gather3A_906, %get3A_916 : vector<16xf32>
        %add3A_918 = arith.addf %add3A_860, %mul3A_917 : vector<16xf32>
        %get3A_919 = arith.index_cast %add3A_912 : i32 to index
        %get3A_920 = arith.constant 16 : index
        %get3A_921 = tpu.vector_load %arg10[%get3A_919, %get3A_920] {strides = array<i32>} : memref<128x128xf32, #tpu.memory_space<vmem>>, vector<1x16xf32>,
        %get3A_922 = vector.shape_cast %get3A_921 : vector<1x16xf32> to vector<16xf32>
        %mul3A_923 = arith.mulf %gather3A_906, %get3A_922 : vector<16xf32>
        %add3A_924 = arith.addf %add3A_866, %mul3A_923 : vector<16xf32>
        %get3A_925 = arith.index_cast %add3A_912 : i32 to index
        %get3A_926 = arith.constant 32 : index
        %get3A_927 = tpu.vector_load %arg10[%get3A_925, %get3A_926] {strides = array<i32>} : memref<128x128xf32, #tpu.memory_space<vmem>>, vector<1x16xf32>,
        %get3A_928 = vector.shape_cast %get3A_927 : vector<1x16xf32> to vector<16xf32>
        %mul3A_929 = arith.mulf %gather3A_906, %get3A_928 : vector<16xf32>
        %add3A_930 = arith.addf %add3A_872, %mul3A_929 : vector<16xf32>
        %get3A_931 = arith.index_cast %add3A_912 : i32 to index
        %get3A_932 = arith.constant 48 : index
        %get3A_933 = tpu.vector_load %arg10[%get3A_931, %get3A_932] {strides = array<i32>} : memref<128x128xf32, #tpu.memory_space<vmem>>, vector<1x16xf32>,
        %get3A_934 = vector.shape_cast %get3A_933 : vector<1x16xf32> to vector<16xf32>
        %mul3A_935 = arith.mulf %gather3A_906, %get3A_934 : vector<16xf32>
        %add3A_936 = arith.addf %add3A_878, %mul3A_935 : vector<16xf32>
        %get3A_937 = arith.index_cast %add3A_912 : i32 to index
        %get3A_938 = arith.constant 64 : index
        %get3A_939 = tpu.vector_load %arg10[%get3A_937, %get3A_938] {strides = array<i32>} : memref<128x128xf32, #tpu.memory_space<vmem>>, vector<1x16xf32>,
        %get3A_940 = vector.shape_cast %get3A_939 : vector<1x16xf32> to vector<16xf32>
        %mul3A_941 = arith.mulf %gather3A_906, %get3A_940 : vector<16xf32>
        %add3A_942 = arith.addf %add3A_884, %mul3A_941 : vector<16xf32>
        %get3A_943 = arith.index_cast %add3A_912 : i32 to index
        %get3A_944 = arith.constant 80 : index
        %get3A_945 = tpu.vector_load %arg10[%get3A_943, %get3A_944] {strides = array<i32>} : memref<128x128xf32, #tpu.memory_space<vmem>>, vector<1x16xf32>,
        %get3A_946 = vector.shape_cast %get3A_945 : vector<1x16xf32> to vector<16xf32>
        %mul3A_947 = arith.mulf %gather3A_906, %get3A_946 : vector<16xf32>
        %add3A_948 = arith.addf %add3A_890, %mul3A_947 : vector<16xf32>
        %get3A_949 = arith.index_cast %add3A_912 : i32 to index
        %get3A_950 = arith.constant 96 : index
        %get3A_951 = tpu.vector_load %arg10[%get3A_949, %get3A_950] {strides = array<i32>} : memref<128x128xf32, #tpu.memory_space<vmem>>, vector<1x16xf32>,
        %get3A_952 = vector.shape_cast %get3A_951 : vector<1x16xf32> to vector<16xf32>
        %mul3A_953 = arith.mulf %gather3A_906, %get3A_952 : vector<16xf32>
        %add3A_954 = arith.addf %add3A_896, %mul3A_953 : vector<16xf32>
        %get3A_955 = arith.index_cast %add3A_912 : i32 to index
        %get3A_956 = arith.constant 112 : index
        %get3A_957 = tpu.vector_load %arg10[%get3A_955, %get3A_956] {strides = array<i32>} : memref<128x128xf32, #tpu.memory_space<vmem>>, vector<1x16xf32>,
        %get3A_958 = vector.shape_cast %get3A_957 : vector<1x16xf32> to vector<16xf32>
        %mul3A_959 = arith.mulf %gather3A_906, %get3A_958 : vector<16xf32>
        %add3A_960 = arith.addf %add3A_902, %mul3A_959 : vector<16xf32>
        %broadcast_in_dim3A_961 = arith.constant 15 : i32
        %broadcast_in_dim3A_962 = vector.broadcast %broadcast_in_dim3A_961 : i32 to vector<16x1xi32>
        %gather3A_963 = vector.shape_cast %broadcast_in_dim3A_962 : vector<16x1xi32> to vector<16xi32>
        %gather3A_964 = tpu.dynamic_gather %get3A_91[%gather3A_963] in [0] : vector<16xf32>, vector<16xi32> -> vector<16xf32>
        %mul3A_965 = arith.constant 32 : i32
        %mul3A_966 = arith.muli %scan3A_70, %mul3A_965 : i32
        %add3A_967 = arith.constant 0 : i32
        %add3A_968 = arith.addi %mul3A_966, %add3A_967 : i32
        %add3A_969 = arith.constant 15 : i32
        %add3A_970 = arith.addi %add3A_968, %add3A_969 : i32
        %get3A_971 = arith.index_cast %add3A_970 : i32 to index
        %get3A_972 = arith.constant 0 : index
        %get3A_973 = tpu.vector_load %arg10[%get3A_971, %get3A_972] {strides = array<i32>} : memref<128x128xf32, #tpu.memory_space<vmem>>, vector<1x16xf32>,
        %get3A_974 = vector.shape_cast %get3A_973 : vector<1x16xf32> to vector<16xf32>
        %mul3A_975 = arith.mulf %gather3A_964, %get3A_974 : vector<16xf32>
        %add3A_976 = arith.addf %add3A_918, %mul3A_975 : vector<16xf32>
        %get3A_977 = arith.index_cast %add3A_970 : i32 to index
        %get3A_978 = arith.constant 16 : index
        %get3A_979 = tpu.vector_load %arg10[%get3A_977, %get3A_978] {strides = array<i32>} : memref<128x128xf32, #tpu.memory_space<vmem>>, vector<1x16xf32>,
        %get3A_980 = vector.shape_cast %get3A_979 : vector<1x16xf32> to vector<16xf32>
        %mul3A_981 = arith.mulf %gather3A_964, %get3A_980 : vector<16xf32>
        %add3A_982 = arith.addf %add3A_924, %mul3A_981 : vector<16xf32>
        %get3A_983 = arith.index_cast %add3A_970 : i32 to index
        %get3A_984 = arith.constant 32 : index
        %get3A_985 = tpu.vector_load %arg10[%get3A_983, %get3A_984] {strides = array<i32>} : memref<128x128xf32, #tpu.memory_space<vmem>>, vector<1x16xf32>,
        %get3A_986 = vector.shape_cast %get3A_985 : vector<1x16xf32> to vector<16xf32>
        %mul3A_987 = arith.mulf %gather3A_964, %get3A_986 : vector<16xf32>
        %add3A_988 = arith.addf %add3A_930, %mul3A_987 : vector<16xf32>
        %get3A_989 = arith.index_cast %add3A_970 : i32 to index
        %get3A_990 = arith.constant 48 : index
        %get3A_991 = tpu.vector_load %arg10[%get3A_989, %get3A_990] {strides = array<i32>} : memref<128x128xf32, #tpu.memory_space<vmem>>, vector<1x16xf32>,
        %get3A_992 = vector.shape_cast %get3A_991 : vector<1x16xf32> to vector<16xf32>
        %mul3A_993 = arith.mulf %gather3A_964, %get3A_992 : vector<16xf32>
        %add3A_994 = arith.addf %add3A_936, %mul3A_993 : vector<16xf32>
        %get3A_995 = arith.index_cast %add3A_970 : i32 to index
        %get3A_996 = arith.constant 64 : index
        %get3A_997 = tpu.vector_load %arg10[%get3A_995, %get3A_996] {strides = array<i32>} : memref<128x128xf32, #tpu.memory_space<vmem>>, vector<1x16xf32>,
        %get3A_998 = vector.shape_cast %get3A_997 : vector<1x16xf32> to vector<16xf32>
        %mul3A_999 = arith.mulf %gather3A_964, %get3A_998 : vector<16xf32>
        %add3A_1000 = arith.addf %add3A_942, %mul3A_999 : vector<16xf32>
        %get3A_1001 = arith.index_cast %add3A_970 : i32 to index
        %get3A_1002 = arith.constant 80 : index
        %get3A_1003 = tpu.vector_load %arg10[%get3A_1001, %get3A_1002] {strides = array<i32>} : memref<128x128xf32, #tpu.memory_space<vmem>>, vector<1x16xf32>,
        %get3A_1004 = vector.shape_cast %get3A_1003 : vector<1x16xf32> to vector<16xf32>
        %mul3A_1005 = arith.mulf %gather3A_964, %get3A_1004 : vector<16xf32>
        %add3A_1006 = arith.addf %add3A_948, %mul3A_1005 : vector<16xf32>
        %get3A_1007 = arith.index_cast %add3A_970 : i32 to index
        %get3A_1008 = arith.constant 96 : index
        %get3A_1009 = tpu.vector_load %arg10[%get3A_1007, %get3A_1008] {strides = array<i32>} : memref<128x128xf32, #tpu.memory_space<vmem>>, vector<1x16xf32>,
        %get3A_1010 = vector.shape_cast %get3A_1009 : vector<1x16xf32> to vector<16xf32>
        %mul3A_1011 = arith.mulf %gather3A_964, %get3A_1010 : vector<16xf32>
        %add3A_1012 = arith.addf %add3A_954, %mul3A_1011 : vector<16xf32>
        %get3A_1013 = arith.index_cast %add3A_970 : i32 to index
        %get3A_1014 = arith.constant 112 : index
        %get3A_1015 = tpu.vector_load %arg10[%get3A_1013, %get3A_1014] {strides = array<i32>} : memref<128x128xf32, #tpu.memory_space<vmem>>, vector<1x16xf32>,
        %get3A_1016 = vector.shape_cast %get3A_1015 : vector<1x16xf32> to vector<16xf32>
        %mul3A_1017 = arith.mulf %gather3A_964, %get3A_1016 : vector<16xf32>
        %add3A_1018 = arith.addf %add3A_960, %mul3A_1017 : vector<16xf32>
        %mul3A_1019 = arith.constant 32 : i32
        %mul3A_1020 = arith.muli %scan3A_70, %mul3A_1019 : i32
        %add3A_1021 = arith.constant 16 : i32
        %add3A_1022 = arith.addi %mul3A_1020, %add3A_1021 : i32
        %get3A_1023 = arith.index_cast %add3A_1022 : i32 to index
        %get3A_1024 = tpu.vector_load %arg8[%get3A_1023] {strides = array<i32>} : memref<128xf32, #tpu.memory_space<vmem>>, vector<16xf32>,
        %get3A_1025 = vector.shape_cast %get3A_1024 : vector<16xf32> to vector<16xf32>
        %broadcast_in_dim3A_1026 = arith.constant 0 : i32
        %broadcast_in_dim3A_1027 = vector.broadcast %broadcast_in_dim3A_1026 : i32 to vector<16x1xi32>
        %gather3A_1028 = vector.shape_cast %broadcast_in_dim3A_1027 : vector<16x1xi32> to vector<16xi32>
        %gather3A_1029 = tpu.dynamic_gather %get3A_1025[%gather3A_1028] in [0] : vector<16xf32>, vector<16xi32> -> vector<16xf32>
        %mul3A_1030 = arith.constant 32 : i32
        %mul3A_1031 = arith.muli %scan3A_70, %mul3A_1030 : i32
        %add3A_1032 = arith.constant 16 : i32
        %add3A_1033 = arith.addi %mul3A_1031, %add3A_1032 : i32
        %add3A_1034 = arith.constant 0 : i32
        %add3A_1035 = arith.addi %add3A_1033, %add3A_1034 : i32
        %get3A_1036 = arith.index_cast %add3A_1035 : i32 to index
        %get3A_1037 = arith.constant 0 : index
        %get3A_1038 = tpu.vector_load %arg10[%get3A_1036, %get3A_1037] {strides = array<i32>} : memref<128x128xf32, #tpu.memory_space<vmem>>, vector<1x16xf32>,
        %get3A_1039 = vector.shape_cast %get3A_1038 : vector<1x16xf32> to vector<16xf32>
        %mul3A_1040 = arith.mulf %gather3A_1029, %get3A_1039 : vector<16xf32>
        %add3A_1041 = arith.addf %add3A_976, %mul3A_1040 : vector<16xf32>
        %get3A_1042 = arith.index_cast %add3A_1035 : i32 to index
        %get3A_1043 = arith.constant 16 : index
        %get3A_1044 = tpu.vector_load %arg10[%get3A_1042, %get3A_1043] {strides = array<i32>} : memref<128x128xf32, #tpu.memory_space<vmem>>, vector<1x16xf32>,
        %get3A_1045 = vector.shape_cast %get3A_1044 : vector<1x16xf32> to vector<16xf32>
        %mul3A_1046 = arith.mulf %gather3A_1029, %get3A_1045 : vector<16xf32>
        %add3A_1047 = arith.addf %add3A_982, %mul3A_1046 : vector<16xf32>
        %get3A_1048 = arith.index_cast %add3A_1035 : i32 to index
        %get3A_1049 = arith.constant 32 : index
        %get3A_1050 = tpu.vector_load %arg10[%get3A_1048, %get3A_1049] {strides = array<i32>} : memref<128x128xf32, #tpu.memory_space<vmem>>, vector<1x16xf32>,
        %get3A_1051 = vector.shape_cast %get3A_1050 : vector<1x16xf32> to vector<16xf32>
        %mul3A_1052 = arith.mulf %gather3A_1029, %get3A_1051 : vector<16xf32>
        %add3A_1053 = arith.addf %add3A_988, %mul3A_1052 : vector<16xf32>
        %get3A_1054 = arith.index_cast %add3A_1035 : i32 to index
        %get3A_1055 = arith.constant 48 : index
        %get3A_1056 = tpu.vector_load %arg10[%get3A_1054, %get3A_1055] {strides = array<i32>} : memref<128x128xf32, #tpu.memory_space<vmem>>, vector<1x16xf32>,
        %get3A_1057 = vector.shape_cast %get3A_1056 : vector<1x16xf32> to vector<16xf32>
        %mul3A_1058 = arith.mulf %gather3A_1029, %get3A_1057 : vector<16xf32>
        %add3A_1059 = arith.addf %add3A_994, %mul3A_1058 : vector<16xf32>
        %get3A_1060 = arith.index_cast %add3A_1035 : i32 to index
        %get3A_1061 = arith.constant 64 : index
        %get3A_1062 = tpu.vector_load %arg10[%get3A_1060, %get3A_1061] {strides = array<i32>} : memref<128x128xf32, #tpu.memory_space<vmem>>, vector<1x16xf32>,
        %get3A_1063 = vector.shape_cast %get3A_1062 : vector<1x16xf32> to vector<16xf32>
        %mul3A_1064 = arith.mulf %gather3A_1029, %get3A_1063 : vector<16xf32>
        %add3A_1065 = arith.addf %add3A_1000, %mul3A_1064 : vector<16xf32>
        %get3A_1066 = arith.index_cast %add3A_1035 : i32 to index
        %get3A_1067 = arith.constant 80 : index
        %get3A_1068 = tpu.vector_load %arg10[%get3A_1066, %get3A_1067] {strides = array<i32>} : memref<128x128xf32, #tpu.memory_space<vmem>>, vector<1x16xf32>,
        %get3A_1069 = vector.shape_cast %get3A_1068 : vector<1x16xf32> to vector<16xf32>
        %mul3A_1070 = arith.mulf %gather3A_1029, %get3A_1069 : vector<16xf32>
        %add3A_1071 = arith.addf %add3A_1006, %mul3A_1070 : vector<16xf32>
        %get3A_1072 = arith.index_cast %add3A_1035 : i32 to index
        %get3A_1073 = arith.constant 96 : index
        %get3A_1074 = tpu.vector_load %arg10[%get3A_1072, %get3A_1073] {strides = array<i32>} : memref<128x128xf32, #tpu.memory_space<vmem>>, vector<1x16xf32>,
        %get3A_1075 = vector.shape_cast %get3A_1074 : vector<1x16xf32> to vector<16xf32>
        %mul3A_1076 = arith.mulf %gather3A_1029, %get3A_1075 : vector<16xf32>
        %add3A_1077 = arith.addf %add3A_1012, %mul3A_1076 : vector<16xf32>
        %get3A_1078 = arith.index_cast %add3A_1035 : i32 to index
        %get3A_1079 = arith.constant 112 : index
        %get3A_1080 = tpu.vector_load %arg10[%get3A_1078, %get3A_1079] {strides = array<i32>} : memref<128x128xf32, #tpu.memory_space<vmem>>, vector<1x16xf32>,
        %get3A_1081 = vector.shape_cast %get3A_1080 : vector<1x16xf32> to vector<16xf32>
        %mul3A_1082 = arith.mulf %gather3A_1029, %get3A_1081 : vector<16xf32>
        %add3A_1083 = arith.addf %add3A_1018, %mul3A_1082 : vector<16xf32>
        %broadcast_in_dim3A_1084 = arith.constant 1 : i32
        %broadcast_in_dim3A_1085 = vector.broadcast %broadcast_in_dim3A_1084 : i32 to vector<16x1xi32>
        %gather3A_1086 = vector.shape_cast %broadcast_in_dim3A_1085 : vector<16x1xi32> to vector<16xi32>
        %gather3A_1087 = tpu.dynamic_gather %get3A_1025[%gather3A_1086] in [0] : vector<16xf32>, vector<16xi32> -> vector<16xf32>
        %mul3A_1088 = arith.constant 32 : i32
        %mul3A_1089 = arith.muli %scan3A_70, %mul3A_1088 : i32
        %add3A_1090 = arith.constant 16 : i32
        %add3A_1091 = arith.addi %mul3A_1089, %add3A_1090 : i32
        %add3A_1092 = arith.constant 1 : i32
        %add3A_1093 = arith.addi %add3A_1091, %add3A_1092 : i32
        %get3A_1094 = arith.index_cast %add3A_1093 : i32 to index
        %get3A_1095 = arith.constant 0 : index
        %get3A_1096 = tpu.vector_load %arg10[%get3A_1094, %get3A_1095] {strides = array<i32>} : memref<128x128xf32, #tpu.memory_space<vmem>>, vector<1x16xf32>,
        %get3A_1097 = vector.shape_cast %get3A_1096 : vector<1x16xf32> to vector<16xf32>
        %mul3A_1098 = arith.mulf %gather3A_1087, %get3A_1097 : vector<16xf32>
        %add3A_1099 = arith.addf %add3A_1041, %mul3A_1098 : vector<16xf32>
        %get3A_1100 = arith.index_cast %add3A_1093 : i32 to index
        %get3A_1101 = arith.constant 16 : index
        %get3A_1102 = tpu.vector_load %arg10[%get3A_1100, %get3A_1101] {strides = array<i32>} : memref<128x128xf32, #tpu.memory_space<vmem>>, vector<1x16xf32>,
        %get3A_1103 = vector.shape_cast %get3A_1102 : vector<1x16xf32> to vector<16xf32>
        %mul3A_1104 = arith.mulf %gather3A_1087, %get3A_1103 : vector<16xf32>
        %add3A_1105 = arith.addf %add3A_1047, %mul3A_1104 : vector<16xf32>
        %get3A_1106 = arith.index_cast %add3A_1093 : i32 to index
        %get3A_1107 = arith.constant 32 : index
        %get3A_1108 = tpu.vector_load %arg10[%get3A_1106, %get3A_1107] {strides = array<i32>} : memref<128x128xf32, #tpu.memory_space<vmem>>, vector<1x16xf32>,
        %get3A_1109 = vector.shape_cast %get3A_1108 : vector<1x16xf32> to vector<16xf32>
        %mul3A_1110 = arith.mulf %gather3A_1087, %get3A_1109 : vector<16xf32>
        %add3A_1111 = arith.addf %add3A_1053, %mul3A_1110 : vector<16xf32>
        %get3A_1112 = arith.index_cast %add3A_1093 : i32 to index
        %get3A_1113 = arith.constant 48 : index
        %get3A_1114 = tpu.vector_load %arg10[%get3A_1112, %get3A_1113] {strides = array<i32>} : memref<128x128xf32, #tpu.memory_space<vmem>>, vector<1x16xf32>,
        %get3A_1115 = vector.shape_cast %get3A_1114 : vector<1x16xf32> to vector<16xf32>
        %mul3A_1116 = arith.mulf %gather3A_1087, %get3A_1115 : vector<16xf32>
        %add3A_1117 = arith.addf %add3A_1059, %mul3A_1116 : vector<16xf32>
        %get3A_1118 = arith.index_cast %add3A_1093 : i32 to index
        %get3A_1119 = arith.constant 64 : index
        %get3A_1120 = tpu.vector_load %arg10[%get3A_1118, %get3A_1119] {strides = array<i32>} : memref<128x128xf32, #tpu.memory_space<vmem>>, vector<1x16xf32>,
        %get3A_1121 = vector.shape_cast %get3A_1120 : vector<1x16xf32> to vector<16xf32>
        %mul3A_1122 = arith.mulf %gather3A_1087, %get3A_1121 : vector<16xf32>
        %add3A_1123 = arith.addf %add3A_1065, %mul3A_1122 : vector<16xf32>
        %get3A_1124 = arith.index_cast %add3A_1093 : i32 to index
        %get3A_1125 = arith.constant 80 : index
        %get3A_1126 = tpu.vector_load %arg10[%get3A_1124, %get3A_1125] {strides = array<i32>} : memref<128x128xf32, #tpu.memory_space<vmem>>, vector<1x16xf32>,
        %get3A_1127 = vector.shape_cast %get3A_1126 : vector<1x16xf32> to vector<16xf32>
        %mul3A_1128 = arith.mulf %gather3A_1087, %get3A_1127 : vector<16xf32>
        %add3A_1129 = arith.addf %add3A_1071, %mul3A_1128 : vector<16xf32>
        %get3A_1130 = arith.index_cast %add3A_1093 : i32 to index
        %get3A_1131 = arith.constant 96 : index
        %get3A_1132 = tpu.vector_load %arg10[%get3A_1130, %get3A_1131] {strides = array<i32>} : memref<128x128xf32, #tpu.memory_space<vmem>>, vector<1x16xf32>,
        %get3A_1133 = vector.shape_cast %get3A_1132 : vector<1x16xf32> to vector<16xf32>
        %mul3A_1134 = arith.mulf %gather3A_1087, %get3A_1133 : vector<16xf32>
        %add3A_1135 = arith.addf %add3A_1077, %mul3A_1134 : vector<16xf32>
        %get3A_1136 = arith.index_cast %add3A_1093 : i32 to index
        %get3A_1137 = arith.constant 112 : index
        %get3A_1138 = tpu.vector_load %arg10[%get3A_1136, %get3A_1137] {strides = array<i32>} : memref<128x128xf32, #tpu.memory_space<vmem>>, vector<1x16xf32>,
        %get3A_1139 = vector.shape_cast %get3A_1138 : vector<1x16xf32> to vector<16xf32>
        %mul3A_1140 = arith.mulf %gather3A_1087, %get3A_1139 : vector<16xf32>
        %add3A_1141 = arith.addf %add3A_1083, %mul3A_1140 : vector<16xf32>
        %broadcast_in_dim3A_1142 = arith.constant 2 : i32
        %broadcast_in_dim3A_1143 = vector.broadcast %broadcast_in_dim3A_1142 : i32 to vector<16x1xi32>
        %gather3A_1144 = vector.shape_cast %broadcast_in_dim3A_1143 : vector<16x1xi32> to vector<16xi32>
        %gather3A_1145 = tpu.dynamic_gather %get3A_1025[%gather3A_1144] in [0] : vector<16xf32>, vector<16xi32> -> vector<16xf32>
        %mul3A_1146 = arith.constant 32 : i32
        %mul3A_1147 = arith.muli %scan3A_70, %mul3A_1146 : i32
        %add3A_1148 = arith.constant 16 : i32
        %add3A_1149 = arith.addi %mul3A_1147, %add3A_1148 : i32
        %add3A_1150 = arith.constant 2 : i32
        %add3A_1151 = arith.addi %add3A_1149, %add3A_1150 : i32
        %get3A_1152 = arith.index_cast %add3A_1151 : i32 to index
        %get3A_1153 = arith.constant 0 : index
        %get3A_1154 = tpu.vector_load %arg10[%get3A_1152, %get3A_1153] {strides = array<i32>} : memref<128x128xf32, #tpu.memory_space<vmem>>, vector<1x16xf32>,
        %get3A_1155 = vector.shape_cast %get3A_1154 : vector<1x16xf32> to vector<16xf32>
        %mul3A_1156 = arith.mulf %gather3A_1145, %get3A_1155 : vector<16xf32>
        %add3A_1157 = arith.addf %add3A_1099, %mul3A_1156 : vector<16xf32>
        %get3A_1158 = arith.index_cast %add3A_1151 : i32 to index
        %get3A_1159 = arith.constant 16 : index
        %get3A_1160 = tpu.vector_load %arg10[%get3A_1158, %get3A_1159] {strides = array<i32>} : memref<128x128xf32, #tpu.memory_space<vmem>>, vector<1x16xf32>,
        %get3A_1161 = vector.shape_cast %get3A_1160 : vector<1x16xf32> to vector<16xf32>
        %mul3A_1162 = arith.mulf %gather3A_1145, %get3A_1161 : vector<16xf32>
        %add3A_1163 = arith.addf %add3A_1105, %mul3A_1162 : vector<16xf32>
        %get3A_1164 = arith.index_cast %add3A_1151 : i32 to index
        %get3A_1165 = arith.constant 32 : index
        %get3A_1166 = tpu.vector_load %arg10[%get3A_1164, %get3A_1165] {strides = array<i32>} : memref<128x128xf32, #tpu.memory_space<vmem>>, vector<1x16xf32>,
        %get3A_1167 = vector.shape_cast %get3A_1166 : vector<1x16xf32> to vector<16xf32>
        %mul3A_1168 = arith.mulf %gather3A_1145, %get3A_1167 : vector<16xf32>
        %add3A_1169 = arith.addf %add3A_1111, %mul3A_1168 : vector<16xf32>
        %get3A_1170 = arith.index_cast %add3A_1151 : i32 to index
        %get3A_1171 = arith.constant 48 : index
        %get3A_1172 = tpu.vector_load %arg10[%get3A_1170, %get3A_1171] {strides = array<i32>} : memref<128x128xf32, #tpu.memory_space<vmem>>, vector<1x16xf32>,
        %get3A_1173 = vector.shape_cast %get3A_1172 : vector<1x16xf32> to vector<16xf32>
        %mul3A_1174 = arith.mulf %gather3A_1145, %get3A_1173 : vector<16xf32>
        %add3A_1175 = arith.addf %add3A_1117, %mul3A_1174 : vector<16xf32>
        %get3A_1176 = arith.index_cast %add3A_1151 : i32 to index
        %get3A_1177 = arith.constant 64 : index
        %get3A_1178 = tpu.vector_load %arg10[%get3A_1176, %get3A_1177] {strides = array<i32>} : memref<128x128xf32, #tpu.memory_space<vmem>>, vector<1x16xf32>,
        %get3A_1179 = vector.shape_cast %get3A_1178 : vector<1x16xf32> to vector<16xf32>
        %mul3A_1180 = arith.mulf %gather3A_1145, %get3A_1179 : vector<16xf32>
        %add3A_1181 = arith.addf %add3A_1123, %mul3A_1180 : vector<16xf32>
        %get3A_1182 = arith.index_cast %add3A_1151 : i32 to index
        %get3A_1183 = arith.constant 80 : index
        %get3A_1184 = tpu.vector_load %arg10[%get3A_1182, %get3A_1183] {strides = array<i32>} : memref<128x128xf32, #tpu.memory_space<vmem>>, vector<1x16xf32>,
        %get3A_1185 = vector.shape_cast %get3A_1184 : vector<1x16xf32> to vector<16xf32>
        %mul3A_1186 = arith.mulf %gather3A_1145, %get3A_1185 : vector<16xf32>
        %add3A_1187 = arith.addf %add3A_1129, %mul3A_1186 : vector<16xf32>
        %get3A_1188 = arith.index_cast %add3A_1151 : i32 to index
        %get3A_1189 = arith.constant 96 : index
        %get3A_1190 = tpu.vector_load %arg10[%get3A_1188, %get3A_1189] {strides = array<i32>} : memref<128x128xf32, #tpu.memory_space<vmem>>, vector<1x16xf32>,
        %get3A_1191 = vector.shape_cast %get3A_1190 : vector<1x16xf32> to vector<16xf32>
        %mul3A_1192 = arith.mulf %gather3A_1145, %get3A_1191 : vector<16xf32>
        %add3A_1193 = arith.addf %add3A_1135, %mul3A_1192 : vector<16xf32>
        %get3A_1194 = arith.index_cast %add3A_1151 : i32 to index
        %get3A_1195 = arith.constant 112 : index
        %get3A_1196 = tpu.vector_load %arg10[%get3A_1194, %get3A_1195] {strides = array<i32>} : memref<128x128xf32, #tpu.memory_space<vmem>>, vector<1x16xf32>,
        %get3A_1197 = vector.shape_cast %get3A_1196 : vector<1x16xf32> to vector<16xf32>
        %mul3A_1198 = arith.mulf %gather3A_1145, %get3A_1197 : vector<16xf32>
        %add3A_1199 = arith.addf %add3A_1141, %mul3A_1198 : vector<16xf32>
        %broadcast_in_dim3A_1200 = arith.constant 3 : i32
        %broadcast_in_dim3A_1201 = vector.broadcast %broadcast_in_dim3A_1200 : i32 to vector<16x1xi32>
        %gather3A_1202 = vector.shape_cast %broadcast_in_dim3A_1201 : vector<16x1xi32> to vector<16xi32>
        %gather3A_1203 = tpu.dynamic_gather %get3A_1025[%gather3A_1202] in [0] : vector<16xf32>, vector<16xi32> -> vector<16xf32>
        %mul3A_1204 = arith.constant 32 : i32
        %mul3A_1205 = arith.muli %scan3A_70, %mul3A_1204 : i32
        %add3A_1206 = arith.constant 16 : i32
        %add3A_1207 = arith.addi %mul3A_1205, %add3A_1206 : i32
        %add3A_1208 = arith.constant 3 : i32
        %add3A_1209 = arith.addi %add3A_1207, %add3A_1208 : i32
        %get3A_1210 = arith.index_cast %add3A_1209 : i32 to index
        %get3A_1211 = arith.constant 0 : index
        %get3A_1212 = tpu.vector_load %arg10[%get3A_1210, %get3A_1211] {strides = array<i32>} : memref<128x128xf32, #tpu.memory_space<vmem>>, vector<1x16xf32>,
        %get3A_1213 = vector.shape_cast %get3A_1212 : vector<1x16xf32> to vector<16xf32>
        %mul3A_1214 = arith.mulf %gather3A_1203, %get3A_1213 : vector<16xf32>
        %add3A_1215 = arith.addf %add3A_1157, %mul3A_1214 : vector<16xf32>
        %get3A_1216 = arith.index_cast %add3A_1209 : i32 to index
        %get3A_1217 = arith.constant 16 : index
        %get3A_1218 = tpu.vector_load %arg10[%get3A_1216, %get3A_1217] {strides = array<i32>} : memref<128x128xf32, #tpu.memory_space<vmem>>, vector<1x16xf32>,
        %get3A_1219 = vector.shape_cast %get3A_1218 : vector<1x16xf32> to vector<16xf32>
        %mul3A_1220 = arith.mulf %gather3A_1203, %get3A_1219 : vector<16xf32>
        %add3A_1221 = arith.addf %add3A_1163, %mul3A_1220 : vector<16xf32>
        %get3A_1222 = arith.index_cast %add3A_1209 : i32 to index
        %get3A_1223 = arith.constant 32 : index
        %get3A_1224 = tpu.vector_load %arg10[%get3A_1222, %get3A_1223] {strides = array<i32>} : memref<128x128xf32, #tpu.memory_space<vmem>>, vector<1x16xf32>,
        %get3A_1225 = vector.shape_cast %get3A_1224 : vector<1x16xf32> to vector<16xf32>
        %mul3A_1226 = arith.mulf %gather3A_1203, %get3A_1225 : vector<16xf32>
        %add3A_1227 = arith.addf %add3A_1169, %mul3A_1226 : vector<16xf32>
        %get3A_1228 = arith.index_cast %add3A_1209 : i32 to index
        %get3A_1229 = arith.constant 48 : index
        %get3A_1230 = tpu.vector_load %arg10[%get3A_1228, %get3A_1229] {strides = array<i32>} : memref<128x128xf32, #tpu.memory_space<vmem>>, vector<1x16xf32>,
        %get3A_1231 = vector.shape_cast %get3A_1230 : vector<1x16xf32> to vector<16xf32>
        %mul3A_1232 = arith.mulf %gather3A_1203, %get3A_1231 : vector<16xf32>
        %add3A_1233 = arith.addf %add3A_1175, %mul3A_1232 : vector<16xf32>
        %get3A_1234 = arith.index_cast %add3A_1209 : i32 to index
        %get3A_1235 = arith.constant 64 : index
        %get3A_1236 = tpu.vector_load %arg10[%get3A_1234, %get3A_1235] {strides = array<i32>} : memref<128x128xf32, #tpu.memory_space<vmem>>, vector<1x16xf32>,
        %get3A_1237 = vector.shape_cast %get3A_1236 : vector<1x16xf32> to vector<16xf32>
        %mul3A_1238 = arith.mulf %gather3A_1203, %get3A_1237 : vector<16xf32>
        %add3A_1239 = arith.addf %add3A_1181, %mul3A_1238 : vector<16xf32>
        %get3A_1240 = arith.index_cast %add3A_1209 : i32 to index
        %get3A_1241 = arith.constant 80 : index
        %get3A_1242 = tpu.vector_load %arg10[%get3A_1240, %get3A_1241] {strides = array<i32>} : memref<128x128xf32, #tpu.memory_space<vmem>>, vector<1x16xf32>,
        %get3A_1243 = vector.shape_cast %get3A_1242 : vector<1x16xf32> to vector<16xf32>
        %mul3A_1244 = arith.mulf %gather3A_1203, %get3A_1243 : vector<16xf32>
        %add3A_1245 = arith.addf %add3A_1187, %mul3A_1244 : vector<16xf32>
        %get3A_1246 = arith.index_cast %add3A_1209 : i32 to index
        %get3A_1247 = arith.constant 96 : index
        %get3A_1248 = tpu.vector_load %arg10[%get3A_1246, %get3A_1247] {strides = array<i32>} : memref<128x128xf32, #tpu.memory_space<vmem>>, vector<1x16xf32>,
        %get3A_1249 = vector.shape_cast %get3A_1248 : vector<1x16xf32> to vector<16xf32>
        %mul3A_1250 = arith.mulf %gather3A_1203, %get3A_1249 : vector<16xf32>
        %add3A_1251 = arith.addf %add3A_1193, %mul3A_1250 : vector<16xf32>
        %get3A_1252 = arith.index_cast %add3A_1209 : i32 to index
        %get3A_1253 = arith.constant 112 : index
        %get3A_1254 = tpu.vector_load %arg10[%get3A_1252, %get3A_1253] {strides = array<i32>} : memref<128x128xf32, #tpu.memory_space<vmem>>, vector<1x16xf32>,
        %get3A_1255 = vector.shape_cast %get3A_1254 : vector<1x16xf32> to vector<16xf32>
        %mul3A_1256 = arith.mulf %gather3A_1203, %get3A_1255 : vector<16xf32>
        %add3A_1257 = arith.addf %add3A_1199, %mul3A_1256 : vector<16xf32>
        %broadcast_in_dim3A_1258 = arith.constant 4 : i32
        %broadcast_in_dim3A_1259 = vector.broadcast %broadcast_in_dim3A_1258 : i32 to vector<16x1xi32>
        %gather3A_1260 = vector.shape_cast %broadcast_in_dim3A_1259 : vector<16x1xi32> to vector<16xi32>
        %gather3A_1261 = tpu.dynamic_gather %get3A_1025[%gather3A_1260] in [0] : vector<16xf32>, vector<16xi32> -> vector<16xf32>
        %mul3A_1262 = arith.constant 32 : i32
        %mul3A_1263 = arith.muli %scan3A_70, %mul3A_1262 : i32
        %add3A_1264 = arith.constant 16 : i32
        %add3A_1265 = arith.addi %mul3A_1263, %add3A_1264 : i32
        %add3A_1266 = arith.constant 4 : i32
        %add3A_1267 = arith.addi %add3A_1265, %add3A_1266 : i32
        %get3A_1268 = arith.index_cast %add3A_1267 : i32 to index
        %get3A_1269 = arith.constant 0 : index
        %get3A_1270 = tpu.vector_load %arg10[%get3A_1268, %get3A_1269] {strides = array<i32>} : memref<128x128xf32, #tpu.memory_space<vmem>>, vector<1x16xf32>,
        %get3A_1271 = vector.shape_cast %get3A_1270 : vector<1x16xf32> to vector<16xf32>
        %mul3A_1272 = arith.mulf %gather3A_1261, %get3A_1271 : vector<16xf32>
        %add3A_1273 = arith.addf %add3A_1215, %mul3A_1272 : vector<16xf32>
        %get3A_1274 = arith.index_cast %add3A_1267 : i32 to index
        %get3A_1275 = arith.constant 16 : index
        %get3A_1276 = tpu.vector_load %arg10[%get3A_1274, %get3A_1275] {strides = array<i32>} : memref<128x128xf32, #tpu.memory_space<vmem>>, vector<1x16xf32>,
        %get3A_1277 = vector.shape_cast %get3A_1276 : vector<1x16xf32> to vector<16xf32>
        %mul3A_1278 = arith.mulf %gather3A_1261, %get3A_1277 : vector<16xf32>
        %add3A_1279 = arith.addf %add3A_1221, %mul3A_1278 : vector<16xf32>
        %get3A_1280 = arith.index_cast %add3A_1267 : i32 to index
        %get3A_1281 = arith.constant 32 : index
        %get3A_1282 = tpu.vector_load %arg10[%get3A_1280, %get3A_1281] {strides = array<i32>} : memref<128x128xf32, #tpu.memory_space<vmem>>, vector<1x16xf32>,
        %get3A_1283 = vector.shape_cast %get3A_1282 : vector<1x16xf32> to vector<16xf32>
        %mul3A_1284 = arith.mulf %gather3A_1261, %get3A_1283 : vector<16xf32>
        %add3A_1285 = arith.addf %add3A_1227, %mul3A_1284 : vector<16xf32>
        %get3A_1286 = arith.index_cast %add3A_1267 : i32 to index
        %get3A_1287 = arith.constant 48 : index
        %get3A_1288 = tpu.vector_load %arg10[%get3A_1286, %get3A_1287] {strides = array<i32>} : memref<128x128xf32, #tpu.memory_space<vmem>>, vector<1x16xf32>,
        %get3A_1289 = vector.shape_cast %get3A_1288 : vector<1x16xf32> to vector<16xf32>
        %mul3A_1290 = arith.mulf %gather3A_1261, %get3A_1289 : vector<16xf32>
        %add3A_1291 = arith.addf %add3A_1233, %mul3A_1290 : vector<16xf32>
        %get3A_1292 = arith.index_cast %add3A_1267 : i32 to index
        %get3A_1293 = arith.constant 64 : index
        %get3A_1294 = tpu.vector_load %arg10[%get3A_1292, %get3A_1293] {strides = array<i32>} : memref<128x128xf32, #tpu.memory_space<vmem>>, vector<1x16xf32>,
        %get3A_1295 = vector.shape_cast %get3A_1294 : vector<1x16xf32> to vector<16xf32>
        %mul3A_1296 = arith.mulf %gather3A_1261, %get3A_1295 : vector<16xf32>
        %add3A_1297 = arith.addf %add3A_1239, %mul3A_1296 : vector<16xf32>
        %get3A_1298 = arith.index_cast %add3A_1267 : i32 to index
        %get3A_1299 = arith.constant 80 : index
        %get3A_1300 = tpu.vector_load %arg10[%get3A_1298, %get3A_1299] {strides = array<i32>} : memref<128x128xf32, #tpu.memory_space<vmem>>, vector<1x16xf32>,
        %get3A_1301 = vector.shape_cast %get3A_1300 : vector<1x16xf32> to vector<16xf32>
        %mul3A_1302 = arith.mulf %gather3A_1261, %get3A_1301 : vector<16xf32>
        %add3A_1303 = arith.addf %add3A_1245, %mul3A_1302 : vector<16xf32>
        %get3A_1304 = arith.index_cast %add3A_1267 : i32 to index
        %get3A_1305 = arith.constant 96 : index
        %get3A_1306 = tpu.vector_load %arg10[%get3A_1304, %get3A_1305] {strides = array<i32>} : memref<128x128xf32, #tpu.memory_space<vmem>>, vector<1x16xf32>,
        %get3A_1307 = vector.shape_cast %get3A_1306 : vector<1x16xf32> to vector<16xf32>
        %mul3A_1308 = arith.mulf %gather3A_1261, %get3A_1307 : vector<16xf32>
        %add3A_1309 = arith.addf %add3A_1251, %mul3A_1308 : vector<16xf32>
        %get3A_1310 = arith.index_cast %add3A_1267 : i32 to index
        %get3A_1311 = arith.constant 112 : index
        %get3A_1312 = tpu.vector_load %arg10[%get3A_1310, %get3A_1311] {strides = array<i32>} : memref<128x128xf32, #tpu.memory_space<vmem>>, vector<1x16xf32>,
        %get3A_1313 = vector.shape_cast %get3A_1312 : vector<1x16xf32> to vector<16xf32>
        %mul3A_1314 = arith.mulf %gather3A_1261, %get3A_1313 : vector<16xf32>
        %add3A_1315 = arith.addf %add3A_1257, %mul3A_1314 : vector<16xf32>
        %broadcast_in_dim3A_1316 = arith.constant 5 : i32
        %broadcast_in_dim3A_1317 = vector.broadcast %broadcast_in_dim3A_1316 : i32 to vector<16x1xi32>
        %gather3A_1318 = vector.shape_cast %broadcast_in_dim3A_1317 : vector<16x1xi32> to vector<16xi32>
        %gather3A_1319 = tpu.dynamic_gather %get3A_1025[%gather3A_1318] in [0] : vector<16xf32>, vector<16xi32> -> vector<16xf32>
        %mul3A_1320 = arith.constant 32 : i32
        %mul3A_1321 = arith.muli %scan3A_70, %mul3A_1320 : i32
        %add3A_1322 = arith.constant 16 : i32
        %add3A_1323 = arith.addi %mul3A_1321, %add3A_1322 : i32
        %add3A_1324 = arith.constant 5 : i32
        %add3A_1325 = arith.addi %add3A_1323, %add3A_1324 : i32
        %get3A_1326 = arith.index_cast %add3A_1325 : i32 to index
        %get3A_1327 = arith.constant 0 : index
        %get3A_1328 = tpu.vector_load %arg10[%get3A_1326, %get3A_1327] {strides = array<i32>} : memref<128x128xf32, #tpu.memory_space<vmem>>, vector<1x16xf32>,
        %get3A_1329 = vector.shape_cast %get3A_1328 : vector<1x16xf32> to vector<16xf32>
        %mul3A_1330 = arith.mulf %gather3A_1319, %get3A_1329 : vector<16xf32>
        %add3A_1331 = arith.addf %add3A_1273, %mul3A_1330 : vector<16xf32>
        %get3A_1332 = arith.index_cast %add3A_1325 : i32 to index
        %get3A_1333 = arith.constant 16 : index
        %get3A_1334 = tpu.vector_load %arg10[%get3A_1332, %get3A_1333] {strides = array<i32>} : memref<128x128xf32, #tpu.memory_space<vmem>>, vector<1x16xf32>,
        %get3A_1335 = vector.shape_cast %get3A_1334 : vector<1x16xf32> to vector<16xf32>
        %mul3A_1336 = arith.mulf %gather3A_1319, %get3A_1335 : vector<16xf32>
        %add3A_1337 = arith.addf %add3A_1279, %mul3A_1336 : vector<16xf32>
        %get3A_1338 = arith.index_cast %add3A_1325 : i32 to index
        %get3A_1339 = arith.constant 32 : index
        %get3A_1340 = tpu.vector_load %arg10[%get3A_1338, %get3A_1339] {strides = array<i32>} : memref<128x128xf32, #tpu.memory_space<vmem>>, vector<1x16xf32>,
        %get3A_1341 = vector.shape_cast %get3A_1340 : vector<1x16xf32> to vector<16xf32>
        %mul3A_1342 = arith.mulf %gather3A_1319, %get3A_1341 : vector<16xf32>
        %add3A_1343 = arith.addf %add3A_1285, %mul3A_1342 : vector<16xf32>
        %get3A_1344 = arith.index_cast %add3A_1325 : i32 to index
        %get3A_1345 = arith.constant 48 : index
        %get3A_1346 = tpu.vector_load %arg10[%get3A_1344, %get3A_1345] {strides = array<i32>} : memref<128x128xf32, #tpu.memory_space<vmem>>, vector<1x16xf32>,
        %get3A_1347 = vector.shape_cast %get3A_1346 : vector<1x16xf32> to vector<16xf32>
        %mul3A_1348 = arith.mulf %gather3A_1319, %get3A_1347 : vector<16xf32>
        %add3A_1349 = arith.addf %add3A_1291, %mul3A_1348 : vector<16xf32>
        %get3A_1350 = arith.index_cast %add3A_1325 : i32 to index
        %get3A_1351 = arith.constant 64 : index
        %get3A_1352 = tpu.vector_load %arg10[%get3A_1350, %get3A_1351] {strides = array<i32>} : memref<128x128xf32, #tpu.memory_space<vmem>>, vector<1x16xf32>,
        %get3A_1353 = vector.shape_cast %get3A_1352 : vector<1x16xf32> to vector<16xf32>
        %mul3A_1354 = arith.mulf %gather3A_1319, %get3A_1353 : vector<16xf32>
        %add3A_1355 = arith.addf %add3A_1297, %mul3A_1354 : vector<16xf32>
        %get3A_1356 = arith.index_cast %add3A_1325 : i32 to index
        %get3A_1357 = arith.constant 80 : index
        %get3A_1358 = tpu.vector_load %arg10[%get3A_1356, %get3A_1357] {strides = array<i32>} : memref<128x128xf32, #tpu.memory_space<vmem>>, vector<1x16xf32>,
        %get3A_1359 = vector.shape_cast %get3A_1358 : vector<1x16xf32> to vector<16xf32>
        %mul3A_1360 = arith.mulf %gather3A_1319, %get3A_1359 : vector<16xf32>
        %add3A_1361 = arith.addf %add3A_1303, %mul3A_1360 : vector<16xf32>
        %get3A_1362 = arith.index_cast %add3A_1325 : i32 to index
        %get3A_1363 = arith.constant 96 : index
        %get3A_1364 = tpu.vector_load %arg10[%get3A_1362, %get3A_1363] {strides = array<i32>} : memref<128x128xf32, #tpu.memory_space<vmem>>, vector<1x16xf32>,
        %get3A_1365 = vector.shape_cast %get3A_1364 : vector<1x16xf32> to vector<16xf32>
        %mul3A_1366 = arith.mulf %gather3A_1319, %get3A_1365 : vector<16xf32>
        %add3A_1367 = arith.addf %add3A_1309, %mul3A_1366 : vector<16xf32>
        %get3A_1368 = arith.index_cast %add3A_1325 : i32 to index
        %get3A_1369 = arith.constant 112 : index
        %get3A_1370 = tpu.vector_load %arg10[%get3A_1368, %get3A_1369] {strides = array<i32>} : memref<128x128xf32, #tpu.memory_space<vmem>>, vector<1x16xf32>,
        %get3A_1371 = vector.shape_cast %get3A_1370 : vector<1x16xf32> to vector<16xf32>
        %mul3A_1372 = arith.mulf %gather3A_1319, %get3A_1371 : vector<16xf32>
        %add3A_1373 = arith.addf %add3A_1315, %mul3A_1372 : vector<16xf32>
        %broadcast_in_dim3A_1374 = arith.constant 6 : i32
        %broadcast_in_dim3A_1375 = vector.broadcast %broadcast_in_dim3A_1374 : i32 to vector<16x1xi32>
        %gather3A_1376 = vector.shape_cast %broadcast_in_dim3A_1375 : vector<16x1xi32> to vector<16xi32>
        %gather3A_1377 = tpu.dynamic_gather %get3A_1025[%gather3A_1376] in [0] : vector<16xf32>, vector<16xi32> -> vector<16xf32>
        %mul3A_1378 = arith.constant 32 : i32
        %mul3A_1379 = arith.muli %scan3A_70, %mul3A_1378 : i32
        %add3A_1380 = arith.constant 16 : i32
        %add3A_1381 = arith.addi %mul3A_1379, %add3A_1380 : i32
        %add3A_1382 = arith.constant 6 : i32
        %add3A_1383 = arith.addi %add3A_1381, %add3A_1382 : i32
        %get3A_1384 = arith.index_cast %add3A_1383 : i32 to index
        %get3A_1385 = arith.constant 0 : index
        %get3A_1386 = tpu.vector_load %arg10[%get3A_1384, %get3A_1385] {strides = array<i32>} : memref<128x128xf32, #tpu.memory_space<vmem>>, vector<1x16xf32>,
        %get3A_1387 = vector.shape_cast %get3A_1386 : vector<1x16xf32> to vector<16xf32>
        %mul3A_1388 = arith.mulf %gather3A_1377, %get3A_1387 : vector<16xf32>
        %add3A_1389 = arith.addf %add3A_1331, %mul3A_1388 : vector<16xf32>
        %get3A_1390 = arith.index_cast %add3A_1383 : i32 to index
        %get3A_1391 = arith.constant 16 : index
        %get3A_1392 = tpu.vector_load %arg10[%get3A_1390, %get3A_1391] {strides = array<i32>} : memref<128x128xf32, #tpu.memory_space<vmem>>, vector<1x16xf32>,
        %get3A_1393 = vector.shape_cast %get3A_1392 : vector<1x16xf32> to vector<16xf32>
        %mul3A_1394 = arith.mulf %gather3A_1377, %get3A_1393 : vector<16xf32>
        %add3A_1395 = arith.addf %add3A_1337, %mul3A_1394 : vector<16xf32>
        %get3A_1396 = arith.index_cast %add3A_1383 : i32 to index
        %get3A_1397 = arith.constant 32 : index
        %get3A_1398 = tpu.vector_load %arg10[%get3A_1396, %get3A_1397] {strides = array<i32>} : memref<128x128xf32, #tpu.memory_space<vmem>>, vector<1x16xf32>,
        %get3A_1399 = vector.shape_cast %get3A_1398 : vector<1x16xf32> to vector<16xf32>
        %mul3A_1400 = arith.mulf %gather3A_1377, %get3A_1399 : vector<16xf32>
        %add3A_1401 = arith.addf %add3A_1343, %mul3A_1400 : vector<16xf32>
        %get3A_1402 = arith.index_cast %add3A_1383 : i32 to index
        %get3A_1403 = arith.constant 48 : index
        %get3A_1404 = tpu.vector_load %arg10[%get3A_1402, %get3A_1403] {strides = array<i32>} : memref<128x128xf32, #tpu.memory_space<vmem>>, vector<1x16xf32>,
        %get3A_1405 = vector.shape_cast %get3A_1404 : vector<1x16xf32> to vector<16xf32>
        %mul3A_1406 = arith.mulf %gather3A_1377, %get3A_1405 : vector<16xf32>
        %add3A_1407 = arith.addf %add3A_1349, %mul3A_1406 : vector<16xf32>
        %get3A_1408 = arith.index_cast %add3A_1383 : i32 to index
        %get3A_1409 = arith.constant 64 : index
        %get3A_1410 = tpu.vector_load %arg10[%get3A_1408, %get3A_1409] {strides = array<i32>} : memref<128x128xf32, #tpu.memory_space<vmem>>, vector<1x16xf32>,
        %get3A_1411 = vector.shape_cast %get3A_1410 : vector<1x16xf32> to vector<16xf32>
        %mul3A_1412 = arith.mulf %gather3A_1377, %get3A_1411 : vector<16xf32>
        %add3A_1413 = arith.addf %add3A_1355, %mul3A_1412 : vector<16xf32>
        %get3A_1414 = arith.index_cast %add3A_1383 : i32 to index
        %get3A_1415 = arith.constant 80 : index
        %get3A_1416 = tpu.vector_load %arg10[%get3A_1414, %get3A_1415] {strides = array<i32>} : memref<128x128xf32, #tpu.memory_space<vmem>>, vector<1x16xf32>,
        %get3A_1417 = vector.shape_cast %get3A_1416 : vector<1x16xf32> to vector<16xf32>
        %mul3A_1418 = arith.mulf %gather3A_1377, %get3A_1417 : vector<16xf32>
        %add3A_1419 = arith.addf %add3A_1361, %mul3A_1418 : vector<16xf32>
        %get3A_1420 = arith.index_cast %add3A_1383 : i32 to index
        %get3A_1421 = arith.constant 96 : index
        %get3A_1422 = tpu.vector_load %arg10[%get3A_1420, %get3A_1421] {strides = array<i32>} : memref<128x128xf32, #tpu.memory_space<vmem>>, vector<1x16xf32>,
        %get3A_1423 = vector.shape_cast %get3A_1422 : vector<1x16xf32> to vector<16xf32>
        %mul3A_1424 = arith.mulf %gather3A_1377, %get3A_1423 : vector<16xf32>
        %add3A_1425 = arith.addf %add3A_1367, %mul3A_1424 : vector<16xf32>
        %get3A_1426 = arith.index_cast %add3A_1383 : i32 to index
        %get3A_1427 = arith.constant 112 : index
        %get3A_1428 = tpu.vector_load %arg10[%get3A_1426, %get3A_1427] {strides = array<i32>} : memref<128x128xf32, #tpu.memory_space<vmem>>, vector<1x16xf32>,
        %get3A_1429 = vector.shape_cast %get3A_1428 : vector<1x16xf32> to vector<16xf32>
        %mul3A_1430 = arith.mulf %gather3A_1377, %get3A_1429 : vector<16xf32>
        %add3A_1431 = arith.addf %add3A_1373, %mul3A_1430 : vector<16xf32>
        %broadcast_in_dim3A_1432 = arith.constant 7 : i32
        %broadcast_in_dim3A_1433 = vector.broadcast %broadcast_in_dim3A_1432 : i32 to vector<16x1xi32>
        %gather3A_1434 = vector.shape_cast %broadcast_in_dim3A_1433 : vector<16x1xi32> to vector<16xi32>
        %gather3A_1435 = tpu.dynamic_gather %get3A_1025[%gather3A_1434] in [0] : vector<16xf32>, vector<16xi32> -> vector<16xf32>
        %mul3A_1436 = arith.constant 32 : i32
        %mul3A_1437 = arith.muli %scan3A_70, %mul3A_1436 : i32
        %add3A_1438 = arith.constant 16 : i32
        %add3A_1439 = arith.addi %mul3A_1437, %add3A_1438 : i32
        %add3A_1440 = arith.constant 7 : i32
        %add3A_1441 = arith.addi %add3A_1439, %add3A_1440 : i32
        %get3A_1442 = arith.index_cast %add3A_1441 : i32 to index
        %get3A_1443 = arith.constant 0 : index
        %get3A_1444 = tpu.vector_load %arg10[%get3A_1442, %get3A_1443] {strides = array<i32>} : memref<128x128xf32, #tpu.memory_space<vmem>>, vector<1x16xf32>,
        %get3A_1445 = vector.shape_cast %get3A_1444 : vector<1x16xf32> to vector<16xf32>
        %mul3A_1446 = arith.mulf %gather3A_1435, %get3A_1445 : vector<16xf32>
        %add3A_1447 = arith.addf %add3A_1389, %mul3A_1446 : vector<16xf32>
        %get3A_1448 = arith.index_cast %add3A_1441 : i32 to index
        %get3A_1449 = arith.constant 16 : index
        %get3A_1450 = tpu.vector_load %arg10[%get3A_1448, %get3A_1449] {strides = array<i32>} : memref<128x128xf32, #tpu.memory_space<vmem>>, vector<1x16xf32>,
        %get3A_1451 = vector.shape_cast %get3A_1450 : vector<1x16xf32> to vector<16xf32>
        %mul3A_1452 = arith.mulf %gather3A_1435, %get3A_1451 : vector<16xf32>
        %add3A_1453 = arith.addf %add3A_1395, %mul3A_1452 : vector<16xf32>
        %get3A_1454 = arith.index_cast %add3A_1441 : i32 to index
        %get3A_1455 = arith.constant 32 : index
        %get3A_1456 = tpu.vector_load %arg10[%get3A_1454, %get3A_1455] {strides = array<i32>} : memref<128x128xf32, #tpu.memory_space<vmem>>, vector<1x16xf32>,
        %get3A_1457 = vector.shape_cast %get3A_1456 : vector<1x16xf32> to vector<16xf32>
        %mul3A_1458 = arith.mulf %gather3A_1435, %get3A_1457 : vector<16xf32>
        %add3A_1459 = arith.addf %add3A_1401, %mul3A_1458 : vector<16xf32>
        %get3A_1460 = arith.index_cast %add3A_1441 : i32 to index
        %get3A_1461 = arith.constant 48 : index
        %get3A_1462 = tpu.vector_load %arg10[%get3A_1460, %get3A_1461] {strides = array<i32>} : memref<128x128xf32, #tpu.memory_space<vmem>>, vector<1x16xf32>,
        %get3A_1463 = vector.shape_cast %get3A_1462 : vector<1x16xf32> to vector<16xf32>
        %mul3A_1464 = arith.mulf %gather3A_1435, %get3A_1463 : vector<16xf32>
        %add3A_1465 = arith.addf %add3A_1407, %mul3A_1464 : vector<16xf32>
        %get3A_1466 = arith.index_cast %add3A_1441 : i32 to index
        %get3A_1467 = arith.constant 64 : index
        %get3A_1468 = tpu.vector_load %arg10[%get3A_1466, %get3A_1467] {strides = array<i32>} : memref<128x128xf32, #tpu.memory_space<vmem>>, vector<1x16xf32>,
        %get3A_1469 = vector.shape_cast %get3A_1468 : vector<1x16xf32> to vector<16xf32>
        %mul3A_1470 = arith.mulf %gather3A_1435, %get3A_1469 : vector<16xf32>
        %add3A_1471 = arith.addf %add3A_1413, %mul3A_1470 : vector<16xf32>
        %get3A_1472 = arith.index_cast %add3A_1441 : i32 to index
        %get3A_1473 = arith.constant 80 : index
        %get3A_1474 = tpu.vector_load %arg10[%get3A_1472, %get3A_1473] {strides = array<i32>} : memref<128x128xf32, #tpu.memory_space<vmem>>, vector<1x16xf32>,
        %get3A_1475 = vector.shape_cast %get3A_1474 : vector<1x16xf32> to vector<16xf32>
        %mul3A_1476 = arith.mulf %gather3A_1435, %get3A_1475 : vector<16xf32>
        %add3A_1477 = arith.addf %add3A_1419, %mul3A_1476 : vector<16xf32>
        %get3A_1478 = arith.index_cast %add3A_1441 : i32 to index
        %get3A_1479 = arith.constant 96 : index
        %get3A_1480 = tpu.vector_load %arg10[%get3A_1478, %get3A_1479] {strides = array<i32>} : memref<128x128xf32, #tpu.memory_space<vmem>>, vector<1x16xf32>,
        %get3A_1481 = vector.shape_cast %get3A_1480 : vector<1x16xf32> to vector<16xf32>
        %mul3A_1482 = arith.mulf %gather3A_1435, %get3A_1481 : vector<16xf32>
        %add3A_1483 = arith.addf %add3A_1425, %mul3A_1482 : vector<16xf32>
        %get3A_1484 = arith.index_cast %add3A_1441 : i32 to index
        %get3A_1485 = arith.constant 112 : index
        %get3A_1486 = tpu.vector_load %arg10[%get3A_1484, %get3A_1485] {strides = array<i32>} : memref<128x128xf32, #tpu.memory_space<vmem>>, vector<1x16xf32>,
        %get3A_1487 = vector.shape_cast %get3A_1486 : vector<1x16xf32> to vector<16xf32>
        %mul3A_1488 = arith.mulf %gather3A_1435, %get3A_1487 : vector<16xf32>
        %add3A_1489 = arith.addf %add3A_1431, %mul3A_1488 : vector<16xf32>
        %broadcast_in_dim3A_1490 = arith.constant 8 : i32
        %broadcast_in_dim3A_1491 = vector.broadcast %broadcast_in_dim3A_1490 : i32 to vector<16x1xi32>
        %gather3A_1492 = vector.shape_cast %broadcast_in_dim3A_1491 : vector<16x1xi32> to vector<16xi32>
        %gather3A_1493 = tpu.dynamic_gather %get3A_1025[%gather3A_1492] in [0] : vector<16xf32>, vector<16xi32> -> vector<16xf32>
        %mul3A_1494 = arith.constant 32 : i32
        %mul3A_1495 = arith.muli %scan3A_70, %mul3A_1494 : i32
        %add3A_1496 = arith.constant 16 : i32
        %add3A_1497 = arith.addi %mul3A_1495, %add3A_1496 : i32
        %add3A_1498 = arith.constant 8 : i32
        %add3A_1499 = arith.addi %add3A_1497, %add3A_1498 : i32
        %get3A_1500 = arith.index_cast %add3A_1499 : i32 to index
        %get3A_1501 = arith.constant 0 : index
        %get3A_1502 = tpu.vector_load %arg10[%get3A_1500, %get3A_1501] {strides = array<i32>} : memref<128x128xf32, #tpu.memory_space<vmem>>, vector<1x16xf32>,
        %get3A_1503 = vector.shape_cast %get3A_1502 : vector<1x16xf32> to vector<16xf32>
        %mul3A_1504 = arith.mulf %gather3A_1493, %get3A_1503 : vector<16xf32>
        %add3A_1505 = arith.addf %add3A_1447, %mul3A_1504 : vector<16xf32>
        %get3A_1506 = arith.index_cast %add3A_1499 : i32 to index
        %get3A_1507 = arith.constant 16 : index
        %get3A_1508 = tpu.vector_load %arg10[%get3A_1506, %get3A_1507] {strides = array<i32>} : memref<128x128xf32, #tpu.memory_space<vmem>>, vector<1x16xf32>,
        %get3A_1509 = vector.shape_cast %get3A_1508 : vector<1x16xf32> to vector<16xf32>
        %mul3A_1510 = arith.mulf %gather3A_1493, %get3A_1509 : vector<16xf32>
        %add3A_1511 = arith.addf %add3A_1453, %mul3A_1510 : vector<16xf32>
        %get3A_1512 = arith.index_cast %add3A_1499 : i32 to index
        %get3A_1513 = arith.constant 32 : index
        %get3A_1514 = tpu.vector_load %arg10[%get3A_1512, %get3A_1513] {strides = array<i32>} : memref<128x128xf32, #tpu.memory_space<vmem>>, vector<1x16xf32>,
        %get3A_1515 = vector.shape_cast %get3A_1514 : vector<1x16xf32> to vector<16xf32>
        %mul3A_1516 = arith.mulf %gather3A_1493, %get3A_1515 : vector<16xf32>
        %add3A_1517 = arith.addf %add3A_1459, %mul3A_1516 : vector<16xf32>
        %get3A_1518 = arith.index_cast %add3A_1499 : i32 to index
        %get3A_1519 = arith.constant 48 : index
        %get3A_1520 = tpu.vector_load %arg10[%get3A_1518, %get3A_1519] {strides = array<i32>} : memref<128x128xf32, #tpu.memory_space<vmem>>, vector<1x16xf32>,
        %get3A_1521 = vector.shape_cast %get3A_1520 : vector<1x16xf32> to vector<16xf32>
        %mul3A_1522 = arith.mulf %gather3A_1493, %get3A_1521 : vector<16xf32>
        %add3A_1523 = arith.addf %add3A_1465, %mul3A_1522 : vector<16xf32>
        %get3A_1524 = arith.index_cast %add3A_1499 : i32 to index
        %get3A_1525 = arith.constant 64 : index
        %get3A_1526 = tpu.vector_load %arg10[%get3A_1524, %get3A_1525] {strides = array<i32>} : memref<128x128xf32, #tpu.memory_space<vmem>>, vector<1x16xf32>,
        %get3A_1527 = vector.shape_cast %get3A_1526 : vector<1x16xf32> to vector<16xf32>
        %mul3A_1528 = arith.mulf %gather3A_1493, %get3A_1527 : vector<16xf32>
        %add3A_1529 = arith.addf %add3A_1471, %mul3A_1528 : vector<16xf32>
        %get3A_1530 = arith.index_cast %add3A_1499 : i32 to index
        %get3A_1531 = arith.constant 80 : index
        %get3A_1532 = tpu.vector_load %arg10[%get3A_1530, %get3A_1531] {strides = array<i32>} : memref<128x128xf32, #tpu.memory_space<vmem>>, vector<1x16xf32>,
        %get3A_1533 = vector.shape_cast %get3A_1532 : vector<1x16xf32> to vector<16xf32>
        %mul3A_1534 = arith.mulf %gather3A_1493, %get3A_1533 : vector<16xf32>
        %add3A_1535 = arith.addf %add3A_1477, %mul3A_1534 : vector<16xf32>
        %get3A_1536 = arith.index_cast %add3A_1499 : i32 to index
        %get3A_1537 = arith.constant 96 : index
        %get3A_1538 = tpu.vector_load %arg10[%get3A_1536, %get3A_1537] {strides = array<i32>} : memref<128x128xf32, #tpu.memory_space<vmem>>, vector<1x16xf32>,
        %get3A_1539 = vector.shape_cast %get3A_1538 : vector<1x16xf32> to vector<16xf32>
        %mul3A_1540 = arith.mulf %gather3A_1493, %get3A_1539 : vector<16xf32>
        %add3A_1541 = arith.addf %add3A_1483, %mul3A_1540 : vector<16xf32>
        %get3A_1542 = arith.index_cast %add3A_1499 : i32 to index
        %get3A_1543 = arith.constant 112 : index
        %get3A_1544 = tpu.vector_load %arg10[%get3A_1542, %get3A_1543] {strides = array<i32>} : memref<128x128xf32, #tpu.memory_space<vmem>>, vector<1x16xf32>,
        %get3A_1545 = vector.shape_cast %get3A_1544 : vector<1x16xf32> to vector<16xf32>
        %mul3A_1546 = arith.mulf %gather3A_1493, %get3A_1545 : vector<16xf32>
        %add3A_1547 = arith.addf %add3A_1489, %mul3A_1546 : vector<16xf32>
        %broadcast_in_dim3A_1548 = arith.constant 9 : i32
        %broadcast_in_dim3A_1549 = vector.broadcast %broadcast_in_dim3A_1548 : i32 to vector<16x1xi32>
        %gather3A_1550 = vector.shape_cast %broadcast_in_dim3A_1549 : vector<16x1xi32> to vector<16xi32>
        %gather3A_1551 = tpu.dynamic_gather %get3A_1025[%gather3A_1550] in [0] : vector<16xf32>, vector<16xi32> -> vector<16xf32>
        %mul3A_1552 = arith.constant 32 : i32
        %mul3A_1553 = arith.muli %scan3A_70, %mul3A_1552 : i32
        %add3A_1554 = arith.constant 16 : i32
        %add3A_1555 = arith.addi %mul3A_1553, %add3A_1554 : i32
        %add3A_1556 = arith.constant 9 : i32
        %add3A_1557 = arith.addi %add3A_1555, %add3A_1556 : i32
        %get3A_1558 = arith.index_cast %add3A_1557 : i32 to index
        %get3A_1559 = arith.constant 0 : index
        %get3A_1560 = tpu.vector_load %arg10[%get3A_1558, %get3A_1559] {strides = array<i32>} : memref<128x128xf32, #tpu.memory_space<vmem>>, vector<1x16xf32>,
        %get3A_1561 = vector.shape_cast %get3A_1560 : vector<1x16xf32> to vector<16xf32>
        %mul3A_1562 = arith.mulf %gather3A_1551, %get3A_1561 : vector<16xf32>
        %add3A_1563 = arith.addf %add3A_1505, %mul3A_1562 : vector<16xf32>
        %get3A_1564 = arith.index_cast %add3A_1557 : i32 to index
        %get3A_1565 = arith.constant 16 : index
        %get3A_1566 = tpu.vector_load %arg10[%get3A_1564, %get3A_1565] {strides = array<i32>} : memref<128x128xf32, #tpu.memory_space<vmem>>, vector<1x16xf32>,
        %get3A_1567 = vector.shape_cast %get3A_1566 : vector<1x16xf32> to vector<16xf32>
        %mul3A_1568 = arith.mulf %gather3A_1551, %get3A_1567 : vector<16xf32>
        %add3A_1569 = arith.addf %add3A_1511, %mul3A_1568 : vector<16xf32>
        %get3A_1570 = arith.index_cast %add3A_1557 : i32 to index
        %get3A_1571 = arith.constant 32 : index
        %get3A_1572 = tpu.vector_load %arg10[%get3A_1570, %get3A_1571] {strides = array<i32>} : memref<128x128xf32, #tpu.memory_space<vmem>>, vector<1x16xf32>,
        %get3A_1573 = vector.shape_cast %get3A_1572 : vector<1x16xf32> to vector<16xf32>
        %mul3A_1574 = arith.mulf %gather3A_1551, %get3A_1573 : vector<16xf32>
        %add3A_1575 = arith.addf %add3A_1517, %mul3A_1574 : vector<16xf32>
        %get3A_1576 = arith.index_cast %add3A_1557 : i32 to index
        %get3A_1577 = arith.constant 48 : index
        %get3A_1578 = tpu.vector_load %arg10[%get3A_1576, %get3A_1577] {strides = array<i32>} : memref<128x128xf32, #tpu.memory_space<vmem>>, vector<1x16xf32>,
        %get3A_1579 = vector.shape_cast %get3A_1578 : vector<1x16xf32> to vector<16xf32>
        %mul3A_1580 = arith.mulf %gather3A_1551, %get3A_1579 : vector<16xf32>
        %add3A_1581 = arith.addf %add3A_1523, %mul3A_1580 : vector<16xf32>
        %get3A_1582 = arith.index_cast %add3A_1557 : i32 to index
        %get3A_1583 = arith.constant 64 : index
        %get3A_1584 = tpu.vector_load %arg10[%get3A_1582, %get3A_1583] {strides = array<i32>} : memref<128x128xf32, #tpu.memory_space<vmem>>, vector<1x16xf32>,
        %get3A_1585 = vector.shape_cast %get3A_1584 : vector<1x16xf32> to vector<16xf32>
        %mul3A_1586 = arith.mulf %gather3A_1551, %get3A_1585 : vector<16xf32>
        %add3A_1587 = arith.addf %add3A_1529, %mul3A_1586 : vector<16xf32>
        %get3A_1588 = arith.index_cast %add3A_1557 : i32 to index
        %get3A_1589 = arith.constant 80 : index
        %get3A_1590 = tpu.vector_load %arg10[%get3A_1588, %get3A_1589] {strides = array<i32>} : memref<128x128xf32, #tpu.memory_space<vmem>>, vector<1x16xf32>,
        %get3A_1591 = vector.shape_cast %get3A_1590 : vector<1x16xf32> to vector<16xf32>
        %mul3A_1592 = arith.mulf %gather3A_1551, %get3A_1591 : vector<16xf32>
        %add3A_1593 = arith.addf %add3A_1535, %mul3A_1592 : vector<16xf32>
        %get3A_1594 = arith.index_cast %add3A_1557 : i32 to index
        %get3A_1595 = arith.constant 96 : index
        %get3A_1596 = tpu.vector_load %arg10[%get3A_1594, %get3A_1595] {strides = array<i32>} : memref<128x128xf32, #tpu.memory_space<vmem>>, vector<1x16xf32>,
        %get3A_1597 = vector.shape_cast %get3A_1596 : vector<1x16xf32> to vector<16xf32>
        %mul3A_1598 = arith.mulf %gather3A_1551, %get3A_1597 : vector<16xf32>
        %add3A_1599 = arith.addf %add3A_1541, %mul3A_1598 : vector<16xf32>
        %get3A_1600 = arith.index_cast %add3A_1557 : i32 to index
        %get3A_1601 = arith.constant 112 : index
        %get3A_1602 = tpu.vector_load %arg10[%get3A_1600, %get3A_1601] {strides = array<i32>} : memref<128x128xf32, #tpu.memory_space<vmem>>, vector<1x16xf32>,
        %get3A_1603 = vector.shape_cast %get3A_1602 : vector<1x16xf32> to vector<16xf32>
        %mul3A_1604 = arith.mulf %gather3A_1551, %get3A_1603 : vector<16xf32>
        %add3A_1605 = arith.addf %add3A_1547, %mul3A_1604 : vector<16xf32>
        %broadcast_in_dim3A_1606 = arith.constant 10 : i32
        %broadcast_in_dim3A_1607 = vector.broadcast %broadcast_in_dim3A_1606 : i32 to vector<16x1xi32>
        %gather3A_1608 = vector.shape_cast %broadcast_in_dim3A_1607 : vector<16x1xi32> to vector<16xi32>
        %gather3A_1609 = tpu.dynamic_gather %get3A_1025[%gather3A_1608] in [0] : vector<16xf32>, vector<16xi32> -> vector<16xf32>
        %mul3A_1610 = arith.constant 32 : i32
        %mul3A_1611 = arith.muli %scan3A_70, %mul3A_1610 : i32
        %add3A_1612 = arith.constant 16 : i32
        %add3A_1613 = arith.addi %mul3A_1611, %add3A_1612 : i32
        %add3A_1614 = arith.constant 10 : i32
        %add3A_1615 = arith.addi %add3A_1613, %add3A_1614 : i32
        %get3A_1616 = arith.index_cast %add3A_1615 : i32 to index
        %get3A_1617 = arith.constant 0 : index
        %get3A_1618 = tpu.vector_load %arg10[%get3A_1616, %get3A_1617] {strides = array<i32>} : memref<128x128xf32, #tpu.memory_space<vmem>>, vector<1x16xf32>,
        %get3A_1619 = vector.shape_cast %get3A_1618 : vector<1x16xf32> to vector<16xf32>
        %mul3A_1620 = arith.mulf %gather3A_1609, %get3A_1619 : vector<16xf32>
        %add3A_1621 = arith.addf %add3A_1563, %mul3A_1620 : vector<16xf32>
        %get3A_1622 = arith.index_cast %add3A_1615 : i32 to index
        %get3A_1623 = arith.constant 16 : index
        %get3A_1624 = tpu.vector_load %arg10[%get3A_1622, %get3A_1623] {strides = array<i32>} : memref<128x128xf32, #tpu.memory_space<vmem>>, vector<1x16xf32>,
        %get3A_1625 = vector.shape_cast %get3A_1624 : vector<1x16xf32> to vector<16xf32>
        %mul3A_1626 = arith.mulf %gather3A_1609, %get3A_1625 : vector<16xf32>
        %add3A_1627 = arith.addf %add3A_1569, %mul3A_1626 : vector<16xf32>
        %get3A_1628 = arith.index_cast %add3A_1615 : i32 to index
        %get3A_1629 = arith.constant 32 : index
        %get3A_1630 = tpu.vector_load %arg10[%get3A_1628, %get3A_1629] {strides = array<i32>} : memref<128x128xf32, #tpu.memory_space<vmem>>, vector<1x16xf32>,
        %get3A_1631 = vector.shape_cast %get3A_1630 : vector<1x16xf32> to vector<16xf32>
        %mul3A_1632 = arith.mulf %gather3A_1609, %get3A_1631 : vector<16xf32>
        %add3A_1633 = arith.addf %add3A_1575, %mul3A_1632 : vector<16xf32>
        %get3A_1634 = arith.index_cast %add3A_1615 : i32 to index
        %get3A_1635 = arith.constant 48 : index
        %get3A_1636 = tpu.vector_load %arg10[%get3A_1634, %get3A_1635] {strides = array<i32>} : memref<128x128xf32, #tpu.memory_space<vmem>>, vector<1x16xf32>,
        %get3A_1637 = vector.shape_cast %get3A_1636 : vector<1x16xf32> to vector<16xf32>
        %mul3A_1638 = arith.mulf %gather3A_1609, %get3A_1637 : vector<16xf32>
        %add3A_1639 = arith.addf %add3A_1581, %mul3A_1638 : vector<16xf32>
        %get3A_1640 = arith.index_cast %add3A_1615 : i32 to index
        %get3A_1641 = arith.constant 64 : index
        %get3A_1642 = tpu.vector_load %arg10[%get3A_1640, %get3A_1641] {strides = array<i32>} : memref<128x128xf32, #tpu.memory_space<vmem>>, vector<1x16xf32>,
        %get3A_1643 = vector.shape_cast %get3A_1642 : vector<1x16xf32> to vector<16xf32>
        %mul3A_1644 = arith.mulf %gather3A_1609, %get3A_1643 : vector<16xf32>
        %add3A_1645 = arith.addf %add3A_1587, %mul3A_1644 : vector<16xf32>
        %get3A_1646 = arith.index_cast %add3A_1615 : i32 to index
        %get3A_1647 = arith.constant 80 : index
        %get3A_1648 = tpu.vector_load %arg10[%get3A_1646, %get3A_1647] {strides = array<i32>} : memref<128x128xf32, #tpu.memory_space<vmem>>, vector<1x16xf32>,
        %get3A_1649 = vector.shape_cast %get3A_1648 : vector<1x16xf32> to vector<16xf32>
        %mul3A_1650 = arith.mulf %gather3A_1609, %get3A_1649 : vector<16xf32>
        %add3A_1651 = arith.addf %add3A_1593, %mul3A_1650 : vector<16xf32>
        %get3A_1652 = arith.index_cast %add3A_1615 : i32 to index
        %get3A_1653 = arith.constant 96 : index
        %get3A_1654 = tpu.vector_load %arg10[%get3A_1652, %get3A_1653] {strides = array<i32>} : memref<128x128xf32, #tpu.memory_space<vmem>>, vector<1x16xf32>,
        %get3A_1655 = vector.shape_cast %get3A_1654 : vector<1x16xf32> to vector<16xf32>
        %mul3A_1656 = arith.mulf %gather3A_1609, %get3A_1655 : vector<16xf32>
        %add3A_1657 = arith.addf %add3A_1599, %mul3A_1656 : vector<16xf32>
        %get3A_1658 = arith.index_cast %add3A_1615 : i32 to index
        %get3A_1659 = arith.constant 112 : index
        %get3A_1660 = tpu.vector_load %arg10[%get3A_1658, %get3A_1659] {strides = array<i32>} : memref<128x128xf32, #tpu.memory_space<vmem>>, vector<1x16xf32>,
        %get3A_1661 = vector.shape_cast %get3A_1660 : vector<1x16xf32> to vector<16xf32>
        %mul3A_1662 = arith.mulf %gather3A_1609, %get3A_1661 : vector<16xf32>
        %add3A_1663 = arith.addf %add3A_1605, %mul3A_1662 : vector<16xf32>
        %broadcast_in_dim3A_1664 = arith.constant 11 : i32
        %broadcast_in_dim3A_1665 = vector.broadcast %broadcast_in_dim3A_1664 : i32 to vector<16x1xi32>
        %gather3A_1666 = vector.shape_cast %broadcast_in_dim3A_1665 : vector<16x1xi32> to vector<16xi32>
        %gather3A_1667 = tpu.dynamic_gather %get3A_1025[%gather3A_1666] in [0] : vector<16xf32>, vector<16xi32> -> vector<16xf32>
        %mul3A_1668 = arith.constant 32 : i32
        %mul3A_1669 = arith.muli %scan3A_70, %mul3A_1668 : i32
        %add3A_1670 = arith.constant 16 : i32
        %add3A_1671 = arith.addi %mul3A_1669, %add3A_1670 : i32
        %add3A_1672 = arith.constant 11 : i32
        %add3A_1673 = arith.addi %add3A_1671, %add3A_1672 : i32
        %get3A_1674 = arith.index_cast %add3A_1673 : i32 to index
        %get3A_1675 = arith.constant 0 : index
        %get3A_1676 = tpu.vector_load %arg10[%get3A_1674, %get3A_1675] {strides = array<i32>} : memref<128x128xf32, #tpu.memory_space<vmem>>, vector<1x16xf32>,
        %get3A_1677 = vector.shape_cast %get3A_1676 : vector<1x16xf32> to vector<16xf32>
        %mul3A_1678 = arith.mulf %gather3A_1667, %get3A_1677 : vector<16xf32>
        %add3A_1679 = arith.addf %add3A_1621, %mul3A_1678 : vector<16xf32>
        %get3A_1680 = arith.index_cast %add3A_1673 : i32 to index
        %get3A_1681 = arith.constant 16 : index
        %get3A_1682 = tpu.vector_load %arg10[%get3A_1680, %get3A_1681] {strides = array<i32>} : memref<128x128xf32, #tpu.memory_space<vmem>>, vector<1x16xf32>,
        %get3A_1683 = vector.shape_cast %get3A_1682 : vector<1x16xf32> to vector<16xf32>
        %mul3A_1684 = arith.mulf %gather3A_1667, %get3A_1683 : vector<16xf32>
        %add3A_1685 = arith.addf %add3A_1627, %mul3A_1684 : vector<16xf32>
        %get3A_1686 = arith.index_cast %add3A_1673 : i32 to index
        %get3A_1687 = arith.constant 32 : index
        %get3A_1688 = tpu.vector_load %arg10[%get3A_1686, %get3A_1687] {strides = array<i32>} : memref<128x128xf32, #tpu.memory_space<vmem>>, vector<1x16xf32>,
        %get3A_1689 = vector.shape_cast %get3A_1688 : vector<1x16xf32> to vector<16xf32>
        %mul3A_1690 = arith.mulf %gather3A_1667, %get3A_1689 : vector<16xf32>
        %add3A_1691 = arith.addf %add3A_1633, %mul3A_1690 : vector<16xf32>
        %get3A_1692 = arith.index_cast %add3A_1673 : i32 to index
        %get3A_1693 = arith.constant 48 : index
        %get3A_1694 = tpu.vector_load %arg10[%get3A_1692, %get3A_1693] {strides = array<i32>} : memref<128x128xf32, #tpu.memory_space<vmem>>, vector<1x16xf32>,
        %get3A_1695 = vector.shape_cast %get3A_1694 : vector<1x16xf32> to vector<16xf32>
        %mul3A_1696 = arith.mulf %gather3A_1667, %get3A_1695 : vector<16xf32>
        %add3A_1697 = arith.addf %add3A_1639, %mul3A_1696 : vector<16xf32>
        %get3A_1698 = arith.index_cast %add3A_1673 : i32 to index
        %get3A_1699 = arith.constant 64 : index
        %get3A_1700 = tpu.vector_load %arg10[%get3A_1698, %get3A_1699] {strides = array<i32>} : memref<128x128xf32, #tpu.memory_space<vmem>>, vector<1x16xf32>,
        %get3A_1701 = vector.shape_cast %get3A_1700 : vector<1x16xf32> to vector<16xf32>
        %mul3A_1702 = arith.mulf %gather3A_1667, %get3A_1701 : vector<16xf32>
        %add3A_1703 = arith.addf %add3A_1645, %mul3A_1702 : vector<16xf32>
        %get3A_1704 = arith.index_cast %add3A_1673 : i32 to index
        %get3A_1705 = arith.constant 80 : index
        %get3A_1706 = tpu.vector_load %arg10[%get3A_1704, %get3A_1705] {strides = array<i32>} : memref<128x128xf32, #tpu.memory_space<vmem>>, vector<1x16xf32>,
        %get3A_1707 = vector.shape_cast %get3A_1706 : vector<1x16xf32> to vector<16xf32>
        %mul3A_1708 = arith.mulf %gather3A_1667, %get3A_1707 : vector<16xf32>
        %add3A_1709 = arith.addf %add3A_1651, %mul3A_1708 : vector<16xf32>
        %get3A_1710 = arith.index_cast %add3A_1673 : i32 to index
        %get3A_1711 = arith.constant 96 : index
        %get3A_1712 = tpu.vector_load %arg10[%get3A_1710, %get3A_1711] {strides = array<i32>} : memref<128x128xf32, #tpu.memory_space<vmem>>, vector<1x16xf32>,
        %get3A_1713 = vector.shape_cast %get3A_1712 : vector<1x16xf32> to vector<16xf32>
        %mul3A_1714 = arith.mulf %gather3A_1667, %get3A_1713 : vector<16xf32>
        %add3A_1715 = arith.addf %add3A_1657, %mul3A_1714 : vector<16xf32>
        %get3A_1716 = arith.index_cast %add3A_1673 : i32 to index
        %get3A_1717 = arith.constant 112 : index
        %get3A_1718 = tpu.vector_load %arg10[%get3A_1716, %get3A_1717] {strides = array<i32>} : memref<128x128xf32, #tpu.memory_space<vmem>>, vector<1x16xf32>,
        %get3A_1719 = vector.shape_cast %get3A_1718 : vector<1x16xf32> to vector<16xf32>
        %mul3A_1720 = arith.mulf %gather3A_1667, %get3A_1719 : vector<16xf32>
        %add3A_1721 = arith.addf %add3A_1663, %mul3A_1720 : vector<16xf32>
        %broadcast_in_dim3A_1722 = arith.constant 12 : i32
        %broadcast_in_dim3A_1723 = vector.broadcast %broadcast_in_dim3A_1722 : i32 to vector<16x1xi32>
        %gather3A_1724 = vector.shape_cast %broadcast_in_dim3A_1723 : vector<16x1xi32> to vector<16xi32>
        %gather3A_1725 = tpu.dynamic_gather %get3A_1025[%gather3A_1724] in [0] : vector<16xf32>, vector<16xi32> -> vector<16xf32>
        %mul3A_1726 = arith.constant 32 : i32
        %mul3A_1727 = arith.muli %scan3A_70, %mul3A_1726 : i32
        %add3A_1728 = arith.constant 16 : i32
        %add3A_1729 = arith.addi %mul3A_1727, %add3A_1728 : i32
        %add3A_1730 = arith.constant 12 : i32
        %add3A_1731 = arith.addi %add3A_1729, %add3A_1730 : i32
        %get3A_1732 = arith.index_cast %add3A_1731 : i32 to index
        %get3A_1733 = arith.constant 0 : index
        %get3A_1734 = tpu.vector_load %arg10[%get3A_1732, %get3A_1733] {strides = array<i32>} : memref<128x128xf32, #tpu.memory_space<vmem>>, vector<1x16xf32>,
        %get3A_1735 = vector.shape_cast %get3A_1734 : vector<1x16xf32> to vector<16xf32>
        %mul3A_1736 = arith.mulf %gather3A_1725, %get3A_1735 : vector<16xf32>
        %add3A_1737 = arith.addf %add3A_1679, %mul3A_1736 : vector<16xf32>
        %get3A_1738 = arith.index_cast %add3A_1731 : i32 to index
        %get3A_1739 = arith.constant 16 : index
        %get3A_1740 = tpu.vector_load %arg10[%get3A_1738, %get3A_1739] {strides = array<i32>} : memref<128x128xf32, #tpu.memory_space<vmem>>, vector<1x16xf32>,
        %get3A_1741 = vector.shape_cast %get3A_1740 : vector<1x16xf32> to vector<16xf32>
        %mul3A_1742 = arith.mulf %gather3A_1725, %get3A_1741 : vector<16xf32>
        %add3A_1743 = arith.addf %add3A_1685, %mul3A_1742 : vector<16xf32>
        %get3A_1744 = arith.index_cast %add3A_1731 : i32 to index
        %get3A_1745 = arith.constant 32 : index
        %get3A_1746 = tpu.vector_load %arg10[%get3A_1744, %get3A_1745] {strides = array<i32>} : memref<128x128xf32, #tpu.memory_space<vmem>>, vector<1x16xf32>,
        %get3A_1747 = vector.shape_cast %get3A_1746 : vector<1x16xf32> to vector<16xf32>
        %mul3A_1748 = arith.mulf %gather3A_1725, %get3A_1747 : vector<16xf32>
        %add3A_1749 = arith.addf %add3A_1691, %mul3A_1748 : vector<16xf32>
        %get3A_1750 = arith.index_cast %add3A_1731 : i32 to index
        %get3A_1751 = arith.constant 48 : index
        %get3A_1752 = tpu.vector_load %arg10[%get3A_1750, %get3A_1751] {strides = array<i32>} : memref<128x128xf32, #tpu.memory_space<vmem>>, vector<1x16xf32>,
        %get3A_1753 = vector.shape_cast %get3A_1752 : vector<1x16xf32> to vector<16xf32>
        %mul3A_1754 = arith.mulf %gather3A_1725, %get3A_1753 : vector<16xf32>
        %add3A_1755 = arith.addf %add3A_1697, %mul3A_1754 : vector<16xf32>
        %get3A_1756 = arith.index_cast %add3A_1731 : i32 to index
        %get3A_1757 = arith.constant 64 : index
        %get3A_1758 = tpu.vector_load %arg10[%get3A_1756, %get3A_1757] {strides = array<i32>} : memref<128x128xf32, #tpu.memory_space<vmem>>, vector<1x16xf32>,
        %get3A_1759 = vector.shape_cast %get3A_1758 : vector<1x16xf32> to vector<16xf32>
        %mul3A_1760 = arith.mulf %gather3A_1725, %get3A_1759 : vector<16xf32>
        %add3A_1761 = arith.addf %add3A_1703, %mul3A_1760 : vector<16xf32>
        %get3A_1762 = arith.index_cast %add3A_1731 : i32 to index
        %get3A_1763 = arith.constant 80 : index
        %get3A_1764 = tpu.vector_load %arg10[%get3A_1762, %get3A_1763] {strides = array<i32>} : memref<128x128xf32, #tpu.memory_space<vmem>>, vector<1x16xf32>,
        %get3A_1765 = vector.shape_cast %get3A_1764 : vector<1x16xf32> to vector<16xf32>
        %mul3A_1766 = arith.mulf %gather3A_1725, %get3A_1765 : vector<16xf32>
        %add3A_1767 = arith.addf %add3A_1709, %mul3A_1766 : vector<16xf32>
        %get3A_1768 = arith.index_cast %add3A_1731 : i32 to index
        %get3A_1769 = arith.constant 96 : index
        %get3A_1770 = tpu.vector_load %arg10[%get3A_1768, %get3A_1769] {strides = array<i32>} : memref<128x128xf32, #tpu.memory_space<vmem>>, vector<1x16xf32>,
        %get3A_1771 = vector.shape_cast %get3A_1770 : vector<1x16xf32> to vector<16xf32>
        %mul3A_1772 = arith.mulf %gather3A_1725, %get3A_1771 : vector<16xf32>
        %add3A_1773 = arith.addf %add3A_1715, %mul3A_1772 : vector<16xf32>
        %get3A_1774 = arith.index_cast %add3A_1731 : i32 to index
        %get3A_1775 = arith.constant 112 : index
        %get3A_1776 = tpu.vector_load %arg10[%get3A_1774, %get3A_1775] {strides = array<i32>} : memref<128x128xf32, #tpu.memory_space<vmem>>, vector<1x16xf32>,
        %get3A_1777 = vector.shape_cast %get3A_1776 : vector<1x16xf32> to vector<16xf32>
        %mul3A_1778 = arith.mulf %gather3A_1725, %get3A_1777 : vector<16xf32>
        %add3A_1779 = arith.addf %add3A_1721, %mul3A_1778 : vector<16xf32>
        %broadcast_in_dim3A_1780 = arith.constant 13 : i32
        %broadcast_in_dim3A_1781 = vector.broadcast %broadcast_in_dim3A_1780 : i32 to vector<16x1xi32>
        %gather3A_1782 = vector.shape_cast %broadcast_in_dim3A_1781 : vector<16x1xi32> to vector<16xi32>
        %gather3A_1783 = tpu.dynamic_gather %get3A_1025[%gather3A_1782] in [0] : vector<16xf32>, vector<16xi32> -> vector<16xf32>
        %mul3A_1784 = arith.constant 32 : i32
        %mul3A_1785 = arith.muli %scan3A_70, %mul3A_1784 : i32
        %add3A_1786 = arith.constant 16 : i32
        %add3A_1787 = arith.addi %mul3A_1785, %add3A_1786 : i32
        %add3A_1788 = arith.constant 13 : i32
        %add3A_1789 = arith.addi %add3A_1787, %add3A_1788 : i32
        %get3A_1790 = arith.index_cast %add3A_1789 : i32 to index
        %get3A_1791 = arith.constant 0 : index
        %get3A_1792 = tpu.vector_load %arg10[%get3A_1790, %get3A_1791] {strides = array<i32>} : memref<128x128xf32, #tpu.memory_space<vmem>>, vector<1x16xf32>,
        %get3A_1793 = vector.shape_cast %get3A_1792 : vector<1x16xf32> to vector<16xf32>
        %mul3A_1794 = arith.mulf %gather3A_1783, %get3A_1793 : vector<16xf32>
        %add3A_1795 = arith.addf %add3A_1737, %mul3A_1794 : vector<16xf32>
        %get3A_1796 = arith.index_cast %add3A_1789 : i32 to index
        %get3A_1797 = arith.constant 16 : index
        %get3A_1798 = tpu.vector_load %arg10[%get3A_1796, %get3A_1797] {strides = array<i32>} : memref<128x128xf32, #tpu.memory_space<vmem>>, vector<1x16xf32>,
        %get3A_1799 = vector.shape_cast %get3A_1798 : vector<1x16xf32> to vector<16xf32>
        %mul3A_1800 = arith.mulf %gather3A_1783, %get3A_1799 : vector<16xf32>
        %add3A_1801 = arith.addf %add3A_1743, %mul3A_1800 : vector<16xf32>
        %get3A_1802 = arith.index_cast %add3A_1789 : i32 to index
        %get3A_1803 = arith.constant 32 : index
        %get3A_1804 = tpu.vector_load %arg10[%get3A_1802, %get3A_1803] {strides = array<i32>} : memref<128x128xf32, #tpu.memory_space<vmem>>, vector<1x16xf32>,
        %get3A_1805 = vector.shape_cast %get3A_1804 : vector<1x16xf32> to vector<16xf32>
        %mul3A_1806 = arith.mulf %gather3A_1783, %get3A_1805 : vector<16xf32>
        %add3A_1807 = arith.addf %add3A_1749, %mul3A_1806 : vector<16xf32>
        %get3A_1808 = arith.index_cast %add3A_1789 : i32 to index
        %get3A_1809 = arith.constant 48 : index
        %get3A_1810 = tpu.vector_load %arg10[%get3A_1808, %get3A_1809] {strides = array<i32>} : memref<128x128xf32, #tpu.memory_space<vmem>>, vector<1x16xf32>,
        %get3A_1811 = vector.shape_cast %get3A_1810 : vector<1x16xf32> to vector<16xf32>
        %mul3A_1812 = arith.mulf %gather3A_1783, %get3A_1811 : vector<16xf32>
        %add3A_1813 = arith.addf %add3A_1755, %mul3A_1812 : vector<16xf32>
        %get3A_1814 = arith.index_cast %add3A_1789 : i32 to index
        %get3A_1815 = arith.constant 64 : index
        %get3A_1816 = tpu.vector_load %arg10[%get3A_1814, %get3A_1815] {strides = array<i32>} : memref<128x128xf32, #tpu.memory_space<vmem>>, vector<1x16xf32>,
        %get3A_1817 = vector.shape_cast %get3A_1816 : vector<1x16xf32> to vector<16xf32>
        %mul3A_1818 = arith.mulf %gather3A_1783, %get3A_1817 : vector<16xf32>
        %add3A_1819 = arith.addf %add3A_1761, %mul3A_1818 : vector<16xf32>
        %get3A_1820 = arith.index_cast %add3A_1789 : i32 to index
        %get3A_1821 = arith.constant 80 : index
        %get3A_1822 = tpu.vector_load %arg10[%get3A_1820, %get3A_1821] {strides = array<i32>} : memref<128x128xf32, #tpu.memory_space<vmem>>, vector<1x16xf32>,
        %get3A_1823 = vector.shape_cast %get3A_1822 : vector<1x16xf32> to vector<16xf32>
        %mul3A_1824 = arith.mulf %gather3A_1783, %get3A_1823 : vector<16xf32>
        %add3A_1825 = arith.addf %add3A_1767, %mul3A_1824 : vector<16xf32>
        %get3A_1826 = arith.index_cast %add3A_1789 : i32 to index
        %get3A_1827 = arith.constant 96 : index
        %get3A_1828 = tpu.vector_load %arg10[%get3A_1826, %get3A_1827] {strides = array<i32>} : memref<128x128xf32, #tpu.memory_space<vmem>>, vector<1x16xf32>,
        %get3A_1829 = vector.shape_cast %get3A_1828 : vector<1x16xf32> to vector<16xf32>
        %mul3A_1830 = arith.mulf %gather3A_1783, %get3A_1829 : vector<16xf32>
        %add3A_1831 = arith.addf %add3A_1773, %mul3A_1830 : vector<16xf32>
        %get3A_1832 = arith.index_cast %add3A_1789 : i32 to index
        %get3A_1833 = arith.constant 112 : index
        %get3A_1834 = tpu.vector_load %arg10[%get3A_1832, %get3A_1833] {strides = array<i32>} : memref<128x128xf32, #tpu.memory_space<vmem>>, vector<1x16xf32>,
        %get3A_1835 = vector.shape_cast %get3A_1834 : vector<1x16xf32> to vector<16xf32>
        %mul3A_1836 = arith.mulf %gather3A_1783, %get3A_1835 : vector<16xf32>
        %add3A_1837 = arith.addf %add3A_1779, %mul3A_1836 : vector<16xf32>
        %broadcast_in_dim3A_1838 = arith.constant 14 : i32
        %broadcast_in_dim3A_1839 = vector.broadcast %broadcast_in_dim3A_1838 : i32 to vector<16x1xi32>
        %gather3A_1840 = vector.shape_cast %broadcast_in_dim3A_1839 : vector<16x1xi32> to vector<16xi32>
        %gather3A_1841 = tpu.dynamic_gather %get3A_1025[%gather3A_1840] in [0] : vector<16xf32>, vector<16xi32> -> vector<16xf32>
        %mul3A_1842 = arith.constant 32 : i32
        %mul3A_1843 = arith.muli %scan3A_70, %mul3A_1842 : i32
        %add3A_1844 = arith.constant 16 : i32
        %add3A_1845 = arith.addi %mul3A_1843, %add3A_1844 : i32
        %add3A_1846 = arith.constant 14 : i32
        %add3A_1847 = arith.addi %add3A_1845, %add3A_1846 : i32
        %get3A_1848 = arith.index_cast %add3A_1847 : i32 to index
        %get3A_1849 = arith.constant 0 : index
        %get3A_1850 = tpu.vector_load %arg10[%get3A_1848, %get3A_1849] {strides = array<i32>} : memref<128x128xf32, #tpu.memory_space<vmem>>, vector<1x16xf32>,
        %get3A_1851 = vector.shape_cast %get3A_1850 : vector<1x16xf32> to vector<16xf32>
        %mul3A_1852 = arith.mulf %gather3A_1841, %get3A_1851 : vector<16xf32>
        %add3A_1853 = arith.addf %add3A_1795, %mul3A_1852 : vector<16xf32>
        %get3A_1854 = arith.index_cast %add3A_1847 : i32 to index
        %get3A_1855 = arith.constant 16 : index
        %get3A_1856 = tpu.vector_load %arg10[%get3A_1854, %get3A_1855] {strides = array<i32>} : memref<128x128xf32, #tpu.memory_space<vmem>>, vector<1x16xf32>,
        %get3A_1857 = vector.shape_cast %get3A_1856 : vector<1x16xf32> to vector<16xf32>
        %mul3A_1858 = arith.mulf %gather3A_1841, %get3A_1857 : vector<16xf32>
        %add3A_1859 = arith.addf %add3A_1801, %mul3A_1858 : vector<16xf32>
        %get3A_1860 = arith.index_cast %add3A_1847 : i32 to index
        %get3A_1861 = arith.constant 32 : index
        %get3A_1862 = tpu.vector_load %arg10[%get3A_1860, %get3A_1861] {strides = array<i32>} : memref<128x128xf32, #tpu.memory_space<vmem>>, vector<1x16xf32>,
        %get3A_1863 = vector.shape_cast %get3A_1862 : vector<1x16xf32> to vector<16xf32>
        %mul3A_1864 = arith.mulf %gather3A_1841, %get3A_1863 : vector<16xf32>
        %add3A_1865 = arith.addf %add3A_1807, %mul3A_1864 : vector<16xf32>
        %get3A_1866 = arith.index_cast %add3A_1847 : i32 to index
        %get3A_1867 = arith.constant 48 : index
        %get3A_1868 = tpu.vector_load %arg10[%get3A_1866, %get3A_1867] {strides = array<i32>} : memref<128x128xf32, #tpu.memory_space<vmem>>, vector<1x16xf32>,
        %get3A_1869 = vector.shape_cast %get3A_1868 : vector<1x16xf32> to vector<16xf32>
        %mul3A_1870 = arith.mulf %gather3A_1841, %get3A_1869 : vector<16xf32>
        %add3A_1871 = arith.addf %add3A_1813, %mul3A_1870 : vector<16xf32>
        %get3A_1872 = arith.index_cast %add3A_1847 : i32 to index
        %get3A_1873 = arith.constant 64 : index
        %get3A_1874 = tpu.vector_load %arg10[%get3A_1872, %get3A_1873] {strides = array<i32>} : memref<128x128xf32, #tpu.memory_space<vmem>>, vector<1x16xf32>,
        %get3A_1875 = vector.shape_cast %get3A_1874 : vector<1x16xf32> to vector<16xf32>
        %mul3A_1876 = arith.mulf %gather3A_1841, %get3A_1875 : vector<16xf32>
        %add3A_1877 = arith.addf %add3A_1819, %mul3A_1876 : vector<16xf32>
        %get3A_1878 = arith.index_cast %add3A_1847 : i32 to index
        %get3A_1879 = arith.constant 80 : index
        %get3A_1880 = tpu.vector_load %arg10[%get3A_1878, %get3A_1879] {strides = array<i32>} : memref<128x128xf32, #tpu.memory_space<vmem>>, vector<1x16xf32>,
        %get3A_1881 = vector.shape_cast %get3A_1880 : vector<1x16xf32> to vector<16xf32>
        %mul3A_1882 = arith.mulf %gather3A_1841, %get3A_1881 : vector<16xf32>
        %add3A_1883 = arith.addf %add3A_1825, %mul3A_1882 : vector<16xf32>
        %get3A_1884 = arith.index_cast %add3A_1847 : i32 to index
        %get3A_1885 = arith.constant 96 : index
        %get3A_1886 = tpu.vector_load %arg10[%get3A_1884, %get3A_1885] {strides = array<i32>} : memref<128x128xf32, #tpu.memory_space<vmem>>, vector<1x16xf32>,
        %get3A_1887 = vector.shape_cast %get3A_1886 : vector<1x16xf32> to vector<16xf32>
        %mul3A_1888 = arith.mulf %gather3A_1841, %get3A_1887 : vector<16xf32>
        %add3A_1889 = arith.addf %add3A_1831, %mul3A_1888 : vector<16xf32>
        %get3A_1890 = arith.index_cast %add3A_1847 : i32 to index
        %get3A_1891 = arith.constant 112 : index
        %get3A_1892 = tpu.vector_load %arg10[%get3A_1890, %get3A_1891] {strides = array<i32>} : memref<128x128xf32, #tpu.memory_space<vmem>>, vector<1x16xf32>,
        %get3A_1893 = vector.shape_cast %get3A_1892 : vector<1x16xf32> to vector<16xf32>
        %mul3A_1894 = arith.mulf %gather3A_1841, %get3A_1893 : vector<16xf32>
        %add3A_1895 = arith.addf %add3A_1837, %mul3A_1894 : vector<16xf32>
        %broadcast_in_dim3A_1896 = arith.constant 15 : i32
        %broadcast_in_dim3A_1897 = vector.broadcast %broadcast_in_dim3A_1896 : i32 to vector<16x1xi32>
        %gather3A_1898 = vector.shape_cast %broadcast_in_dim3A_1897 : vector<16x1xi32> to vector<16xi32>
        %gather3A_1899 = tpu.dynamic_gather %get3A_1025[%gather3A_1898] in [0] : vector<16xf32>, vector<16xi32> -> vector<16xf32>
        %mul3A_1900 = arith.constant 32 : i32
        %mul3A_1901 = arith.muli %scan3A_70, %mul3A_1900 : i32
        %add3A_1902 = arith.constant 16 : i32
        %add3A_1903 = arith.addi %mul3A_1901, %add3A_1902 : i32
        %add3A_1904 = arith.constant 15 : i32
        %add3A_1905 = arith.addi %add3A_1903, %add3A_1904 : i32
        %get3A_1906 = arith.index_cast %add3A_1905 : i32 to index
        %get3A_1907 = arith.constant 0 : index
        %get3A_1908 = tpu.vector_load %arg10[%get3A_1906, %get3A_1907] {strides = array<i32>} : memref<128x128xf32, #tpu.memory_space<vmem>>, vector<1x16xf32>,
        %get3A_1909 = vector.shape_cast %get3A_1908 : vector<1x16xf32> to vector<16xf32>
        %mul3A_1910 = arith.mulf %gather3A_1899, %get3A_1909 : vector<16xf32>
        %add3A_1911 = arith.addf %add3A_1853, %mul3A_1910 : vector<16xf32>
        %get3A_1912 = arith.index_cast %add3A_1905 : i32 to index
        %get3A_1913 = arith.constant 16 : index
        %get3A_1914 = tpu.vector_load %arg10[%get3A_1912, %get3A_1913] {strides = array<i32>} : memref<128x128xf32, #tpu.memory_space<vmem>>, vector<1x16xf32>,
        %get3A_1915 = vector.shape_cast %get3A_1914 : vector<1x16xf32> to vector<16xf32>
        %mul3A_1916 = arith.mulf %gather3A_1899, %get3A_1915 : vector<16xf32>
        %add3A_1917 = arith.addf %add3A_1859, %mul3A_1916 : vector<16xf32>
        %get3A_1918 = arith.index_cast %add3A_1905 : i32 to index
        %get3A_1919 = arith.constant 32 : index
        %get3A_1920 = tpu.vector_load %arg10[%get3A_1918, %get3A_1919] {strides = array<i32>} : memref<128x128xf32, #tpu.memory_space<vmem>>, vector<1x16xf32>,
        %get3A_1921 = vector.shape_cast %get3A_1920 : vector<1x16xf32> to vector<16xf32>
        %mul3A_1922 = arith.mulf %gather3A_1899, %get3A_1921 : vector<16xf32>
        %add3A_1923 = arith.addf %add3A_1865, %mul3A_1922 : vector<16xf32>
        %get3A_1924 = arith.index_cast %add3A_1905 : i32 to index
        %get3A_1925 = arith.constant 48 : index
        %get3A_1926 = tpu.vector_load %arg10[%get3A_1924, %get3A_1925] {strides = array<i32>} : memref<128x128xf32, #tpu.memory_space<vmem>>, vector<1x16xf32>,
        %get3A_1927 = vector.shape_cast %get3A_1926 : vector<1x16xf32> to vector<16xf32>
        %mul3A_1928 = arith.mulf %gather3A_1899, %get3A_1927 : vector<16xf32>
        %add3A_1929 = arith.addf %add3A_1871, %mul3A_1928 : vector<16xf32>
        %get3A_1930 = arith.index_cast %add3A_1905 : i32 to index
        %get3A_1931 = arith.constant 64 : index
        %get3A_1932 = tpu.vector_load %arg10[%get3A_1930, %get3A_1931] {strides = array<i32>} : memref<128x128xf32, #tpu.memory_space<vmem>>, vector<1x16xf32>,
        %get3A_1933 = vector.shape_cast %get3A_1932 : vector<1x16xf32> to vector<16xf32>
        %mul3A_1934 = arith.mulf %gather3A_1899, %get3A_1933 : vector<16xf32>
        %add3A_1935 = arith.addf %add3A_1877, %mul3A_1934 : vector<16xf32>
        %get3A_1936 = arith.index_cast %add3A_1905 : i32 to index
        %get3A_1937 = arith.constant 80 : index
        %get3A_1938 = tpu.vector_load %arg10[%get3A_1936, %get3A_1937] {strides = array<i32>} : memref<128x128xf32, #tpu.memory_space<vmem>>, vector<1x16xf32>,
        %get3A_1939 = vector.shape_cast %get3A_1938 : vector<1x16xf32> to vector<16xf32>
        %mul3A_1940 = arith.mulf %gather3A_1899, %get3A_1939 : vector<16xf32>
        %add3A_1941 = arith.addf %add3A_1883, %mul3A_1940 : vector<16xf32>
        %get3A_1942 = arith.index_cast %add3A_1905 : i32 to index
        %get3A_1943 = arith.constant 96 : index
        %get3A_1944 = tpu.vector_load %arg10[%get3A_1942, %get3A_1943] {strides = array<i32>} : memref<128x128xf32, #tpu.memory_space<vmem>>, vector<1x16xf32>,
        %get3A_1945 = vector.shape_cast %get3A_1944 : vector<1x16xf32> to vector<16xf32>
        %mul3A_1946 = arith.mulf %gather3A_1899, %get3A_1945 : vector<16xf32>
        %add3A_1947 = arith.addf %add3A_1889, %mul3A_1946 : vector<16xf32>
        %get3A_1948 = arith.index_cast %add3A_1905 : i32 to index
        %get3A_1949 = arith.constant 112 : index
        %get3A_1950 = tpu.vector_load %arg10[%get3A_1948, %get3A_1949] {strides = array<i32>} : memref<128x128xf32, #tpu.memory_space<vmem>>, vector<1x16xf32>,
        %get3A_1951 = vector.shape_cast %get3A_1950 : vector<1x16xf32> to vector<16xf32>
        %mul3A_1952 = arith.mulf %gather3A_1899, %get3A_1951 : vector<16xf32>
        %add3A_1953 = arith.addf %add3A_1895, %mul3A_1952 : vector<16xf32>
        %swap3A = arith.index_cast %scan3A_70 : i32 to index
        %swap3A_1954 = arith.constant 0 : index
        %swap3A_1955 = tpu.vector_load %arg13[%swap3A, %swap3A_1954] {strides = array<i32>} : memref<4x128xf32, #tpu.memory_space<vmem>>, vector<1x16xf32>,
        %swap3A_1956 = vector.shape_cast %swap3A_1955 : vector<1x16xf32> to vector<16xf32>
        %swap3A_1957 = vector.shape_cast %add3A_1911 : vector<16xf32> to vector<1x16xf32>
        tpu.vector_store %arg13[%swap3A, %swap3A_1954], %swap3A_1957 {strides = array<i32>} : memref<4x128xf32, #tpu.memory_space<vmem>>, vector<1x16xf32>,
        %swap3A_1958 = arith.index_cast %scan3A_70 : i32 to index
        %swap3A_1959 = arith.constant 16 : index
        %swap3A_1960 = tpu.vector_load %arg13[%swap3A_1958, %swap3A_1959] {strides = array<i32>} : memref<4x128xf32, #tpu.memory_space<vmem>>, vector<1x16xf32>,
        %swap3A_1961 = vector.shape_cast %swap3A_1960 : vector<1x16xf32> to vector<16xf32>
        %swap3A_1962 = vector.shape_cast %add3A_1917 : vector<16xf32> to vector<1x16xf32>
        tpu.vector_store %arg13[%swap3A_1958, %swap3A_1959], %swap3A_1962 {strides = array<i32>} : memref<4x128xf32, #tpu.memory_space<vmem>>, vector<1x16xf32>,
        %swap3A_1963 = arith.index_cast %scan3A_70 : i32 to index
        %swap3A_1964 = arith.constant 32 : index
        %swap3A_1965 = tpu.vector_load %arg13[%swap3A_1963, %swap3A_1964] {strides = array<i32>} : memref<4x128xf32, #tpu.memory_space<vmem>>, vector<1x16xf32>,
        %swap3A_1966 = vector.shape_cast %swap3A_1965 : vector<1x16xf32> to vector<16xf32>
        %swap3A_1967 = vector.shape_cast %add3A_1923 : vector<16xf32> to vector<1x16xf32>
        tpu.vector_store %arg13[%swap3A_1963, %swap3A_1964], %swap3A_1967 {strides = array<i32>} : memref<4x128xf32, #tpu.memory_space<vmem>>, vector<1x16xf32>,
        %swap3A_1968 = arith.index_cast %scan3A_70 : i32 to index
        %swap3A_1969 = arith.constant 48 : index
        %swap3A_1970 = tpu.vector_load %arg13[%swap3A_1968, %swap3A_1969] {strides = array<i32>} : memref<4x128xf32, #tpu.memory_space<vmem>>, vector<1x16xf32>,
        %swap3A_1971 = vector.shape_cast %swap3A_1970 : vector<1x16xf32> to vector<16xf32>
        %swap3A_1972 = vector.shape_cast %add3A_1929 : vector<16xf32> to vector<1x16xf32>
        tpu.vector_store %arg13[%swap3A_1968, %swap3A_1969], %swap3A_1972 {strides = array<i32>} : memref<4x128xf32, #tpu.memory_space<vmem>>, vector<1x16xf32>,
        %swap3A_1973 = arith.index_cast %scan3A_70 : i32 to index
        %swap3A_1974 = arith.constant 64 : index
        %swap3A_1975 = tpu.vector_load %arg13[%swap3A_1973, %swap3A_1974] {strides = array<i32>} : memref<4x128xf32, #tpu.memory_space<vmem>>, vector<1x16xf32>,
        %swap3A_1976 = vector.shape_cast %swap3A_1975 : vector<1x16xf32> to vector<16xf32>
        %swap3A_1977 = vector.shape_cast %add3A_1935 : vector<16xf32> to vector<1x16xf32>
        tpu.vector_store %arg13[%swap3A_1973, %swap3A_1974], %swap3A_1977 {strides = array<i32>} : memref<4x128xf32, #tpu.memory_space<vmem>>, vector<1x16xf32>,
        %swap3A_1978 = arith.index_cast %scan3A_70 : i32 to index
        %swap3A_1979 = arith.constant 80 : index
        %swap3A_1980 = tpu.vector_load %arg13[%swap3A_1978, %swap3A_1979] {strides = array<i32>} : memref<4x128xf32, #tpu.memory_space<vmem>>, vector<1x16xf32>,
        %swap3A_1981 = vector.shape_cast %swap3A_1980 : vector<1x16xf32> to vector<16xf32>
        %swap3A_1982 = vector.shape_cast %add3A_1941 : vector<16xf32> to vector<1x16xf32>
        tpu.vector_store %arg13[%swap3A_1978, %swap3A_1979], %swap3A_1982 {strides = array<i32>} : memref<4x128xf32, #tpu.memory_space<vmem>>, vector<1x16xf32>,
        %swap3A_1983 = arith.index_cast %scan3A_70 : i32 to index
        %swap3A_1984 = arith.constant 96 : index
        %swap3A_1985 = tpu.vector_load %arg13[%swap3A_1983, %swap3A_1984] {strides = array<i32>} : memref<4x128xf32, #tpu.memory_space<vmem>>, vector<1x16xf32>,
        %swap3A_1986 = vector.shape_cast %swap3A_1985 : vector<1x16xf32> to vector<16xf32>
        %swap3A_1987 = vector.shape_cast %add3A_1947 : vector<16xf32> to vector<1x16xf32>
        tpu.vector_store %arg13[%swap3A_1983, %swap3A_1984], %swap3A_1987 {strides = array<i32>} : memref<4x128xf32, #tpu.memory_space<vmem>>, vector<1x16xf32>,
        %swap3A_1988 = arith.index_cast %scan3A_70 : i32 to index
        %swap3A_1989 = arith.constant 112 : index
        %swap3A_1990 = tpu.vector_load %arg13[%swap3A_1988, %swap3A_1989] {strides = array<i32>} : memref<4x128xf32, #tpu.memory_space<vmem>>, vector<1x16xf32>,
        %swap3A_1991 = vector.shape_cast %swap3A_1990 : vector<1x16xf32> to vector<16xf32>
        %swap3A_1992 = vector.shape_cast %add3A_1953 : vector<16xf32> to vector<1x16xf32>
        tpu.vector_store %arg13[%swap3A_1988, %swap3A_1989], %swap3A_1992 {strides = array<i32>} : memref<4x128xf32, #tpu.memory_space<vmem>>, vector<1x16xf32>,
      }
      %scan3A_39 = arith.constant 4 : i32
      %mul3A_40 = arith.constant 4 : i32
      %mul3A_41 = arith.muli %add3A_31, %mul3A_40 : i32
      %add3A_42 = arith.addi %mul3A_2, %mul3A_41 : i32
      "tpu.region"() ({
        %run_scoped3A = tpu.sem_alloc : memref<!tpu.dma_semaphore, #tpu.memory_space<semaphore_mem>>
        %dma_start3A_70 = arith.constant 0 : i32
        %dma_start3A_71 = tpu.memref_slice %arg5[%add3A_42, %dma_start3A_70] : memref<10240x128xf32, #tpu.memory_space<hbm>> -> memref<4x128xf32, #tpu.memory_space<hbm>>
        %dma_start3A_72 = arith.constant 0 : i32
        %dma_start3A_73 = tpu.memref_slice %arg5[%add3A_42, %dma_start3A_72] : memref<10240x128xf32, #tpu.memory_space<hbm>> -> memref<4x128xf32, #tpu.memory_space<hbm>>
        tpu.enqueue_dma source(%arg13 : memref<4x128xf32, #tpu.memory_space<vmem>>) target(%dma_start3A_73 : memref<4x128xf32, #tpu.memory_space<hbm>>) target_semaphore(%run_scoped3A : memref<!tpu.dma_semaphore, #tpu.memory_space<semaphore_mem>>)
        %dma_wait3A_74 = arith.constant 0 : i32
        %dma_wait3A_75 = tpu.memref_slice %arg5[%add3A_42, %dma_wait3A_74] : memref<10240x128xf32, #tpu.memory_space<hbm>> -> memref<4x128xf32, #tpu.memory_space<hbm>>
        %dma_wait3A_76 = arith.constant 0 : i32
        %dma_wait3A_77 = tpu.memref_slice %arg5[%add3A_42, %dma_wait3A_76] : memref<10240x128xf32, #tpu.memory_space<hbm>> -> memref<4x128xf32, #tpu.memory_space<hbm>>
        tpu.wait_dma2 semaphore(%run_scoped3A : memref<!tpu.dma_semaphore, #tpu.memory_space<semaphore_mem>>) src(%arg13 : memref<4x128xf32, #tpu.memory_space<vmem>>) dst(%dma_wait3A_77 : memref<4x128xf32, #tpu.memory_space<hbm>>)
        tpu.yield
      }) : () -> ()
      %add3A_43 = arith.constant 2 : i32
      %add3A_44 = arith.addi %add3A_31, %add3A_43 : i32
      %lt3A = arith.constant 80 : i32
      %lt3A_45 = arith.cmpi slt, %add3A_44, %lt3A : i32
      %convert_element_type3A = arith.extui %lt3A_45 : i1 to i32
      %cond3A = arith.constant 0 : i32
      %cond3A_46 = arith.cmpi ne, %convert_element_type3A, %cond3A : i32
      scf.if %cond3A_46 {
        %add3A_70 = arith.addi %mul3A_4, %add3A_31 : i32
        %add3A_71 = arith.constant 2 : i32
        %add3A_72 = arith.addi %add3A_70, %add3A_71 : i32
        "tpu.region"() ({
          %run_scoped3A = tpu.sem_alloc : memref<!tpu.dma_semaphore, #tpu.memory_space<semaphore_mem>>
          %dma_start3A_79 = arith.constant 0 : i32
          %dma_start3A_80 = tpu.memref_slice %arg3[%add3A_72, %dma_start3A_79] : memref<2560x128xi32, #tpu.memory_space<hbm>> -> memref<1x128xi32, #tpu.memory_space<hbm>>
          %dma_start3A_81 = tpu.memref_squeeze %dma_start3A_80 : memref<1x128xi32, #tpu.memory_space<hbm>> -> memref<128xi32, #tpu.memory_space<hbm>>
          %dma_start3A_82 = arith.constant 0 : i32
          %dma_start3A_83 = tpu.memref_slice %arg3[%add3A_72, %dma_start3A_82] : memref<2560x128xi32, #tpu.memory_space<hbm>> -> memref<1x128xi32, #tpu.memory_space<hbm>>
          %dma_start3A_84 = tpu.memref_squeeze %dma_start3A_83 : memref<1x128xi32, #tpu.memory_space<hbm>> -> memref<128xi32, #tpu.memory_space<hbm>>
          tpu.enqueue_dma source(%dma_start3A_84 : memref<128xi32, #tpu.memory_space<hbm>>) target(%arg6 : memref<128xi32, #tpu.memory_space<vmem>>) target_semaphore(%run_scoped3A : memref<!tpu.dma_semaphore, #tpu.memory_space<semaphore_mem>>)
          %dma_wait3A_85 = arith.constant 0 : i32
          %dma_wait3A_86 = tpu.memref_slice %arg3[%add3A_72, %dma_wait3A_85] : memref<2560x128xi32, #tpu.memory_space<hbm>> -> memref<1x128xi32, #tpu.memory_space<hbm>>
          %dma_wait3A_87 = tpu.memref_squeeze %dma_wait3A_86 : memref<1x128xi32, #tpu.memory_space<hbm>> -> memref<128xi32, #tpu.memory_space<hbm>>
          %dma_wait3A_88 = arith.constant 0 : i32
          %dma_wait3A_89 = tpu.memref_slice %arg3[%add3A_72, %dma_wait3A_88] : memref<2560x128xi32, #tpu.memory_space<hbm>> -> memref<1x128xi32, #tpu.memory_space<hbm>>
          %dma_wait3A_90 = tpu.memref_squeeze %dma_wait3A_89 : memref<1x128xi32, #tpu.memory_space<hbm>> -> memref<128xi32, #tpu.memory_space<hbm>>
          tpu.wait_dma2 semaphore(%run_scoped3A : memref<!tpu.dma_semaphore, #tpu.memory_space<semaphore_mem>>) src(%dma_wait3A_90 : memref<128xi32, #tpu.memory_space<hbm>>) dst(%arg6 : memref<128xi32, #tpu.memory_space<vmem>>)
          tpu.yield
        }) : () -> ()
        %add3A_73 = arith.addi %mul3A_4, %add3A_31 : i32
        %add3A_74 = arith.constant 2 : i32
        %add3A_75 = arith.addi %add3A_73, %add3A_74 : i32
        "tpu.region"() ({
          %run_scoped3A = tpu.sem_alloc : memref<!tpu.dma_semaphore, #tpu.memory_space<semaphore_mem>>
          %dma_start3A_79 = arith.constant 0 : i32
          %dma_start3A_80 = tpu.memref_slice %arg4[%add3A_75, %dma_start3A_79] : memref<2560x128xf32, #tpu.memory_space<hbm>> -> memref<1x128xf32, #tpu.memory_space<hbm>>
          %dma_start3A_81 = tpu.memref_squeeze %dma_start3A_80 : memref<1x128xf32, #tpu.memory_space<hbm>> -> memref<128xf32, #tpu.memory_space<hbm>>
          %dma_start3A_82 = arith.constant 0 : i32
          %dma_start3A_83 = tpu.memref_slice %arg4[%add3A_75, %dma_start3A_82] : memref<2560x128xf32, #tpu.memory_space<hbm>> -> memref<1x128xf32, #tpu.memory_space<hbm>>
          %dma_start3A_84 = tpu.memref_squeeze %dma_start3A_83 : memref<1x128xf32, #tpu.memory_space<hbm>> -> memref<128xf32, #tpu.memory_space<hbm>>
          tpu.enqueue_dma source(%dma_start3A_84 : memref<128xf32, #tpu.memory_space<hbm>>) target(%arg8 : memref<128xf32, #tpu.memory_space<vmem>>) target_semaphore(%run_scoped3A : memref<!tpu.dma_semaphore, #tpu.memory_space<semaphore_mem>>)
          %dma_wait3A_85 = arith.constant 0 : i32
          %dma_wait3A_86 = tpu.memref_slice %arg4[%add3A_75, %dma_wait3A_85] : memref<2560x128xf32, #tpu.memory_space<hbm>> -> memref<1x128xf32, #tpu.memory_space<hbm>>
          %dma_wait3A_87 = tpu.memref_squeeze %dma_wait3A_86 : memref<1x128xf32, #tpu.memory_space<hbm>> -> memref<128xf32, #tpu.memory_space<hbm>>
          %dma_wait3A_88 = arith.constant 0 : i32
          %dma_wait3A_89 = tpu.memref_slice %arg4[%add3A_75, %dma_wait3A_88] : memref<2560x128xf32, #tpu.memory_space<hbm>> -> memref<1x128xf32, #tpu.memory_space<hbm>>
          %dma_wait3A_90 = tpu.memref_squeeze %dma_wait3A_89 : memref<1x128xf32, #tpu.memory_space<hbm>> -> memref<128xf32, #tpu.memory_space<hbm>>
          tpu.wait_dma2 semaphore(%run_scoped3A : memref<!tpu.dma_semaphore, #tpu.memory_space<semaphore_mem>>) src(%dma_wait3A_90 : memref<128xf32, #tpu.memory_space<hbm>>) dst(%arg8 : memref<128xf32, #tpu.memory_space<vmem>>)
          tpu.yield
        }) : () -> ()
        %dma_start3A_76 = arith.constant 0 : i32
        %dma_start3A_77 = arith.constant 0 : i32
        %dma_start3A_78 = tpu.memref_slice %arg12[%dma_start3A_76, %dma_start3A_77] : memref<10240x128xf32, #tpu.memory_space<vmem_shared>> -> memref<10240x128xf32, #tpu.memory_space<vmem_shared>>
        tpu.enqueue_indirect_dma source(%dma_start3A_78 : memref<10240x128xf32, #tpu.memory_space<vmem_shared>>) target(%arg10 : memref<128x128xf32, #tpu.memory_space<vmem>>) offsets(%arg6 : memref<128xi32, #tpu.memory_space<vmem>>) semaphore(%arg14 : memref<!tpu.dma_semaphore, #tpu.memory_space<semaphore_mem>>)
      } else {
      }
      %mul3A_47 = arith.constant 2 : i32
      %mul3A_48 = arith.muli %scan3A_27, %mul3A_47 : i32
      %add3A_49 = arith.constant 1 : i32
      %add3A_50 = arith.addi %mul3A_48, %add3A_49 : i32
      %dma_wait3A_51 = arith.constant 0 : i32
      %dma_wait3A_52 = arith.constant 0 : i32
      %dma_wait3A_53 = tpu.memref_slice %arg12[%dma_wait3A_51, %dma_wait3A_52] : memref<10240x128xf32, #tpu.memory_space<vmem_shared>> -> memref<10240x128xf32, #tpu.memory_space<vmem_shared>>
      tpu.wait_indirect_dma semaphore(%arg15 : memref<!tpu.dma_semaphore, #tpu.memory_space<semaphore_mem>>) src(%dma_wait3A_53 : memref<10240x128xf32, #tpu.memory_space<vmem_shared>>) dst(%arg11 : memref<128x128xf32, #tpu.memory_space<vmem>>)
      %scan3A_54 = arith.constant 0 : i32
      %scan3A_55 = arith.constant 0 : i32
      %scan3A_56 = arith.constant 4 : i32
      %scan3A_57 = arith.addi %scan3A_55, %scan3A_56 : i32
      %scan3A_58 = arith.constant 1 : i32
      scf.for %scan3A_70 = %scan3A_55 to %scan3A_57 step %scan3A_58  : i32 {
        %broadcast_in_dim3A = arith.constant 0.000000e+00 : f32
        %broadcast_in_dim3A_71 = vector.broadcast %broadcast_in_dim3A : f32 to vector<16xf32>
        %broadcast_in_dim3A_72 = arith.constant 0.000000e+00 : f32
        %broadcast_in_dim3A_73 = vector.broadcast %broadcast_in_dim3A_72 : f32 to vector<16xf32>
        %broadcast_in_dim3A_74 = arith.constant 0.000000e+00 : f32
        %broadcast_in_dim3A_75 = vector.broadcast %broadcast_in_dim3A_74 : f32 to vector<16xf32>
        %broadcast_in_dim3A_76 = arith.constant 0.000000e+00 : f32
        %broadcast_in_dim3A_77 = vector.broadcast %broadcast_in_dim3A_76 : f32 to vector<16xf32>
        %broadcast_in_dim3A_78 = arith.constant 0.000000e+00 : f32
        %broadcast_in_dim3A_79 = vector.broadcast %broadcast_in_dim3A_78 : f32 to vector<16xf32>
        %broadcast_in_dim3A_80 = arith.constant 0.000000e+00 : f32
        %broadcast_in_dim3A_81 = vector.broadcast %broadcast_in_dim3A_80 : f32 to vector<16xf32>
        %broadcast_in_dim3A_82 = arith.constant 0.000000e+00 : f32
        %broadcast_in_dim3A_83 = vector.broadcast %broadcast_in_dim3A_82 : f32 to vector<16xf32>
        %broadcast_in_dim3A_84 = arith.constant 0.000000e+00 : f32
        %broadcast_in_dim3A_85 = vector.broadcast %broadcast_in_dim3A_84 : f32 to vector<16xf32>
        %mul3A_86 = arith.constant 32 : i32
        %mul3A_87 = arith.muli %scan3A_70, %mul3A_86 : i32
        %add3A_88 = arith.constant 0 : i32
        %add3A_89 = arith.addi %mul3A_87, %add3A_88 : i32
        %get3A = arith.index_cast %add3A_89 : i32 to index
        %get3A_90 = tpu.vector_load %arg9[%get3A] {strides = array<i32>} : memref<128xf32, #tpu.memory_space<vmem>>, vector<16xf32>,
        %get3A_91 = vector.shape_cast %get3A_90 : vector<16xf32> to vector<16xf32>
        %broadcast_in_dim3A_92 = arith.constant 0 : i32
        %broadcast_in_dim3A_93 = vector.broadcast %broadcast_in_dim3A_92 : i32 to vector<16x1xi32>
        %gather3A = vector.shape_cast %broadcast_in_dim3A_93 : vector<16x1xi32> to vector<16xi32>
        %gather3A_94 = tpu.dynamic_gather %get3A_91[%gather3A] in [0] : vector<16xf32>, vector<16xi32> -> vector<16xf32>
        %mul3A_95 = arith.constant 32 : i32
        %mul3A_96 = arith.muli %scan3A_70, %mul3A_95 : i32
        %add3A_97 = arith.constant 0 : i32
        %add3A_98 = arith.addi %mul3A_96, %add3A_97 : i32
        %add3A_99 = arith.constant 0 : i32
        %add3A_100 = arith.addi %add3A_98, %add3A_99 : i32
        %get3A_101 = arith.index_cast %add3A_100 : i32 to index
        %get3A_102 = arith.constant 0 : index
        %get3A_103 = tpu.vector_load %arg11[%get3A_101, %get3A_102] {strides = array<i32>} : memref<128x128xf32, #tpu.memory_space<vmem>>, vector<1x16xf32>,
        %get3A_104 = vector.shape_cast %get3A_103 : vector<1x16xf32> to vector<16xf32>
        %mul3A_105 = arith.mulf %gather3A_94, %get3A_104 : vector<16xf32>
        %add3A_106 = arith.addf %broadcast_in_dim3A_71, %mul3A_105 : vector<16xf32>
        %get3A_107 = arith.index_cast %add3A_100 : i32 to index
        %get3A_108 = arith.constant 16 : index
        %get3A_109 = tpu.vector_load %arg11[%get3A_107, %get3A_108] {strides = array<i32>} : memref<128x128xf32, #tpu.memory_space<vmem>>, vector<1x16xf32>,
        %get3A_110 = vector.shape_cast %get3A_109 : vector<1x16xf32> to vector<16xf32>
        %mul3A_111 = arith.mulf %gather3A_94, %get3A_110 : vector<16xf32>
        %add3A_112 = arith.addf %broadcast_in_dim3A_73, %mul3A_111 : vector<16xf32>
        %get3A_113 = arith.index_cast %add3A_100 : i32 to index
        %get3A_114 = arith.constant 32 : index
        %get3A_115 = tpu.vector_load %arg11[%get3A_113, %get3A_114] {strides = array<i32>} : memref<128x128xf32, #tpu.memory_space<vmem>>, vector<1x16xf32>,
        %get3A_116 = vector.shape_cast %get3A_115 : vector<1x16xf32> to vector<16xf32>
        %mul3A_117 = arith.mulf %gather3A_94, %get3A_116 : vector<16xf32>
        %add3A_118 = arith.addf %broadcast_in_dim3A_75, %mul3A_117 : vector<16xf32>
        %get3A_119 = arith.index_cast %add3A_100 : i32 to index
        %get3A_120 = arith.constant 48 : index
        %get3A_121 = tpu.vector_load %arg11[%get3A_119, %get3A_120] {strides = array<i32>} : memref<128x128xf32, #tpu.memory_space<vmem>>, vector<1x16xf32>,
        %get3A_122 = vector.shape_cast %get3A_121 : vector<1x16xf32> to vector<16xf32>
        %mul3A_123 = arith.mulf %gather3A_94, %get3A_122 : vector<16xf32>
        %add3A_124 = arith.addf %broadcast_in_dim3A_77, %mul3A_123 : vector<16xf32>
        %get3A_125 = arith.index_cast %add3A_100 : i32 to index
        %get3A_126 = arith.constant 64 : index
        %get3A_127 = tpu.vector_load %arg11[%get3A_125, %get3A_126] {strides = array<i32>} : memref<128x128xf32, #tpu.memory_space<vmem>>, vector<1x16xf32>,
        %get3A_128 = vector.shape_cast %get3A_127 : vector<1x16xf32> to vector<16xf32>
        %mul3A_129 = arith.mulf %gather3A_94, %get3A_128 : vector<16xf32>
        %add3A_130 = arith.addf %broadcast_in_dim3A_79, %mul3A_129 : vector<16xf32>
        %get3A_131 = arith.index_cast %add3A_100 : i32 to index
        %get3A_132 = arith.constant 80 : index
        %get3A_133 = tpu.vector_load %arg11[%get3A_131, %get3A_132] {strides = array<i32>} : memref<128x128xf32, #tpu.memory_space<vmem>>, vector<1x16xf32>,
        %get3A_134 = vector.shape_cast %get3A_133 : vector<1x16xf32> to vector<16xf32>
        %mul3A_135 = arith.mulf %gather3A_94, %get3A_134 : vector<16xf32>
        %add3A_136 = arith.addf %broadcast_in_dim3A_81, %mul3A_135 : vector<16xf32>
        %get3A_137 = arith.index_cast %add3A_100 : i32 to index
        %get3A_138 = arith.constant 96 : index
        %get3A_139 = tpu.vector_load %arg11[%get3A_137, %get3A_138] {strides = array<i32>} : memref<128x128xf32, #tpu.memory_space<vmem>>, vector<1x16xf32>,
        %get3A_140 = vector.shape_cast %get3A_139 : vector<1x16xf32> to vector<16xf32>
        %mul3A_141 = arith.mulf %gather3A_94, %get3A_140 : vector<16xf32>
        %add3A_142 = arith.addf %broadcast_in_dim3A_83, %mul3A_141 : vector<16xf32>
        %get3A_143 = arith.index_cast %add3A_100 : i32 to index
        %get3A_144 = arith.constant 112 : index
        %get3A_145 = tpu.vector_load %arg11[%get3A_143, %get3A_144] {strides = array<i32>} : memref<128x128xf32, #tpu.memory_space<vmem>>, vector<1x16xf32>,
        %get3A_146 = vector.shape_cast %get3A_145 : vector<1x16xf32> to vector<16xf32>
        %mul3A_147 = arith.mulf %gather3A_94, %get3A_146 : vector<16xf32>
        %add3A_148 = arith.addf %broadcast_in_dim3A_85, %mul3A_147 : vector<16xf32>
        %broadcast_in_dim3A_149 = arith.constant 1 : i32
        %broadcast_in_dim3A_150 = vector.broadcast %broadcast_in_dim3A_149 : i32 to vector<16x1xi32>
        %gather3A_151 = vector.shape_cast %broadcast_in_dim3A_150 : vector<16x1xi32> to vector<16xi32>
        %gather3A_152 = tpu.dynamic_gather %get3A_91[%gather3A_151] in [0] : vector<16xf32>, vector<16xi32> -> vector<16xf32>
        %mul3A_153 = arith.constant 32 : i32
        %mul3A_154 = arith.muli %scan3A_70, %mul3A_153 : i32
        %add3A_155 = arith.constant 0 : i32
        %add3A_156 = arith.addi %mul3A_154, %add3A_155 : i32
        %add3A_157 = arith.constant 1 : i32
        %add3A_158 = arith.addi %add3A_156, %add3A_157 : i32
        %get3A_159 = arith.index_cast %add3A_158 : i32 to index
        %get3A_160 = arith.constant 0 : index
        %get3A_161 = tpu.vector_load %arg11[%get3A_159, %get3A_160] {strides = array<i32>} : memref<128x128xf32, #tpu.memory_space<vmem>>, vector<1x16xf32>,
        %get3A_162 = vector.shape_cast %get3A_161 : vector<1x16xf32> to vector<16xf32>
        %mul3A_163 = arith.mulf %gather3A_152, %get3A_162 : vector<16xf32>
        %add3A_164 = arith.addf %add3A_106, %mul3A_163 : vector<16xf32>
        %get3A_165 = arith.index_cast %add3A_158 : i32 to index
        %get3A_166 = arith.constant 16 : index
        %get3A_167 = tpu.vector_load %arg11[%get3A_165, %get3A_166] {strides = array<i32>} : memref<128x128xf32, #tpu.memory_space<vmem>>, vector<1x16xf32>,
        %get3A_168 = vector.shape_cast %get3A_167 : vector<1x16xf32> to vector<16xf32>
        %mul3A_169 = arith.mulf %gather3A_152, %get3A_168 : vector<16xf32>
        %add3A_170 = arith.addf %add3A_112, %mul3A_169 : vector<16xf32>
        %get3A_171 = arith.index_cast %add3A_158 : i32 to index
        %get3A_172 = arith.constant 32 : index
        %get3A_173 = tpu.vector_load %arg11[%get3A_171, %get3A_172] {strides = array<i32>} : memref<128x128xf32, #tpu.memory_space<vmem>>, vector<1x16xf32>,
        %get3A_174 = vector.shape_cast %get3A_173 : vector<1x16xf32> to vector<16xf32>
        %mul3A_175 = arith.mulf %gather3A_152, %get3A_174 : vector<16xf32>
        %add3A_176 = arith.addf %add3A_118, %mul3A_175 : vector<16xf32>
        %get3A_177 = arith.index_cast %add3A_158 : i32 to index
        %get3A_178 = arith.constant 48 : index
        %get3A_179 = tpu.vector_load %arg11[%get3A_177, %get3A_178] {strides = array<i32>} : memref<128x128xf32, #tpu.memory_space<vmem>>, vector<1x16xf32>,
        %get3A_180 = vector.shape_cast %get3A_179 : vector<1x16xf32> to vector<16xf32>
        %mul3A_181 = arith.mulf %gather3A_152, %get3A_180 : vector<16xf32>
        %add3A_182 = arith.addf %add3A_124, %mul3A_181 : vector<16xf32>
        %get3A_183 = arith.index_cast %add3A_158 : i32 to index
        %get3A_184 = arith.constant 64 : index
        %get3A_185 = tpu.vector_load %arg11[%get3A_183, %get3A_184] {strides = array<i32>} : memref<128x128xf32, #tpu.memory_space<vmem>>, vector<1x16xf32>,
        %get3A_186 = vector.shape_cast %get3A_185 : vector<1x16xf32> to vector<16xf32>
        %mul3A_187 = arith.mulf %gather3A_152, %get3A_186 : vector<16xf32>
        %add3A_188 = arith.addf %add3A_130, %mul3A_187 : vector<16xf32>
        %get3A_189 = arith.index_cast %add3A_158 : i32 to index
        %get3A_190 = arith.constant 80 : index
        %get3A_191 = tpu.vector_load %arg11[%get3A_189, %get3A_190] {strides = array<i32>} : memref<128x128xf32, #tpu.memory_space<vmem>>, vector<1x16xf32>,
        %get3A_192 = vector.shape_cast %get3A_191 : vector<1x16xf32> to vector<16xf32>
        %mul3A_193 = arith.mulf %gather3A_152, %get3A_192 : vector<16xf32>
        %add3A_194 = arith.addf %add3A_136, %mul3A_193 : vector<16xf32>
        %get3A_195 = arith.index_cast %add3A_158 : i32 to index
        %get3A_196 = arith.constant 96 : index
        %get3A_197 = tpu.vector_load %arg11[%get3A_195, %get3A_196] {strides = array<i32>} : memref<128x128xf32, #tpu.memory_space<vmem>>, vector<1x16xf32>,
        %get3A_198 = vector.shape_cast %get3A_197 : vector<1x16xf32> to vector<16xf32>
        %mul3A_199 = arith.mulf %gather3A_152, %get3A_198 : vector<16xf32>
        %add3A_200 = arith.addf %add3A_142, %mul3A_199 : vector<16xf32>
        %get3A_201 = arith.index_cast %add3A_158 : i32 to index
        %get3A_202 = arith.constant 112 : index
        %get3A_203 = tpu.vector_load %arg11[%get3A_201, %get3A_202] {strides = array<i32>} : memref<128x128xf32, #tpu.memory_space<vmem>>, vector<1x16xf32>,
        %get3A_204 = vector.shape_cast %get3A_203 : vector<1x16xf32> to vector<16xf32>
        %mul3A_205 = arith.mulf %gather3A_152, %get3A_204 : vector<16xf32>
        %add3A_206 = arith.addf %add3A_148, %mul3A_205 : vector<16xf32>
        %broadcast_in_dim3A_207 = arith.constant 2 : i32
        %broadcast_in_dim3A_208 = vector.broadcast %broadcast_in_dim3A_207 : i32 to vector<16x1xi32>
        %gather3A_209 = vector.shape_cast %broadcast_in_dim3A_208 : vector<16x1xi32> to vector<16xi32>
        %gather3A_210 = tpu.dynamic_gather %get3A_91[%gather3A_209] in [0] : vector<16xf32>, vector<16xi32> -> vector<16xf32>
        %mul3A_211 = arith.constant 32 : i32
        %mul3A_212 = arith.muli %scan3A_70, %mul3A_211 : i32
        %add3A_213 = arith.constant 0 : i32
        %add3A_214 = arith.addi %mul3A_212, %add3A_213 : i32
        %add3A_215 = arith.constant 2 : i32
        %add3A_216 = arith.addi %add3A_214, %add3A_215 : i32
        %get3A_217 = arith.index_cast %add3A_216 : i32 to index
        %get3A_218 = arith.constant 0 : index
        %get3A_219 = tpu.vector_load %arg11[%get3A_217, %get3A_218] {strides = array<i32>} : memref<128x128xf32, #tpu.memory_space<vmem>>, vector<1x16xf32>,
        %get3A_220 = vector.shape_cast %get3A_219 : vector<1x16xf32> to vector<16xf32>
        %mul3A_221 = arith.mulf %gather3A_210, %get3A_220 : vector<16xf32>
        %add3A_222 = arith.addf %add3A_164, %mul3A_221 : vector<16xf32>
        %get3A_223 = arith.index_cast %add3A_216 : i32 to index
        %get3A_224 = arith.constant 16 : index
        %get3A_225 = tpu.vector_load %arg11[%get3A_223, %get3A_224] {strides = array<i32>} : memref<128x128xf32, #tpu.memory_space<vmem>>, vector<1x16xf32>,
        %get3A_226 = vector.shape_cast %get3A_225 : vector<1x16xf32> to vector<16xf32>
        %mul3A_227 = arith.mulf %gather3A_210, %get3A_226 : vector<16xf32>
        %add3A_228 = arith.addf %add3A_170, %mul3A_227 : vector<16xf32>
        %get3A_229 = arith.index_cast %add3A_216 : i32 to index
        %get3A_230 = arith.constant 32 : index
        %get3A_231 = tpu.vector_load %arg11[%get3A_229, %get3A_230] {strides = array<i32>} : memref<128x128xf32, #tpu.memory_space<vmem>>, vector<1x16xf32>,
        %get3A_232 = vector.shape_cast %get3A_231 : vector<1x16xf32> to vector<16xf32>
        %mul3A_233 = arith.mulf %gather3A_210, %get3A_232 : vector<16xf32>
        %add3A_234 = arith.addf %add3A_176, %mul3A_233 : vector<16xf32>
        %get3A_235 = arith.index_cast %add3A_216 : i32 to index
        %get3A_236 = arith.constant 48 : index
        %get3A_237 = tpu.vector_load %arg11[%get3A_235, %get3A_236] {strides = array<i32>} : memref<128x128xf32, #tpu.memory_space<vmem>>, vector<1x16xf32>,
        %get3A_238 = vector.shape_cast %get3A_237 : vector<1x16xf32> to vector<16xf32>
        %mul3A_239 = arith.mulf %gather3A_210, %get3A_238 : vector<16xf32>
        %add3A_240 = arith.addf %add3A_182, %mul3A_239 : vector<16xf32>
        %get3A_241 = arith.index_cast %add3A_216 : i32 to index
        %get3A_242 = arith.constant 64 : index
        %get3A_243 = tpu.vector_load %arg11[%get3A_241, %get3A_242] {strides = array<i32>} : memref<128x128xf32, #tpu.memory_space<vmem>>, vector<1x16xf32>,
        %get3A_244 = vector.shape_cast %get3A_243 : vector<1x16xf32> to vector<16xf32>
        %mul3A_245 = arith.mulf %gather3A_210, %get3A_244 : vector<16xf32>
        %add3A_246 = arith.addf %add3A_188, %mul3A_245 : vector<16xf32>
        %get3A_247 = arith.index_cast %add3A_216 : i32 to index
        %get3A_248 = arith.constant 80 : index
        %get3A_249 = tpu.vector_load %arg11[%get3A_247, %get3A_248] {strides = array<i32>} : memref<128x128xf32, #tpu.memory_space<vmem>>, vector<1x16xf32>,
        %get3A_250 = vector.shape_cast %get3A_249 : vector<1x16xf32> to vector<16xf32>
        %mul3A_251 = arith.mulf %gather3A_210, %get3A_250 : vector<16xf32>
        %add3A_252 = arith.addf %add3A_194, %mul3A_251 : vector<16xf32>
        %get3A_253 = arith.index_cast %add3A_216 : i32 to index
        %get3A_254 = arith.constant 96 : index
        %get3A_255 = tpu.vector_load %arg11[%get3A_253, %get3A_254] {strides = array<i32>} : memref<128x128xf32, #tpu.memory_space<vmem>>, vector<1x16xf32>,
        %get3A_256 = vector.shape_cast %get3A_255 : vector<1x16xf32> to vector<16xf32>
        %mul3A_257 = arith.mulf %gather3A_210, %get3A_256 : vector<16xf32>
        %add3A_258 = arith.addf %add3A_200, %mul3A_257 : vector<16xf32>
        %get3A_259 = arith.index_cast %add3A_216 : i32 to index
        %get3A_260 = arith.constant 112 : index
        %get3A_261 = tpu.vector_load %arg11[%get3A_259, %get3A_260] {strides = array<i32>} : memref<128x128xf32, #tpu.memory_space<vmem>>, vector<1x16xf32>,
        %get3A_262 = vector.shape_cast %get3A_261 : vector<1x16xf32> to vector<16xf32>
        %mul3A_263 = arith.mulf %gather3A_210, %get3A_262 : vector<16xf32>
        %add3A_264 = arith.addf %add3A_206, %mul3A_263 : vector<16xf32>
        %broadcast_in_dim3A_265 = arith.constant 3 : i32
        %broadcast_in_dim3A_266 = vector.broadcast %broadcast_in_dim3A_265 : i32 to vector<16x1xi32>
        %gather3A_267 = vector.shape_cast %broadcast_in_dim3A_266 : vector<16x1xi32> to vector<16xi32>
        %gather3A_268 = tpu.dynamic_gather %get3A_91[%gather3A_267] in [0] : vector<16xf32>, vector<16xi32> -> vector<16xf32>
        %mul3A_269 = arith.constant 32 : i32
        %mul3A_270 = arith.muli %scan3A_70, %mul3A_269 : i32
        %add3A_271 = arith.constant 0 : i32
        %add3A_272 = arith.addi %mul3A_270, %add3A_271 : i32
        %add3A_273 = arith.constant 3 : i32
        %add3A_274 = arith.addi %add3A_272, %add3A_273 : i32
        %get3A_275 = arith.index_cast %add3A_274 : i32 to index
        %get3A_276 = arith.constant 0 : index
        %get3A_277 = tpu.vector_load %arg11[%get3A_275, %get3A_276] {strides = array<i32>} : memref<128x128xf32, #tpu.memory_space<vmem>>, vector<1x16xf32>,
        %get3A_278 = vector.shape_cast %get3A_277 : vector<1x16xf32> to vector<16xf32>
        %mul3A_279 = arith.mulf %gather3A_268, %get3A_278 : vector<16xf32>
        %add3A_280 = arith.addf %add3A_222, %mul3A_279 : vector<16xf32>
        %get3A_281 = arith.index_cast %add3A_274 : i32 to index
        %get3A_282 = arith.constant 16 : index
        %get3A_283 = tpu.vector_load %arg11[%get3A_281, %get3A_282] {strides = array<i32>} : memref<128x128xf32, #tpu.memory_space<vmem>>, vector<1x16xf32>,
        %get3A_284 = vector.shape_cast %get3A_283 : vector<1x16xf32> to vector<16xf32>
        %mul3A_285 = arith.mulf %gather3A_268, %get3A_284 : vector<16xf32>
        %add3A_286 = arith.addf %add3A_228, %mul3A_285 : vector<16xf32>
        %get3A_287 = arith.index_cast %add3A_274 : i32 to index
        %get3A_288 = arith.constant 32 : index
        %get3A_289 = tpu.vector_load %arg11[%get3A_287, %get3A_288] {strides = array<i32>} : memref<128x128xf32, #tpu.memory_space<vmem>>, vector<1x16xf32>,
        %get3A_290 = vector.shape_cast %get3A_289 : vector<1x16xf32> to vector<16xf32>
        %mul3A_291 = arith.mulf %gather3A_268, %get3A_290 : vector<16xf32>
        %add3A_292 = arith.addf %add3A_234, %mul3A_291 : vector<16xf32>
        %get3A_293 = arith.index_cast %add3A_274 : i32 to index
        %get3A_294 = arith.constant 48 : index
        %get3A_295 = tpu.vector_load %arg11[%get3A_293, %get3A_294] {strides = array<i32>} : memref<128x128xf32, #tpu.memory_space<vmem>>, vector<1x16xf32>,
        %get3A_296 = vector.shape_cast %get3A_295 : vector<1x16xf32> to vector<16xf32>
        %mul3A_297 = arith.mulf %gather3A_268, %get3A_296 : vector<16xf32>
        %add3A_298 = arith.addf %add3A_240, %mul3A_297 : vector<16xf32>
        %get3A_299 = arith.index_cast %add3A_274 : i32 to index
        %get3A_300 = arith.constant 64 : index
        %get3A_301 = tpu.vector_load %arg11[%get3A_299, %get3A_300] {strides = array<i32>} : memref<128x128xf32, #tpu.memory_space<vmem>>, vector<1x16xf32>,
        %get3A_302 = vector.shape_cast %get3A_301 : vector<1x16xf32> to vector<16xf32>
        %mul3A_303 = arith.mulf %gather3A_268, %get3A_302 : vector<16xf32>
        %add3A_304 = arith.addf %add3A_246, %mul3A_303 : vector<16xf32>
        %get3A_305 = arith.index_cast %add3A_274 : i32 to index
        %get3A_306 = arith.constant 80 : index
        %get3A_307 = tpu.vector_load %arg11[%get3A_305, %get3A_306] {strides = array<i32>} : memref<128x128xf32, #tpu.memory_space<vmem>>, vector<1x16xf32>,
        %get3A_308 = vector.shape_cast %get3A_307 : vector<1x16xf32> to vector<16xf32>
        %mul3A_309 = arith.mulf %gather3A_268, %get3A_308 : vector<16xf32>
        %add3A_310 = arith.addf %add3A_252, %mul3A_309 : vector<16xf32>
        %get3A_311 = arith.index_cast %add3A_274 : i32 to index
        %get3A_312 = arith.constant 96 : index
        %get3A_313 = tpu.vector_load %arg11[%get3A_311, %get3A_312] {strides = array<i32>} : memref<128x128xf32, #tpu.memory_space<vmem>>, vector<1x16xf32>,
        %get3A_314 = vector.shape_cast %get3A_313 : vector<1x16xf32> to vector<16xf32>
        %mul3A_315 = arith.mulf %gather3A_268, %get3A_314 : vector<16xf32>
        %add3A_316 = arith.addf %add3A_258, %mul3A_315 : vector<16xf32>
        %get3A_317 = arith.index_cast %add3A_274 : i32 to index
        %get3A_318 = arith.constant 112 : index
        %get3A_319 = tpu.vector_load %arg11[%get3A_317, %get3A_318] {strides = array<i32>} : memref<128x128xf32, #tpu.memory_space<vmem>>, vector<1x16xf32>,
        %get3A_320 = vector.shape_cast %get3A_319 : vector<1x16xf32> to vector<16xf32>
        %mul3A_321 = arith.mulf %gather3A_268, %get3A_320 : vector<16xf32>
        %add3A_322 = arith.addf %add3A_264, %mul3A_321 : vector<16xf32>
        %broadcast_in_dim3A_323 = arith.constant 4 : i32
        %broadcast_in_dim3A_324 = vector.broadcast %broadcast_in_dim3A_323 : i32 to vector<16x1xi32>
        %gather3A_325 = vector.shape_cast %broadcast_in_dim3A_324 : vector<16x1xi32> to vector<16xi32>
        %gather3A_326 = tpu.dynamic_gather %get3A_91[%gather3A_325] in [0] : vector<16xf32>, vector<16xi32> -> vector<16xf32>
        %mul3A_327 = arith.constant 32 : i32
        %mul3A_328 = arith.muli %scan3A_70, %mul3A_327 : i32
        %add3A_329 = arith.constant 0 : i32
        %add3A_330 = arith.addi %mul3A_328, %add3A_329 : i32
        %add3A_331 = arith.constant 4 : i32
        %add3A_332 = arith.addi %add3A_330, %add3A_331 : i32
        %get3A_333 = arith.index_cast %add3A_332 : i32 to index
        %get3A_334 = arith.constant 0 : index
        %get3A_335 = tpu.vector_load %arg11[%get3A_333, %get3A_334] {strides = array<i32>} : memref<128x128xf32, #tpu.memory_space<vmem>>, vector<1x16xf32>,
        %get3A_336 = vector.shape_cast %get3A_335 : vector<1x16xf32> to vector<16xf32>
        %mul3A_337 = arith.mulf %gather3A_326, %get3A_336 : vector<16xf32>
        %add3A_338 = arith.addf %add3A_280, %mul3A_337 : vector<16xf32>
        %get3A_339 = arith.index_cast %add3A_332 : i32 to index
        %get3A_340 = arith.constant 16 : index
        %get3A_341 = tpu.vector_load %arg11[%get3A_339, %get3A_340] {strides = array<i32>} : memref<128x128xf32, #tpu.memory_space<vmem>>, vector<1x16xf32>,
        %get3A_342 = vector.shape_cast %get3A_341 : vector<1x16xf32> to vector<16xf32>
        %mul3A_343 = arith.mulf %gather3A_326, %get3A_342 : vector<16xf32>
        %add3A_344 = arith.addf %add3A_286, %mul3A_343 : vector<16xf32>
        %get3A_345 = arith.index_cast %add3A_332 : i32 to index
        %get3A_346 = arith.constant 32 : index
        %get3A_347 = tpu.vector_load %arg11[%get3A_345, %get3A_346] {strides = array<i32>} : memref<128x128xf32, #tpu.memory_space<vmem>>, vector<1x16xf32>,
        %get3A_348 = vector.shape_cast %get3A_347 : vector<1x16xf32> to vector<16xf32>
        %mul3A_349 = arith.mulf %gather3A_326, %get3A_348 : vector<16xf32>
        %add3A_350 = arith.addf %add3A_292, %mul3A_349 : vector<16xf32>
        %get3A_351 = arith.index_cast %add3A_332 : i32 to index
        %get3A_352 = arith.constant 48 : index
        %get3A_353 = tpu.vector_load %arg11[%get3A_351, %get3A_352] {strides = array<i32>} : memref<128x128xf32, #tpu.memory_space<vmem>>, vector<1x16xf32>,
        %get3A_354 = vector.shape_cast %get3A_353 : vector<1x16xf32> to vector<16xf32>
        %mul3A_355 = arith.mulf %gather3A_326, %get3A_354 : vector<16xf32>
        %add3A_356 = arith.addf %add3A_298, %mul3A_355 : vector<16xf32>
        %get3A_357 = arith.index_cast %add3A_332 : i32 to index
        %get3A_358 = arith.constant 64 : index
        %get3A_359 = tpu.vector_load %arg11[%get3A_357, %get3A_358] {strides = array<i32>} : memref<128x128xf32, #tpu.memory_space<vmem>>, vector<1x16xf32>,
        %get3A_360 = vector.shape_cast %get3A_359 : vector<1x16xf32> to vector<16xf32>
        %mul3A_361 = arith.mulf %gather3A_326, %get3A_360 : vector<16xf32>
        %add3A_362 = arith.addf %add3A_304, %mul3A_361 : vector<16xf32>
        %get3A_363 = arith.index_cast %add3A_332 : i32 to index
        %get3A_364 = arith.constant 80 : index
        %get3A_365 = tpu.vector_load %arg11[%get3A_363, %get3A_364] {strides = array<i32>} : memref<128x128xf32, #tpu.memory_space<vmem>>, vector<1x16xf32>,
        %get3A_366 = vector.shape_cast %get3A_365 : vector<1x16xf32> to vector<16xf32>
        %mul3A_367 = arith.mulf %gather3A_326, %get3A_366 : vector<16xf32>
        %add3A_368 = arith.addf %add3A_310, %mul3A_367 : vector<16xf32>
        %get3A_369 = arith.index_cast %add3A_332 : i32 to index
        %get3A_370 = arith.constant 96 : index
        %get3A_371 = tpu.vector_load %arg11[%get3A_369, %get3A_370] {strides = array<i32>} : memref<128x128xf32, #tpu.memory_space<vmem>>, vector<1x16xf32>,
        %get3A_372 = vector.shape_cast %get3A_371 : vector<1x16xf32> to vector<16xf32>
        %mul3A_373 = arith.mulf %gather3A_326, %get3A_372 : vector<16xf32>
        %add3A_374 = arith.addf %add3A_316, %mul3A_373 : vector<16xf32>
        %get3A_375 = arith.index_cast %add3A_332 : i32 to index
        %get3A_376 = arith.constant 112 : index
        %get3A_377 = tpu.vector_load %arg11[%get3A_375, %get3A_376] {strides = array<i32>} : memref<128x128xf32, #tpu.memory_space<vmem>>, vector<1x16xf32>,
        %get3A_378 = vector.shape_cast %get3A_377 : vector<1x16xf32> to vector<16xf32>
        %mul3A_379 = arith.mulf %gather3A_326, %get3A_378 : vector<16xf32>
        %add3A_380 = arith.addf %add3A_322, %mul3A_379 : vector<16xf32>
        %broadcast_in_dim3A_381 = arith.constant 5 : i32
        %broadcast_in_dim3A_382 = vector.broadcast %broadcast_in_dim3A_381 : i32 to vector<16x1xi32>
        %gather3A_383 = vector.shape_cast %broadcast_in_dim3A_382 : vector<16x1xi32> to vector<16xi32>
        %gather3A_384 = tpu.dynamic_gather %get3A_91[%gather3A_383] in [0] : vector<16xf32>, vector<16xi32> -> vector<16xf32>
        %mul3A_385 = arith.constant 32 : i32
        %mul3A_386 = arith.muli %scan3A_70, %mul3A_385 : i32
        %add3A_387 = arith.constant 0 : i32
        %add3A_388 = arith.addi %mul3A_386, %add3A_387 : i32
        %add3A_389 = arith.constant 5 : i32
        %add3A_390 = arith.addi %add3A_388, %add3A_389 : i32
        %get3A_391 = arith.index_cast %add3A_390 : i32 to index
        %get3A_392 = arith.constant 0 : index
        %get3A_393 = tpu.vector_load %arg11[%get3A_391, %get3A_392] {strides = array<i32>} : memref<128x128xf32, #tpu.memory_space<vmem>>, vector<1x16xf32>,
        %get3A_394 = vector.shape_cast %get3A_393 : vector<1x16xf32> to vector<16xf32>
        %mul3A_395 = arith.mulf %gather3A_384, %get3A_394 : vector<16xf32>
        %add3A_396 = arith.addf %add3A_338, %mul3A_395 : vector<16xf32>
        %get3A_397 = arith.index_cast %add3A_390 : i32 to index
        %get3A_398 = arith.constant 16 : index
        %get3A_399 = tpu.vector_load %arg11[%get3A_397, %get3A_398] {strides = array<i32>} : memref<128x128xf32, #tpu.memory_space<vmem>>, vector<1x16xf32>,
        %get3A_400 = vector.shape_cast %get3A_399 : vector<1x16xf32> to vector<16xf32>
        %mul3A_401 = arith.mulf %gather3A_384, %get3A_400 : vector<16xf32>
        %add3A_402 = arith.addf %add3A_344, %mul3A_401 : vector<16xf32>
        %get3A_403 = arith.index_cast %add3A_390 : i32 to index
        %get3A_404 = arith.constant 32 : index
        %get3A_405 = tpu.vector_load %arg11[%get3A_403, %get3A_404] {strides = array<i32>} : memref<128x128xf32, #tpu.memory_space<vmem>>, vector<1x16xf32>,
        %get3A_406 = vector.shape_cast %get3A_405 : vector<1x16xf32> to vector<16xf32>
        %mul3A_407 = arith.mulf %gather3A_384, %get3A_406 : vector<16xf32>
        %add3A_408 = arith.addf %add3A_350, %mul3A_407 : vector<16xf32>
        %get3A_409 = arith.index_cast %add3A_390 : i32 to index
        %get3A_410 = arith.constant 48 : index
        %get3A_411 = tpu.vector_load %arg11[%get3A_409, %get3A_410] {strides = array<i32>} : memref<128x128xf32, #tpu.memory_space<vmem>>, vector<1x16xf32>,
        %get3A_412 = vector.shape_cast %get3A_411 : vector<1x16xf32> to vector<16xf32>
        %mul3A_413 = arith.mulf %gather3A_384, %get3A_412 : vector<16xf32>
        %add3A_414 = arith.addf %add3A_356, %mul3A_413 : vector<16xf32>
        %get3A_415 = arith.index_cast %add3A_390 : i32 to index
        %get3A_416 = arith.constant 64 : index
        %get3A_417 = tpu.vector_load %arg11[%get3A_415, %get3A_416] {strides = array<i32>} : memref<128x128xf32, #tpu.memory_space<vmem>>, vector<1x16xf32>,
        %get3A_418 = vector.shape_cast %get3A_417 : vector<1x16xf32> to vector<16xf32>
        %mul3A_419 = arith.mulf %gather3A_384, %get3A_418 : vector<16xf32>
        %add3A_420 = arith.addf %add3A_362, %mul3A_419 : vector<16xf32>
        %get3A_421 = arith.index_cast %add3A_390 : i32 to index
        %get3A_422 = arith.constant 80 : index
        %get3A_423 = tpu.vector_load %arg11[%get3A_421, %get3A_422] {strides = array<i32>} : memref<128x128xf32, #tpu.memory_space<vmem>>, vector<1x16xf32>,
        %get3A_424 = vector.shape_cast %get3A_423 : vector<1x16xf32> to vector<16xf32>
        %mul3A_425 = arith.mulf %gather3A_384, %get3A_424 : vector<16xf32>
        %add3A_426 = arith.addf %add3A_368, %mul3A_425 : vector<16xf32>
        %get3A_427 = arith.index_cast %add3A_390 : i32 to index
        %get3A_428 = arith.constant 96 : index
        %get3A_429 = tpu.vector_load %arg11[%get3A_427, %get3A_428] {strides = array<i32>} : memref<128x128xf32, #tpu.memory_space<vmem>>, vector<1x16xf32>,
        %get3A_430 = vector.shape_cast %get3A_429 : vector<1x16xf32> to vector<16xf32>
        %mul3A_431 = arith.mulf %gather3A_384, %get3A_430 : vector<16xf32>
        %add3A_432 = arith.addf %add3A_374, %mul3A_431 : vector<16xf32>
        %get3A_433 = arith.index_cast %add3A_390 : i32 to index
        %get3A_434 = arith.constant 112 : index
        %get3A_435 = tpu.vector_load %arg11[%get3A_433, %get3A_434] {strides = array<i32>} : memref<128x128xf32, #tpu.memory_space<vmem>>, vector<1x16xf32>,
        %get3A_436 = vector.shape_cast %get3A_435 : vector<1x16xf32> to vector<16xf32>
        %mul3A_437 = arith.mulf %gather3A_384, %get3A_436 : vector<16xf32>
        %add3A_438 = arith.addf %add3A_380, %mul3A_437 : vector<16xf32>
        %broadcast_in_dim3A_439 = arith.constant 6 : i32
        %broadcast_in_dim3A_440 = vector.broadcast %broadcast_in_dim3A_439 : i32 to vector<16x1xi32>
        %gather3A_441 = vector.shape_cast %broadcast_in_dim3A_440 : vector<16x1xi32> to vector<16xi32>
        %gather3A_442 = tpu.dynamic_gather %get3A_91[%gather3A_441] in [0] : vector<16xf32>, vector<16xi32> -> vector<16xf32>
        %mul3A_443 = arith.constant 32 : i32
        %mul3A_444 = arith.muli %scan3A_70, %mul3A_443 : i32
        %add3A_445 = arith.constant 0 : i32
        %add3A_446 = arith.addi %mul3A_444, %add3A_445 : i32
        %add3A_447 = arith.constant 6 : i32
        %add3A_448 = arith.addi %add3A_446, %add3A_447 : i32
        %get3A_449 = arith.index_cast %add3A_448 : i32 to index
        %get3A_450 = arith.constant 0 : index
        %get3A_451 = tpu.vector_load %arg11[%get3A_449, %get3A_450] {strides = array<i32>} : memref<128x128xf32, #tpu.memory_space<vmem>>, vector<1x16xf32>,
        %get3A_452 = vector.shape_cast %get3A_451 : vector<1x16xf32> to vector<16xf32>
        %mul3A_453 = arith.mulf %gather3A_442, %get3A_452 : vector<16xf32>
        %add3A_454 = arith.addf %add3A_396, %mul3A_453 : vector<16xf32>
        %get3A_455 = arith.index_cast %add3A_448 : i32 to index
        %get3A_456 = arith.constant 16 : index
        %get3A_457 = tpu.vector_load %arg11[%get3A_455, %get3A_456] {strides = array<i32>} : memref<128x128xf32, #tpu.memory_space<vmem>>, vector<1x16xf32>,
        %get3A_458 = vector.shape_cast %get3A_457 : vector<1x16xf32> to vector<16xf32>
        %mul3A_459 = arith.mulf %gather3A_442, %get3A_458 : vector<16xf32>
        %add3A_460 = arith.addf %add3A_402, %mul3A_459 : vector<16xf32>
        %get3A_461 = arith.index_cast %add3A_448 : i32 to index
        %get3A_462 = arith.constant 32 : index
        %get3A_463 = tpu.vector_load %arg11[%get3A_461, %get3A_462] {strides = array<i32>} : memref<128x128xf32, #tpu.memory_space<vmem>>, vector<1x16xf32>,
        %get3A_464 = vector.shape_cast %get3A_463 : vector<1x16xf32> to vector<16xf32>
        %mul3A_465 = arith.mulf %gather3A_442, %get3A_464 : vector<16xf32>
        %add3A_466 = arith.addf %add3A_408, %mul3A_465 : vector<16xf32>
        %get3A_467 = arith.index_cast %add3A_448 : i32 to index
        %get3A_468 = arith.constant 48 : index
        %get3A_469 = tpu.vector_load %arg11[%get3A_467, %get3A_468] {strides = array<i32>} : memref<128x128xf32, #tpu.memory_space<vmem>>, vector<1x16xf32>,
        %get3A_470 = vector.shape_cast %get3A_469 : vector<1x16xf32> to vector<16xf32>
        %mul3A_471 = arith.mulf %gather3A_442, %get3A_470 : vector<16xf32>
        %add3A_472 = arith.addf %add3A_414, %mul3A_471 : vector<16xf32>
        %get3A_473 = arith.index_cast %add3A_448 : i32 to index
        %get3A_474 = arith.constant 64 : index
        %get3A_475 = tpu.vector_load %arg11[%get3A_473, %get3A_474] {strides = array<i32>} : memref<128x128xf32, #tpu.memory_space<vmem>>, vector<1x16xf32>,
        %get3A_476 = vector.shape_cast %get3A_475 : vector<1x16xf32> to vector<16xf32>
        %mul3A_477 = arith.mulf %gather3A_442, %get3A_476 : vector<16xf32>
        %add3A_478 = arith.addf %add3A_420, %mul3A_477 : vector<16xf32>
        %get3A_479 = arith.index_cast %add3A_448 : i32 to index
        %get3A_480 = arith.constant 80 : index
        %get3A_481 = tpu.vector_load %arg11[%get3A_479, %get3A_480] {strides = array<i32>} : memref<128x128xf32, #tpu.memory_space<vmem>>, vector<1x16xf32>,
        %get3A_482 = vector.shape_cast %get3A_481 : vector<1x16xf32> to vector<16xf32>
        %mul3A_483 = arith.mulf %gather3A_442, %get3A_482 : vector<16xf32>
        %add3A_484 = arith.addf %add3A_426, %mul3A_483 : vector<16xf32>
        %get3A_485 = arith.index_cast %add3A_448 : i32 to index
        %get3A_486 = arith.constant 96 : index
        %get3A_487 = tpu.vector_load %arg11[%get3A_485, %get3A_486] {strides = array<i32>} : memref<128x128xf32, #tpu.memory_space<vmem>>, vector<1x16xf32>,
        %get3A_488 = vector.shape_cast %get3A_487 : vector<1x16xf32> to vector<16xf32>
        %mul3A_489 = arith.mulf %gather3A_442, %get3A_488 : vector<16xf32>
        %add3A_490 = arith.addf %add3A_432, %mul3A_489 : vector<16xf32>
        %get3A_491 = arith.index_cast %add3A_448 : i32 to index
        %get3A_492 = arith.constant 112 : index
        %get3A_493 = tpu.vector_load %arg11[%get3A_491, %get3A_492] {strides = array<i32>} : memref<128x128xf32, #tpu.memory_space<vmem>>, vector<1x16xf32>,
        %get3A_494 = vector.shape_cast %get3A_493 : vector<1x16xf32> to vector<16xf32>
        %mul3A_495 = arith.mulf %gather3A_442, %get3A_494 : vector<16xf32>
        %add3A_496 = arith.addf %add3A_438, %mul3A_495 : vector<16xf32>
        %broadcast_in_dim3A_497 = arith.constant 7 : i32
        %broadcast_in_dim3A_498 = vector.broadcast %broadcast_in_dim3A_497 : i32 to vector<16x1xi32>
        %gather3A_499 = vector.shape_cast %broadcast_in_dim3A_498 : vector<16x1xi32> to vector<16xi32>
        %gather3A_500 = tpu.dynamic_gather %get3A_91[%gather3A_499] in [0] : vector<16xf32>, vector<16xi32> -> vector<16xf32>
        %mul3A_501 = arith.constant 32 : i32
        %mul3A_502 = arith.muli %scan3A_70, %mul3A_501 : i32
        %add3A_503 = arith.constant 0 : i32
        %add3A_504 = arith.addi %mul3A_502, %add3A_503 : i32
        %add3A_505 = arith.constant 7 : i32
        %add3A_506 = arith.addi %add3A_504, %add3A_505 : i32
        %get3A_507 = arith.index_cast %add3A_506 : i32 to index
        %get3A_508 = arith.constant 0 : index
        %get3A_509 = tpu.vector_load %arg11[%get3A_507, %get3A_508] {strides = array<i32>} : memref<128x128xf32, #tpu.memory_space<vmem>>, vector<1x16xf32>,
        %get3A_510 = vector.shape_cast %get3A_509 : vector<1x16xf32> to vector<16xf32>
        %mul3A_511 = arith.mulf %gather3A_500, %get3A_510 : vector<16xf32>
        %add3A_512 = arith.addf %add3A_454, %mul3A_511 : vector<16xf32>
        %get3A_513 = arith.index_cast %add3A_506 : i32 to index
        %get3A_514 = arith.constant 16 : index
        %get3A_515 = tpu.vector_load %arg11[%get3A_513, %get3A_514] {strides = array<i32>} : memref<128x128xf32, #tpu.memory_space<vmem>>, vector<1x16xf32>,
        %get3A_516 = vector.shape_cast %get3A_515 : vector<1x16xf32> to vector<16xf32>
        %mul3A_517 = arith.mulf %gather3A_500, %get3A_516 : vector<16xf32>
        %add3A_518 = arith.addf %add3A_460, %mul3A_517 : vector<16xf32>
        %get3A_519 = arith.index_cast %add3A_506 : i32 to index
        %get3A_520 = arith.constant 32 : index
        %get3A_521 = tpu.vector_load %arg11[%get3A_519, %get3A_520] {strides = array<i32>} : memref<128x128xf32, #tpu.memory_space<vmem>>, vector<1x16xf32>,
        %get3A_522 = vector.shape_cast %get3A_521 : vector<1x16xf32> to vector<16xf32>
        %mul3A_523 = arith.mulf %gather3A_500, %get3A_522 : vector<16xf32>
        %add3A_524 = arith.addf %add3A_466, %mul3A_523 : vector<16xf32>
        %get3A_525 = arith.index_cast %add3A_506 : i32 to index
        %get3A_526 = arith.constant 48 : index
        %get3A_527 = tpu.vector_load %arg11[%get3A_525, %get3A_526] {strides = array<i32>} : memref<128x128xf32, #tpu.memory_space<vmem>>, vector<1x16xf32>,
        %get3A_528 = vector.shape_cast %get3A_527 : vector<1x16xf32> to vector<16xf32>
        %mul3A_529 = arith.mulf %gather3A_500, %get3A_528 : vector<16xf32>
        %add3A_530 = arith.addf %add3A_472, %mul3A_529 : vector<16xf32>
        %get3A_531 = arith.index_cast %add3A_506 : i32 to index
        %get3A_532 = arith.constant 64 : index
        %get3A_533 = tpu.vector_load %arg11[%get3A_531, %get3A_532] {strides = array<i32>} : memref<128x128xf32, #tpu.memory_space<vmem>>, vector<1x16xf32>,
        %get3A_534 = vector.shape_cast %get3A_533 : vector<1x16xf32> to vector<16xf32>
        %mul3A_535 = arith.mulf %gather3A_500, %get3A_534 : vector<16xf32>
        %add3A_536 = arith.addf %add3A_478, %mul3A_535 : vector<16xf32>
        %get3A_537 = arith.index_cast %add3A_506 : i32 to index
        %get3A_538 = arith.constant 80 : index
        %get3A_539 = tpu.vector_load %arg11[%get3A_537, %get3A_538] {strides = array<i32>} : memref<128x128xf32, #tpu.memory_space<vmem>>, vector<1x16xf32>,
        %get3A_540 = vector.shape_cast %get3A_539 : vector<1x16xf32> to vector<16xf32>
        %mul3A_541 = arith.mulf %gather3A_500, %get3A_540 : vector<16xf32>
        %add3A_542 = arith.addf %add3A_484, %mul3A_541 : vector<16xf32>
        %get3A_543 = arith.index_cast %add3A_506 : i32 to index
        %get3A_544 = arith.constant 96 : index
        %get3A_545 = tpu.vector_load %arg11[%get3A_543, %get3A_544] {strides = array<i32>} : memref<128x128xf32, #tpu.memory_space<vmem>>, vector<1x16xf32>,
        %get3A_546 = vector.shape_cast %get3A_545 : vector<1x16xf32> to vector<16xf32>
        %mul3A_547 = arith.mulf %gather3A_500, %get3A_546 : vector<16xf32>
        %add3A_548 = arith.addf %add3A_490, %mul3A_547 : vector<16xf32>
        %get3A_549 = arith.index_cast %add3A_506 : i32 to index
        %get3A_550 = arith.constant 112 : index
        %get3A_551 = tpu.vector_load %arg11[%get3A_549, %get3A_550] {strides = array<i32>} : memref<128x128xf32, #tpu.memory_space<vmem>>, vector<1x16xf32>,
        %get3A_552 = vector.shape_cast %get3A_551 : vector<1x16xf32> to vector<16xf32>
        %mul3A_553 = arith.mulf %gather3A_500, %get3A_552 : vector<16xf32>
        %add3A_554 = arith.addf %add3A_496, %mul3A_553 : vector<16xf32>
        %broadcast_in_dim3A_555 = arith.constant 8 : i32
        %broadcast_in_dim3A_556 = vector.broadcast %broadcast_in_dim3A_555 : i32 to vector<16x1xi32>
        %gather3A_557 = vector.shape_cast %broadcast_in_dim3A_556 : vector<16x1xi32> to vector<16xi32>
        %gather3A_558 = tpu.dynamic_gather %get3A_91[%gather3A_557] in [0] : vector<16xf32>, vector<16xi32> -> vector<16xf32>
        %mul3A_559 = arith.constant 32 : i32
        %mul3A_560 = arith.muli %scan3A_70, %mul3A_559 : i32
        %add3A_561 = arith.constant 0 : i32
        %add3A_562 = arith.addi %mul3A_560, %add3A_561 : i32
        %add3A_563 = arith.constant 8 : i32
        %add3A_564 = arith.addi %add3A_562, %add3A_563 : i32
        %get3A_565 = arith.index_cast %add3A_564 : i32 to index
        %get3A_566 = arith.constant 0 : index
        %get3A_567 = tpu.vector_load %arg11[%get3A_565, %get3A_566] {strides = array<i32>} : memref<128x128xf32, #tpu.memory_space<vmem>>, vector<1x16xf32>,
        %get3A_568 = vector.shape_cast %get3A_567 : vector<1x16xf32> to vector<16xf32>
        %mul3A_569 = arith.mulf %gather3A_558, %get3A_568 : vector<16xf32>
        %add3A_570 = arith.addf %add3A_512, %mul3A_569 : vector<16xf32>
        %get3A_571 = arith.index_cast %add3A_564 : i32 to index
        %get3A_572 = arith.constant 16 : index
        %get3A_573 = tpu.vector_load %arg11[%get3A_571, %get3A_572] {strides = array<i32>} : memref<128x128xf32, #tpu.memory_space<vmem>>, vector<1x16xf32>,
        %get3A_574 = vector.shape_cast %get3A_573 : vector<1x16xf32> to vector<16xf32>
        %mul3A_575 = arith.mulf %gather3A_558, %get3A_574 : vector<16xf32>
        %add3A_576 = arith.addf %add3A_518, %mul3A_575 : vector<16xf32>
        %get3A_577 = arith.index_cast %add3A_564 : i32 to index
        %get3A_578 = arith.constant 32 : index
        %get3A_579 = tpu.vector_load %arg11[%get3A_577, %get3A_578] {strides = array<i32>} : memref<128x128xf32, #tpu.memory_space<vmem>>, vector<1x16xf32>,
        %get3A_580 = vector.shape_cast %get3A_579 : vector<1x16xf32> to vector<16xf32>
        %mul3A_581 = arith.mulf %gather3A_558, %get3A_580 : vector<16xf32>
        %add3A_582 = arith.addf %add3A_524, %mul3A_581 : vector<16xf32>
        %get3A_583 = arith.index_cast %add3A_564 : i32 to index
        %get3A_584 = arith.constant 48 : index
        %get3A_585 = tpu.vector_load %arg11[%get3A_583, %get3A_584] {strides = array<i32>} : memref<128x128xf32, #tpu.memory_space<vmem>>, vector<1x16xf32>,
        %get3A_586 = vector.shape_cast %get3A_585 : vector<1x16xf32> to vector<16xf32>
        %mul3A_587 = arith.mulf %gather3A_558, %get3A_586 : vector<16xf32>
        %add3A_588 = arith.addf %add3A_530, %mul3A_587 : vector<16xf32>
        %get3A_589 = arith.index_cast %add3A_564 : i32 to index
        %get3A_590 = arith.constant 64 : index
        %get3A_591 = tpu.vector_load %arg11[%get3A_589, %get3A_590] {strides = array<i32>} : memref<128x128xf32, #tpu.memory_space<vmem>>, vector<1x16xf32>,
        %get3A_592 = vector.shape_cast %get3A_591 : vector<1x16xf32> to vector<16xf32>
        %mul3A_593 = arith.mulf %gather3A_558, %get3A_592 : vector<16xf32>
        %add3A_594 = arith.addf %add3A_536, %mul3A_593 : vector<16xf32>
        %get3A_595 = arith.index_cast %add3A_564 : i32 to index
        %get3A_596 = arith.constant 80 : index
        %get3A_597 = tpu.vector_load %arg11[%get3A_595, %get3A_596] {strides = array<i32>} : memref<128x128xf32, #tpu.memory_space<vmem>>, vector<1x16xf32>,
        %get3A_598 = vector.shape_cast %get3A_597 : vector<1x16xf32> to vector<16xf32>
        %mul3A_599 = arith.mulf %gather3A_558, %get3A_598 : vector<16xf32>
        %add3A_600 = arith.addf %add3A_542, %mul3A_599 : vector<16xf32>
        %get3A_601 = arith.index_cast %add3A_564 : i32 to index
        %get3A_602 = arith.constant 96 : index
        %get3A_603 = tpu.vector_load %arg11[%get3A_601, %get3A_602] {strides = array<i32>} : memref<128x128xf32, #tpu.memory_space<vmem>>, vector<1x16xf32>,
        %get3A_604 = vector.shape_cast %get3A_603 : vector<1x16xf32> to vector<16xf32>
        %mul3A_605 = arith.mulf %gather3A_558, %get3A_604 : vector<16xf32>
        %add3A_606 = arith.addf %add3A_548, %mul3A_605 : vector<16xf32>
        %get3A_607 = arith.index_cast %add3A_564 : i32 to index
        %get3A_608 = arith.constant 112 : index
        %get3A_609 = tpu.vector_load %arg11[%get3A_607, %get3A_608] {strides = array<i32>} : memref<128x128xf32, #tpu.memory_space<vmem>>, vector<1x16xf32>,
        %get3A_610 = vector.shape_cast %get3A_609 : vector<1x16xf32> to vector<16xf32>
        %mul3A_611 = arith.mulf %gather3A_558, %get3A_610 : vector<16xf32>
        %add3A_612 = arith.addf %add3A_554, %mul3A_611 : vector<16xf32>
        %broadcast_in_dim3A_613 = arith.constant 9 : i32
        %broadcast_in_dim3A_614 = vector.broadcast %broadcast_in_dim3A_613 : i32 to vector<16x1xi32>
        %gather3A_615 = vector.shape_cast %broadcast_in_dim3A_614 : vector<16x1xi32> to vector<16xi32>
        %gather3A_616 = tpu.dynamic_gather %get3A_91[%gather3A_615] in [0] : vector<16xf32>, vector<16xi32> -> vector<16xf32>
        %mul3A_617 = arith.constant 32 : i32
        %mul3A_618 = arith.muli %scan3A_70, %mul3A_617 : i32
        %add3A_619 = arith.constant 0 : i32
        %add3A_620 = arith.addi %mul3A_618, %add3A_619 : i32
        %add3A_621 = arith.constant 9 : i32
        %add3A_622 = arith.addi %add3A_620, %add3A_621 : i32
        %get3A_623 = arith.index_cast %add3A_622 : i32 to index
        %get3A_624 = arith.constant 0 : index
        %get3A_625 = tpu.vector_load %arg11[%get3A_623, %get3A_624] {strides = array<i32>} : memref<128x128xf32, #tpu.memory_space<vmem>>, vector<1x16xf32>,
        %get3A_626 = vector.shape_cast %get3A_625 : vector<1x16xf32> to vector<16xf32>
        %mul3A_627 = arith.mulf %gather3A_616, %get3A_626 : vector<16xf32>
        %add3A_628 = arith.addf %add3A_570, %mul3A_627 : vector<16xf32>
        %get3A_629 = arith.index_cast %add3A_622 : i32 to index
        %get3A_630 = arith.constant 16 : index
        %get3A_631 = tpu.vector_load %arg11[%get3A_629, %get3A_630] {strides = array<i32>} : memref<128x128xf32, #tpu.memory_space<vmem>>, vector<1x16xf32>,
        %get3A_632 = vector.shape_cast %get3A_631 : vector<1x16xf32> to vector<16xf32>
        %mul3A_633 = arith.mulf %gather3A_616, %get3A_632 : vector<16xf32>
        %add3A_634 = arith.addf %add3A_576, %mul3A_633 : vector<16xf32>
        %get3A_635 = arith.index_cast %add3A_622 : i32 to index
        %get3A_636 = arith.constant 32 : index
        %get3A_637 = tpu.vector_load %arg11[%get3A_635, %get3A_636] {strides = array<i32>} : memref<128x128xf32, #tpu.memory_space<vmem>>, vector<1x16xf32>,
        %get3A_638 = vector.shape_cast %get3A_637 : vector<1x16xf32> to vector<16xf32>
        %mul3A_639 = arith.mulf %gather3A_616, %get3A_638 : vector<16xf32>
        %add3A_640 = arith.addf %add3A_582, %mul3A_639 : vector<16xf32>
        %get3A_641 = arith.index_cast %add3A_622 : i32 to index
        %get3A_642 = arith.constant 48 : index
        %get3A_643 = tpu.vector_load %arg11[%get3A_641, %get3A_642] {strides = array<i32>} : memref<128x128xf32, #tpu.memory_space<vmem>>, vector<1x16xf32>,
        %get3A_644 = vector.shape_cast %get3A_643 : vector<1x16xf32> to vector<16xf32>
        %mul3A_645 = arith.mulf %gather3A_616, %get3A_644 : vector<16xf32>
        %add3A_646 = arith.addf %add3A_588, %mul3A_645 : vector<16xf32>
        %get3A_647 = arith.index_cast %add3A_622 : i32 to index
        %get3A_648 = arith.constant 64 : index
        %get3A_649 = tpu.vector_load %arg11[%get3A_647, %get3A_648] {strides = array<i32>} : memref<128x128xf32, #tpu.memory_space<vmem>>, vector<1x16xf32>,
        %get3A_650 = vector.shape_cast %get3A_649 : vector<1x16xf32> to vector<16xf32>
        %mul3A_651 = arith.mulf %gather3A_616, %get3A_650 : vector<16xf32>
        %add3A_652 = arith.addf %add3A_594, %mul3A_651 : vector<16xf32>
        %get3A_653 = arith.index_cast %add3A_622 : i32 to index
        %get3A_654 = arith.constant 80 : index
        %get3A_655 = tpu.vector_load %arg11[%get3A_653, %get3A_654] {strides = array<i32>} : memref<128x128xf32, #tpu.memory_space<vmem>>, vector<1x16xf32>,
        %get3A_656 = vector.shape_cast %get3A_655 : vector<1x16xf32> to vector<16xf32>
        %mul3A_657 = arith.mulf %gather3A_616, %get3A_656 : vector<16xf32>
        %add3A_658 = arith.addf %add3A_600, %mul3A_657 : vector<16xf32>
        %get3A_659 = arith.index_cast %add3A_622 : i32 to index
        %get3A_660 = arith.constant 96 : index
        %get3A_661 = tpu.vector_load %arg11[%get3A_659, %get3A_660] {strides = array<i32>} : memref<128x128xf32, #tpu.memory_space<vmem>>, vector<1x16xf32>,
        %get3A_662 = vector.shape_cast %get3A_661 : vector<1x16xf32> to vector<16xf32>
        %mul3A_663 = arith.mulf %gather3A_616, %get3A_662 : vector<16xf32>
        %add3A_664 = arith.addf %add3A_606, %mul3A_663 : vector<16xf32>
        %get3A_665 = arith.index_cast %add3A_622 : i32 to index
        %get3A_666 = arith.constant 112 : index
        %get3A_667 = tpu.vector_load %arg11[%get3A_665, %get3A_666] {strides = array<i32>} : memref<128x128xf32, #tpu.memory_space<vmem>>, vector<1x16xf32>,
        %get3A_668 = vector.shape_cast %get3A_667 : vector<1x16xf32> to vector<16xf32>
        %mul3A_669 = arith.mulf %gather3A_616, %get3A_668 : vector<16xf32>
        %add3A_670 = arith.addf %add3A_612, %mul3A_669 : vector<16xf32>
        %broadcast_in_dim3A_671 = arith.constant 10 : i32
        %broadcast_in_dim3A_672 = vector.broadcast %broadcast_in_dim3A_671 : i32 to vector<16x1xi32>
        %gather3A_673 = vector.shape_cast %broadcast_in_dim3A_672 : vector<16x1xi32> to vector<16xi32>
        %gather3A_674 = tpu.dynamic_gather %get3A_91[%gather3A_673] in [0] : vector<16xf32>, vector<16xi32> -> vector<16xf32>
        %mul3A_675 = arith.constant 32 : i32
        %mul3A_676 = arith.muli %scan3A_70, %mul3A_675 : i32
        %add3A_677 = arith.constant 0 : i32
        %add3A_678 = arith.addi %mul3A_676, %add3A_677 : i32
        %add3A_679 = arith.constant 10 : i32
        %add3A_680 = arith.addi %add3A_678, %add3A_679 : i32
        %get3A_681 = arith.index_cast %add3A_680 : i32 to index
        %get3A_682 = arith.constant 0 : index
        %get3A_683 = tpu.vector_load %arg11[%get3A_681, %get3A_682] {strides = array<i32>} : memref<128x128xf32, #tpu.memory_space<vmem>>, vector<1x16xf32>,
        %get3A_684 = vector.shape_cast %get3A_683 : vector<1x16xf32> to vector<16xf32>
        %mul3A_685 = arith.mulf %gather3A_674, %get3A_684 : vector<16xf32>
        %add3A_686 = arith.addf %add3A_628, %mul3A_685 : vector<16xf32>
        %get3A_687 = arith.index_cast %add3A_680 : i32 to index
        %get3A_688 = arith.constant 16 : index
        %get3A_689 = tpu.vector_load %arg11[%get3A_687, %get3A_688] {strides = array<i32>} : memref<128x128xf32, #tpu.memory_space<vmem>>, vector<1x16xf32>,
        %get3A_690 = vector.shape_cast %get3A_689 : vector<1x16xf32> to vector<16xf32>
        %mul3A_691 = arith.mulf %gather3A_674, %get3A_690 : vector<16xf32>
        %add3A_692 = arith.addf %add3A_634, %mul3A_691 : vector<16xf32>
        %get3A_693 = arith.index_cast %add3A_680 : i32 to index
        %get3A_694 = arith.constant 32 : index
        %get3A_695 = tpu.vector_load %arg11[%get3A_693, %get3A_694] {strides = array<i32>} : memref<128x128xf32, #tpu.memory_space<vmem>>, vector<1x16xf32>,
        %get3A_696 = vector.shape_cast %get3A_695 : vector<1x16xf32> to vector<16xf32>
        %mul3A_697 = arith.mulf %gather3A_674, %get3A_696 : vector<16xf32>
        %add3A_698 = arith.addf %add3A_640, %mul3A_697 : vector<16xf32>
        %get3A_699 = arith.index_cast %add3A_680 : i32 to index
        %get3A_700 = arith.constant 48 : index
        %get3A_701 = tpu.vector_load %arg11[%get3A_699, %get3A_700] {strides = array<i32>} : memref<128x128xf32, #tpu.memory_space<vmem>>, vector<1x16xf32>,
        %get3A_702 = vector.shape_cast %get3A_701 : vector<1x16xf32> to vector<16xf32>
        %mul3A_703 = arith.mulf %gather3A_674, %get3A_702 : vector<16xf32>
        %add3A_704 = arith.addf %add3A_646, %mul3A_703 : vector<16xf32>
        %get3A_705 = arith.index_cast %add3A_680 : i32 to index
        %get3A_706 = arith.constant 64 : index
        %get3A_707 = tpu.vector_load %arg11[%get3A_705, %get3A_706] {strides = array<i32>} : memref<128x128xf32, #tpu.memory_space<vmem>>, vector<1x16xf32>,
        %get3A_708 = vector.shape_cast %get3A_707 : vector<1x16xf32> to vector<16xf32>
        %mul3A_709 = arith.mulf %gather3A_674, %get3A_708 : vector<16xf32>
        %add3A_710 = arith.addf %add3A_652, %mul3A_709 : vector<16xf32>
        %get3A_711 = arith.index_cast %add3A_680 : i32 to index
        %get3A_712 = arith.constant 80 : index
        %get3A_713 = tpu.vector_load %arg11[%get3A_711, %get3A_712] {strides = array<i32>} : memref<128x128xf32, #tpu.memory_space<vmem>>, vector<1x16xf32>,
        %get3A_714 = vector.shape_cast %get3A_713 : vector<1x16xf32> to vector<16xf32>
        %mul3A_715 = arith.mulf %gather3A_674, %get3A_714 : vector<16xf32>
        %add3A_716 = arith.addf %add3A_658, %mul3A_715 : vector<16xf32>
        %get3A_717 = arith.index_cast %add3A_680 : i32 to index
        %get3A_718 = arith.constant 96 : index
        %get3A_719 = tpu.vector_load %arg11[%get3A_717, %get3A_718] {strides = array<i32>} : memref<128x128xf32, #tpu.memory_space<vmem>>, vector<1x16xf32>,
        %get3A_720 = vector.shape_cast %get3A_719 : vector<1x16xf32> to vector<16xf32>
        %mul3A_721 = arith.mulf %gather3A_674, %get3A_720 : vector<16xf32>
        %add3A_722 = arith.addf %add3A_664, %mul3A_721 : vector<16xf32>
        %get3A_723 = arith.index_cast %add3A_680 : i32 to index
        %get3A_724 = arith.constant 112 : index
        %get3A_725 = tpu.vector_load %arg11[%get3A_723, %get3A_724] {strides = array<i32>} : memref<128x128xf32, #tpu.memory_space<vmem>>, vector<1x16xf32>,
        %get3A_726 = vector.shape_cast %get3A_725 : vector<1x16xf32> to vector<16xf32>
        %mul3A_727 = arith.mulf %gather3A_674, %get3A_726 : vector<16xf32>
        %add3A_728 = arith.addf %add3A_670, %mul3A_727 : vector<16xf32>
        %broadcast_in_dim3A_729 = arith.constant 11 : i32
        %broadcast_in_dim3A_730 = vector.broadcast %broadcast_in_dim3A_729 : i32 to vector<16x1xi32>
        %gather3A_731 = vector.shape_cast %broadcast_in_dim3A_730 : vector<16x1xi32> to vector<16xi32>
        %gather3A_732 = tpu.dynamic_gather %get3A_91[%gather3A_731] in [0] : vector<16xf32>, vector<16xi32> -> vector<16xf32>
        %mul3A_733 = arith.constant 32 : i32
        %mul3A_734 = arith.muli %scan3A_70, %mul3A_733 : i32
        %add3A_735 = arith.constant 0 : i32
        %add3A_736 = arith.addi %mul3A_734, %add3A_735 : i32
        %add3A_737 = arith.constant 11 : i32
        %add3A_738 = arith.addi %add3A_736, %add3A_737 : i32
        %get3A_739 = arith.index_cast %add3A_738 : i32 to index
        %get3A_740 = arith.constant 0 : index
        %get3A_741 = tpu.vector_load %arg11[%get3A_739, %get3A_740] {strides = array<i32>} : memref<128x128xf32, #tpu.memory_space<vmem>>, vector<1x16xf32>,
        %get3A_742 = vector.shape_cast %get3A_741 : vector<1x16xf32> to vector<16xf32>
        %mul3A_743 = arith.mulf %gather3A_732, %get3A_742 : vector<16xf32>
        %add3A_744 = arith.addf %add3A_686, %mul3A_743 : vector<16xf32>
        %get3A_745 = arith.index_cast %add3A_738 : i32 to index
        %get3A_746 = arith.constant 16 : index
        %get3A_747 = tpu.vector_load %arg11[%get3A_745, %get3A_746] {strides = array<i32>} : memref<128x128xf32, #tpu.memory_space<vmem>>, vector<1x16xf32>,
        %get3A_748 = vector.shape_cast %get3A_747 : vector<1x16xf32> to vector<16xf32>
        %mul3A_749 = arith.mulf %gather3A_732, %get3A_748 : vector<16xf32>
        %add3A_750 = arith.addf %add3A_692, %mul3A_749 : vector<16xf32>
        %get3A_751 = arith.index_cast %add3A_738 : i32 to index
        %get3A_752 = arith.constant 32 : index
        %get3A_753 = tpu.vector_load %arg11[%get3A_751, %get3A_752] {strides = array<i32>} : memref<128x128xf32, #tpu.memory_space<vmem>>, vector<1x16xf32>,
        %get3A_754 = vector.shape_cast %get3A_753 : vector<1x16xf32> to vector<16xf32>
        %mul3A_755 = arith.mulf %gather3A_732, %get3A_754 : vector<16xf32>
        %add3A_756 = arith.addf %add3A_698, %mul3A_755 : vector<16xf32>
        %get3A_757 = arith.index_cast %add3A_738 : i32 to index
        %get3A_758 = arith.constant 48 : index
        %get3A_759 = tpu.vector_load %arg11[%get3A_757, %get3A_758] {strides = array<i32>} : memref<128x128xf32, #tpu.memory_space<vmem>>, vector<1x16xf32>,
        %get3A_760 = vector.shape_cast %get3A_759 : vector<1x16xf32> to vector<16xf32>
        %mul3A_761 = arith.mulf %gather3A_732, %get3A_760 : vector<16xf32>
        %add3A_762 = arith.addf %add3A_704, %mul3A_761 : vector<16xf32>
        %get3A_763 = arith.index_cast %add3A_738 : i32 to index
        %get3A_764 = arith.constant 64 : index
        %get3A_765 = tpu.vector_load %arg11[%get3A_763, %get3A_764] {strides = array<i32>} : memref<128x128xf32, #tpu.memory_space<vmem>>, vector<1x16xf32>,
        %get3A_766 = vector.shape_cast %get3A_765 : vector<1x16xf32> to vector<16xf32>
        %mul3A_767 = arith.mulf %gather3A_732, %get3A_766 : vector<16xf32>
        %add3A_768 = arith.addf %add3A_710, %mul3A_767 : vector<16xf32>
        %get3A_769 = arith.index_cast %add3A_738 : i32 to index
        %get3A_770 = arith.constant 80 : index
        %get3A_771 = tpu.vector_load %arg11[%get3A_769, %get3A_770] {strides = array<i32>} : memref<128x128xf32, #tpu.memory_space<vmem>>, vector<1x16xf32>,
        %get3A_772 = vector.shape_cast %get3A_771 : vector<1x16xf32> to vector<16xf32>
        %mul3A_773 = arith.mulf %gather3A_732, %get3A_772 : vector<16xf32>
        %add3A_774 = arith.addf %add3A_716, %mul3A_773 : vector<16xf32>
        %get3A_775 = arith.index_cast %add3A_738 : i32 to index
        %get3A_776 = arith.constant 96 : index
        %get3A_777 = tpu.vector_load %arg11[%get3A_775, %get3A_776] {strides = array<i32>} : memref<128x128xf32, #tpu.memory_space<vmem>>, vector<1x16xf32>,
        %get3A_778 = vector.shape_cast %get3A_777 : vector<1x16xf32> to vector<16xf32>
        %mul3A_779 = arith.mulf %gather3A_732, %get3A_778 : vector<16xf32>
        %add3A_780 = arith.addf %add3A_722, %mul3A_779 : vector<16xf32>
        %get3A_781 = arith.index_cast %add3A_738 : i32 to index
        %get3A_782 = arith.constant 112 : index
        %get3A_783 = tpu.vector_load %arg11[%get3A_781, %get3A_782] {strides = array<i32>} : memref<128x128xf32, #tpu.memory_space<vmem>>, vector<1x16xf32>,
        %get3A_784 = vector.shape_cast %get3A_783 : vector<1x16xf32> to vector<16xf32>
        %mul3A_785 = arith.mulf %gather3A_732, %get3A_784 : vector<16xf32>
        %add3A_786 = arith.addf %add3A_728, %mul3A_785 : vector<16xf32>
        %broadcast_in_dim3A_787 = arith.constant 12 : i32
        %broadcast_in_dim3A_788 = vector.broadcast %broadcast_in_dim3A_787 : i32 to vector<16x1xi32>
        %gather3A_789 = vector.shape_cast %broadcast_in_dim3A_788 : vector<16x1xi32> to vector<16xi32>
        %gather3A_790 = tpu.dynamic_gather %get3A_91[%gather3A_789] in [0] : vector<16xf32>, vector<16xi32> -> vector<16xf32>
        %mul3A_791 = arith.constant 32 : i32
        %mul3A_792 = arith.muli %scan3A_70, %mul3A_791 : i32
        %add3A_793 = arith.constant 0 : i32
        %add3A_794 = arith.addi %mul3A_792, %add3A_793 : i32
        %add3A_795 = arith.constant 12 : i32
        %add3A_796 = arith.addi %add3A_794, %add3A_795 : i32
        %get3A_797 = arith.index_cast %add3A_796 : i32 to index
        %get3A_798 = arith.constant 0 : index
        %get3A_799 = tpu.vector_load %arg11[%get3A_797, %get3A_798] {strides = array<i32>} : memref<128x128xf32, #tpu.memory_space<vmem>>, vector<1x16xf32>,
        %get3A_800 = vector.shape_cast %get3A_799 : vector<1x16xf32> to vector<16xf32>
        %mul3A_801 = arith.mulf %gather3A_790, %get3A_800 : vector<16xf32>
        %add3A_802 = arith.addf %add3A_744, %mul3A_801 : vector<16xf32>
        %get3A_803 = arith.index_cast %add3A_796 : i32 to index
        %get3A_804 = arith.constant 16 : index
        %get3A_805 = tpu.vector_load %arg11[%get3A_803, %get3A_804] {strides = array<i32>} : memref<128x128xf32, #tpu.memory_space<vmem>>, vector<1x16xf32>,
        %get3A_806 = vector.shape_cast %get3A_805 : vector<1x16xf32> to vector<16xf32>
        %mul3A_807 = arith.mulf %gather3A_790, %get3A_806 : vector<16xf32>
        %add3A_808 = arith.addf %add3A_750, %mul3A_807 : vector<16xf32>
        %get3A_809 = arith.index_cast %add3A_796 : i32 to index
        %get3A_810 = arith.constant 32 : index
        %get3A_811 = tpu.vector_load %arg11[%get3A_809, %get3A_810] {strides = array<i32>} : memref<128x128xf32, #tpu.memory_space<vmem>>, vector<1x16xf32>,
        %get3A_812 = vector.shape_cast %get3A_811 : vector<1x16xf32> to vector<16xf32>
        %mul3A_813 = arith.mulf %gather3A_790, %get3A_812 : vector<16xf32>
        %add3A_814 = arith.addf %add3A_756, %mul3A_813 : vector<16xf32>
        %get3A_815 = arith.index_cast %add3A_796 : i32 to index
        %get3A_816 = arith.constant 48 : index
        %get3A_817 = tpu.vector_load %arg11[%get3A_815, %get3A_816] {strides = array<i32>} : memref<128x128xf32, #tpu.memory_space<vmem>>, vector<1x16xf32>,
        %get3A_818 = vector.shape_cast %get3A_817 : vector<1x16xf32> to vector<16xf32>
        %mul3A_819 = arith.mulf %gather3A_790, %get3A_818 : vector<16xf32>
        %add3A_820 = arith.addf %add3A_762, %mul3A_819 : vector<16xf32>
        %get3A_821 = arith.index_cast %add3A_796 : i32 to index
        %get3A_822 = arith.constant 64 : index
        %get3A_823 = tpu.vector_load %arg11[%get3A_821, %get3A_822] {strides = array<i32>} : memref<128x128xf32, #tpu.memory_space<vmem>>, vector<1x16xf32>,
        %get3A_824 = vector.shape_cast %get3A_823 : vector<1x16xf32> to vector<16xf32>
        %mul3A_825 = arith.mulf %gather3A_790, %get3A_824 : vector<16xf32>
        %add3A_826 = arith.addf %add3A_768, %mul3A_825 : vector<16xf32>
        %get3A_827 = arith.index_cast %add3A_796 : i32 to index
        %get3A_828 = arith.constant 80 : index
        %get3A_829 = tpu.vector_load %arg11[%get3A_827, %get3A_828] {strides = array<i32>} : memref<128x128xf32, #tpu.memory_space<vmem>>, vector<1x16xf32>,
        %get3A_830 = vector.shape_cast %get3A_829 : vector<1x16xf32> to vector<16xf32>
        %mul3A_831 = arith.mulf %gather3A_790, %get3A_830 : vector<16xf32>
        %add3A_832 = arith.addf %add3A_774, %mul3A_831 : vector<16xf32>
        %get3A_833 = arith.index_cast %add3A_796 : i32 to index
        %get3A_834 = arith.constant 96 : index
        %get3A_835 = tpu.vector_load %arg11[%get3A_833, %get3A_834] {strides = array<i32>} : memref<128x128xf32, #tpu.memory_space<vmem>>, vector<1x16xf32>,
        %get3A_836 = vector.shape_cast %get3A_835 : vector<1x16xf32> to vector<16xf32>
        %mul3A_837 = arith.mulf %gather3A_790, %get3A_836 : vector<16xf32>
        %add3A_838 = arith.addf %add3A_780, %mul3A_837 : vector<16xf32>
        %get3A_839 = arith.index_cast %add3A_796 : i32 to index
        %get3A_840 = arith.constant 112 : index
        %get3A_841 = tpu.vector_load %arg11[%get3A_839, %get3A_840] {strides = array<i32>} : memref<128x128xf32, #tpu.memory_space<vmem>>, vector<1x16xf32>,
        %get3A_842 = vector.shape_cast %get3A_841 : vector<1x16xf32> to vector<16xf32>
        %mul3A_843 = arith.mulf %gather3A_790, %get3A_842 : vector<16xf32>
        %add3A_844 = arith.addf %add3A_786, %mul3A_843 : vector<16xf32>
        %broadcast_in_dim3A_845 = arith.constant 13 : i32
        %broadcast_in_dim3A_846 = vector.broadcast %broadcast_in_dim3A_845 : i32 to vector<16x1xi32>
        %gather3A_847 = vector.shape_cast %broadcast_in_dim3A_846 : vector<16x1xi32> to vector<16xi32>
        %gather3A_848 = tpu.dynamic_gather %get3A_91[%gather3A_847] in [0] : vector<16xf32>, vector<16xi32> -> vector<16xf32>
        %mul3A_849 = arith.constant 32 : i32
        %mul3A_850 = arith.muli %scan3A_70, %mul3A_849 : i32
        %add3A_851 = arith.constant 0 : i32
        %add3A_852 = arith.addi %mul3A_850, %add3A_851 : i32
        %add3A_853 = arith.constant 13 : i32
        %add3A_854 = arith.addi %add3A_852, %add3A_853 : i32
        %get3A_855 = arith.index_cast %add3A_854 : i32 to index
        %get3A_856 = arith.constant 0 : index
        %get3A_857 = tpu.vector_load %arg11[%get3A_855, %get3A_856] {strides = array<i32>} : memref<128x128xf32, #tpu.memory_space<vmem>>, vector<1x16xf32>,
        %get3A_858 = vector.shape_cast %get3A_857 : vector<1x16xf32> to vector<16xf32>
        %mul3A_859 = arith.mulf %gather3A_848, %get3A_858 : vector<16xf32>
        %add3A_860 = arith.addf %add3A_802, %mul3A_859 : vector<16xf32>
        %get3A_861 = arith.index_cast %add3A_854 : i32 to index
        %get3A_862 = arith.constant 16 : index
        %get3A_863 = tpu.vector_load %arg11[%get3A_861, %get3A_862] {strides = array<i32>} : memref<128x128xf32, #tpu.memory_space<vmem>>, vector<1x16xf32>,
        %get3A_864 = vector.shape_cast %get3A_863 : vector<1x16xf32> to vector<16xf32>
        %mul3A_865 = arith.mulf %gather3A_848, %get3A_864 : vector<16xf32>
        %add3A_866 = arith.addf %add3A_808, %mul3A_865 : vector<16xf32>
        %get3A_867 = arith.index_cast %add3A_854 : i32 to index
        %get3A_868 = arith.constant 32 : index
        %get3A_869 = tpu.vector_load %arg11[%get3A_867, %get3A_868] {strides = array<i32>} : memref<128x128xf32, #tpu.memory_space<vmem>>, vector<1x16xf32>,
        %get3A_870 = vector.shape_cast %get3A_869 : vector<1x16xf32> to vector<16xf32>
        %mul3A_871 = arith.mulf %gather3A_848, %get3A_870 : vector<16xf32>
        %add3A_872 = arith.addf %add3A_814, %mul3A_871 : vector<16xf32>
        %get3A_873 = arith.index_cast %add3A_854 : i32 to index
        %get3A_874 = arith.constant 48 : index
        %get3A_875 = tpu.vector_load %arg11[%get3A_873, %get3A_874] {strides = array<i32>} : memref<128x128xf32, #tpu.memory_space<vmem>>, vector<1x16xf32>,
        %get3A_876 = vector.shape_cast %get3A_875 : vector<1x16xf32> to vector<16xf32>
        %mul3A_877 = arith.mulf %gather3A_848, %get3A_876 : vector<16xf32>
        %add3A_878 = arith.addf %add3A_820, %mul3A_877 : vector<16xf32>
        %get3A_879 = arith.index_cast %add3A_854 : i32 to index
        %get3A_880 = arith.constant 64 : index
        %get3A_881 = tpu.vector_load %arg11[%get3A_879, %get3A_880] {strides = array<i32>} : memref<128x128xf32, #tpu.memory_space<vmem>>, vector<1x16xf32>,
        %get3A_882 = vector.shape_cast %get3A_881 : vector<1x16xf32> to vector<16xf32>
        %mul3A_883 = arith.mulf %gather3A_848, %get3A_882 : vector<16xf32>
        %add3A_884 = arith.addf %add3A_826, %mul3A_883 : vector<16xf32>
        %get3A_885 = arith.index_cast %add3A_854 : i32 to index
        %get3A_886 = arith.constant 80 : index
        %get3A_887 = tpu.vector_load %arg11[%get3A_885, %get3A_886] {strides = array<i32>} : memref<128x128xf32, #tpu.memory_space<vmem>>, vector<1x16xf32>,
        %get3A_888 = vector.shape_cast %get3A_887 : vector<1x16xf32> to vector<16xf32>
        %mul3A_889 = arith.mulf %gather3A_848, %get3A_888 : vector<16xf32>
        %add3A_890 = arith.addf %add3A_832, %mul3A_889 : vector<16xf32>
        %get3A_891 = arith.index_cast %add3A_854 : i32 to index
        %get3A_892 = arith.constant 96 : index
        %get3A_893 = tpu.vector_load %arg11[%get3A_891, %get3A_892] {strides = array<i32>} : memref<128x128xf32, #tpu.memory_space<vmem>>, vector<1x16xf32>,
        %get3A_894 = vector.shape_cast %get3A_893 : vector<1x16xf32> to vector<16xf32>
        %mul3A_895 = arith.mulf %gather3A_848, %get3A_894 : vector<16xf32>
        %add3A_896 = arith.addf %add3A_838, %mul3A_895 : vector<16xf32>
        %get3A_897 = arith.index_cast %add3A_854 : i32 to index
        %get3A_898 = arith.constant 112 : index
        %get3A_899 = tpu.vector_load %arg11[%get3A_897, %get3A_898] {strides = array<i32>} : memref<128x128xf32, #tpu.memory_space<vmem>>, vector<1x16xf32>,
        %get3A_900 = vector.shape_cast %get3A_899 : vector<1x16xf32> to vector<16xf32>
        %mul3A_901 = arith.mulf %gather3A_848, %get3A_900 : vector<16xf32>
        %add3A_902 = arith.addf %add3A_844, %mul3A_901 : vector<16xf32>
        %broadcast_in_dim3A_903 = arith.constant 14 : i32
        %broadcast_in_dim3A_904 = vector.broadcast %broadcast_in_dim3A_903 : i32 to vector<16x1xi32>
        %gather3A_905 = vector.shape_cast %broadcast_in_dim3A_904 : vector<16x1xi32> to vector<16xi32>
        %gather3A_906 = tpu.dynamic_gather %get3A_91[%gather3A_905] in [0] : vector<16xf32>, vector<16xi32> -> vector<16xf32>
        %mul3A_907 = arith.constant 32 : i32
        %mul3A_908 = arith.muli %scan3A_70, %mul3A_907 : i32
        %add3A_909 = arith.constant 0 : i32
        %add3A_910 = arith.addi %mul3A_908, %add3A_909 : i32
        %add3A_911 = arith.constant 14 : i32
        %add3A_912 = arith.addi %add3A_910, %add3A_911 : i32
        %get3A_913 = arith.index_cast %add3A_912 : i32 to index
        %get3A_914 = arith.constant 0 : index
        %get3A_915 = tpu.vector_load %arg11[%get3A_913, %get3A_914] {strides = array<i32>} : memref<128x128xf32, #tpu.memory_space<vmem>>, vector<1x16xf32>,
        %get3A_916 = vector.shape_cast %get3A_915 : vector<1x16xf32> to vector<16xf32>
        %mul3A_917 = arith.mulf %gather3A_906, %get3A_916 : vector<16xf32>
        %add3A_918 = arith.addf %add3A_860, %mul3A_917 : vector<16xf32>
        %get3A_919 = arith.index_cast %add3A_912 : i32 to index
        %get3A_920 = arith.constant 16 : index
        %get3A_921 = tpu.vector_load %arg11[%get3A_919, %get3A_920] {strides = array<i32>} : memref<128x128xf32, #tpu.memory_space<vmem>>, vector<1x16xf32>,
        %get3A_922 = vector.shape_cast %get3A_921 : vector<1x16xf32> to vector<16xf32>
        %mul3A_923 = arith.mulf %gather3A_906, %get3A_922 : vector<16xf32>
        %add3A_924 = arith.addf %add3A_866, %mul3A_923 : vector<16xf32>
        %get3A_925 = arith.index_cast %add3A_912 : i32 to index
        %get3A_926 = arith.constant 32 : index
        %get3A_927 = tpu.vector_load %arg11[%get3A_925, %get3A_926] {strides = array<i32>} : memref<128x128xf32, #tpu.memory_space<vmem>>, vector<1x16xf32>,
        %get3A_928 = vector.shape_cast %get3A_927 : vector<1x16xf32> to vector<16xf32>
        %mul3A_929 = arith.mulf %gather3A_906, %get3A_928 : vector<16xf32>
        %add3A_930 = arith.addf %add3A_872, %mul3A_929 : vector<16xf32>
        %get3A_931 = arith.index_cast %add3A_912 : i32 to index
        %get3A_932 = arith.constant 48 : index
        %get3A_933 = tpu.vector_load %arg11[%get3A_931, %get3A_932] {strides = array<i32>} : memref<128x128xf32, #tpu.memory_space<vmem>>, vector<1x16xf32>,
        %get3A_934 = vector.shape_cast %get3A_933 : vector<1x16xf32> to vector<16xf32>
        %mul3A_935 = arith.mulf %gather3A_906, %get3A_934 : vector<16xf32>
        %add3A_936 = arith.addf %add3A_878, %mul3A_935 : vector<16xf32>
        %get3A_937 = arith.index_cast %add3A_912 : i32 to index
        %get3A_938 = arith.constant 64 : index
        %get3A_939 = tpu.vector_load %arg11[%get3A_937, %get3A_938] {strides = array<i32>} : memref<128x128xf32, #tpu.memory_space<vmem>>, vector<1x16xf32>,
        %get3A_940 = vector.shape_cast %get3A_939 : vector<1x16xf32> to vector<16xf32>
        %mul3A_941 = arith.mulf %gather3A_906, %get3A_940 : vector<16xf32>
        %add3A_942 = arith.addf %add3A_884, %mul3A_941 : vector<16xf32>
        %get3A_943 = arith.index_cast %add3A_912 : i32 to index
        %get3A_944 = arith.constant 80 : index
        %get3A_945 = tpu.vector_load %arg11[%get3A_943, %get3A_944] {strides = array<i32>} : memref<128x128xf32, #tpu.memory_space<vmem>>, vector<1x16xf32>,
        %get3A_946 = vector.shape_cast %get3A_945 : vector<1x16xf32> to vector<16xf32>
        %mul3A_947 = arith.mulf %gather3A_906, %get3A_946 : vector<16xf32>
        %add3A_948 = arith.addf %add3A_890, %mul3A_947 : vector<16xf32>
        %get3A_949 = arith.index_cast %add3A_912 : i32 to index
        %get3A_950 = arith.constant 96 : index
        %get3A_951 = tpu.vector_load %arg11[%get3A_949, %get3A_950] {strides = array<i32>} : memref<128x128xf32, #tpu.memory_space<vmem>>, vector<1x16xf32>,
        %get3A_952 = vector.shape_cast %get3A_951 : vector<1x16xf32> to vector<16xf32>
        %mul3A_953 = arith.mulf %gather3A_906, %get3A_952 : vector<16xf32>
        %add3A_954 = arith.addf %add3A_896, %mul3A_953 : vector<16xf32>
        %get3A_955 = arith.index_cast %add3A_912 : i32 to index
        %get3A_956 = arith.constant 112 : index
        %get3A_957 = tpu.vector_load %arg11[%get3A_955, %get3A_956] {strides = array<i32>} : memref<128x128xf32, #tpu.memory_space<vmem>>, vector<1x16xf32>,
        %get3A_958 = vector.shape_cast %get3A_957 : vector<1x16xf32> to vector<16xf32>
        %mul3A_959 = arith.mulf %gather3A_906, %get3A_958 : vector<16xf32>
        %add3A_960 = arith.addf %add3A_902, %mul3A_959 : vector<16xf32>
        %broadcast_in_dim3A_961 = arith.constant 15 : i32
        %broadcast_in_dim3A_962 = vector.broadcast %broadcast_in_dim3A_961 : i32 to vector<16x1xi32>
        %gather3A_963 = vector.shape_cast %broadcast_in_dim3A_962 : vector<16x1xi32> to vector<16xi32>
        %gather3A_964 = tpu.dynamic_gather %get3A_91[%gather3A_963] in [0] : vector<16xf32>, vector<16xi32> -> vector<16xf32>
        %mul3A_965 = arith.constant 32 : i32
        %mul3A_966 = arith.muli %scan3A_70, %mul3A_965 : i32
        %add3A_967 = arith.constant 0 : i32
        %add3A_968 = arith.addi %mul3A_966, %add3A_967 : i32
        %add3A_969 = arith.constant 15 : i32
        %add3A_970 = arith.addi %add3A_968, %add3A_969 : i32
        %get3A_971 = arith.index_cast %add3A_970 : i32 to index
        %get3A_972 = arith.constant 0 : index
        %get3A_973 = tpu.vector_load %arg11[%get3A_971, %get3A_972] {strides = array<i32>} : memref<128x128xf32, #tpu.memory_space<vmem>>, vector<1x16xf32>,
        %get3A_974 = vector.shape_cast %get3A_973 : vector<1x16xf32> to vector<16xf32>
        %mul3A_975 = arith.mulf %gather3A_964, %get3A_974 : vector<16xf32>
        %add3A_976 = arith.addf %add3A_918, %mul3A_975 : vector<16xf32>
        %get3A_977 = arith.index_cast %add3A_970 : i32 to index
        %get3A_978 = arith.constant 16 : index
        %get3A_979 = tpu.vector_load %arg11[%get3A_977, %get3A_978] {strides = array<i32>} : memref<128x128xf32, #tpu.memory_space<vmem>>, vector<1x16xf32>,
        %get3A_980 = vector.shape_cast %get3A_979 : vector<1x16xf32> to vector<16xf32>
        %mul3A_981 = arith.mulf %gather3A_964, %get3A_980 : vector<16xf32>
        %add3A_982 = arith.addf %add3A_924, %mul3A_981 : vector<16xf32>
        %get3A_983 = arith.index_cast %add3A_970 : i32 to index
        %get3A_984 = arith.constant 32 : index
        %get3A_985 = tpu.vector_load %arg11[%get3A_983, %get3A_984] {strides = array<i32>} : memref<128x128xf32, #tpu.memory_space<vmem>>, vector<1x16xf32>,
        %get3A_986 = vector.shape_cast %get3A_985 : vector<1x16xf32> to vector<16xf32>
        %mul3A_987 = arith.mulf %gather3A_964, %get3A_986 : vector<16xf32>
        %add3A_988 = arith.addf %add3A_930, %mul3A_987 : vector<16xf32>
        %get3A_989 = arith.index_cast %add3A_970 : i32 to index
        %get3A_990 = arith.constant 48 : index
        %get3A_991 = tpu.vector_load %arg11[%get3A_989, %get3A_990] {strides = array<i32>} : memref<128x128xf32, #tpu.memory_space<vmem>>, vector<1x16xf32>,
        %get3A_992 = vector.shape_cast %get3A_991 : vector<1x16xf32> to vector<16xf32>
        %mul3A_993 = arith.mulf %gather3A_964, %get3A_992 : vector<16xf32>
        %add3A_994 = arith.addf %add3A_936, %mul3A_993 : vector<16xf32>
        %get3A_995 = arith.index_cast %add3A_970 : i32 to index
        %get3A_996 = arith.constant 64 : index
        %get3A_997 = tpu.vector_load %arg11[%get3A_995, %get3A_996] {strides = array<i32>} : memref<128x128xf32, #tpu.memory_space<vmem>>, vector<1x16xf32>,
        %get3A_998 = vector.shape_cast %get3A_997 : vector<1x16xf32> to vector<16xf32>
        %mul3A_999 = arith.mulf %gather3A_964, %get3A_998 : vector<16xf32>
        %add3A_1000 = arith.addf %add3A_942, %mul3A_999 : vector<16xf32>
        %get3A_1001 = arith.index_cast %add3A_970 : i32 to index
        %get3A_1002 = arith.constant 80 : index
        %get3A_1003 = tpu.vector_load %arg11[%get3A_1001, %get3A_1002] {strides = array<i32>} : memref<128x128xf32, #tpu.memory_space<vmem>>, vector<1x16xf32>,
        %get3A_1004 = vector.shape_cast %get3A_1003 : vector<1x16xf32> to vector<16xf32>
        %mul3A_1005 = arith.mulf %gather3A_964, %get3A_1004 : vector<16xf32>
        %add3A_1006 = arith.addf %add3A_948, %mul3A_1005 : vector<16xf32>
        %get3A_1007 = arith.index_cast %add3A_970 : i32 to index
        %get3A_1008 = arith.constant 96 : index
        %get3A_1009 = tpu.vector_load %arg11[%get3A_1007, %get3A_1008] {strides = array<i32>} : memref<128x128xf32, #tpu.memory_space<vmem>>, vector<1x16xf32>,
        %get3A_1010 = vector.shape_cast %get3A_1009 : vector<1x16xf32> to vector<16xf32>
        %mul3A_1011 = arith.mulf %gather3A_964, %get3A_1010 : vector<16xf32>
        %add3A_1012 = arith.addf %add3A_954, %mul3A_1011 : vector<16xf32>
        %get3A_1013 = arith.index_cast %add3A_970 : i32 to index
        %get3A_1014 = arith.constant 112 : index
        %get3A_1015 = tpu.vector_load %arg11[%get3A_1013, %get3A_1014] {strides = array<i32>} : memref<128x128xf32, #tpu.memory_space<vmem>>, vector<1x16xf32>,
        %get3A_1016 = vector.shape_cast %get3A_1015 : vector<1x16xf32> to vector<16xf32>
        %mul3A_1017 = arith.mulf %gather3A_964, %get3A_1016 : vector<16xf32>
        %add3A_1018 = arith.addf %add3A_960, %mul3A_1017 : vector<16xf32>
        %mul3A_1019 = arith.constant 32 : i32
        %mul3A_1020 = arith.muli %scan3A_70, %mul3A_1019 : i32
        %add3A_1021 = arith.constant 16 : i32
        %add3A_1022 = arith.addi %mul3A_1020, %add3A_1021 : i32
        %get3A_1023 = arith.index_cast %add3A_1022 : i32 to index
        %get3A_1024 = tpu.vector_load %arg9[%get3A_1023] {strides = array<i32>} : memref<128xf32, #tpu.memory_space<vmem>>, vector<16xf32>,
        %get3A_1025 = vector.shape_cast %get3A_1024 : vector<16xf32> to vector<16xf32>
        %broadcast_in_dim3A_1026 = arith.constant 0 : i32
        %broadcast_in_dim3A_1027 = vector.broadcast %broadcast_in_dim3A_1026 : i32 to vector<16x1xi32>
        %gather3A_1028 = vector.shape_cast %broadcast_in_dim3A_1027 : vector<16x1xi32> to vector<16xi32>
        %gather3A_1029 = tpu.dynamic_gather %get3A_1025[%gather3A_1028] in [0] : vector<16xf32>, vector<16xi32> -> vector<16xf32>
        %mul3A_1030 = arith.constant 32 : i32
        %mul3A_1031 = arith.muli %scan3A_70, %mul3A_1030 : i32
        %add3A_1032 = arith.constant 16 : i32
        %add3A_1033 = arith.addi %mul3A_1031, %add3A_1032 : i32
        %add3A_1034 = arith.constant 0 : i32
        %add3A_1035 = arith.addi %add3A_1033, %add3A_1034 : i32
        %get3A_1036 = arith.index_cast %add3A_1035 : i32 to index
        %get3A_1037 = arith.constant 0 : index
        %get3A_1038 = tpu.vector_load %arg11[%get3A_1036, %get3A_1037] {strides = array<i32>} : memref<128x128xf32, #tpu.memory_space<vmem>>, vector<1x16xf32>,
        %get3A_1039 = vector.shape_cast %get3A_1038 : vector<1x16xf32> to vector<16xf32>
        %mul3A_1040 = arith.mulf %gather3A_1029, %get3A_1039 : vector<16xf32>
        %add3A_1041 = arith.addf %add3A_976, %mul3A_1040 : vector<16xf32>
        %get3A_1042 = arith.index_cast %add3A_1035 : i32 to index
        %get3A_1043 = arith.constant 16 : index
        %get3A_1044 = tpu.vector_load %arg11[%get3A_1042, %get3A_1043] {strides = array<i32>} : memref<128x128xf32, #tpu.memory_space<vmem>>, vector<1x16xf32>,
        %get3A_1045 = vector.shape_cast %get3A_1044 : vector<1x16xf32> to vector<16xf32>
        %mul3A_1046 = arith.mulf %gather3A_1029, %get3A_1045 : vector<16xf32>
        %add3A_1047 = arith.addf %add3A_982, %mul3A_1046 : vector<16xf32>
        %get3A_1048 = arith.index_cast %add3A_1035 : i32 to index
        %get3A_1049 = arith.constant 32 : index
        %get3A_1050 = tpu.vector_load %arg11[%get3A_1048, %get3A_1049] {strides = array<i32>} : memref<128x128xf32, #tpu.memory_space<vmem>>, vector<1x16xf32>,
        %get3A_1051 = vector.shape_cast %get3A_1050 : vector<1x16xf32> to vector<16xf32>
        %mul3A_1052 = arith.mulf %gather3A_1029, %get3A_1051 : vector<16xf32>
        %add3A_1053 = arith.addf %add3A_988, %mul3A_1052 : vector<16xf32>
        %get3A_1054 = arith.index_cast %add3A_1035 : i32 to index
        %get3A_1055 = arith.constant 48 : index
        %get3A_1056 = tpu.vector_load %arg11[%get3A_1054, %get3A_1055] {strides = array<i32>} : memref<128x128xf32, #tpu.memory_space<vmem>>, vector<1x16xf32>,
        %get3A_1057 = vector.shape_cast %get3A_1056 : vector<1x16xf32> to vector<16xf32>
        %mul3A_1058 = arith.mulf %gather3A_1029, %get3A_1057 : vector<16xf32>
        %add3A_1059 = arith.addf %add3A_994, %mul3A_1058 : vector<16xf32>
        %get3A_1060 = arith.index_cast %add3A_1035 : i32 to index
        %get3A_1061 = arith.constant 64 : index
        %get3A_1062 = tpu.vector_load %arg11[%get3A_1060, %get3A_1061] {strides = array<i32>} : memref<128x128xf32, #tpu.memory_space<vmem>>, vector<1x16xf32>,
        %get3A_1063 = vector.shape_cast %get3A_1062 : vector<1x16xf32> to vector<16xf32>
        %mul3A_1064 = arith.mulf %gather3A_1029, %get3A_1063 : vector<16xf32>
        %add3A_1065 = arith.addf %add3A_1000, %mul3A_1064 : vector<16xf32>
        %get3A_1066 = arith.index_cast %add3A_1035 : i32 to index
        %get3A_1067 = arith.constant 80 : index
        %get3A_1068 = tpu.vector_load %arg11[%get3A_1066, %get3A_1067] {strides = array<i32>} : memref<128x128xf32, #tpu.memory_space<vmem>>, vector<1x16xf32>,
        %get3A_1069 = vector.shape_cast %get3A_1068 : vector<1x16xf32> to vector<16xf32>
        %mul3A_1070 = arith.mulf %gather3A_1029, %get3A_1069 : vector<16xf32>
        %add3A_1071 = arith.addf %add3A_1006, %mul3A_1070 : vector<16xf32>
        %get3A_1072 = arith.index_cast %add3A_1035 : i32 to index
        %get3A_1073 = arith.constant 96 : index
        %get3A_1074 = tpu.vector_load %arg11[%get3A_1072, %get3A_1073] {strides = array<i32>} : memref<128x128xf32, #tpu.memory_space<vmem>>, vector<1x16xf32>,
        %get3A_1075 = vector.shape_cast %get3A_1074 : vector<1x16xf32> to vector<16xf32>
        %mul3A_1076 = arith.mulf %gather3A_1029, %get3A_1075 : vector<16xf32>
        %add3A_1077 = arith.addf %add3A_1012, %mul3A_1076 : vector<16xf32>
        %get3A_1078 = arith.index_cast %add3A_1035 : i32 to index
        %get3A_1079 = arith.constant 112 : index
        %get3A_1080 = tpu.vector_load %arg11[%get3A_1078, %get3A_1079] {strides = array<i32>} : memref<128x128xf32, #tpu.memory_space<vmem>>, vector<1x16xf32>,
        %get3A_1081 = vector.shape_cast %get3A_1080 : vector<1x16xf32> to vector<16xf32>
        %mul3A_1082 = arith.mulf %gather3A_1029, %get3A_1081 : vector<16xf32>
        %add3A_1083 = arith.addf %add3A_1018, %mul3A_1082 : vector<16xf32>
        %broadcast_in_dim3A_1084 = arith.constant 1 : i32
        %broadcast_in_dim3A_1085 = vector.broadcast %broadcast_in_dim3A_1084 : i32 to vector<16x1xi32>
        %gather3A_1086 = vector.shape_cast %broadcast_in_dim3A_1085 : vector<16x1xi32> to vector<16xi32>
        %gather3A_1087 = tpu.dynamic_gather %get3A_1025[%gather3A_1086] in [0] : vector<16xf32>, vector<16xi32> -> vector<16xf32>
        %mul3A_1088 = arith.constant 32 : i32
        %mul3A_1089 = arith.muli %scan3A_70, %mul3A_1088 : i32
        %add3A_1090 = arith.constant 16 : i32
        %add3A_1091 = arith.addi %mul3A_1089, %add3A_1090 : i32
        %add3A_1092 = arith.constant 1 : i32
        %add3A_1093 = arith.addi %add3A_1091, %add3A_1092 : i32
        %get3A_1094 = arith.index_cast %add3A_1093 : i32 to index
        %get3A_1095 = arith.constant 0 : index
        %get3A_1096 = tpu.vector_load %arg11[%get3A_1094, %get3A_1095] {strides = array<i32>} : memref<128x128xf32, #tpu.memory_space<vmem>>, vector<1x16xf32>,
        %get3A_1097 = vector.shape_cast %get3A_1096 : vector<1x16xf32> to vector<16xf32>
        %mul3A_1098 = arith.mulf %gather3A_1087, %get3A_1097 : vector<16xf32>
        %add3A_1099 = arith.addf %add3A_1041, %mul3A_1098 : vector<16xf32>
        %get3A_1100 = arith.index_cast %add3A_1093 : i32 to index
        %get3A_1101 = arith.constant 16 : index
        %get3A_1102 = tpu.vector_load %arg11[%get3A_1100, %get3A_1101] {strides = array<i32>} : memref<128x128xf32, #tpu.memory_space<vmem>>, vector<1x16xf32>,
        %get3A_1103 = vector.shape_cast %get3A_1102 : vector<1x16xf32> to vector<16xf32>
        %mul3A_1104 = arith.mulf %gather3A_1087, %get3A_1103 : vector<16xf32>
        %add3A_1105 = arith.addf %add3A_1047, %mul3A_1104 : vector<16xf32>
        %get3A_1106 = arith.index_cast %add3A_1093 : i32 to index
        %get3A_1107 = arith.constant 32 : index
        %get3A_1108 = tpu.vector_load %arg11[%get3A_1106, %get3A_1107] {strides = array<i32>} : memref<128x128xf32, #tpu.memory_space<vmem>>, vector<1x16xf32>,
        %get3A_1109 = vector.shape_cast %get3A_1108 : vector<1x16xf32> to vector<16xf32>
        %mul3A_1110 = arith.mulf %gather3A_1087, %get3A_1109 : vector<16xf32>
        %add3A_1111 = arith.addf %add3A_1053, %mul3A_1110 : vector<16xf32>
        %get3A_1112 = arith.index_cast %add3A_1093 : i32 to index
        %get3A_1113 = arith.constant 48 : index
        %get3A_1114 = tpu.vector_load %arg11[%get3A_1112, %get3A_1113] {strides = array<i32>} : memref<128x128xf32, #tpu.memory_space<vmem>>, vector<1x16xf32>,
        %get3A_1115 = vector.shape_cast %get3A_1114 : vector<1x16xf32> to vector<16xf32>
        %mul3A_1116 = arith.mulf %gather3A_1087, %get3A_1115 : vector<16xf32>
        %add3A_1117 = arith.addf %add3A_1059, %mul3A_1116 : vector<16xf32>
        %get3A_1118 = arith.index_cast %add3A_1093 : i32 to index
        %get3A_1119 = arith.constant 64 : index
        %get3A_1120 = tpu.vector_load %arg11[%get3A_1118, %get3A_1119] {strides = array<i32>} : memref<128x128xf32, #tpu.memory_space<vmem>>, vector<1x16xf32>,
        %get3A_1121 = vector.shape_cast %get3A_1120 : vector<1x16xf32> to vector<16xf32>
        %mul3A_1122 = arith.mulf %gather3A_1087, %get3A_1121 : vector<16xf32>
        %add3A_1123 = arith.addf %add3A_1065, %mul3A_1122 : vector<16xf32>
        %get3A_1124 = arith.index_cast %add3A_1093 : i32 to index
        %get3A_1125 = arith.constant 80 : index
        %get3A_1126 = tpu.vector_load %arg11[%get3A_1124, %get3A_1125] {strides = array<i32>} : memref<128x128xf32, #tpu.memory_space<vmem>>, vector<1x16xf32>,
        %get3A_1127 = vector.shape_cast %get3A_1126 : vector<1x16xf32> to vector<16xf32>
        %mul3A_1128 = arith.mulf %gather3A_1087, %get3A_1127 : vector<16xf32>
        %add3A_1129 = arith.addf %add3A_1071, %mul3A_1128 : vector<16xf32>
        %get3A_1130 = arith.index_cast %add3A_1093 : i32 to index
        %get3A_1131 = arith.constant 96 : index
        %get3A_1132 = tpu.vector_load %arg11[%get3A_1130, %get3A_1131] {strides = array<i32>} : memref<128x128xf32, #tpu.memory_space<vmem>>, vector<1x16xf32>,
        %get3A_1133 = vector.shape_cast %get3A_1132 : vector<1x16xf32> to vector<16xf32>
        %mul3A_1134 = arith.mulf %gather3A_1087, %get3A_1133 : vector<16xf32>
        %add3A_1135 = arith.addf %add3A_1077, %mul3A_1134 : vector<16xf32>
        %get3A_1136 = arith.index_cast %add3A_1093 : i32 to index
        %get3A_1137 = arith.constant 112 : index
        %get3A_1138 = tpu.vector_load %arg11[%get3A_1136, %get3A_1137] {strides = array<i32>} : memref<128x128xf32, #tpu.memory_space<vmem>>, vector<1x16xf32>,
        %get3A_1139 = vector.shape_cast %get3A_1138 : vector<1x16xf32> to vector<16xf32>
        %mul3A_1140 = arith.mulf %gather3A_1087, %get3A_1139 : vector<16xf32>
        %add3A_1141 = arith.addf %add3A_1083, %mul3A_1140 : vector<16xf32>
        %broadcast_in_dim3A_1142 = arith.constant 2 : i32
        %broadcast_in_dim3A_1143 = vector.broadcast %broadcast_in_dim3A_1142 : i32 to vector<16x1xi32>
        %gather3A_1144 = vector.shape_cast %broadcast_in_dim3A_1143 : vector<16x1xi32> to vector<16xi32>
        %gather3A_1145 = tpu.dynamic_gather %get3A_1025[%gather3A_1144] in [0] : vector<16xf32>, vector<16xi32> -> vector<16xf32>
        %mul3A_1146 = arith.constant 32 : i32
        %mul3A_1147 = arith.muli %scan3A_70, %mul3A_1146 : i32
        %add3A_1148 = arith.constant 16 : i32
        %add3A_1149 = arith.addi %mul3A_1147, %add3A_1148 : i32
        %add3A_1150 = arith.constant 2 : i32
        %add3A_1151 = arith.addi %add3A_1149, %add3A_1150 : i32
        %get3A_1152 = arith.index_cast %add3A_1151 : i32 to index
        %get3A_1153 = arith.constant 0 : index
        %get3A_1154 = tpu.vector_load %arg11[%get3A_1152, %get3A_1153] {strides = array<i32>} : memref<128x128xf32, #tpu.memory_space<vmem>>, vector<1x16xf32>,
        %get3A_1155 = vector.shape_cast %get3A_1154 : vector<1x16xf32> to vector<16xf32>
        %mul3A_1156 = arith.mulf %gather3A_1145, %get3A_1155 : vector<16xf32>
        %add3A_1157 = arith.addf %add3A_1099, %mul3A_1156 : vector<16xf32>
        %get3A_1158 = arith.index_cast %add3A_1151 : i32 to index
        %get3A_1159 = arith.constant 16 : index
        %get3A_1160 = tpu.vector_load %arg11[%get3A_1158, %get3A_1159] {strides = array<i32>} : memref<128x128xf32, #tpu.memory_space<vmem>>, vector<1x16xf32>,
        %get3A_1161 = vector.shape_cast %get3A_1160 : vector<1x16xf32> to vector<16xf32>
        %mul3A_1162 = arith.mulf %gather3A_1145, %get3A_1161 : vector<16xf32>
        %add3A_1163 = arith.addf %add3A_1105, %mul3A_1162 : vector<16xf32>
        %get3A_1164 = arith.index_cast %add3A_1151 : i32 to index
        %get3A_1165 = arith.constant 32 : index
        %get3A_1166 = tpu.vector_load %arg11[%get3A_1164, %get3A_1165] {strides = array<i32>} : memref<128x128xf32, #tpu.memory_space<vmem>>, vector<1x16xf32>,
        %get3A_1167 = vector.shape_cast %get3A_1166 : vector<1x16xf32> to vector<16xf32>
        %mul3A_1168 = arith.mulf %gather3A_1145, %get3A_1167 : vector<16xf32>
        %add3A_1169 = arith.addf %add3A_1111, %mul3A_1168 : vector<16xf32>
        %get3A_1170 = arith.index_cast %add3A_1151 : i32 to index
        %get3A_1171 = arith.constant 48 : index
        %get3A_1172 = tpu.vector_load %arg11[%get3A_1170, %get3A_1171] {strides = array<i32>} : memref<128x128xf32, #tpu.memory_space<vmem>>, vector<1x16xf32>,
        %get3A_1173 = vector.shape_cast %get3A_1172 : vector<1x16xf32> to vector<16xf32>
        %mul3A_1174 = arith.mulf %gather3A_1145, %get3A_1173 : vector<16xf32>
        %add3A_1175 = arith.addf %add3A_1117, %mul3A_1174 : vector<16xf32>
        %get3A_1176 = arith.index_cast %add3A_1151 : i32 to index
        %get3A_1177 = arith.constant 64 : index
        %get3A_1178 = tpu.vector_load %arg11[%get3A_1176, %get3A_1177] {strides = array<i32>} : memref<128x128xf32, #tpu.memory_space<vmem>>, vector<1x16xf32>,
        %get3A_1179 = vector.shape_cast %get3A_1178 : vector<1x16xf32> to vector<16xf32>
        %mul3A_1180 = arith.mulf %gather3A_1145, %get3A_1179 : vector<16xf32>
        %add3A_1181 = arith.addf %add3A_1123, %mul3A_1180 : vector<16xf32>
        %get3A_1182 = arith.index_cast %add3A_1151 : i32 to index
        %get3A_1183 = arith.constant 80 : index
        %get3A_1184 = tpu.vector_load %arg11[%get3A_1182, %get3A_1183] {strides = array<i32>} : memref<128x128xf32, #tpu.memory_space<vmem>>, vector<1x16xf32>,
        %get3A_1185 = vector.shape_cast %get3A_1184 : vector<1x16xf32> to vector<16xf32>
        %mul3A_1186 = arith.mulf %gather3A_1145, %get3A_1185 : vector<16xf32>
        %add3A_1187 = arith.addf %add3A_1129, %mul3A_1186 : vector<16xf32>
        %get3A_1188 = arith.index_cast %add3A_1151 : i32 to index
        %get3A_1189 = arith.constant 96 : index
        %get3A_1190 = tpu.vector_load %arg11[%get3A_1188, %get3A_1189] {strides = array<i32>} : memref<128x128xf32, #tpu.memory_space<vmem>>, vector<1x16xf32>,
        %get3A_1191 = vector.shape_cast %get3A_1190 : vector<1x16xf32> to vector<16xf32>
        %mul3A_1192 = arith.mulf %gather3A_1145, %get3A_1191 : vector<16xf32>
        %add3A_1193 = arith.addf %add3A_1135, %mul3A_1192 : vector<16xf32>
        %get3A_1194 = arith.index_cast %add3A_1151 : i32 to index
        %get3A_1195 = arith.constant 112 : index
        %get3A_1196 = tpu.vector_load %arg11[%get3A_1194, %get3A_1195] {strides = array<i32>} : memref<128x128xf32, #tpu.memory_space<vmem>>, vector<1x16xf32>,
        %get3A_1197 = vector.shape_cast %get3A_1196 : vector<1x16xf32> to vector<16xf32>
        %mul3A_1198 = arith.mulf %gather3A_1145, %get3A_1197 : vector<16xf32>
        %add3A_1199 = arith.addf %add3A_1141, %mul3A_1198 : vector<16xf32>
        %broadcast_in_dim3A_1200 = arith.constant 3 : i32
        %broadcast_in_dim3A_1201 = vector.broadcast %broadcast_in_dim3A_1200 : i32 to vector<16x1xi32>
        %gather3A_1202 = vector.shape_cast %broadcast_in_dim3A_1201 : vector<16x1xi32> to vector<16xi32>
        %gather3A_1203 = tpu.dynamic_gather %get3A_1025[%gather3A_1202] in [0] : vector<16xf32>, vector<16xi32> -> vector<16xf32>
        %mul3A_1204 = arith.constant 32 : i32
        %mul3A_1205 = arith.muli %scan3A_70, %mul3A_1204 : i32
        %add3A_1206 = arith.constant 16 : i32
        %add3A_1207 = arith.addi %mul3A_1205, %add3A_1206 : i32
        %add3A_1208 = arith.constant 3 : i32
        %add3A_1209 = arith.addi %add3A_1207, %add3A_1208 : i32
        %get3A_1210 = arith.index_cast %add3A_1209 : i32 to index
        %get3A_1211 = arith.constant 0 : index
        %get3A_1212 = tpu.vector_load %arg11[%get3A_1210, %get3A_1211] {strides = array<i32>} : memref<128x128xf32, #tpu.memory_space<vmem>>, vector<1x16xf32>,
        %get3A_1213 = vector.shape_cast %get3A_1212 : vector<1x16xf32> to vector<16xf32>
        %mul3A_1214 = arith.mulf %gather3A_1203, %get3A_1213 : vector<16xf32>
        %add3A_1215 = arith.addf %add3A_1157, %mul3A_1214 : vector<16xf32>
        %get3A_1216 = arith.index_cast %add3A_1209 : i32 to index
        %get3A_1217 = arith.constant 16 : index
        %get3A_1218 = tpu.vector_load %arg11[%get3A_1216, %get3A_1217] {strides = array<i32>} : memref<128x128xf32, #tpu.memory_space<vmem>>, vector<1x16xf32>,
        %get3A_1219 = vector.shape_cast %get3A_1218 : vector<1x16xf32> to vector<16xf32>
        %mul3A_1220 = arith.mulf %gather3A_1203, %get3A_1219 : vector<16xf32>
        %add3A_1221 = arith.addf %add3A_1163, %mul3A_1220 : vector<16xf32>
        %get3A_1222 = arith.index_cast %add3A_1209 : i32 to index
        %get3A_1223 = arith.constant 32 : index
        %get3A_1224 = tpu.vector_load %arg11[%get3A_1222, %get3A_1223] {strides = array<i32>} : memref<128x128xf32, #tpu.memory_space<vmem>>, vector<1x16xf32>,
        %get3A_1225 = vector.shape_cast %get3A_1224 : vector<1x16xf32> to vector<16xf32>
        %mul3A_1226 = arith.mulf %gather3A_1203, %get3A_1225 : vector<16xf32>
        %add3A_1227 = arith.addf %add3A_1169, %mul3A_1226 : vector<16xf32>
        %get3A_1228 = arith.index_cast %add3A_1209 : i32 to index
        %get3A_1229 = arith.constant 48 : index
        %get3A_1230 = tpu.vector_load %arg11[%get3A_1228, %get3A_1229] {strides = array<i32>} : memref<128x128xf32, #tpu.memory_space<vmem>>, vector<1x16xf32>,
        %get3A_1231 = vector.shape_cast %get3A_1230 : vector<1x16xf32> to vector<16xf32>
        %mul3A_1232 = arith.mulf %gather3A_1203, %get3A_1231 : vector<16xf32>
        %add3A_1233 = arith.addf %add3A_1175, %mul3A_1232 : vector<16xf32>
        %get3A_1234 = arith.index_cast %add3A_1209 : i32 to index
        %get3A_1235 = arith.constant 64 : index
        %get3A_1236 = tpu.vector_load %arg11[%get3A_1234, %get3A_1235] {strides = array<i32>} : memref<128x128xf32, #tpu.memory_space<vmem>>, vector<1x16xf32>,
        %get3A_1237 = vector.shape_cast %get3A_1236 : vector<1x16xf32> to vector<16xf32>
        %mul3A_1238 = arith.mulf %gather3A_1203, %get3A_1237 : vector<16xf32>
        %add3A_1239 = arith.addf %add3A_1181, %mul3A_1238 : vector<16xf32>
        %get3A_1240 = arith.index_cast %add3A_1209 : i32 to index
        %get3A_1241 = arith.constant 80 : index
        %get3A_1242 = tpu.vector_load %arg11[%get3A_1240, %get3A_1241] {strides = array<i32>} : memref<128x128xf32, #tpu.memory_space<vmem>>, vector<1x16xf32>,
        %get3A_1243 = vector.shape_cast %get3A_1242 : vector<1x16xf32> to vector<16xf32>
        %mul3A_1244 = arith.mulf %gather3A_1203, %get3A_1243 : vector<16xf32>
        %add3A_1245 = arith.addf %add3A_1187, %mul3A_1244 : vector<16xf32>
        %get3A_1246 = arith.index_cast %add3A_1209 : i32 to index
        %get3A_1247 = arith.constant 96 : index
        %get3A_1248 = tpu.vector_load %arg11[%get3A_1246, %get3A_1247] {strides = array<i32>} : memref<128x128xf32, #tpu.memory_space<vmem>>, vector<1x16xf32>,
        %get3A_1249 = vector.shape_cast %get3A_1248 : vector<1x16xf32> to vector<16xf32>
        %mul3A_1250 = arith.mulf %gather3A_1203, %get3A_1249 : vector<16xf32>
        %add3A_1251 = arith.addf %add3A_1193, %mul3A_1250 : vector<16xf32>
        %get3A_1252 = arith.index_cast %add3A_1209 : i32 to index
        %get3A_1253 = arith.constant 112 : index
        %get3A_1254 = tpu.vector_load %arg11[%get3A_1252, %get3A_1253] {strides = array<i32>} : memref<128x128xf32, #tpu.memory_space<vmem>>, vector<1x16xf32>,
        %get3A_1255 = vector.shape_cast %get3A_1254 : vector<1x16xf32> to vector<16xf32>
        %mul3A_1256 = arith.mulf %gather3A_1203, %get3A_1255 : vector<16xf32>
        %add3A_1257 = arith.addf %add3A_1199, %mul3A_1256 : vector<16xf32>
        %broadcast_in_dim3A_1258 = arith.constant 4 : i32
        %broadcast_in_dim3A_1259 = vector.broadcast %broadcast_in_dim3A_1258 : i32 to vector<16x1xi32>
        %gather3A_1260 = vector.shape_cast %broadcast_in_dim3A_1259 : vector<16x1xi32> to vector<16xi32>
        %gather3A_1261 = tpu.dynamic_gather %get3A_1025[%gather3A_1260] in [0] : vector<16xf32>, vector<16xi32> -> vector<16xf32>
        %mul3A_1262 = arith.constant 32 : i32
        %mul3A_1263 = arith.muli %scan3A_70, %mul3A_1262 : i32
        %add3A_1264 = arith.constant 16 : i32
        %add3A_1265 = arith.addi %mul3A_1263, %add3A_1264 : i32
        %add3A_1266 = arith.constant 4 : i32
        %add3A_1267 = arith.addi %add3A_1265, %add3A_1266 : i32
        %get3A_1268 = arith.index_cast %add3A_1267 : i32 to index
        %get3A_1269 = arith.constant 0 : index
        %get3A_1270 = tpu.vector_load %arg11[%get3A_1268, %get3A_1269] {strides = array<i32>} : memref<128x128xf32, #tpu.memory_space<vmem>>, vector<1x16xf32>,
        %get3A_1271 = vector.shape_cast %get3A_1270 : vector<1x16xf32> to vector<16xf32>
        %mul3A_1272 = arith.mulf %gather3A_1261, %get3A_1271 : vector<16xf32>
        %add3A_1273 = arith.addf %add3A_1215, %mul3A_1272 : vector<16xf32>
        %get3A_1274 = arith.index_cast %add3A_1267 : i32 to index
        %get3A_1275 = arith.constant 16 : index
        %get3A_1276 = tpu.vector_load %arg11[%get3A_1274, %get3A_1275] {strides = array<i32>} : memref<128x128xf32, #tpu.memory_space<vmem>>, vector<1x16xf32>,
        %get3A_1277 = vector.shape_cast %get3A_1276 : vector<1x16xf32> to vector<16xf32>
        %mul3A_1278 = arith.mulf %gather3A_1261, %get3A_1277 : vector<16xf32>
        %add3A_1279 = arith.addf %add3A_1221, %mul3A_1278 : vector<16xf32>
        %get3A_1280 = arith.index_cast %add3A_1267 : i32 to index
        %get3A_1281 = arith.constant 32 : index
        %get3A_1282 = tpu.vector_load %arg11[%get3A_1280, %get3A_1281] {strides = array<i32>} : memref<128x128xf32, #tpu.memory_space<vmem>>, vector<1x16xf32>,
        %get3A_1283 = vector.shape_cast %get3A_1282 : vector<1x16xf32> to vector<16xf32>
        %mul3A_1284 = arith.mulf %gather3A_1261, %get3A_1283 : vector<16xf32>
        %add3A_1285 = arith.addf %add3A_1227, %mul3A_1284 : vector<16xf32>
        %get3A_1286 = arith.index_cast %add3A_1267 : i32 to index
        %get3A_1287 = arith.constant 48 : index
        %get3A_1288 = tpu.vector_load %arg11[%get3A_1286, %get3A_1287] {strides = array<i32>} : memref<128x128xf32, #tpu.memory_space<vmem>>, vector<1x16xf32>,
        %get3A_1289 = vector.shape_cast %get3A_1288 : vector<1x16xf32> to vector<16xf32>
        %mul3A_1290 = arith.mulf %gather3A_1261, %get3A_1289 : vector<16xf32>
        %add3A_1291 = arith.addf %add3A_1233, %mul3A_1290 : vector<16xf32>
        %get3A_1292 = arith.index_cast %add3A_1267 : i32 to index
        %get3A_1293 = arith.constant 64 : index
        %get3A_1294 = tpu.vector_load %arg11[%get3A_1292, %get3A_1293] {strides = array<i32>} : memref<128x128xf32, #tpu.memory_space<vmem>>, vector<1x16xf32>,
        %get3A_1295 = vector.shape_cast %get3A_1294 : vector<1x16xf32> to vector<16xf32>
        %mul3A_1296 = arith.mulf %gather3A_1261, %get3A_1295 : vector<16xf32>
        %add3A_1297 = arith.addf %add3A_1239, %mul3A_1296 : vector<16xf32>
        %get3A_1298 = arith.index_cast %add3A_1267 : i32 to index
        %get3A_1299 = arith.constant 80 : index
        %get3A_1300 = tpu.vector_load %arg11[%get3A_1298, %get3A_1299] {strides = array<i32>} : memref<128x128xf32, #tpu.memory_space<vmem>>, vector<1x16xf32>,
        %get3A_1301 = vector.shape_cast %get3A_1300 : vector<1x16xf32> to vector<16xf32>
        %mul3A_1302 = arith.mulf %gather3A_1261, %get3A_1301 : vector<16xf32>
        %add3A_1303 = arith.addf %add3A_1245, %mul3A_1302 : vector<16xf32>
        %get3A_1304 = arith.index_cast %add3A_1267 : i32 to index
        %get3A_1305 = arith.constant 96 : index
        %get3A_1306 = tpu.vector_load %arg11[%get3A_1304, %get3A_1305] {strides = array<i32>} : memref<128x128xf32, #tpu.memory_space<vmem>>, vector<1x16xf32>,
        %get3A_1307 = vector.shape_cast %get3A_1306 : vector<1x16xf32> to vector<16xf32>
        %mul3A_1308 = arith.mulf %gather3A_1261, %get3A_1307 : vector<16xf32>
        %add3A_1309 = arith.addf %add3A_1251, %mul3A_1308 : vector<16xf32>
        %get3A_1310 = arith.index_cast %add3A_1267 : i32 to index
        %get3A_1311 = arith.constant 112 : index
        %get3A_1312 = tpu.vector_load %arg11[%get3A_1310, %get3A_1311] {strides = array<i32>} : memref<128x128xf32, #tpu.memory_space<vmem>>, vector<1x16xf32>,
        %get3A_1313 = vector.shape_cast %get3A_1312 : vector<1x16xf32> to vector<16xf32>
        %mul3A_1314 = arith.mulf %gather3A_1261, %get3A_1313 : vector<16xf32>
        %add3A_1315 = arith.addf %add3A_1257, %mul3A_1314 : vector<16xf32>
        %broadcast_in_dim3A_1316 = arith.constant 5 : i32
        %broadcast_in_dim3A_1317 = vector.broadcast %broadcast_in_dim3A_1316 : i32 to vector<16x1xi32>
        %gather3A_1318 = vector.shape_cast %broadcast_in_dim3A_1317 : vector<16x1xi32> to vector<16xi32>
        %gather3A_1319 = tpu.dynamic_gather %get3A_1025[%gather3A_1318] in [0] : vector<16xf32>, vector<16xi32> -> vector<16xf32>
        %mul3A_1320 = arith.constant 32 : i32
        %mul3A_1321 = arith.muli %scan3A_70, %mul3A_1320 : i32
        %add3A_1322 = arith.constant 16 : i32
        %add3A_1323 = arith.addi %mul3A_1321, %add3A_1322 : i32
        %add3A_1324 = arith.constant 5 : i32
        %add3A_1325 = arith.addi %add3A_1323, %add3A_1324 : i32
        %get3A_1326 = arith.index_cast %add3A_1325 : i32 to index
        %get3A_1327 = arith.constant 0 : index
        %get3A_1328 = tpu.vector_load %arg11[%get3A_1326, %get3A_1327] {strides = array<i32>} : memref<128x128xf32, #tpu.memory_space<vmem>>, vector<1x16xf32>,
        %get3A_1329 = vector.shape_cast %get3A_1328 : vector<1x16xf32> to vector<16xf32>
        %mul3A_1330 = arith.mulf %gather3A_1319, %get3A_1329 : vector<16xf32>
        %add3A_1331 = arith.addf %add3A_1273, %mul3A_1330 : vector<16xf32>
        %get3A_1332 = arith.index_cast %add3A_1325 : i32 to index
        %get3A_1333 = arith.constant 16 : index
        %get3A_1334 = tpu.vector_load %arg11[%get3A_1332, %get3A_1333] {strides = array<i32>} : memref<128x128xf32, #tpu.memory_space<vmem>>, vector<1x16xf32>,
        %get3A_1335 = vector.shape_cast %get3A_1334 : vector<1x16xf32> to vector<16xf32>
        %mul3A_1336 = arith.mulf %gather3A_1319, %get3A_1335 : vector<16xf32>
        %add3A_1337 = arith.addf %add3A_1279, %mul3A_1336 : vector<16xf32>
        %get3A_1338 = arith.index_cast %add3A_1325 : i32 to index
        %get3A_1339 = arith.constant 32 : index
        %get3A_1340 = tpu.vector_load %arg11[%get3A_1338, %get3A_1339] {strides = array<i32>} : memref<128x128xf32, #tpu.memory_space<vmem>>, vector<1x16xf32>,
        %get3A_1341 = vector.shape_cast %get3A_1340 : vector<1x16xf32> to vector<16xf32>
        %mul3A_1342 = arith.mulf %gather3A_1319, %get3A_1341 : vector<16xf32>
        %add3A_1343 = arith.addf %add3A_1285, %mul3A_1342 : vector<16xf32>
        %get3A_1344 = arith.index_cast %add3A_1325 : i32 to index
        %get3A_1345 = arith.constant 48 : index
        %get3A_1346 = tpu.vector_load %arg11[%get3A_1344, %get3A_1345] {strides = array<i32>} : memref<128x128xf32, #tpu.memory_space<vmem>>, vector<1x16xf32>,
        %get3A_1347 = vector.shape_cast %get3A_1346 : vector<1x16xf32> to vector<16xf32>
        %mul3A_1348 = arith.mulf %gather3A_1319, %get3A_1347 : vector<16xf32>
        %add3A_1349 = arith.addf %add3A_1291, %mul3A_1348 : vector<16xf32>
        %get3A_1350 = arith.index_cast %add3A_1325 : i32 to index
        %get3A_1351 = arith.constant 64 : index
        %get3A_1352 = tpu.vector_load %arg11[%get3A_1350, %get3A_1351] {strides = array<i32>} : memref<128x128xf32, #tpu.memory_space<vmem>>, vector<1x16xf32>,
        %get3A_1353 = vector.shape_cast %get3A_1352 : vector<1x16xf32> to vector<16xf32>
        %mul3A_1354 = arith.mulf %gather3A_1319, %get3A_1353 : vector<16xf32>
        %add3A_1355 = arith.addf %add3A_1297, %mul3A_1354 : vector<16xf32>
        %get3A_1356 = arith.index_cast %add3A_1325 : i32 to index
        %get3A_1357 = arith.constant 80 : index
        %get3A_1358 = tpu.vector_load %arg11[%get3A_1356, %get3A_1357] {strides = array<i32>} : memref<128x128xf32, #tpu.memory_space<vmem>>, vector<1x16xf32>,
        %get3A_1359 = vector.shape_cast %get3A_1358 : vector<1x16xf32> to vector<16xf32>
        %mul3A_1360 = arith.mulf %gather3A_1319, %get3A_1359 : vector<16xf32>
        %add3A_1361 = arith.addf %add3A_1303, %mul3A_1360 : vector<16xf32>
        %get3A_1362 = arith.index_cast %add3A_1325 : i32 to index
        %get3A_1363 = arith.constant 96 : index
        %get3A_1364 = tpu.vector_load %arg11[%get3A_1362, %get3A_1363] {strides = array<i32>} : memref<128x128xf32, #tpu.memory_space<vmem>>, vector<1x16xf32>,
        %get3A_1365 = vector.shape_cast %get3A_1364 : vector<1x16xf32> to vector<16xf32>
        %mul3A_1366 = arith.mulf %gather3A_1319, %get3A_1365 : vector<16xf32>
        %add3A_1367 = arith.addf %add3A_1309, %mul3A_1366 : vector<16xf32>
        %get3A_1368 = arith.index_cast %add3A_1325 : i32 to index
        %get3A_1369 = arith.constant 112 : index
        %get3A_1370 = tpu.vector_load %arg11[%get3A_1368, %get3A_1369] {strides = array<i32>} : memref<128x128xf32, #tpu.memory_space<vmem>>, vector<1x16xf32>,
        %get3A_1371 = vector.shape_cast %get3A_1370 : vector<1x16xf32> to vector<16xf32>
        %mul3A_1372 = arith.mulf %gather3A_1319, %get3A_1371 : vector<16xf32>
        %add3A_1373 = arith.addf %add3A_1315, %mul3A_1372 : vector<16xf32>
        %broadcast_in_dim3A_1374 = arith.constant 6 : i32
        %broadcast_in_dim3A_1375 = vector.broadcast %broadcast_in_dim3A_1374 : i32 to vector<16x1xi32>
        %gather3A_1376 = vector.shape_cast %broadcast_in_dim3A_1375 : vector<16x1xi32> to vector<16xi32>
        %gather3A_1377 = tpu.dynamic_gather %get3A_1025[%gather3A_1376] in [0] : vector<16xf32>, vector<16xi32> -> vector<16xf32>
        %mul3A_1378 = arith.constant 32 : i32
        %mul3A_1379 = arith.muli %scan3A_70, %mul3A_1378 : i32
        %add3A_1380 = arith.constant 16 : i32
        %add3A_1381 = arith.addi %mul3A_1379, %add3A_1380 : i32
        %add3A_1382 = arith.constant 6 : i32
        %add3A_1383 = arith.addi %add3A_1381, %add3A_1382 : i32
        %get3A_1384 = arith.index_cast %add3A_1383 : i32 to index
        %get3A_1385 = arith.constant 0 : index
        %get3A_1386 = tpu.vector_load %arg11[%get3A_1384, %get3A_1385] {strides = array<i32>} : memref<128x128xf32, #tpu.memory_space<vmem>>, vector<1x16xf32>,
        %get3A_1387 = vector.shape_cast %get3A_1386 : vector<1x16xf32> to vector<16xf32>
        %mul3A_1388 = arith.mulf %gather3A_1377, %get3A_1387 : vector<16xf32>
        %add3A_1389 = arith.addf %add3A_1331, %mul3A_1388 : vector<16xf32>
        %get3A_1390 = arith.index_cast %add3A_1383 : i32 to index
        %get3A_1391 = arith.constant 16 : index
        %get3A_1392 = tpu.vector_load %arg11[%get3A_1390, %get3A_1391] {strides = array<i32>} : memref<128x128xf32, #tpu.memory_space<vmem>>, vector<1x16xf32>,
        %get3A_1393 = vector.shape_cast %get3A_1392 : vector<1x16xf32> to vector<16xf32>
        %mul3A_1394 = arith.mulf %gather3A_1377, %get3A_1393 : vector<16xf32>
        %add3A_1395 = arith.addf %add3A_1337, %mul3A_1394 : vector<16xf32>
        %get3A_1396 = arith.index_cast %add3A_1383 : i32 to index
        %get3A_1397 = arith.constant 32 : index
        %get3A_1398 = tpu.vector_load %arg11[%get3A_1396, %get3A_1397] {strides = array<i32>} : memref<128x128xf32, #tpu.memory_space<vmem>>, vector<1x16xf32>,
        %get3A_1399 = vector.shape_cast %get3A_1398 : vector<1x16xf32> to vector<16xf32>
        %mul3A_1400 = arith.mulf %gather3A_1377, %get3A_1399 : vector<16xf32>
        %add3A_1401 = arith.addf %add3A_1343, %mul3A_1400 : vector<16xf32>
        %get3A_1402 = arith.index_cast %add3A_1383 : i32 to index
        %get3A_1403 = arith.constant 48 : index
        %get3A_1404 = tpu.vector_load %arg11[%get3A_1402, %get3A_1403] {strides = array<i32>} : memref<128x128xf32, #tpu.memory_space<vmem>>, vector<1x16xf32>,
        %get3A_1405 = vector.shape_cast %get3A_1404 : vector<1x16xf32> to vector<16xf32>
        %mul3A_1406 = arith.mulf %gather3A_1377, %get3A_1405 : vector<16xf32>
        %add3A_1407 = arith.addf %add3A_1349, %mul3A_1406 : vector<16xf32>
        %get3A_1408 = arith.index_cast %add3A_1383 : i32 to index
        %get3A_1409 = arith.constant 64 : index
        %get3A_1410 = tpu.vector_load %arg11[%get3A_1408, %get3A_1409] {strides = array<i32>} : memref<128x128xf32, #tpu.memory_space<vmem>>, vector<1x16xf32>,
        %get3A_1411 = vector.shape_cast %get3A_1410 : vector<1x16xf32> to vector<16xf32>
        %mul3A_1412 = arith.mulf %gather3A_1377, %get3A_1411 : vector<16xf32>
        %add3A_1413 = arith.addf %add3A_1355, %mul3A_1412 : vector<16xf32>
        %get3A_1414 = arith.index_cast %add3A_1383 : i32 to index
        %get3A_1415 = arith.constant 80 : index
        %get3A_1416 = tpu.vector_load %arg11[%get3A_1414, %get3A_1415] {strides = array<i32>} : memref<128x128xf32, #tpu.memory_space<vmem>>, vector<1x16xf32>,
        %get3A_1417 = vector.shape_cast %get3A_1416 : vector<1x16xf32> to vector<16xf32>
        %mul3A_1418 = arith.mulf %gather3A_1377, %get3A_1417 : vector<16xf32>
        %add3A_1419 = arith.addf %add3A_1361, %mul3A_1418 : vector<16xf32>
        %get3A_1420 = arith.index_cast %add3A_1383 : i32 to index
        %get3A_1421 = arith.constant 96 : index
        %get3A_1422 = tpu.vector_load %arg11[%get3A_1420, %get3A_1421] {strides = array<i32>} : memref<128x128xf32, #tpu.memory_space<vmem>>, vector<1x16xf32>,
        %get3A_1423 = vector.shape_cast %get3A_1422 : vector<1x16xf32> to vector<16xf32>
        %mul3A_1424 = arith.mulf %gather3A_1377, %get3A_1423 : vector<16xf32>
        %add3A_1425 = arith.addf %add3A_1367, %mul3A_1424 : vector<16xf32>
        %get3A_1426 = arith.index_cast %add3A_1383 : i32 to index
        %get3A_1427 = arith.constant 112 : index
        %get3A_1428 = tpu.vector_load %arg11[%get3A_1426, %get3A_1427] {strides = array<i32>} : memref<128x128xf32, #tpu.memory_space<vmem>>, vector<1x16xf32>,
        %get3A_1429 = vector.shape_cast %get3A_1428 : vector<1x16xf32> to vector<16xf32>
        %mul3A_1430 = arith.mulf %gather3A_1377, %get3A_1429 : vector<16xf32>
        %add3A_1431 = arith.addf %add3A_1373, %mul3A_1430 : vector<16xf32>
        %broadcast_in_dim3A_1432 = arith.constant 7 : i32
        %broadcast_in_dim3A_1433 = vector.broadcast %broadcast_in_dim3A_1432 : i32 to vector<16x1xi32>
        %gather3A_1434 = vector.shape_cast %broadcast_in_dim3A_1433 : vector<16x1xi32> to vector<16xi32>
        %gather3A_1435 = tpu.dynamic_gather %get3A_1025[%gather3A_1434] in [0] : vector<16xf32>, vector<16xi32> -> vector<16xf32>
        %mul3A_1436 = arith.constant 32 : i32
        %mul3A_1437 = arith.muli %scan3A_70, %mul3A_1436 : i32
        %add3A_1438 = arith.constant 16 : i32
        %add3A_1439 = arith.addi %mul3A_1437, %add3A_1438 : i32
        %add3A_1440 = arith.constant 7 : i32
        %add3A_1441 = arith.addi %add3A_1439, %add3A_1440 : i32
        %get3A_1442 = arith.index_cast %add3A_1441 : i32 to index
        %get3A_1443 = arith.constant 0 : index
        %get3A_1444 = tpu.vector_load %arg11[%get3A_1442, %get3A_1443] {strides = array<i32>} : memref<128x128xf32, #tpu.memory_space<vmem>>, vector<1x16xf32>,
        %get3A_1445 = vector.shape_cast %get3A_1444 : vector<1x16xf32> to vector<16xf32>
        %mul3A_1446 = arith.mulf %gather3A_1435, %get3A_1445 : vector<16xf32>
        %add3A_1447 = arith.addf %add3A_1389, %mul3A_1446 : vector<16xf32>
        %get3A_1448 = arith.index_cast %add3A_1441 : i32 to index
        %get3A_1449 = arith.constant 16 : index
        %get3A_1450 = tpu.vector_load %arg11[%get3A_1448, %get3A_1449] {strides = array<i32>} : memref<128x128xf32, #tpu.memory_space<vmem>>, vector<1x16xf32>,
        %get3A_1451 = vector.shape_cast %get3A_1450 : vector<1x16xf32> to vector<16xf32>
        %mul3A_1452 = arith.mulf %gather3A_1435, %get3A_1451 : vector<16xf32>
        %add3A_1453 = arith.addf %add3A_1395, %mul3A_1452 : vector<16xf32>
        %get3A_1454 = arith.index_cast %add3A_1441 : i32 to index
        %get3A_1455 = arith.constant 32 : index
        %get3A_1456 = tpu.vector_load %arg11[%get3A_1454, %get3A_1455] {strides = array<i32>} : memref<128x128xf32, #tpu.memory_space<vmem>>, vector<1x16xf32>,
        %get3A_1457 = vector.shape_cast %get3A_1456 : vector<1x16xf32> to vector<16xf32>
        %mul3A_1458 = arith.mulf %gather3A_1435, %get3A_1457 : vector<16xf32>
        %add3A_1459 = arith.addf %add3A_1401, %mul3A_1458 : vector<16xf32>
        %get3A_1460 = arith.index_cast %add3A_1441 : i32 to index
        %get3A_1461 = arith.constant 48 : index
        %get3A_1462 = tpu.vector_load %arg11[%get3A_1460, %get3A_1461] {strides = array<i32>} : memref<128x128xf32, #tpu.memory_space<vmem>>, vector<1x16xf32>,
        %get3A_1463 = vector.shape_cast %get3A_1462 : vector<1x16xf32> to vector<16xf32>
        %mul3A_1464 = arith.mulf %gather3A_1435, %get3A_1463 : vector<16xf32>
        %add3A_1465 = arith.addf %add3A_1407, %mul3A_1464 : vector<16xf32>
        %get3A_1466 = arith.index_cast %add3A_1441 : i32 to index
        %get3A_1467 = arith.constant 64 : index
        %get3A_1468 = tpu.vector_load %arg11[%get3A_1466, %get3A_1467] {strides = array<i32>} : memref<128x128xf32, #tpu.memory_space<vmem>>, vector<1x16xf32>,
        %get3A_1469 = vector.shape_cast %get3A_1468 : vector<1x16xf32> to vector<16xf32>
        %mul3A_1470 = arith.mulf %gather3A_1435, %get3A_1469 : vector<16xf32>
        %add3A_1471 = arith.addf %add3A_1413, %mul3A_1470 : vector<16xf32>
        %get3A_1472 = arith.index_cast %add3A_1441 : i32 to index
        %get3A_1473 = arith.constant 80 : index
        %get3A_1474 = tpu.vector_load %arg11[%get3A_1472, %get3A_1473] {strides = array<i32>} : memref<128x128xf32, #tpu.memory_space<vmem>>, vector<1x16xf32>,
        %get3A_1475 = vector.shape_cast %get3A_1474 : vector<1x16xf32> to vector<16xf32>
        %mul3A_1476 = arith.mulf %gather3A_1435, %get3A_1475 : vector<16xf32>
        %add3A_1477 = arith.addf %add3A_1419, %mul3A_1476 : vector<16xf32>
        %get3A_1478 = arith.index_cast %add3A_1441 : i32 to index
        %get3A_1479 = arith.constant 96 : index
        %get3A_1480 = tpu.vector_load %arg11[%get3A_1478, %get3A_1479] {strides = array<i32>} : memref<128x128xf32, #tpu.memory_space<vmem>>, vector<1x16xf32>,
        %get3A_1481 = vector.shape_cast %get3A_1480 : vector<1x16xf32> to vector<16xf32>
        %mul3A_1482 = arith.mulf %gather3A_1435, %get3A_1481 : vector<16xf32>
        %add3A_1483 = arith.addf %add3A_1425, %mul3A_1482 : vector<16xf32>
        %get3A_1484 = arith.index_cast %add3A_1441 : i32 to index
        %get3A_1485 = arith.constant 112 : index
        %get3A_1486 = tpu.vector_load %arg11[%get3A_1484, %get3A_1485] {strides = array<i32>} : memref<128x128xf32, #tpu.memory_space<vmem>>, vector<1x16xf32>,
        %get3A_1487 = vector.shape_cast %get3A_1486 : vector<1x16xf32> to vector<16xf32>
        %mul3A_1488 = arith.mulf %gather3A_1435, %get3A_1487 : vector<16xf32>
        %add3A_1489 = arith.addf %add3A_1431, %mul3A_1488 : vector<16xf32>
        %broadcast_in_dim3A_1490 = arith.constant 8 : i32
        %broadcast_in_dim3A_1491 = vector.broadcast %broadcast_in_dim3A_1490 : i32 to vector<16x1xi32>
        %gather3A_1492 = vector.shape_cast %broadcast_in_dim3A_1491 : vector<16x1xi32> to vector<16xi32>
        %gather3A_1493 = tpu.dynamic_gather %get3A_1025[%gather3A_1492] in [0] : vector<16xf32>, vector<16xi32> -> vector<16xf32>
        %mul3A_1494 = arith.constant 32 : i32
        %mul3A_1495 = arith.muli %scan3A_70, %mul3A_1494 : i32
        %add3A_1496 = arith.constant 16 : i32
        %add3A_1497 = arith.addi %mul3A_1495, %add3A_1496 : i32
        %add3A_1498 = arith.constant 8 : i32
        %add3A_1499 = arith.addi %add3A_1497, %add3A_1498 : i32
        %get3A_1500 = arith.index_cast %add3A_1499 : i32 to index
        %get3A_1501 = arith.constant 0 : index
        %get3A_1502 = tpu.vector_load %arg11[%get3A_1500, %get3A_1501] {strides = array<i32>} : memref<128x128xf32, #tpu.memory_space<vmem>>, vector<1x16xf32>,
        %get3A_1503 = vector.shape_cast %get3A_1502 : vector<1x16xf32> to vector<16xf32>
        %mul3A_1504 = arith.mulf %gather3A_1493, %get3A_1503 : vector<16xf32>
        %add3A_1505 = arith.addf %add3A_1447, %mul3A_1504 : vector<16xf32>
        %get3A_1506 = arith.index_cast %add3A_1499 : i32 to index
        %get3A_1507 = arith.constant 16 : index
        %get3A_1508 = tpu.vector_load %arg11[%get3A_1506, %get3A_1507] {strides = array<i32>} : memref<128x128xf32, #tpu.memory_space<vmem>>, vector<1x16xf32>,
        %get3A_1509 = vector.shape_cast %get3A_1508 : vector<1x16xf32> to vector<16xf32>
        %mul3A_1510 = arith.mulf %gather3A_1493, %get3A_1509 : vector<16xf32>
        %add3A_1511 = arith.addf %add3A_1453, %mul3A_1510 : vector<16xf32>
        %get3A_1512 = arith.index_cast %add3A_1499 : i32 to index
        %get3A_1513 = arith.constant 32 : index
        %get3A_1514 = tpu.vector_load %arg11[%get3A_1512, %get3A_1513] {strides = array<i32>} : memref<128x128xf32, #tpu.memory_space<vmem>>, vector<1x16xf32>,
        %get3A_1515 = vector.shape_cast %get3A_1514 : vector<1x16xf32> to vector<16xf32>
        %mul3A_1516 = arith.mulf %gather3A_1493, %get3A_1515 : vector<16xf32>
        %add3A_1517 = arith.addf %add3A_1459, %mul3A_1516 : vector<16xf32>
        %get3A_1518 = arith.index_cast %add3A_1499 : i32 to index
        %get3A_1519 = arith.constant 48 : index
        %get3A_1520 = tpu.vector_load %arg11[%get3A_1518, %get3A_1519] {strides = array<i32>} : memref<128x128xf32, #tpu.memory_space<vmem>>, vector<1x16xf32>,
        %get3A_1521 = vector.shape_cast %get3A_1520 : vector<1x16xf32> to vector<16xf32>
        %mul3A_1522 = arith.mulf %gather3A_1493, %get3A_1521 : vector<16xf32>
        %add3A_1523 = arith.addf %add3A_1465, %mul3A_1522 : vector<16xf32>
        %get3A_1524 = arith.index_cast %add3A_1499 : i32 to index
        %get3A_1525 = arith.constant 64 : index
        %get3A_1526 = tpu.vector_load %arg11[%get3A_1524, %get3A_1525] {strides = array<i32>} : memref<128x128xf32, #tpu.memory_space<vmem>>, vector<1x16xf32>,
        %get3A_1527 = vector.shape_cast %get3A_1526 : vector<1x16xf32> to vector<16xf32>
        %mul3A_1528 = arith.mulf %gather3A_1493, %get3A_1527 : vector<16xf32>
        %add3A_1529 = arith.addf %add3A_1471, %mul3A_1528 : vector<16xf32>
        %get3A_1530 = arith.index_cast %add3A_1499 : i32 to index
        %get3A_1531 = arith.constant 80 : index
        %get3A_1532 = tpu.vector_load %arg11[%get3A_1530, %get3A_1531] {strides = array<i32>} : memref<128x128xf32, #tpu.memory_space<vmem>>, vector<1x16xf32>,
        %get3A_1533 = vector.shape_cast %get3A_1532 : vector<1x16xf32> to vector<16xf32>
        %mul3A_1534 = arith.mulf %gather3A_1493, %get3A_1533 : vector<16xf32>
        %add3A_1535 = arith.addf %add3A_1477, %mul3A_1534 : vector<16xf32>
        %get3A_1536 = arith.index_cast %add3A_1499 : i32 to index
        %get3A_1537 = arith.constant 96 : index
        %get3A_1538 = tpu.vector_load %arg11[%get3A_1536, %get3A_1537] {strides = array<i32>} : memref<128x128xf32, #tpu.memory_space<vmem>>, vector<1x16xf32>,
        %get3A_1539 = vector.shape_cast %get3A_1538 : vector<1x16xf32> to vector<16xf32>
        %mul3A_1540 = arith.mulf %gather3A_1493, %get3A_1539 : vector<16xf32>
        %add3A_1541 = arith.addf %add3A_1483, %mul3A_1540 : vector<16xf32>
        %get3A_1542 = arith.index_cast %add3A_1499 : i32 to index
        %get3A_1543 = arith.constant 112 : index
        %get3A_1544 = tpu.vector_load %arg11[%get3A_1542, %get3A_1543] {strides = array<i32>} : memref<128x128xf32, #tpu.memory_space<vmem>>, vector<1x16xf32>,
        %get3A_1545 = vector.shape_cast %get3A_1544 : vector<1x16xf32> to vector<16xf32>
        %mul3A_1546 = arith.mulf %gather3A_1493, %get3A_1545 : vector<16xf32>
        %add3A_1547 = arith.addf %add3A_1489, %mul3A_1546 : vector<16xf32>
        %broadcast_in_dim3A_1548 = arith.constant 9 : i32
        %broadcast_in_dim3A_1549 = vector.broadcast %broadcast_in_dim3A_1548 : i32 to vector<16x1xi32>
        %gather3A_1550 = vector.shape_cast %broadcast_in_dim3A_1549 : vector<16x1xi32> to vector<16xi32>
        %gather3A_1551 = tpu.dynamic_gather %get3A_1025[%gather3A_1550] in [0] : vector<16xf32>, vector<16xi32> -> vector<16xf32>
        %mul3A_1552 = arith.constant 32 : i32
        %mul3A_1553 = arith.muli %scan3A_70, %mul3A_1552 : i32
        %add3A_1554 = arith.constant 16 : i32
        %add3A_1555 = arith.addi %mul3A_1553, %add3A_1554 : i32
        %add3A_1556 = arith.constant 9 : i32
        %add3A_1557 = arith.addi %add3A_1555, %add3A_1556 : i32
        %get3A_1558 = arith.index_cast %add3A_1557 : i32 to index
        %get3A_1559 = arith.constant 0 : index
        %get3A_1560 = tpu.vector_load %arg11[%get3A_1558, %get3A_1559] {strides = array<i32>} : memref<128x128xf32, #tpu.memory_space<vmem>>, vector<1x16xf32>,
        %get3A_1561 = vector.shape_cast %get3A_1560 : vector<1x16xf32> to vector<16xf32>
        %mul3A_1562 = arith.mulf %gather3A_1551, %get3A_1561 : vector<16xf32>
        %add3A_1563 = arith.addf %add3A_1505, %mul3A_1562 : vector<16xf32>
        %get3A_1564 = arith.index_cast %add3A_1557 : i32 to index
        %get3A_1565 = arith.constant 16 : index
        %get3A_1566 = tpu.vector_load %arg11[%get3A_1564, %get3A_1565] {strides = array<i32>} : memref<128x128xf32, #tpu.memory_space<vmem>>, vector<1x16xf32>,
        %get3A_1567 = vector.shape_cast %get3A_1566 : vector<1x16xf32> to vector<16xf32>
        %mul3A_1568 = arith.mulf %gather3A_1551, %get3A_1567 : vector<16xf32>
        %add3A_1569 = arith.addf %add3A_1511, %mul3A_1568 : vector<16xf32>
        %get3A_1570 = arith.index_cast %add3A_1557 : i32 to index
        %get3A_1571 = arith.constant 32 : index
        %get3A_1572 = tpu.vector_load %arg11[%get3A_1570, %get3A_1571] {strides = array<i32>} : memref<128x128xf32, #tpu.memory_space<vmem>>, vector<1x16xf32>,
        %get3A_1573 = vector.shape_cast %get3A_1572 : vector<1x16xf32> to vector<16xf32>
        %mul3A_1574 = arith.mulf %gather3A_1551, %get3A_1573 : vector<16xf32>
        %add3A_1575 = arith.addf %add3A_1517, %mul3A_1574 : vector<16xf32>
        %get3A_1576 = arith.index_cast %add3A_1557 : i32 to index
        %get3A_1577 = arith.constant 48 : index
        %get3A_1578 = tpu.vector_load %arg11[%get3A_1576, %get3A_1577] {strides = array<i32>} : memref<128x128xf32, #tpu.memory_space<vmem>>, vector<1x16xf32>,
        %get3A_1579 = vector.shape_cast %get3A_1578 : vector<1x16xf32> to vector<16xf32>
        %mul3A_1580 = arith.mulf %gather3A_1551, %get3A_1579 : vector<16xf32>
        %add3A_1581 = arith.addf %add3A_1523, %mul3A_1580 : vector<16xf32>
        %get3A_1582 = arith.index_cast %add3A_1557 : i32 to index
        %get3A_1583 = arith.constant 64 : index
        %get3A_1584 = tpu.vector_load %arg11[%get3A_1582, %get3A_1583] {strides = array<i32>} : memref<128x128xf32, #tpu.memory_space<vmem>>, vector<1x16xf32>,
        %get3A_1585 = vector.shape_cast %get3A_1584 : vector<1x16xf32> to vector<16xf32>
        %mul3A_1586 = arith.mulf %gather3A_1551, %get3A_1585 : vector<16xf32>
        %add3A_1587 = arith.addf %add3A_1529, %mul3A_1586 : vector<16xf32>
        %get3A_1588 = arith.index_cast %add3A_1557 : i32 to index
        %get3A_1589 = arith.constant 80 : index
        %get3A_1590 = tpu.vector_load %arg11[%get3A_1588, %get3A_1589] {strides = array<i32>} : memref<128x128xf32, #tpu.memory_space<vmem>>, vector<1x16xf32>,
        %get3A_1591 = vector.shape_cast %get3A_1590 : vector<1x16xf32> to vector<16xf32>
        %mul3A_1592 = arith.mulf %gather3A_1551, %get3A_1591 : vector<16xf32>
        %add3A_1593 = arith.addf %add3A_1535, %mul3A_1592 : vector<16xf32>
        %get3A_1594 = arith.index_cast %add3A_1557 : i32 to index
        %get3A_1595 = arith.constant 96 : index
        %get3A_1596 = tpu.vector_load %arg11[%get3A_1594, %get3A_1595] {strides = array<i32>} : memref<128x128xf32, #tpu.memory_space<vmem>>, vector<1x16xf32>,
        %get3A_1597 = vector.shape_cast %get3A_1596 : vector<1x16xf32> to vector<16xf32>
        %mul3A_1598 = arith.mulf %gather3A_1551, %get3A_1597 : vector<16xf32>
        %add3A_1599 = arith.addf %add3A_1541, %mul3A_1598 : vector<16xf32>
        %get3A_1600 = arith.index_cast %add3A_1557 : i32 to index
        %get3A_1601 = arith.constant 112 : index
        %get3A_1602 = tpu.vector_load %arg11[%get3A_1600, %get3A_1601] {strides = array<i32>} : memref<128x128xf32, #tpu.memory_space<vmem>>, vector<1x16xf32>,
        %get3A_1603 = vector.shape_cast %get3A_1602 : vector<1x16xf32> to vector<16xf32>
        %mul3A_1604 = arith.mulf %gather3A_1551, %get3A_1603 : vector<16xf32>
        %add3A_1605 = arith.addf %add3A_1547, %mul3A_1604 : vector<16xf32>
        %broadcast_in_dim3A_1606 = arith.constant 10 : i32
        %broadcast_in_dim3A_1607 = vector.broadcast %broadcast_in_dim3A_1606 : i32 to vector<16x1xi32>
        %gather3A_1608 = vector.shape_cast %broadcast_in_dim3A_1607 : vector<16x1xi32> to vector<16xi32>
        %gather3A_1609 = tpu.dynamic_gather %get3A_1025[%gather3A_1608] in [0] : vector<16xf32>, vector<16xi32> -> vector<16xf32>
        %mul3A_1610 = arith.constant 32 : i32
        %mul3A_1611 = arith.muli %scan3A_70, %mul3A_1610 : i32
        %add3A_1612 = arith.constant 16 : i32
        %add3A_1613 = arith.addi %mul3A_1611, %add3A_1612 : i32
        %add3A_1614 = arith.constant 10 : i32
        %add3A_1615 = arith.addi %add3A_1613, %add3A_1614 : i32
        %get3A_1616 = arith.index_cast %add3A_1615 : i32 to index
        %get3A_1617 = arith.constant 0 : index
        %get3A_1618 = tpu.vector_load %arg11[%get3A_1616, %get3A_1617] {strides = array<i32>} : memref<128x128xf32, #tpu.memory_space<vmem>>, vector<1x16xf32>,
        %get3A_1619 = vector.shape_cast %get3A_1618 : vector<1x16xf32> to vector<16xf32>
        %mul3A_1620 = arith.mulf %gather3A_1609, %get3A_1619 : vector<16xf32>
        %add3A_1621 = arith.addf %add3A_1563, %mul3A_1620 : vector<16xf32>
        %get3A_1622 = arith.index_cast %add3A_1615 : i32 to index
        %get3A_1623 = arith.constant 16 : index
        %get3A_1624 = tpu.vector_load %arg11[%get3A_1622, %get3A_1623] {strides = array<i32>} : memref<128x128xf32, #tpu.memory_space<vmem>>, vector<1x16xf32>,
        %get3A_1625 = vector.shape_cast %get3A_1624 : vector<1x16xf32> to vector<16xf32>
        %mul3A_1626 = arith.mulf %gather3A_1609, %get3A_1625 : vector<16xf32>
        %add3A_1627 = arith.addf %add3A_1569, %mul3A_1626 : vector<16xf32>
        %get3A_1628 = arith.index_cast %add3A_1615 : i32 to index
        %get3A_1629 = arith.constant 32 : index
        %get3A_1630 = tpu.vector_load %arg11[%get3A_1628, %get3A_1629] {strides = array<i32>} : memref<128x128xf32, #tpu.memory_space<vmem>>, vector<1x16xf32>,
        %get3A_1631 = vector.shape_cast %get3A_1630 : vector<1x16xf32> to vector<16xf32>
        %mul3A_1632 = arith.mulf %gather3A_1609, %get3A_1631 : vector<16xf32>
        %add3A_1633 = arith.addf %add3A_1575, %mul3A_1632 : vector<16xf32>
        %get3A_1634 = arith.index_cast %add3A_1615 : i32 to index
        %get3A_1635 = arith.constant 48 : index
        %get3A_1636 = tpu.vector_load %arg11[%get3A_1634, %get3A_1635] {strides = array<i32>} : memref<128x128xf32, #tpu.memory_space<vmem>>, vector<1x16xf32>,
        %get3A_1637 = vector.shape_cast %get3A_1636 : vector<1x16xf32> to vector<16xf32>
        %mul3A_1638 = arith.mulf %gather3A_1609, %get3A_1637 : vector<16xf32>
        %add3A_1639 = arith.addf %add3A_1581, %mul3A_1638 : vector<16xf32>
        %get3A_1640 = arith.index_cast %add3A_1615 : i32 to index
        %get3A_1641 = arith.constant 64 : index
        %get3A_1642 = tpu.vector_load %arg11[%get3A_1640, %get3A_1641] {strides = array<i32>} : memref<128x128xf32, #tpu.memory_space<vmem>>, vector<1x16xf32>,
        %get3A_1643 = vector.shape_cast %get3A_1642 : vector<1x16xf32> to vector<16xf32>
        %mul3A_1644 = arith.mulf %gather3A_1609, %get3A_1643 : vector<16xf32>
        %add3A_1645 = arith.addf %add3A_1587, %mul3A_1644 : vector<16xf32>
        %get3A_1646 = arith.index_cast %add3A_1615 : i32 to index
        %get3A_1647 = arith.constant 80 : index
        %get3A_1648 = tpu.vector_load %arg11[%get3A_1646, %get3A_1647] {strides = array<i32>} : memref<128x128xf32, #tpu.memory_space<vmem>>, vector<1x16xf32>,
        %get3A_1649 = vector.shape_cast %get3A_1648 : vector<1x16xf32> to vector<16xf32>
        %mul3A_1650 = arith.mulf %gather3A_1609, %get3A_1649 : vector<16xf32>
        %add3A_1651 = arith.addf %add3A_1593, %mul3A_1650 : vector<16xf32>
        %get3A_1652 = arith.index_cast %add3A_1615 : i32 to index
        %get3A_1653 = arith.constant 96 : index
        %get3A_1654 = tpu.vector_load %arg11[%get3A_1652, %get3A_1653] {strides = array<i32>} : memref<128x128xf32, #tpu.memory_space<vmem>>, vector<1x16xf32>,
        %get3A_1655 = vector.shape_cast %get3A_1654 : vector<1x16xf32> to vector<16xf32>
        %mul3A_1656 = arith.mulf %gather3A_1609, %get3A_1655 : vector<16xf32>
        %add3A_1657 = arith.addf %add3A_1599, %mul3A_1656 : vector<16xf32>
        %get3A_1658 = arith.index_cast %add3A_1615 : i32 to index
        %get3A_1659 = arith.constant 112 : index
        %get3A_1660 = tpu.vector_load %arg11[%get3A_1658, %get3A_1659] {strides = array<i32>} : memref<128x128xf32, #tpu.memory_space<vmem>>, vector<1x16xf32>,
        %get3A_1661 = vector.shape_cast %get3A_1660 : vector<1x16xf32> to vector<16xf32>
        %mul3A_1662 = arith.mulf %gather3A_1609, %get3A_1661 : vector<16xf32>
        %add3A_1663 = arith.addf %add3A_1605, %mul3A_1662 : vector<16xf32>
        %broadcast_in_dim3A_1664 = arith.constant 11 : i32
        %broadcast_in_dim3A_1665 = vector.broadcast %broadcast_in_dim3A_1664 : i32 to vector<16x1xi32>
        %gather3A_1666 = vector.shape_cast %broadcast_in_dim3A_1665 : vector<16x1xi32> to vector<16xi32>
        %gather3A_1667 = tpu.dynamic_gather %get3A_1025[%gather3A_1666] in [0] : vector<16xf32>, vector<16xi32> -> vector<16xf32>
        %mul3A_1668 = arith.constant 32 : i32
        %mul3A_1669 = arith.muli %scan3A_70, %mul3A_1668 : i32
        %add3A_1670 = arith.constant 16 : i32
        %add3A_1671 = arith.addi %mul3A_1669, %add3A_1670 : i32
        %add3A_1672 = arith.constant 11 : i32
        %add3A_1673 = arith.addi %add3A_1671, %add3A_1672 : i32
        %get3A_1674 = arith.index_cast %add3A_1673 : i32 to index
        %get3A_1675 = arith.constant 0 : index
        %get3A_1676 = tpu.vector_load %arg11[%get3A_1674, %get3A_1675] {strides = array<i32>} : memref<128x128xf32, #tpu.memory_space<vmem>>, vector<1x16xf32>,
        %get3A_1677 = vector.shape_cast %get3A_1676 : vector<1x16xf32> to vector<16xf32>
        %mul3A_1678 = arith.mulf %gather3A_1667, %get3A_1677 : vector<16xf32>
        %add3A_1679 = arith.addf %add3A_1621, %mul3A_1678 : vector<16xf32>
        %get3A_1680 = arith.index_cast %add3A_1673 : i32 to index
        %get3A_1681 = arith.constant 16 : index
        %get3A_1682 = tpu.vector_load %arg11[%get3A_1680, %get3A_1681] {strides = array<i32>} : memref<128x128xf32, #tpu.memory_space<vmem>>, vector<1x16xf32>,
        %get3A_1683 = vector.shape_cast %get3A_1682 : vector<1x16xf32> to vector<16xf32>
        %mul3A_1684 = arith.mulf %gather3A_1667, %get3A_1683 : vector<16xf32>
        %add3A_1685 = arith.addf %add3A_1627, %mul3A_1684 : vector<16xf32>
        %get3A_1686 = arith.index_cast %add3A_1673 : i32 to index
        %get3A_1687 = arith.constant 32 : index
        %get3A_1688 = tpu.vector_load %arg11[%get3A_1686, %get3A_1687] {strides = array<i32>} : memref<128x128xf32, #tpu.memory_space<vmem>>, vector<1x16xf32>,
        %get3A_1689 = vector.shape_cast %get3A_1688 : vector<1x16xf32> to vector<16xf32>
        %mul3A_1690 = arith.mulf %gather3A_1667, %get3A_1689 : vector<16xf32>
        %add3A_1691 = arith.addf %add3A_1633, %mul3A_1690 : vector<16xf32>
        %get3A_1692 = arith.index_cast %add3A_1673 : i32 to index
        %get3A_1693 = arith.constant 48 : index
        %get3A_1694 = tpu.vector_load %arg11[%get3A_1692, %get3A_1693] {strides = array<i32>} : memref<128x128xf32, #tpu.memory_space<vmem>>, vector<1x16xf32>,
        %get3A_1695 = vector.shape_cast %get3A_1694 : vector<1x16xf32> to vector<16xf32>
        %mul3A_1696 = arith.mulf %gather3A_1667, %get3A_1695 : vector<16xf32>
        %add3A_1697 = arith.addf %add3A_1639, %mul3A_1696 : vector<16xf32>
        %get3A_1698 = arith.index_cast %add3A_1673 : i32 to index
        %get3A_1699 = arith.constant 64 : index
        %get3A_1700 = tpu.vector_load %arg11[%get3A_1698, %get3A_1699] {strides = array<i32>} : memref<128x128xf32, #tpu.memory_space<vmem>>, vector<1x16xf32>,
        %get3A_1701 = vector.shape_cast %get3A_1700 : vector<1x16xf32> to vector<16xf32>
        %mul3A_1702 = arith.mulf %gather3A_1667, %get3A_1701 : vector<16xf32>
        %add3A_1703 = arith.addf %add3A_1645, %mul3A_1702 : vector<16xf32>
        %get3A_1704 = arith.index_cast %add3A_1673 : i32 to index
        %get3A_1705 = arith.constant 80 : index
        %get3A_1706 = tpu.vector_load %arg11[%get3A_1704, %get3A_1705] {strides = array<i32>} : memref<128x128xf32, #tpu.memory_space<vmem>>, vector<1x16xf32>,
        %get3A_1707 = vector.shape_cast %get3A_1706 : vector<1x16xf32> to vector<16xf32>
        %mul3A_1708 = arith.mulf %gather3A_1667, %get3A_1707 : vector<16xf32>
        %add3A_1709 = arith.addf %add3A_1651, %mul3A_1708 : vector<16xf32>
        %get3A_1710 = arith.index_cast %add3A_1673 : i32 to index
        %get3A_1711 = arith.constant 96 : index
        %get3A_1712 = tpu.vector_load %arg11[%get3A_1710, %get3A_1711] {strides = array<i32>} : memref<128x128xf32, #tpu.memory_space<vmem>>, vector<1x16xf32>,
        %get3A_1713 = vector.shape_cast %get3A_1712 : vector<1x16xf32> to vector<16xf32>
        %mul3A_1714 = arith.mulf %gather3A_1667, %get3A_1713 : vector<16xf32>
        %add3A_1715 = arith.addf %add3A_1657, %mul3A_1714 : vector<16xf32>
        %get3A_1716 = arith.index_cast %add3A_1673 : i32 to index
        %get3A_1717 = arith.constant 112 : index
        %get3A_1718 = tpu.vector_load %arg11[%get3A_1716, %get3A_1717] {strides = array<i32>} : memref<128x128xf32, #tpu.memory_space<vmem>>, vector<1x16xf32>,
        %get3A_1719 = vector.shape_cast %get3A_1718 : vector<1x16xf32> to vector<16xf32>
        %mul3A_1720 = arith.mulf %gather3A_1667, %get3A_1719 : vector<16xf32>
        %add3A_1721 = arith.addf %add3A_1663, %mul3A_1720 : vector<16xf32>
        %broadcast_in_dim3A_1722 = arith.constant 12 : i32
        %broadcast_in_dim3A_1723 = vector.broadcast %broadcast_in_dim3A_1722 : i32 to vector<16x1xi32>
        %gather3A_1724 = vector.shape_cast %broadcast_in_dim3A_1723 : vector<16x1xi32> to vector<16xi32>
        %gather3A_1725 = tpu.dynamic_gather %get3A_1025[%gather3A_1724] in [0] : vector<16xf32>, vector<16xi32> -> vector<16xf32>
        %mul3A_1726 = arith.constant 32 : i32
        %mul3A_1727 = arith.muli %scan3A_70, %mul3A_1726 : i32
        %add3A_1728 = arith.constant 16 : i32
        %add3A_1729 = arith.addi %mul3A_1727, %add3A_1728 : i32
        %add3A_1730 = arith.constant 12 : i32
        %add3A_1731 = arith.addi %add3A_1729, %add3A_1730 : i32
        %get3A_1732 = arith.index_cast %add3A_1731 : i32 to index
        %get3A_1733 = arith.constant 0 : index
        %get3A_1734 = tpu.vector_load %arg11[%get3A_1732, %get3A_1733] {strides = array<i32>} : memref<128x128xf32, #tpu.memory_space<vmem>>, vector<1x16xf32>,
        %get3A_1735 = vector.shape_cast %get3A_1734 : vector<1x16xf32> to vector<16xf32>
        %mul3A_1736 = arith.mulf %gather3A_1725, %get3A_1735 : vector<16xf32>
        %add3A_1737 = arith.addf %add3A_1679, %mul3A_1736 : vector<16xf32>
        %get3A_1738 = arith.index_cast %add3A_1731 : i32 to index
        %get3A_1739 = arith.constant 16 : index
        %get3A_1740 = tpu.vector_load %arg11[%get3A_1738, %get3A_1739] {strides = array<i32>} : memref<128x128xf32, #tpu.memory_space<vmem>>, vector<1x16xf32>,
        %get3A_1741 = vector.shape_cast %get3A_1740 : vector<1x16xf32> to vector<16xf32>
        %mul3A_1742 = arith.mulf %gather3A_1725, %get3A_1741 : vector<16xf32>
        %add3A_1743 = arith.addf %add3A_1685, %mul3A_1742 : vector<16xf32>
        %get3A_1744 = arith.index_cast %add3A_1731 : i32 to index
        %get3A_1745 = arith.constant 32 : index
        %get3A_1746 = tpu.vector_load %arg11[%get3A_1744, %get3A_1745] {strides = array<i32>} : memref<128x128xf32, #tpu.memory_space<vmem>>, vector<1x16xf32>,
        %get3A_1747 = vector.shape_cast %get3A_1746 : vector<1x16xf32> to vector<16xf32>
        %mul3A_1748 = arith.mulf %gather3A_1725, %get3A_1747 : vector<16xf32>
        %add3A_1749 = arith.addf %add3A_1691, %mul3A_1748 : vector<16xf32>
        %get3A_1750 = arith.index_cast %add3A_1731 : i32 to index
        %get3A_1751 = arith.constant 48 : index
        %get3A_1752 = tpu.vector_load %arg11[%get3A_1750, %get3A_1751] {strides = array<i32>} : memref<128x128xf32, #tpu.memory_space<vmem>>, vector<1x16xf32>,
        %get3A_1753 = vector.shape_cast %get3A_1752 : vector<1x16xf32> to vector<16xf32>
        %mul3A_1754 = arith.mulf %gather3A_1725, %get3A_1753 : vector<16xf32>
        %add3A_1755 = arith.addf %add3A_1697, %mul3A_1754 : vector<16xf32>
        %get3A_1756 = arith.index_cast %add3A_1731 : i32 to index
        %get3A_1757 = arith.constant 64 : index
        %get3A_1758 = tpu.vector_load %arg11[%get3A_1756, %get3A_1757] {strides = array<i32>} : memref<128x128xf32, #tpu.memory_space<vmem>>, vector<1x16xf32>,
        %get3A_1759 = vector.shape_cast %get3A_1758 : vector<1x16xf32> to vector<16xf32>
        %mul3A_1760 = arith.mulf %gather3A_1725, %get3A_1759 : vector<16xf32>
        %add3A_1761 = arith.addf %add3A_1703, %mul3A_1760 : vector<16xf32>
        %get3A_1762 = arith.index_cast %add3A_1731 : i32 to index
        %get3A_1763 = arith.constant 80 : index
        %get3A_1764 = tpu.vector_load %arg11[%get3A_1762, %get3A_1763] {strides = array<i32>} : memref<128x128xf32, #tpu.memory_space<vmem>>, vector<1x16xf32>,
        %get3A_1765 = vector.shape_cast %get3A_1764 : vector<1x16xf32> to vector<16xf32>
        %mul3A_1766 = arith.mulf %gather3A_1725, %get3A_1765 : vector<16xf32>
        %add3A_1767 = arith.addf %add3A_1709, %mul3A_1766 : vector<16xf32>
        %get3A_1768 = arith.index_cast %add3A_1731 : i32 to index
        %get3A_1769 = arith.constant 96 : index
        %get3A_1770 = tpu.vector_load %arg11[%get3A_1768, %get3A_1769] {strides = array<i32>} : memref<128x128xf32, #tpu.memory_space<vmem>>, vector<1x16xf32>,
        %get3A_1771 = vector.shape_cast %get3A_1770 : vector<1x16xf32> to vector<16xf32>
        %mul3A_1772 = arith.mulf %gather3A_1725, %get3A_1771 : vector<16xf32>
        %add3A_1773 = arith.addf %add3A_1715, %mul3A_1772 : vector<16xf32>
        %get3A_1774 = arith.index_cast %add3A_1731 : i32 to index
        %get3A_1775 = arith.constant 112 : index
        %get3A_1776 = tpu.vector_load %arg11[%get3A_1774, %get3A_1775] {strides = array<i32>} : memref<128x128xf32, #tpu.memory_space<vmem>>, vector<1x16xf32>,
        %get3A_1777 = vector.shape_cast %get3A_1776 : vector<1x16xf32> to vector<16xf32>
        %mul3A_1778 = arith.mulf %gather3A_1725, %get3A_1777 : vector<16xf32>
        %add3A_1779 = arith.addf %add3A_1721, %mul3A_1778 : vector<16xf32>
        %broadcast_in_dim3A_1780 = arith.constant 13 : i32
        %broadcast_in_dim3A_1781 = vector.broadcast %broadcast_in_dim3A_1780 : i32 to vector<16x1xi32>
        %gather3A_1782 = vector.shape_cast %broadcast_in_dim3A_1781 : vector<16x1xi32> to vector<16xi32>
        %gather3A_1783 = tpu.dynamic_gather %get3A_1025[%gather3A_1782] in [0] : vector<16xf32>, vector<16xi32> -> vector<16xf32>
        %mul3A_1784 = arith.constant 32 : i32
        %mul3A_1785 = arith.muli %scan3A_70, %mul3A_1784 : i32
        %add3A_1786 = arith.constant 16 : i32
        %add3A_1787 = arith.addi %mul3A_1785, %add3A_1786 : i32
        %add3A_1788 = arith.constant 13 : i32
        %add3A_1789 = arith.addi %add3A_1787, %add3A_1788 : i32
        %get3A_1790 = arith.index_cast %add3A_1789 : i32 to index
        %get3A_1791 = arith.constant 0 : index
        %get3A_1792 = tpu.vector_load %arg11[%get3A_1790, %get3A_1791] {strides = array<i32>} : memref<128x128xf32, #tpu.memory_space<vmem>>, vector<1x16xf32>,
        %get3A_1793 = vector.shape_cast %get3A_1792 : vector<1x16xf32> to vector<16xf32>
        %mul3A_1794 = arith.mulf %gather3A_1783, %get3A_1793 : vector<16xf32>
        %add3A_1795 = arith.addf %add3A_1737, %mul3A_1794 : vector<16xf32>
        %get3A_1796 = arith.index_cast %add3A_1789 : i32 to index
        %get3A_1797 = arith.constant 16 : index
        %get3A_1798 = tpu.vector_load %arg11[%get3A_1796, %get3A_1797] {strides = array<i32>} : memref<128x128xf32, #tpu.memory_space<vmem>>, vector<1x16xf32>,
        %get3A_1799 = vector.shape_cast %get3A_1798 : vector<1x16xf32> to vector<16xf32>
        %mul3A_1800 = arith.mulf %gather3A_1783, %get3A_1799 : vector<16xf32>
        %add3A_1801 = arith.addf %add3A_1743, %mul3A_1800 : vector<16xf32>
        %get3A_1802 = arith.index_cast %add3A_1789 : i32 to index
        %get3A_1803 = arith.constant 32 : index
        %get3A_1804 = tpu.vector_load %arg11[%get3A_1802, %get3A_1803] {strides = array<i32>} : memref<128x128xf32, #tpu.memory_space<vmem>>, vector<1x16xf32>,
        %get3A_1805 = vector.shape_cast %get3A_1804 : vector<1x16xf32> to vector<16xf32>
        %mul3A_1806 = arith.mulf %gather3A_1783, %get3A_1805 : vector<16xf32>
        %add3A_1807 = arith.addf %add3A_1749, %mul3A_1806 : vector<16xf32>
        %get3A_1808 = arith.index_cast %add3A_1789 : i32 to index
        %get3A_1809 = arith.constant 48 : index
        %get3A_1810 = tpu.vector_load %arg11[%get3A_1808, %get3A_1809] {strides = array<i32>} : memref<128x128xf32, #tpu.memory_space<vmem>>, vector<1x16xf32>,
        %get3A_1811 = vector.shape_cast %get3A_1810 : vector<1x16xf32> to vector<16xf32>
        %mul3A_1812 = arith.mulf %gather3A_1783, %get3A_1811 : vector<16xf32>
        %add3A_1813 = arith.addf %add3A_1755, %mul3A_1812 : vector<16xf32>
        %get3A_1814 = arith.index_cast %add3A_1789 : i32 to index
        %get3A_1815 = arith.constant 64 : index
        %get3A_1816 = tpu.vector_load %arg11[%get3A_1814, %get3A_1815] {strides = array<i32>} : memref<128x128xf32, #tpu.memory_space<vmem>>, vector<1x16xf32>,
        %get3A_1817 = vector.shape_cast %get3A_1816 : vector<1x16xf32> to vector<16xf32>
        %mul3A_1818 = arith.mulf %gather3A_1783, %get3A_1817 : vector<16xf32>
        %add3A_1819 = arith.addf %add3A_1761, %mul3A_1818 : vector<16xf32>
        %get3A_1820 = arith.index_cast %add3A_1789 : i32 to index
        %get3A_1821 = arith.constant 80 : index
        %get3A_1822 = tpu.vector_load %arg11[%get3A_1820, %get3A_1821] {strides = array<i32>} : memref<128x128xf32, #tpu.memory_space<vmem>>, vector<1x16xf32>,
        %get3A_1823 = vector.shape_cast %get3A_1822 : vector<1x16xf32> to vector<16xf32>
        %mul3A_1824 = arith.mulf %gather3A_1783, %get3A_1823 : vector<16xf32>
        %add3A_1825 = arith.addf %add3A_1767, %mul3A_1824 : vector<16xf32>
        %get3A_1826 = arith.index_cast %add3A_1789 : i32 to index
        %get3A_1827 = arith.constant 96 : index
        %get3A_1828 = tpu.vector_load %arg11[%get3A_1826, %get3A_1827] {strides = array<i32>} : memref<128x128xf32, #tpu.memory_space<vmem>>, vector<1x16xf32>,
        %get3A_1829 = vector.shape_cast %get3A_1828 : vector<1x16xf32> to vector<16xf32>
        %mul3A_1830 = arith.mulf %gather3A_1783, %get3A_1829 : vector<16xf32>
        %add3A_1831 = arith.addf %add3A_1773, %mul3A_1830 : vector<16xf32>
        %get3A_1832 = arith.index_cast %add3A_1789 : i32 to index
        %get3A_1833 = arith.constant 112 : index
        %get3A_1834 = tpu.vector_load %arg11[%get3A_1832, %get3A_1833] {strides = array<i32>} : memref<128x128xf32, #tpu.memory_space<vmem>>, vector<1x16xf32>,
        %get3A_1835 = vector.shape_cast %get3A_1834 : vector<1x16xf32> to vector<16xf32>
        %mul3A_1836 = arith.mulf %gather3A_1783, %get3A_1835 : vector<16xf32>
        %add3A_1837 = arith.addf %add3A_1779, %mul3A_1836 : vector<16xf32>
        %broadcast_in_dim3A_1838 = arith.constant 14 : i32
        %broadcast_in_dim3A_1839 = vector.broadcast %broadcast_in_dim3A_1838 : i32 to vector<16x1xi32>
        %gather3A_1840 = vector.shape_cast %broadcast_in_dim3A_1839 : vector<16x1xi32> to vector<16xi32>
        %gather3A_1841 = tpu.dynamic_gather %get3A_1025[%gather3A_1840] in [0] : vector<16xf32>, vector<16xi32> -> vector<16xf32>
        %mul3A_1842 = arith.constant 32 : i32
        %mul3A_1843 = arith.muli %scan3A_70, %mul3A_1842 : i32
        %add3A_1844 = arith.constant 16 : i32
        %add3A_1845 = arith.addi %mul3A_1843, %add3A_1844 : i32
        %add3A_1846 = arith.constant 14 : i32
        %add3A_1847 = arith.addi %add3A_1845, %add3A_1846 : i32
        %get3A_1848 = arith.index_cast %add3A_1847 : i32 to index
        %get3A_1849 = arith.constant 0 : index
        %get3A_1850 = tpu.vector_load %arg11[%get3A_1848, %get3A_1849] {strides = array<i32>} : memref<128x128xf32, #tpu.memory_space<vmem>>, vector<1x16xf32>,
        %get3A_1851 = vector.shape_cast %get3A_1850 : vector<1x16xf32> to vector<16xf32>
        %mul3A_1852 = arith.mulf %gather3A_1841, %get3A_1851 : vector<16xf32>
        %add3A_1853 = arith.addf %add3A_1795, %mul3A_1852 : vector<16xf32>
        %get3A_1854 = arith.index_cast %add3A_1847 : i32 to index
        %get3A_1855 = arith.constant 16 : index
        %get3A_1856 = tpu.vector_load %arg11[%get3A_1854, %get3A_1855] {strides = array<i32>} : memref<128x128xf32, #tpu.memory_space<vmem>>, vector<1x16xf32>,
        %get3A_1857 = vector.shape_cast %get3A_1856 : vector<1x16xf32> to vector<16xf32>
        %mul3A_1858 = arith.mulf %gather3A_1841, %get3A_1857 : vector<16xf32>
        %add3A_1859 = arith.addf %add3A_1801, %mul3A_1858 : vector<16xf32>
        %get3A_1860 = arith.index_cast %add3A_1847 : i32 to index
        %get3A_1861 = arith.constant 32 : index
        %get3A_1862 = tpu.vector_load %arg11[%get3A_1860, %get3A_1861] {strides = array<i32>} : memref<128x128xf32, #tpu.memory_space<vmem>>, vector<1x16xf32>,
        %get3A_1863 = vector.shape_cast %get3A_1862 : vector<1x16xf32> to vector<16xf32>
        %mul3A_1864 = arith.mulf %gather3A_1841, %get3A_1863 : vector<16xf32>
        %add3A_1865 = arith.addf %add3A_1807, %mul3A_1864 : vector<16xf32>
        %get3A_1866 = arith.index_cast %add3A_1847 : i32 to index
        %get3A_1867 = arith.constant 48 : index
        %get3A_1868 = tpu.vector_load %arg11[%get3A_1866, %get3A_1867] {strides = array<i32>} : memref<128x128xf32, #tpu.memory_space<vmem>>, vector<1x16xf32>,
        %get3A_1869 = vector.shape_cast %get3A_1868 : vector<1x16xf32> to vector<16xf32>
        %mul3A_1870 = arith.mulf %gather3A_1841, %get3A_1869 : vector<16xf32>
        %add3A_1871 = arith.addf %add3A_1813, %mul3A_1870 : vector<16xf32>
        %get3A_1872 = arith.index_cast %add3A_1847 : i32 to index
        %get3A_1873 = arith.constant 64 : index
        %get3A_1874 = tpu.vector_load %arg11[%get3A_1872, %get3A_1873] {strides = array<i32>} : memref<128x128xf32, #tpu.memory_space<vmem>>, vector<1x16xf32>,
        %get3A_1875 = vector.shape_cast %get3A_1874 : vector<1x16xf32> to vector<16xf32>
        %mul3A_1876 = arith.mulf %gather3A_1841, %get3A_1875 : vector<16xf32>
        %add3A_1877 = arith.addf %add3A_1819, %mul3A_1876 : vector<16xf32>
        %get3A_1878 = arith.index_cast %add3A_1847 : i32 to index
        %get3A_1879 = arith.constant 80 : index
        %get3A_1880 = tpu.vector_load %arg11[%get3A_1878, %get3A_1879] {strides = array<i32>} : memref<128x128xf32, #tpu.memory_space<vmem>>, vector<1x16xf32>,
        %get3A_1881 = vector.shape_cast %get3A_1880 : vector<1x16xf32> to vector<16xf32>
        %mul3A_1882 = arith.mulf %gather3A_1841, %get3A_1881 : vector<16xf32>
        %add3A_1883 = arith.addf %add3A_1825, %mul3A_1882 : vector<16xf32>
        %get3A_1884 = arith.index_cast %add3A_1847 : i32 to index
        %get3A_1885 = arith.constant 96 : index
        %get3A_1886 = tpu.vector_load %arg11[%get3A_1884, %get3A_1885] {strides = array<i32>} : memref<128x128xf32, #tpu.memory_space<vmem>>, vector<1x16xf32>,
        %get3A_1887 = vector.shape_cast %get3A_1886 : vector<1x16xf32> to vector<16xf32>
        %mul3A_1888 = arith.mulf %gather3A_1841, %get3A_1887 : vector<16xf32>
        %add3A_1889 = arith.addf %add3A_1831, %mul3A_1888 : vector<16xf32>
        %get3A_1890 = arith.index_cast %add3A_1847 : i32 to index
        %get3A_1891 = arith.constant 112 : index
        %get3A_1892 = tpu.vector_load %arg11[%get3A_1890, %get3A_1891] {strides = array<i32>} : memref<128x128xf32, #tpu.memory_space<vmem>>, vector<1x16xf32>,
        %get3A_1893 = vector.shape_cast %get3A_1892 : vector<1x16xf32> to vector<16xf32>
        %mul3A_1894 = arith.mulf %gather3A_1841, %get3A_1893 : vector<16xf32>
        %add3A_1895 = arith.addf %add3A_1837, %mul3A_1894 : vector<16xf32>
        %broadcast_in_dim3A_1896 = arith.constant 15 : i32
        %broadcast_in_dim3A_1897 = vector.broadcast %broadcast_in_dim3A_1896 : i32 to vector<16x1xi32>
        %gather3A_1898 = vector.shape_cast %broadcast_in_dim3A_1897 : vector<16x1xi32> to vector<16xi32>
        %gather3A_1899 = tpu.dynamic_gather %get3A_1025[%gather3A_1898] in [0] : vector<16xf32>, vector<16xi32> -> vector<16xf32>
        %mul3A_1900 = arith.constant 32 : i32
        %mul3A_1901 = arith.muli %scan3A_70, %mul3A_1900 : i32
        %add3A_1902 = arith.constant 16 : i32
        %add3A_1903 = arith.addi %mul3A_1901, %add3A_1902 : i32
        %add3A_1904 = arith.constant 15 : i32
        %add3A_1905 = arith.addi %add3A_1903, %add3A_1904 : i32
        %get3A_1906 = arith.index_cast %add3A_1905 : i32 to index
        %get3A_1907 = arith.constant 0 : index
        %get3A_1908 = tpu.vector_load %arg11[%get3A_1906, %get3A_1907] {strides = array<i32>} : memref<128x128xf32, #tpu.memory_space<vmem>>, vector<1x16xf32>,
        %get3A_1909 = vector.shape_cast %get3A_1908 : vector<1x16xf32> to vector<16xf32>
        %mul3A_1910 = arith.mulf %gather3A_1899, %get3A_1909 : vector<16xf32>
        %add3A_1911 = arith.addf %add3A_1853, %mul3A_1910 : vector<16xf32>
        %get3A_1912 = arith.index_cast %add3A_1905 : i32 to index
        %get3A_1913 = arith.constant 16 : index
        %get3A_1914 = tpu.vector_load %arg11[%get3A_1912, %get3A_1913] {strides = array<i32>} : memref<128x128xf32, #tpu.memory_space<vmem>>, vector<1x16xf32>,
        %get3A_1915 = vector.shape_cast %get3A_1914 : vector<1x16xf32> to vector<16xf32>
        %mul3A_1916 = arith.mulf %gather3A_1899, %get3A_1915 : vector<16xf32>
        %add3A_1917 = arith.addf %add3A_1859, %mul3A_1916 : vector<16xf32>
        %get3A_1918 = arith.index_cast %add3A_1905 : i32 to index
        %get3A_1919 = arith.constant 32 : index
        %get3A_1920 = tpu.vector_load %arg11[%get3A_1918, %get3A_1919] {strides = array<i32>} : memref<128x128xf32, #tpu.memory_space<vmem>>, vector<1x16xf32>,
        %get3A_1921 = vector.shape_cast %get3A_1920 : vector<1x16xf32> to vector<16xf32>
        %mul3A_1922 = arith.mulf %gather3A_1899, %get3A_1921 : vector<16xf32>
        %add3A_1923 = arith.addf %add3A_1865, %mul3A_1922 : vector<16xf32>
        %get3A_1924 = arith.index_cast %add3A_1905 : i32 to index
        %get3A_1925 = arith.constant 48 : index
        %get3A_1926 = tpu.vector_load %arg11[%get3A_1924, %get3A_1925] {strides = array<i32>} : memref<128x128xf32, #tpu.memory_space<vmem>>, vector<1x16xf32>,
        %get3A_1927 = vector.shape_cast %get3A_1926 : vector<1x16xf32> to vector<16xf32>
        %mul3A_1928 = arith.mulf %gather3A_1899, %get3A_1927 : vector<16xf32>
        %add3A_1929 = arith.addf %add3A_1871, %mul3A_1928 : vector<16xf32>
        %get3A_1930 = arith.index_cast %add3A_1905 : i32 to index
        %get3A_1931 = arith.constant 64 : index
        %get3A_1932 = tpu.vector_load %arg11[%get3A_1930, %get3A_1931] {strides = array<i32>} : memref<128x128xf32, #tpu.memory_space<vmem>>, vector<1x16xf32>,
        %get3A_1933 = vector.shape_cast %get3A_1932 : vector<1x16xf32> to vector<16xf32>
        %mul3A_1934 = arith.mulf %gather3A_1899, %get3A_1933 : vector<16xf32>
        %add3A_1935 = arith.addf %add3A_1877, %mul3A_1934 : vector<16xf32>
        %get3A_1936 = arith.index_cast %add3A_1905 : i32 to index
        %get3A_1937 = arith.constant 80 : index
        %get3A_1938 = tpu.vector_load %arg11[%get3A_1936, %get3A_1937] {strides = array<i32>} : memref<128x128xf32, #tpu.memory_space<vmem>>, vector<1x16xf32>,
        %get3A_1939 = vector.shape_cast %get3A_1938 : vector<1x16xf32> to vector<16xf32>
        %mul3A_1940 = arith.mulf %gather3A_1899, %get3A_1939 : vector<16xf32>
        %add3A_1941 = arith.addf %add3A_1883, %mul3A_1940 : vector<16xf32>
        %get3A_1942 = arith.index_cast %add3A_1905 : i32 to index
        %get3A_1943 = arith.constant 96 : index
        %get3A_1944 = tpu.vector_load %arg11[%get3A_1942, %get3A_1943] {strides = array<i32>} : memref<128x128xf32, #tpu.memory_space<vmem>>, vector<1x16xf32>,
        %get3A_1945 = vector.shape_cast %get3A_1944 : vector<1x16xf32> to vector<16xf32>
        %mul3A_1946 = arith.mulf %gather3A_1899, %get3A_1945 : vector<16xf32>
        %add3A_1947 = arith.addf %add3A_1889, %mul3A_1946 : vector<16xf32>
        %get3A_1948 = arith.index_cast %add3A_1905 : i32 to index
        %get3A_1949 = arith.constant 112 : index
        %get3A_1950 = tpu.vector_load %arg11[%get3A_1948, %get3A_1949] {strides = array<i32>} : memref<128x128xf32, #tpu.memory_space<vmem>>, vector<1x16xf32>,
        %get3A_1951 = vector.shape_cast %get3A_1950 : vector<1x16xf32> to vector<16xf32>
        %mul3A_1952 = arith.mulf %gather3A_1899, %get3A_1951 : vector<16xf32>
        %add3A_1953 = arith.addf %add3A_1895, %mul3A_1952 : vector<16xf32>
        %swap3A = arith.index_cast %scan3A_70 : i32 to index
        %swap3A_1954 = arith.constant 0 : index
        %swap3A_1955 = tpu.vector_load %arg13[%swap3A, %swap3A_1954] {strides = array<i32>} : memref<4x128xf32, #tpu.memory_space<vmem>>, vector<1x16xf32>,
        %swap3A_1956 = vector.shape_cast %swap3A_1955 : vector<1x16xf32> to vector<16xf32>
        %swap3A_1957 = vector.shape_cast %add3A_1911 : vector<16xf32> to vector<1x16xf32>
        tpu.vector_store %arg13[%swap3A, %swap3A_1954], %swap3A_1957 {strides = array<i32>} : memref<4x128xf32, #tpu.memory_space<vmem>>, vector<1x16xf32>,
        %swap3A_1958 = arith.index_cast %scan3A_70 : i32 to index
        %swap3A_1959 = arith.constant 16 : index
        %swap3A_1960 = tpu.vector_load %arg13[%swap3A_1958, %swap3A_1959] {strides = array<i32>} : memref<4x128xf32, #tpu.memory_space<vmem>>, vector<1x16xf32>,
        %swap3A_1961 = vector.shape_cast %swap3A_1960 : vector<1x16xf32> to vector<16xf32>
        %swap3A_1962 = vector.shape_cast %add3A_1917 : vector<16xf32> to vector<1x16xf32>
        tpu.vector_store %arg13[%swap3A_1958, %swap3A_1959], %swap3A_1962 {strides = array<i32>} : memref<4x128xf32, #tpu.memory_space<vmem>>, vector<1x16xf32>,
        %swap3A_1963 = arith.index_cast %scan3A_70 : i32 to index
        %swap3A_1964 = arith.constant 32 : index
        %swap3A_1965 = tpu.vector_load %arg13[%swap3A_1963, %swap3A_1964] {strides = array<i32>} : memref<4x128xf32, #tpu.memory_space<vmem>>, vector<1x16xf32>,
        %swap3A_1966 = vector.shape_cast %swap3A_1965 : vector<1x16xf32> to vector<16xf32>
        %swap3A_1967 = vector.shape_cast %add3A_1923 : vector<16xf32> to vector<1x16xf32>
        tpu.vector_store %arg13[%swap3A_1963, %swap3A_1964], %swap3A_1967 {strides = array<i32>} : memref<4x128xf32, #tpu.memory_space<vmem>>, vector<1x16xf32>,
        %swap3A_1968 = arith.index_cast %scan3A_70 : i32 to index
        %swap3A_1969 = arith.constant 48 : index
        %swap3A_1970 = tpu.vector_load %arg13[%swap3A_1968, %swap3A_1969] {strides = array<i32>} : memref<4x128xf32, #tpu.memory_space<vmem>>, vector<1x16xf32>,
        %swap3A_1971 = vector.shape_cast %swap3A_1970 : vector<1x16xf32> to vector<16xf32>
        %swap3A_1972 = vector.shape_cast %add3A_1929 : vector<16xf32> to vector<1x16xf32>
        tpu.vector_store %arg13[%swap3A_1968, %swap3A_1969], %swap3A_1972 {strides = array<i32>} : memref<4x128xf32, #tpu.memory_space<vmem>>, vector<1x16xf32>,
        %swap3A_1973 = arith.index_cast %scan3A_70 : i32 to index
        %swap3A_1974 = arith.constant 64 : index
        %swap3A_1975 = tpu.vector_load %arg13[%swap3A_1973, %swap3A_1974] {strides = array<i32>} : memref<4x128xf32, #tpu.memory_space<vmem>>, vector<1x16xf32>,
        %swap3A_1976 = vector.shape_cast %swap3A_1975 : vector<1x16xf32> to vector<16xf32>
        %swap3A_1977 = vector.shape_cast %add3A_1935 : vector<16xf32> to vector<1x16xf32>
        tpu.vector_store %arg13[%swap3A_1973, %swap3A_1974], %swap3A_1977 {strides = array<i32>} : memref<4x128xf32, #tpu.memory_space<vmem>>, vector<1x16xf32>,
        %swap3A_1978 = arith.index_cast %scan3A_70 : i32 to index
        %swap3A_1979 = arith.constant 80 : index
        %swap3A_1980 = tpu.vector_load %arg13[%swap3A_1978, %swap3A_1979] {strides = array<i32>} : memref<4x128xf32, #tpu.memory_space<vmem>>, vector<1x16xf32>,
        %swap3A_1981 = vector.shape_cast %swap3A_1980 : vector<1x16xf32> to vector<16xf32>
        %swap3A_1982 = vector.shape_cast %add3A_1941 : vector<16xf32> to vector<1x16xf32>
        tpu.vector_store %arg13[%swap3A_1978, %swap3A_1979], %swap3A_1982 {strides = array<i32>} : memref<4x128xf32, #tpu.memory_space<vmem>>, vector<1x16xf32>,
        %swap3A_1983 = arith.index_cast %scan3A_70 : i32 to index
        %swap3A_1984 = arith.constant 96 : index
        %swap3A_1985 = tpu.vector_load %arg13[%swap3A_1983, %swap3A_1984] {strides = array<i32>} : memref<4x128xf32, #tpu.memory_space<vmem>>, vector<1x16xf32>,
        %swap3A_1986 = vector.shape_cast %swap3A_1985 : vector<1x16xf32> to vector<16xf32>
        %swap3A_1987 = vector.shape_cast %add3A_1947 : vector<16xf32> to vector<1x16xf32>
        tpu.vector_store %arg13[%swap3A_1983, %swap3A_1984], %swap3A_1987 {strides = array<i32>} : memref<4x128xf32, #tpu.memory_space<vmem>>, vector<1x16xf32>,
        %swap3A_1988 = arith.index_cast %scan3A_70 : i32 to index
        %swap3A_1989 = arith.constant 112 : index
        %swap3A_1990 = tpu.vector_load %arg13[%swap3A_1988, %swap3A_1989] {strides = array<i32>} : memref<4x128xf32, #tpu.memory_space<vmem>>, vector<1x16xf32>,
        %swap3A_1991 = vector.shape_cast %swap3A_1990 : vector<1x16xf32> to vector<16xf32>
        %swap3A_1992 = vector.shape_cast %add3A_1953 : vector<16xf32> to vector<1x16xf32>
        tpu.vector_store %arg13[%swap3A_1988, %swap3A_1989], %swap3A_1992 {strides = array<i32>} : memref<4x128xf32, #tpu.memory_space<vmem>>, vector<1x16xf32>,
      }
      %scan3A_59 = arith.constant 4 : i32
      %mul3A_60 = arith.constant 4 : i32
      %mul3A_61 = arith.muli %add3A_50, %mul3A_60 : i32
      %add3A_62 = arith.addi %mul3A_2, %mul3A_61 : i32
      "tpu.region"() ({
        %run_scoped3A = tpu.sem_alloc : memref<!tpu.dma_semaphore, #tpu.memory_space<semaphore_mem>>
        %dma_start3A_70 = arith.constant 0 : i32
        %dma_start3A_71 = tpu.memref_slice %arg5[%add3A_62, %dma_start3A_70] : memref<10240x128xf32, #tpu.memory_space<hbm>> -> memref<4x128xf32, #tpu.memory_space<hbm>>
        %dma_start3A_72 = arith.constant 0 : i32
        %dma_start3A_73 = tpu.memref_slice %arg5[%add3A_62, %dma_start3A_72] : memref<10240x128xf32, #tpu.memory_space<hbm>> -> memref<4x128xf32, #tpu.memory_space<hbm>>
        tpu.enqueue_dma source(%arg13 : memref<4x128xf32, #tpu.memory_space<vmem>>) target(%dma_start3A_73 : memref<4x128xf32, #tpu.memory_space<hbm>>) target_semaphore(%run_scoped3A : memref<!tpu.dma_semaphore, #tpu.memory_space<semaphore_mem>>)
        %dma_wait3A_74 = arith.constant 0 : i32
        %dma_wait3A_75 = tpu.memref_slice %arg5[%add3A_62, %dma_wait3A_74] : memref<10240x128xf32, #tpu.memory_space<hbm>> -> memref<4x128xf32, #tpu.memory_space<hbm>>
        %dma_wait3A_76 = arith.constant 0 : i32
        %dma_wait3A_77 = tpu.memref_slice %arg5[%add3A_62, %dma_wait3A_76] : memref<10240x128xf32, #tpu.memory_space<hbm>> -> memref<4x128xf32, #tpu.memory_space<hbm>>
        tpu.wait_dma2 semaphore(%run_scoped3A : memref<!tpu.dma_semaphore, #tpu.memory_space<semaphore_mem>>) src(%arg13 : memref<4x128xf32, #tpu.memory_space<vmem>>) dst(%dma_wait3A_77 : memref<4x128xf32, #tpu.memory_space<hbm>>)
        tpu.yield
      }) : () -> ()
      %add3A_63 = arith.constant 2 : i32
      %add3A_64 = arith.addi %add3A_50, %add3A_63 : i32
      %lt3A_65 = arith.constant 80 : i32
      %lt3A_66 = arith.cmpi slt, %add3A_64, %lt3A_65 : i32
      %convert_element_type3A_67 = arith.extui %lt3A_66 : i1 to i32
      %cond3A_68 = arith.constant 0 : i32
      %cond3A_69 = arith.cmpi ne, %convert_element_type3A_67, %cond3A_68 : i32
      scf.if %cond3A_69 {
        %add3A_70 = arith.addi %mul3A_4, %add3A_50 : i32
        %add3A_71 = arith.constant 2 : i32
        %add3A_72 = arith.addi %add3A_70, %add3A_71 : i32
        "tpu.region"() ({
          %run_scoped3A = tpu.sem_alloc : memref<!tpu.dma_semaphore, #tpu.memory_space<semaphore_mem>>
          %dma_start3A_79 = arith.constant 0 : i32
          %dma_start3A_80 = tpu.memref_slice %arg3[%add3A_72, %dma_start3A_79] : memref<2560x128xi32, #tpu.memory_space<hbm>> -> memref<1x128xi32, #tpu.memory_space<hbm>>
          %dma_start3A_81 = tpu.memref_squeeze %dma_start3A_80 : memref<1x128xi32, #tpu.memory_space<hbm>> -> memref<128xi32, #tpu.memory_space<hbm>>
          %dma_start3A_82 = arith.constant 0 : i32
          %dma_start3A_83 = tpu.memref_slice %arg3[%add3A_72, %dma_start3A_82] : memref<2560x128xi32, #tpu.memory_space<hbm>> -> memref<1x128xi32, #tpu.memory_space<hbm>>
          %dma_start3A_84 = tpu.memref_squeeze %dma_start3A_83 : memref<1x128xi32, #tpu.memory_space<hbm>> -> memref<128xi32, #tpu.memory_space<hbm>>
          tpu.enqueue_dma source(%dma_start3A_84 : memref<128xi32, #tpu.memory_space<hbm>>) target(%arg7 : memref<128xi32, #tpu.memory_space<vmem>>) target_semaphore(%run_scoped3A : memref<!tpu.dma_semaphore, #tpu.memory_space<semaphore_mem>>)
          %dma_wait3A_85 = arith.constant 0 : i32
          %dma_wait3A_86 = tpu.memref_slice %arg3[%add3A_72, %dma_wait3A_85] : memref<2560x128xi32, #tpu.memory_space<hbm>> -> memref<1x128xi32, #tpu.memory_space<hbm>>
          %dma_wait3A_87 = tpu.memref_squeeze %dma_wait3A_86 : memref<1x128xi32, #tpu.memory_space<hbm>> -> memref<128xi32, #tpu.memory_space<hbm>>
          %dma_wait3A_88 = arith.constant 0 : i32
          %dma_wait3A_89 = tpu.memref_slice %arg3[%add3A_72, %dma_wait3A_88] : memref<2560x128xi32, #tpu.memory_space<hbm>> -> memref<1x128xi32, #tpu.memory_space<hbm>>
          %dma_wait3A_90 = tpu.memref_squeeze %dma_wait3A_89 : memref<1x128xi32, #tpu.memory_space<hbm>> -> memref<128xi32, #tpu.memory_space<hbm>>
          tpu.wait_dma2 semaphore(%run_scoped3A : memref<!tpu.dma_semaphore, #tpu.memory_space<semaphore_mem>>) src(%dma_wait3A_90 : memref<128xi32, #tpu.memory_space<hbm>>) dst(%arg7 : memref<128xi32, #tpu.memory_space<vmem>>)
          tpu.yield
        }) : () -> ()
        %add3A_73 = arith.addi %mul3A_4, %add3A_50 : i32
        %add3A_74 = arith.constant 2 : i32
        %add3A_75 = arith.addi %add3A_73, %add3A_74 : i32
        "tpu.region"() ({
          %run_scoped3A = tpu.sem_alloc : memref<!tpu.dma_semaphore, #tpu.memory_space<semaphore_mem>>
          %dma_start3A_79 = arith.constant 0 : i32
          %dma_start3A_80 = tpu.memref_slice %arg4[%add3A_75, %dma_start3A_79] : memref<2560x128xf32, #tpu.memory_space<hbm>> -> memref<1x128xf32, #tpu.memory_space<hbm>>
          %dma_start3A_81 = tpu.memref_squeeze %dma_start3A_80 : memref<1x128xf32, #tpu.memory_space<hbm>> -> memref<128xf32, #tpu.memory_space<hbm>>
          %dma_start3A_82 = arith.constant 0 : i32
          %dma_start3A_83 = tpu.memref_slice %arg4[%add3A_75, %dma_start3A_82] : memref<2560x128xf32, #tpu.memory_space<hbm>> -> memref<1x128xf32, #tpu.memory_space<hbm>>
          %dma_start3A_84 = tpu.memref_squeeze %dma_start3A_83 : memref<1x128xf32, #tpu.memory_space<hbm>> -> memref<128xf32, #tpu.memory_space<hbm>>
          tpu.enqueue_dma source(%dma_start3A_84 : memref<128xf32, #tpu.memory_space<hbm>>) target(%arg9 : memref<128xf32, #tpu.memory_space<vmem>>) target_semaphore(%run_scoped3A : memref<!tpu.dma_semaphore, #tpu.memory_space<semaphore_mem>>)
          %dma_wait3A_85 = arith.constant 0 : i32
          %dma_wait3A_86 = tpu.memref_slice %arg4[%add3A_75, %dma_wait3A_85] : memref<2560x128xf32, #tpu.memory_space<hbm>> -> memref<1x128xf32, #tpu.memory_space<hbm>>
          %dma_wait3A_87 = tpu.memref_squeeze %dma_wait3A_86 : memref<1x128xf32, #tpu.memory_space<hbm>> -> memref<128xf32, #tpu.memory_space<hbm>>
          %dma_wait3A_88 = arith.constant 0 : i32
          %dma_wait3A_89 = tpu.memref_slice %arg4[%add3A_75, %dma_wait3A_88] : memref<2560x128xf32, #tpu.memory_space<hbm>> -> memref<1x128xf32, #tpu.memory_space<hbm>>
          %dma_wait3A_90 = tpu.memref_squeeze %dma_wait3A_89 : memref<1x128xf32, #tpu.memory_space<hbm>> -> memref<128xf32, #tpu.memory_space<hbm>>
          tpu.wait_dma2 semaphore(%run_scoped3A : memref<!tpu.dma_semaphore, #tpu.memory_space<semaphore_mem>>) src(%dma_wait3A_90 : memref<128xf32, #tpu.memory_space<hbm>>) dst(%arg9 : memref<128xf32, #tpu.memory_space<vmem>>)
          tpu.yield
        }) : () -> ()
        %dma_start3A_76 = arith.constant 0 : i32
        %dma_start3A_77 = arith.constant 0 : i32
        %dma_start3A_78 = tpu.memref_slice %arg12[%dma_start3A_76, %dma_start3A_77] : memref<10240x128xf32, #tpu.memory_space<vmem_shared>> -> memref<10240x128xf32, #tpu.memory_space<vmem_shared>>
        tpu.enqueue_indirect_dma source(%dma_start3A_78 : memref<10240x128xf32, #tpu.memory_space<vmem_shared>>) target(%arg11 : memref<128x128xf32, #tpu.memory_space<vmem>>) offsets(%arg7 : memref<128xi32, #tpu.memory_space<vmem>>) semaphore(%arg15 : memref<!tpu.dma_semaphore, #tpu.memory_space<semaphore_mem>>)
      } else {
      }
    }
    %scan3A_26 = arith.constant 40 : i32
    return
  }
}

module attributes {stable_mosaic.version = 14 : i64} {
  func.func @_h_body(%arg0: i32, %arg1: memref<512x128xf32, #tpu.memory_space<vmem>>, %arg2: memref<8x128xf32, #tpu.memory_space<vmem>>, %arg3: memref<8x128x128xf32, #tpu.memory_space<vmem>>, %arg4: memref<8x128xf32, #tpu.memory_space<vmem>>, %arg5: memref<8x128xf32, #tpu.memory_space<vmem>>, %arg6: memref<512x128xf32, #tpu.memory_space<vmem>>) attributes {dimension_semantics = [#tpu.dimension_semantics<arbitrary>], iteration_bounds = array<i64: 20>, scalar_prefetch = 0 : i64, scratch_operands = 0 : i64, tpu.core_type = #tpu.core_type<tc>, window_params = [{transform_indices = @transform_0, window_bounds = array<i64: 512, 128>}, {pipeline_mode = #tpu.pipeline_mode<synchronous>, transform_indices = @transform_1, window_bounds = array<i64: 8, 128>}, {pipeline_mode = #tpu.pipeline_mode<synchronous>, transform_indices = @transform_2, window_bounds = array<i64: 8, 128, 128>}, {pipeline_mode = #tpu.pipeline_mode<synchronous>, transform_indices = @transform_3, window_bounds = array<i64: 8, 128>}, {pipeline_mode = #tpu.pipeline_mode<synchronous>, transform_indices = @transform_4, window_bounds = array<i64: 8, 128>}, {transform_indices = @transform_5, window_bounds = array<i64: 512, 128>}]} {
    %get3A = arith.constant 0 : index
    %get3A_0 = arith.constant 0 : index
    %get3A_1 = vector.load %arg1[%get3A, %get3A_0] : memref<512x128xf32, #tpu.memory_space<vmem>>, vector<512x128xf32>
    %get3A_2 = arith.constant 0 : index
    %get3A_3 = arith.constant 0 : index
    %get3A_4 = vector.load %arg2[%get3A_2, %get3A_3] : memref<8x128xf32, #tpu.memory_space<vmem>>, vector<8x128xf32>
    %dot_general3A = arith.constant dense<0.000000e+00> : vector<512x8xf32>
    %dot_general3A_5 = tpu.matmul %get3A_1, %get3A_4, %dot_general3A {dimension_numbers = #tpu.dot_dimension_numbers<[1], [1], [0], [0], [0, 0, 1, 0], [], []>, precision = #tpu.contract_precision<fp32>, transpose_lhs_hint = false} : vector<512x128xf32>, vector<8x128xf32>, vector<512x8xf32> -> vector<512x8xf32>
    %neg3A = arith.constant 0.000000e+00 : f32
    %neg3A_6 = vector.broadcast %neg3A : f32 to vector<512x8xf32>
    %neg3A_7 = arith.subf %neg3A_6, %dot_general3A_5 : vector<512x8xf32>
    %max3A = arith.constant 1.00000012 : f32
    %max3A_8 = vector.broadcast %max3A : f32 to vector<512x8xf32>
    %max3A_9 = arith.maximumf %neg3A_7, %max3A_8 : vector<512x8xf32>
    %mul3A = arith.mulf %max3A_9, %max3A_9 : vector<512x8xf32>
    %sub3A = arith.constant 1.000000e+00 : f32
    %sub3A_10 = vector.broadcast %sub3A : f32 to vector<512x8xf32>
    %sub3A_11 = arith.subf %mul3A, %sub3A_10 : vector<512x8xf32>
    %sqrt3A = math.sqrt %sub3A_11 : vector<512x8xf32>
    %add3A = arith.addf %max3A_9, %sqrt3A : vector<512x8xf32>
    %log3A = math.log %add3A : vector<512x8xf32>
    %div3A = arith.constant 6.600000e-01 : f32
    %div3A_12 = vector.broadcast %div3A : f32 to vector<512x8xf32>
    %div3A_13 = arith.divf %log3A, %div3A_12 : vector<512x8xf32>
    %sub3A_14 = arith.constant 1.000000e+00 : f32
    %sub3A_15 = vector.broadcast %sub3A_14 : f32 to vector<512x8xf32>
    %sub3A_16 = arith.subf %sub3A_15, %div3A_13 : vector<512x8xf32>
    %max3A_17 = arith.constant 0.000000e+00 : f32
    %max3A_18 = vector.broadcast %max3A_17 : f32 to vector<512x8xf32>
    %max3A_19 = arith.maximumf %sub3A_16, %max3A_18 : vector<512x8xf32>
    %iota3A = tpu.iota {dimensions = array<i32: 1>} : vector<512x128xi32>
    %broadcast_in_dim3A = arith.constant 0.000000e+00 : f32
    %broadcast_in_dim3A_20 = vector.broadcast %broadcast_in_dim3A : f32 to vector<512x128xf32>
    %get3A_21 = arith.constant 0 : index
    %get3A_22 = arith.constant 0 : index
    %get3A_23 = arith.constant 0 : index
    %get3A_24 = vector.load %arg3[%get3A_21, %get3A_22, %get3A_23] : memref<8x128x128xf32, #tpu.memory_space<vmem>>, vector<1x128x128xf32>
    %get3A_25 = vector.shape_cast %get3A_24 : vector<1x128x128xf32> to vector<128x128xf32>
    %dot_general3A_26 = arith.constant dense<0.000000e+00> : vector<512x128xf32>
    %dot_general3A_27 = tpu.matmul %get3A_1, %get3A_25, %dot_general3A_26 {dimension_numbers = #tpu.dot_dimension_numbers<[1], [1], [0], [0], [0, 0, 1, 0], [], []>, transpose_lhs_hint = false} : vector<512x128xf32>, vector<128x128xf32>, vector<512x128xf32> -> vector<512x128xf32>
    %get3A_28 = arith.constant 0 : index
    %get3A_29 = arith.constant 0 : index
    %get3A_30 = vector.load %arg4[%get3A_28, %get3A_29] : memref<8x128xf32, #tpu.memory_space<vmem>>, vector<1x128xf32>
    %add3A_31 = vector.broadcast %get3A_30 : vector<1x128xf32> to vector<512x128xf32>
    %add3A_32 = arith.addf %dot_general3A_27, %add3A_31 : vector<512x128xf32>
    %slice3A = vector.extract_strided_slice %add3A_32 {offsets = [0, 0], sizes = [512, 1], strides = [1, 1]} : vector<512x128xf32> to vector<512x1xf32>
    %get3A_33 = arith.constant 0 : index
    %get3A_34 = arith.constant 0 : index
    %get3A_35 = vector.load %arg5[%get3A_33, %get3A_34] : memref<8x128xf32, #tpu.memory_space<vmem>>, vector<1x1xf32>
    %neg3A_36 = arith.constant 0.000000e+00 : f32
    %neg3A_37 = vector.broadcast %neg3A_36 : f32 to vector<512x1xf32>
    %neg3A_38 = arith.subf %neg3A_37, %slice3A : vector<512x1xf32>
    %exp3A = math.exp %neg3A_38 : vector<512x1xf32>
    %add3A_39 = arith.constant 1.000000e+00 : f32
    %add3A_40 = vector.broadcast %add3A_39 : f32 to vector<512x1xf32>
    %add3A_41 = arith.addf %add3A_40, %exp3A : vector<512x1xf32>
    %div3A_42 = vector.broadcast %get3A_35 : vector<1x1xf32> to vector<512x1xf32>
    %div3A_43 = arith.divf %div3A_42, %add3A_41 : vector<512x1xf32>
    %add3A_44 = arith.constant 1.000100e+00 : f32
    %add3A_45 = vector.broadcast %add3A_44 : f32 to vector<512x1xf32>
    %add3A_46 = arith.addf %div3A_43, %add3A_45 : vector<512x1xf32>
    %mul3A_47 = arith.mulf %add3A_32, %add3A_32 : vector<512x128xf32>
    %reduce_sum3A = arith.constant dense<0.000000e+00> : vector<512xf32>
    %reduce_sum3A_48 = vector.multi_reduction <add>, %mul3A_47, %reduce_sum3A [1] : vector<512x128xf32> to vector<512xf32>
    %broadcast_in_dim3A_49 = vector.shape_cast %reduce_sum3A_48 : vector<512xf32> to vector<512x1xf32>
    %mul3A_50 = arith.mulf %slice3A, %slice3A : vector<512x1xf32>
    %sub3A_51 = arith.subf %broadcast_in_dim3A_49, %mul3A_50 : vector<512x1xf32>
    %max3A_52 = arith.constant 9.99999993E-9 : f32
    %max3A_53 = vector.broadcast %max3A_52 : f32 to vector<512x1xf32>
    %max3A_54 = arith.maximumf %sub3A_51, %max3A_53 : vector<512x1xf32>
    %mul3A_55 = arith.mulf %add3A_46, %add3A_46 : vector<512x1xf32>
    %sub3A_56 = arith.constant 1.000000e+00 : f32
    %sub3A_57 = vector.broadcast %sub3A_56 : f32 to vector<512x1xf32>
    %sub3A_58 = arith.subf %mul3A_55, %sub3A_57 : vector<512x1xf32>
    %div3A_59 = arith.divf %sub3A_58, %max3A_54 : vector<512x1xf32>
    %sqrt3A_60 = math.sqrt %div3A_59 : vector<512x1xf32>
    %eq3A = arith.constant 0 : i32
    %eq3A_61 = vector.broadcast %eq3A : i32 to vector<512x128xi32>
    %eq3A_62 = arith.cmpi eq, %iota3A, %eq3A_61 : vector<512x128xi32>
    %mul3A_63 = vector.broadcast %sqrt3A_60 : vector<512x1xf32> to vector<512x128xf32>
    %mul3A_64 = arith.mulf %add3A_32, %mul3A_63 : vector<512x128xf32>
    %broadcast_in_dim3A_65 = vector.shape_cast %add3A_46 : vector<512x1xf32> to vector<512x1xf32>
    %broadcast_in_dim3A_66 = vector.broadcast %broadcast_in_dim3A_65 : vector<512x1xf32> to vector<512x128xf32>
    %select_n3A = arith.select %eq3A_62, %broadcast_in_dim3A_66, %mul3A_64 : vector<512x128xi1>, vector<512x128xf32>
    %slice3A_67 = vector.extract_strided_slice %max3A_19 {offsets = [0, 0], sizes = [512, 1], strides = [1, 1]} : vector<512x8xf32> to vector<512x1xf32>
    %mul3A_68 = vector.broadcast %slice3A_67 : vector<512x1xf32> to vector<512x128xf32>
    %mul3A_69 = arith.mulf %mul3A_68, %select_n3A : vector<512x128xf32>
    %add3A_70 = arith.addf %broadcast_in_dim3A_20, %mul3A_69 : vector<512x128xf32>
    %get3A_71 = arith.constant 1 : index
    %get3A_72 = arith.constant 0 : index
    %get3A_73 = arith.constant 0 : index
    %get3A_74 = vector.load %arg3[%get3A_71, %get3A_72, %get3A_73] : memref<8x128x128xf32, #tpu.memory_space<vmem>>, vector<1x128x128xf32>
    %get3A_75 = vector.shape_cast %get3A_74 : vector<1x128x128xf32> to vector<128x128xf32>
    %dot_general3A_76 = arith.constant dense<0.000000e+00> : vector<512x128xf32>
    %dot_general3A_77 = tpu.matmul %get3A_1, %get3A_75, %dot_general3A_76 {dimension_numbers = #tpu.dot_dimension_numbers<[1], [1], [0], [0], [0, 0, 1, 0], [], []>, transpose_lhs_hint = false} : vector<512x128xf32>, vector<128x128xf32>, vector<512x128xf32> -> vector<512x128xf32>
    %get3A_78 = arith.constant 1 : index
    %get3A_79 = arith.constant 0 : index
    %get3A_80 = vector.load %arg4[%get3A_78, %get3A_79] : memref<8x128xf32, #tpu.memory_space<vmem>>, vector<1x128xf32>
    %add3A_81 = vector.broadcast %get3A_80 : vector<1x128xf32> to vector<512x128xf32>
    %add3A_82 = arith.addf %dot_general3A_77, %add3A_81 : vector<512x128xf32>
    %slice3A_83 = vector.extract_strided_slice %add3A_82 {offsets = [0, 0], sizes = [512, 1], strides = [1, 1]} : vector<512x128xf32> to vector<512x1xf32>
    %get3A_84 = arith.constant 1 : index
    %get3A_85 = arith.constant 0 : index
    %get3A_86 = vector.load %arg5[%get3A_84, %get3A_85] : memref<8x128xf32, #tpu.memory_space<vmem>>, vector<1x1xf32>
    %neg3A_87 = arith.constant 0.000000e+00 : f32
    %neg3A_88 = vector.broadcast %neg3A_87 : f32 to vector<512x1xf32>
    %neg3A_89 = arith.subf %neg3A_88, %slice3A_83 : vector<512x1xf32>
    %exp3A_90 = math.exp %neg3A_89 : vector<512x1xf32>
    %add3A_91 = arith.constant 1.000000e+00 : f32
    %add3A_92 = vector.broadcast %add3A_91 : f32 to vector<512x1xf32>
    %add3A_93 = arith.addf %add3A_92, %exp3A_90 : vector<512x1xf32>
    %div3A_94 = vector.broadcast %get3A_86 : vector<1x1xf32> to vector<512x1xf32>
    %div3A_95 = arith.divf %div3A_94, %add3A_93 : vector<512x1xf32>
    %add3A_96 = arith.constant 1.000100e+00 : f32
    %add3A_97 = vector.broadcast %add3A_96 : f32 to vector<512x1xf32>
    %add3A_98 = arith.addf %div3A_95, %add3A_97 : vector<512x1xf32>
    %mul3A_99 = arith.mulf %add3A_82, %add3A_82 : vector<512x128xf32>
    %reduce_sum3A_100 = arith.constant dense<0.000000e+00> : vector<512xf32>
    %reduce_sum3A_101 = vector.multi_reduction <add>, %mul3A_99, %reduce_sum3A_100 [1] : vector<512x128xf32> to vector<512xf32>
    %broadcast_in_dim3A_102 = vector.shape_cast %reduce_sum3A_101 : vector<512xf32> to vector<512x1xf32>
    %mul3A_103 = arith.mulf %slice3A_83, %slice3A_83 : vector<512x1xf32>
    %sub3A_104 = arith.subf %broadcast_in_dim3A_102, %mul3A_103 : vector<512x1xf32>
    %max3A_105 = arith.constant 9.99999993E-9 : f32
    %max3A_106 = vector.broadcast %max3A_105 : f32 to vector<512x1xf32>
    %max3A_107 = arith.maximumf %sub3A_104, %max3A_106 : vector<512x1xf32>
    %mul3A_108 = arith.mulf %add3A_98, %add3A_98 : vector<512x1xf32>
    %sub3A_109 = arith.constant 1.000000e+00 : f32
    %sub3A_110 = vector.broadcast %sub3A_109 : f32 to vector<512x1xf32>
    %sub3A_111 = arith.subf %mul3A_108, %sub3A_110 : vector<512x1xf32>
    %div3A_112 = arith.divf %sub3A_111, %max3A_107 : vector<512x1xf32>
    %sqrt3A_113 = math.sqrt %div3A_112 : vector<512x1xf32>
    %eq3A_114 = arith.constant 0 : i32
    %eq3A_115 = vector.broadcast %eq3A_114 : i32 to vector<512x128xi32>
    %eq3A_116 = arith.cmpi eq, %iota3A, %eq3A_115 : vector<512x128xi32>
    %mul3A_117 = vector.broadcast %sqrt3A_113 : vector<512x1xf32> to vector<512x128xf32>
    %mul3A_118 = arith.mulf %add3A_82, %mul3A_117 : vector<512x128xf32>
    %broadcast_in_dim3A_119 = vector.shape_cast %add3A_98 : vector<512x1xf32> to vector<512x1xf32>
    %broadcast_in_dim3A_120 = vector.broadcast %broadcast_in_dim3A_119 : vector<512x1xf32> to vector<512x128xf32>
    %select_n3A_121 = arith.select %eq3A_116, %broadcast_in_dim3A_120, %mul3A_118 : vector<512x128xi1>, vector<512x128xf32>
    %slice3A_122 = vector.extract_strided_slice %max3A_19 {offsets = [0, 1], sizes = [512, 1], strides = [1, 1]} : vector<512x8xf32> to vector<512x1xf32>
    %mul3A_123 = vector.broadcast %slice3A_122 : vector<512x1xf32> to vector<512x128xf32>
    %mul3A_124 = arith.mulf %mul3A_123, %select_n3A_121 : vector<512x128xf32>
    %add3A_125 = arith.addf %add3A_70, %mul3A_124 : vector<512x128xf32>
    %get3A_126 = arith.constant 2 : index
    %get3A_127 = arith.constant 0 : index
    %get3A_128 = arith.constant 0 : index
    %get3A_129 = vector.load %arg3[%get3A_126, %get3A_127, %get3A_128] : memref<8x128x128xf32, #tpu.memory_space<vmem>>, vector<1x128x128xf32>
    %get3A_130 = vector.shape_cast %get3A_129 : vector<1x128x128xf32> to vector<128x128xf32>
    %dot_general3A_131 = arith.constant dense<0.000000e+00> : vector<512x128xf32>
    %dot_general3A_132 = tpu.matmul %get3A_1, %get3A_130, %dot_general3A_131 {dimension_numbers = #tpu.dot_dimension_numbers<[1], [1], [0], [0], [0, 0, 1, 0], [], []>, transpose_lhs_hint = false} : vector<512x128xf32>, vector<128x128xf32>, vector<512x128xf32> -> vector<512x128xf32>
    %get3A_133 = arith.constant 2 : index
    %get3A_134 = arith.constant 0 : index
    %get3A_135 = vector.load %arg4[%get3A_133, %get3A_134] : memref<8x128xf32, #tpu.memory_space<vmem>>, vector<1x128xf32>
    %add3A_136 = vector.broadcast %get3A_135 : vector<1x128xf32> to vector<512x128xf32>
    %add3A_137 = arith.addf %dot_general3A_132, %add3A_136 : vector<512x128xf32>
    %slice3A_138 = vector.extract_strided_slice %add3A_137 {offsets = [0, 0], sizes = [512, 1], strides = [1, 1]} : vector<512x128xf32> to vector<512x1xf32>
    %get3A_139 = arith.constant 2 : index
    %get3A_140 = arith.constant 0 : index
    %get3A_141 = vector.load %arg5[%get3A_139, %get3A_140] : memref<8x128xf32, #tpu.memory_space<vmem>>, vector<1x1xf32>
    %neg3A_142 = arith.constant 0.000000e+00 : f32
    %neg3A_143 = vector.broadcast %neg3A_142 : f32 to vector<512x1xf32>
    %neg3A_144 = arith.subf %neg3A_143, %slice3A_138 : vector<512x1xf32>
    %exp3A_145 = math.exp %neg3A_144 : vector<512x1xf32>
    %add3A_146 = arith.constant 1.000000e+00 : f32
    %add3A_147 = vector.broadcast %add3A_146 : f32 to vector<512x1xf32>
    %add3A_148 = arith.addf %add3A_147, %exp3A_145 : vector<512x1xf32>
    %div3A_149 = vector.broadcast %get3A_141 : vector<1x1xf32> to vector<512x1xf32>
    %div3A_150 = arith.divf %div3A_149, %add3A_148 : vector<512x1xf32>
    %add3A_151 = arith.constant 1.000100e+00 : f32
    %add3A_152 = vector.broadcast %add3A_151 : f32 to vector<512x1xf32>
    %add3A_153 = arith.addf %div3A_150, %add3A_152 : vector<512x1xf32>
    %mul3A_154 = arith.mulf %add3A_137, %add3A_137 : vector<512x128xf32>
    %reduce_sum3A_155 = arith.constant dense<0.000000e+00> : vector<512xf32>
    %reduce_sum3A_156 = vector.multi_reduction <add>, %mul3A_154, %reduce_sum3A_155 [1] : vector<512x128xf32> to vector<512xf32>
    %broadcast_in_dim3A_157 = vector.shape_cast %reduce_sum3A_156 : vector<512xf32> to vector<512x1xf32>
    %mul3A_158 = arith.mulf %slice3A_138, %slice3A_138 : vector<512x1xf32>
    %sub3A_159 = arith.subf %broadcast_in_dim3A_157, %mul3A_158 : vector<512x1xf32>
    %max3A_160 = arith.constant 9.99999993E-9 : f32
    %max3A_161 = vector.broadcast %max3A_160 : f32 to vector<512x1xf32>
    %max3A_162 = arith.maximumf %sub3A_159, %max3A_161 : vector<512x1xf32>
    %mul3A_163 = arith.mulf %add3A_153, %add3A_153 : vector<512x1xf32>
    %sub3A_164 = arith.constant 1.000000e+00 : f32
    %sub3A_165 = vector.broadcast %sub3A_164 : f32 to vector<512x1xf32>
    %sub3A_166 = arith.subf %mul3A_163, %sub3A_165 : vector<512x1xf32>
    %div3A_167 = arith.divf %sub3A_166, %max3A_162 : vector<512x1xf32>
    %sqrt3A_168 = math.sqrt %div3A_167 : vector<512x1xf32>
    %eq3A_169 = arith.constant 0 : i32
    %eq3A_170 = vector.broadcast %eq3A_169 : i32 to vector<512x128xi32>
    %eq3A_171 = arith.cmpi eq, %iota3A, %eq3A_170 : vector<512x128xi32>
    %mul3A_172 = vector.broadcast %sqrt3A_168 : vector<512x1xf32> to vector<512x128xf32>
    %mul3A_173 = arith.mulf %add3A_137, %mul3A_172 : vector<512x128xf32>
    %broadcast_in_dim3A_174 = vector.shape_cast %add3A_153 : vector<512x1xf32> to vector<512x1xf32>
    %broadcast_in_dim3A_175 = vector.broadcast %broadcast_in_dim3A_174 : vector<512x1xf32> to vector<512x128xf32>
    %select_n3A_176 = arith.select %eq3A_171, %broadcast_in_dim3A_175, %mul3A_173 : vector<512x128xi1>, vector<512x128xf32>
    %slice3A_177 = vector.extract_strided_slice %max3A_19 {offsets = [0, 2], sizes = [512, 1], strides = [1, 1]} : vector<512x8xf32> to vector<512x1xf32>
    %mul3A_178 = vector.broadcast %slice3A_177 : vector<512x1xf32> to vector<512x128xf32>
    %mul3A_179 = arith.mulf %mul3A_178, %select_n3A_176 : vector<512x128xf32>
    %add3A_180 = arith.addf %add3A_125, %mul3A_179 : vector<512x128xf32>
    %get3A_181 = arith.constant 3 : index
    %get3A_182 = arith.constant 0 : index
    %get3A_183 = arith.constant 0 : index
    %get3A_184 = vector.load %arg3[%get3A_181, %get3A_182, %get3A_183] : memref<8x128x128xf32, #tpu.memory_space<vmem>>, vector<1x128x128xf32>
    %get3A_185 = vector.shape_cast %get3A_184 : vector<1x128x128xf32> to vector<128x128xf32>
    %dot_general3A_186 = arith.constant dense<0.000000e+00> : vector<512x128xf32>
    %dot_general3A_187 = tpu.matmul %get3A_1, %get3A_185, %dot_general3A_186 {dimension_numbers = #tpu.dot_dimension_numbers<[1], [1], [0], [0], [0, 0, 1, 0], [], []>, transpose_lhs_hint = false} : vector<512x128xf32>, vector<128x128xf32>, vector<512x128xf32> -> vector<512x128xf32>
    %get3A_188 = arith.constant 3 : index
    %get3A_189 = arith.constant 0 : index
    %get3A_190 = vector.load %arg4[%get3A_188, %get3A_189] : memref<8x128xf32, #tpu.memory_space<vmem>>, vector<1x128xf32>
    %add3A_191 = vector.broadcast %get3A_190 : vector<1x128xf32> to vector<512x128xf32>
    %add3A_192 = arith.addf %dot_general3A_187, %add3A_191 : vector<512x128xf32>
    %slice3A_193 = vector.extract_strided_slice %add3A_192 {offsets = [0, 0], sizes = [512, 1], strides = [1, 1]} : vector<512x128xf32> to vector<512x1xf32>
    %get3A_194 = arith.constant 3 : index
    %get3A_195 = arith.constant 0 : index
    %get3A_196 = vector.load %arg5[%get3A_194, %get3A_195] : memref<8x128xf32, #tpu.memory_space<vmem>>, vector<1x1xf32>
    %neg3A_197 = arith.constant 0.000000e+00 : f32
    %neg3A_198 = vector.broadcast %neg3A_197 : f32 to vector<512x1xf32>
    %neg3A_199 = arith.subf %neg3A_198, %slice3A_193 : vector<512x1xf32>
    %exp3A_200 = math.exp %neg3A_199 : vector<512x1xf32>
    %add3A_201 = arith.constant 1.000000e+00 : f32
    %add3A_202 = vector.broadcast %add3A_201 : f32 to vector<512x1xf32>
    %add3A_203 = arith.addf %add3A_202, %exp3A_200 : vector<512x1xf32>
    %div3A_204 = vector.broadcast %get3A_196 : vector<1x1xf32> to vector<512x1xf32>
    %div3A_205 = arith.divf %div3A_204, %add3A_203 : vector<512x1xf32>
    %add3A_206 = arith.constant 1.000100e+00 : f32
    %add3A_207 = vector.broadcast %add3A_206 : f32 to vector<512x1xf32>
    %add3A_208 = arith.addf %div3A_205, %add3A_207 : vector<512x1xf32>
    %mul3A_209 = arith.mulf %add3A_192, %add3A_192 : vector<512x128xf32>
    %reduce_sum3A_210 = arith.constant dense<0.000000e+00> : vector<512xf32>
    %reduce_sum3A_211 = vector.multi_reduction <add>, %mul3A_209, %reduce_sum3A_210 [1] : vector<512x128xf32> to vector<512xf32>
    %broadcast_in_dim3A_212 = vector.shape_cast %reduce_sum3A_211 : vector<512xf32> to vector<512x1xf32>
    %mul3A_213 = arith.mulf %slice3A_193, %slice3A_193 : vector<512x1xf32>
    %sub3A_214 = arith.subf %broadcast_in_dim3A_212, %mul3A_213 : vector<512x1xf32>
    %max3A_215 = arith.constant 9.99999993E-9 : f32
    %max3A_216 = vector.broadcast %max3A_215 : f32 to vector<512x1xf32>
    %max3A_217 = arith.maximumf %sub3A_214, %max3A_216 : vector<512x1xf32>
    %mul3A_218 = arith.mulf %add3A_208, %add3A_208 : vector<512x1xf32>
    %sub3A_219 = arith.constant 1.000000e+00 : f32
    %sub3A_220 = vector.broadcast %sub3A_219 : f32 to vector<512x1xf32>
    %sub3A_221 = arith.subf %mul3A_218, %sub3A_220 : vector<512x1xf32>
    %div3A_222 = arith.divf %sub3A_221, %max3A_217 : vector<512x1xf32>
    %sqrt3A_223 = math.sqrt %div3A_222 : vector<512x1xf32>
    %eq3A_224 = arith.constant 0 : i32
    %eq3A_225 = vector.broadcast %eq3A_224 : i32 to vector<512x128xi32>
    %eq3A_226 = arith.cmpi eq, %iota3A, %eq3A_225 : vector<512x128xi32>
    %mul3A_227 = vector.broadcast %sqrt3A_223 : vector<512x1xf32> to vector<512x128xf32>
    %mul3A_228 = arith.mulf %add3A_192, %mul3A_227 : vector<512x128xf32>
    %broadcast_in_dim3A_229 = vector.shape_cast %add3A_208 : vector<512x1xf32> to vector<512x1xf32>
    %broadcast_in_dim3A_230 = vector.broadcast %broadcast_in_dim3A_229 : vector<512x1xf32> to vector<512x128xf32>
    %select_n3A_231 = arith.select %eq3A_226, %broadcast_in_dim3A_230, %mul3A_228 : vector<512x128xi1>, vector<512x128xf32>
    %slice3A_232 = vector.extract_strided_slice %max3A_19 {offsets = [0, 3], sizes = [512, 1], strides = [1, 1]} : vector<512x8xf32> to vector<512x1xf32>
    %mul3A_233 = vector.broadcast %slice3A_232 : vector<512x1xf32> to vector<512x128xf32>
    %mul3A_234 = arith.mulf %mul3A_233, %select_n3A_231 : vector<512x128xf32>
    %add3A_235 = arith.addf %add3A_180, %mul3A_234 : vector<512x128xf32>
    %get3A_236 = arith.constant 4 : index
    %get3A_237 = arith.constant 0 : index
    %get3A_238 = arith.constant 0 : index
    %get3A_239 = vector.load %arg3[%get3A_236, %get3A_237, %get3A_238] : memref<8x128x128xf32, #tpu.memory_space<vmem>>, vector<1x128x128xf32>
    %get3A_240 = vector.shape_cast %get3A_239 : vector<1x128x128xf32> to vector<128x128xf32>
    %dot_general3A_241 = arith.constant dense<0.000000e+00> : vector<512x128xf32>
    %dot_general3A_242 = tpu.matmul %get3A_1, %get3A_240, %dot_general3A_241 {dimension_numbers = #tpu.dot_dimension_numbers<[1], [1], [0], [0], [0, 0, 1, 0], [], []>, transpose_lhs_hint = false} : vector<512x128xf32>, vector<128x128xf32>, vector<512x128xf32> -> vector<512x128xf32>
    %get3A_243 = arith.constant 4 : index
    %get3A_244 = arith.constant 0 : index
    %get3A_245 = vector.load %arg4[%get3A_243, %get3A_244] : memref<8x128xf32, #tpu.memory_space<vmem>>, vector<1x128xf32>
    %add3A_246 = vector.broadcast %get3A_245 : vector<1x128xf32> to vector<512x128xf32>
    %add3A_247 = arith.addf %dot_general3A_242, %add3A_246 : vector<512x128xf32>
    %slice3A_248 = vector.extract_strided_slice %add3A_247 {offsets = [0, 0], sizes = [512, 1], strides = [1, 1]} : vector<512x128xf32> to vector<512x1xf32>
    %get3A_249 = arith.constant 4 : index
    %get3A_250 = arith.constant 0 : index
    %get3A_251 = vector.load %arg5[%get3A_249, %get3A_250] : memref<8x128xf32, #tpu.memory_space<vmem>>, vector<1x1xf32>
    %neg3A_252 = arith.constant 0.000000e+00 : f32
    %neg3A_253 = vector.broadcast %neg3A_252 : f32 to vector<512x1xf32>
    %neg3A_254 = arith.subf %neg3A_253, %slice3A_248 : vector<512x1xf32>
    %exp3A_255 = math.exp %neg3A_254 : vector<512x1xf32>
    %add3A_256 = arith.constant 1.000000e+00 : f32
    %add3A_257 = vector.broadcast %add3A_256 : f32 to vector<512x1xf32>
    %add3A_258 = arith.addf %add3A_257, %exp3A_255 : vector<512x1xf32>
    %div3A_259 = vector.broadcast %get3A_251 : vector<1x1xf32> to vector<512x1xf32>
    %div3A_260 = arith.divf %div3A_259, %add3A_258 : vector<512x1xf32>
    %add3A_261 = arith.constant 1.000100e+00 : f32
    %add3A_262 = vector.broadcast %add3A_261 : f32 to vector<512x1xf32>
    %add3A_263 = arith.addf %div3A_260, %add3A_262 : vector<512x1xf32>
    %mul3A_264 = arith.mulf %add3A_247, %add3A_247 : vector<512x128xf32>
    %reduce_sum3A_265 = arith.constant dense<0.000000e+00> : vector<512xf32>
    %reduce_sum3A_266 = vector.multi_reduction <add>, %mul3A_264, %reduce_sum3A_265 [1] : vector<512x128xf32> to vector<512xf32>
    %broadcast_in_dim3A_267 = vector.shape_cast %reduce_sum3A_266 : vector<512xf32> to vector<512x1xf32>
    %mul3A_268 = arith.mulf %slice3A_248, %slice3A_248 : vector<512x1xf32>
    %sub3A_269 = arith.subf %broadcast_in_dim3A_267, %mul3A_268 : vector<512x1xf32>
    %max3A_270 = arith.constant 9.99999993E-9 : f32
    %max3A_271 = vector.broadcast %max3A_270 : f32 to vector<512x1xf32>
    %max3A_272 = arith.maximumf %sub3A_269, %max3A_271 : vector<512x1xf32>
    %mul3A_273 = arith.mulf %add3A_263, %add3A_263 : vector<512x1xf32>
    %sub3A_274 = arith.constant 1.000000e+00 : f32
    %sub3A_275 = vector.broadcast %sub3A_274 : f32 to vector<512x1xf32>
    %sub3A_276 = arith.subf %mul3A_273, %sub3A_275 : vector<512x1xf32>
    %div3A_277 = arith.divf %sub3A_276, %max3A_272 : vector<512x1xf32>
    %sqrt3A_278 = math.sqrt %div3A_277 : vector<512x1xf32>
    %eq3A_279 = arith.constant 0 : i32
    %eq3A_280 = vector.broadcast %eq3A_279 : i32 to vector<512x128xi32>
    %eq3A_281 = arith.cmpi eq, %iota3A, %eq3A_280 : vector<512x128xi32>
    %mul3A_282 = vector.broadcast %sqrt3A_278 : vector<512x1xf32> to vector<512x128xf32>
    %mul3A_283 = arith.mulf %add3A_247, %mul3A_282 : vector<512x128xf32>
    %broadcast_in_dim3A_284 = vector.shape_cast %add3A_263 : vector<512x1xf32> to vector<512x1xf32>
    %broadcast_in_dim3A_285 = vector.broadcast %broadcast_in_dim3A_284 : vector<512x1xf32> to vector<512x128xf32>
    %select_n3A_286 = arith.select %eq3A_281, %broadcast_in_dim3A_285, %mul3A_283 : vector<512x128xi1>, vector<512x128xf32>
    %slice3A_287 = vector.extract_strided_slice %max3A_19 {offsets = [0, 4], sizes = [512, 1], strides = [1, 1]} : vector<512x8xf32> to vector<512x1xf32>
    %mul3A_288 = vector.broadcast %slice3A_287 : vector<512x1xf32> to vector<512x128xf32>
    %mul3A_289 = arith.mulf %mul3A_288, %select_n3A_286 : vector<512x128xf32>
    %add3A_290 = arith.addf %add3A_235, %mul3A_289 : vector<512x128xf32>
    %get3A_291 = arith.constant 5 : index
    %get3A_292 = arith.constant 0 : index
    %get3A_293 = arith.constant 0 : index
    %get3A_294 = vector.load %arg3[%get3A_291, %get3A_292, %get3A_293] : memref<8x128x128xf32, #tpu.memory_space<vmem>>, vector<1x128x128xf32>
    %get3A_295 = vector.shape_cast %get3A_294 : vector<1x128x128xf32> to vector<128x128xf32>
    %dot_general3A_296 = arith.constant dense<0.000000e+00> : vector<512x128xf32>
    %dot_general3A_297 = tpu.matmul %get3A_1, %get3A_295, %dot_general3A_296 {dimension_numbers = #tpu.dot_dimension_numbers<[1], [1], [0], [0], [0, 0, 1, 0], [], []>, transpose_lhs_hint = false} : vector<512x128xf32>, vector<128x128xf32>, vector<512x128xf32> -> vector<512x128xf32>
    %get3A_298 = arith.constant 5 : index
    %get3A_299 = arith.constant 0 : index
    %get3A_300 = vector.load %arg4[%get3A_298, %get3A_299] : memref<8x128xf32, #tpu.memory_space<vmem>>, vector<1x128xf32>
    %add3A_301 = vector.broadcast %get3A_300 : vector<1x128xf32> to vector<512x128xf32>
    %add3A_302 = arith.addf %dot_general3A_297, %add3A_301 : vector<512x128xf32>
    %slice3A_303 = vector.extract_strided_slice %add3A_302 {offsets = [0, 0], sizes = [512, 1], strides = [1, 1]} : vector<512x128xf32> to vector<512x1xf32>
    %get3A_304 = arith.constant 5 : index
    %get3A_305 = arith.constant 0 : index
    %get3A_306 = vector.load %arg5[%get3A_304, %get3A_305] : memref<8x128xf32, #tpu.memory_space<vmem>>, vector<1x1xf32>
    %neg3A_307 = arith.constant 0.000000e+00 : f32
    %neg3A_308 = vector.broadcast %neg3A_307 : f32 to vector<512x1xf32>
    %neg3A_309 = arith.subf %neg3A_308, %slice3A_303 : vector<512x1xf32>
    %exp3A_310 = math.exp %neg3A_309 : vector<512x1xf32>
    %add3A_311 = arith.constant 1.000000e+00 : f32
    %add3A_312 = vector.broadcast %add3A_311 : f32 to vector<512x1xf32>
    %add3A_313 = arith.addf %add3A_312, %exp3A_310 : vector<512x1xf32>
    %div3A_314 = vector.broadcast %get3A_306 : vector<1x1xf32> to vector<512x1xf32>
    %div3A_315 = arith.divf %div3A_314, %add3A_313 : vector<512x1xf32>
    %add3A_316 = arith.constant 1.000100e+00 : f32
    %add3A_317 = vector.broadcast %add3A_316 : f32 to vector<512x1xf32>
    %add3A_318 = arith.addf %div3A_315, %add3A_317 : vector<512x1xf32>
    %mul3A_319 = arith.mulf %add3A_302, %add3A_302 : vector<512x128xf32>
    %reduce_sum3A_320 = arith.constant dense<0.000000e+00> : vector<512xf32>
    %reduce_sum3A_321 = vector.multi_reduction <add>, %mul3A_319, %reduce_sum3A_320 [1] : vector<512x128xf32> to vector<512xf32>
    %broadcast_in_dim3A_322 = vector.shape_cast %reduce_sum3A_321 : vector<512xf32> to vector<512x1xf32>
    %mul3A_323 = arith.mulf %slice3A_303, %slice3A_303 : vector<512x1xf32>
    %sub3A_324 = arith.subf %broadcast_in_dim3A_322, %mul3A_323 : vector<512x1xf32>
    %max3A_325 = arith.constant 9.99999993E-9 : f32
    %max3A_326 = vector.broadcast %max3A_325 : f32 to vector<512x1xf32>
    %max3A_327 = arith.maximumf %sub3A_324, %max3A_326 : vector<512x1xf32>
    %mul3A_328 = arith.mulf %add3A_318, %add3A_318 : vector<512x1xf32>
    %sub3A_329 = arith.constant 1.000000e+00 : f32
    %sub3A_330 = vector.broadcast %sub3A_329 : f32 to vector<512x1xf32>
    %sub3A_331 = arith.subf %mul3A_328, %sub3A_330 : vector<512x1xf32>
    %div3A_332 = arith.divf %sub3A_331, %max3A_327 : vector<512x1xf32>
    %sqrt3A_333 = math.sqrt %div3A_332 : vector<512x1xf32>
    %eq3A_334 = arith.constant 0 : i32
    %eq3A_335 = vector.broadcast %eq3A_334 : i32 to vector<512x128xi32>
    %eq3A_336 = arith.cmpi eq, %iota3A, %eq3A_335 : vector<512x128xi32>
    %mul3A_337 = vector.broadcast %sqrt3A_333 : vector<512x1xf32> to vector<512x128xf32>
    %mul3A_338 = arith.mulf %add3A_302, %mul3A_337 : vector<512x128xf32>
    %broadcast_in_dim3A_339 = vector.shape_cast %add3A_318 : vector<512x1xf32> to vector<512x1xf32>
    %broadcast_in_dim3A_340 = vector.broadcast %broadcast_in_dim3A_339 : vector<512x1xf32> to vector<512x128xf32>
    %select_n3A_341 = arith.select %eq3A_336, %broadcast_in_dim3A_340, %mul3A_338 : vector<512x128xi1>, vector<512x128xf32>
    %slice3A_342 = vector.extract_strided_slice %max3A_19 {offsets = [0, 5], sizes = [512, 1], strides = [1, 1]} : vector<512x8xf32> to vector<512x1xf32>
    %mul3A_343 = vector.broadcast %slice3A_342 : vector<512x1xf32> to vector<512x128xf32>
    %mul3A_344 = arith.mulf %mul3A_343, %select_n3A_341 : vector<512x128xf32>
    %add3A_345 = arith.addf %add3A_290, %mul3A_344 : vector<512x128xf32>
    %get3A_346 = arith.constant 6 : index
    %get3A_347 = arith.constant 0 : index
    %get3A_348 = arith.constant 0 : index
    %get3A_349 = vector.load %arg3[%get3A_346, %get3A_347, %get3A_348] : memref<8x128x128xf32, #tpu.memory_space<vmem>>, vector<1x128x128xf32>
    %get3A_350 = vector.shape_cast %get3A_349 : vector<1x128x128xf32> to vector<128x128xf32>
    %dot_general3A_351 = arith.constant dense<0.000000e+00> : vector<512x128xf32>
    %dot_general3A_352 = tpu.matmul %get3A_1, %get3A_350, %dot_general3A_351 {dimension_numbers = #tpu.dot_dimension_numbers<[1], [1], [0], [0], [0, 0, 1, 0], [], []>, transpose_lhs_hint = false} : vector<512x128xf32>, vector<128x128xf32>, vector<512x128xf32> -> vector<512x128xf32>
    %get3A_353 = arith.constant 6 : index
    %get3A_354 = arith.constant 0 : index
    %get3A_355 = vector.load %arg4[%get3A_353, %get3A_354] : memref<8x128xf32, #tpu.memory_space<vmem>>, vector<1x128xf32>
    %add3A_356 = vector.broadcast %get3A_355 : vector<1x128xf32> to vector<512x128xf32>
    %add3A_357 = arith.addf %dot_general3A_352, %add3A_356 : vector<512x128xf32>
    %slice3A_358 = vector.extract_strided_slice %add3A_357 {offsets = [0, 0], sizes = [512, 1], strides = [1, 1]} : vector<512x128xf32> to vector<512x1xf32>
    %get3A_359 = arith.constant 6 : index
    %get3A_360 = arith.constant 0 : index
    %get3A_361 = vector.load %arg5[%get3A_359, %get3A_360] : memref<8x128xf32, #tpu.memory_space<vmem>>, vector<1x1xf32>
    %neg3A_362 = arith.constant 0.000000e+00 : f32
    %neg3A_363 = vector.broadcast %neg3A_362 : f32 to vector<512x1xf32>
    %neg3A_364 = arith.subf %neg3A_363, %slice3A_358 : vector<512x1xf32>
    %exp3A_365 = math.exp %neg3A_364 : vector<512x1xf32>
    %add3A_366 = arith.constant 1.000000e+00 : f32
    %add3A_367 = vector.broadcast %add3A_366 : f32 to vector<512x1xf32>
    %add3A_368 = arith.addf %add3A_367, %exp3A_365 : vector<512x1xf32>
    %div3A_369 = vector.broadcast %get3A_361 : vector<1x1xf32> to vector<512x1xf32>
    %div3A_370 = arith.divf %div3A_369, %add3A_368 : vector<512x1xf32>
    %add3A_371 = arith.constant 1.000100e+00 : f32
    %add3A_372 = vector.broadcast %add3A_371 : f32 to vector<512x1xf32>
    %add3A_373 = arith.addf %div3A_370, %add3A_372 : vector<512x1xf32>
    %mul3A_374 = arith.mulf %add3A_357, %add3A_357 : vector<512x128xf32>
    %reduce_sum3A_375 = arith.constant dense<0.000000e+00> : vector<512xf32>
    %reduce_sum3A_376 = vector.multi_reduction <add>, %mul3A_374, %reduce_sum3A_375 [1] : vector<512x128xf32> to vector<512xf32>
    %broadcast_in_dim3A_377 = vector.shape_cast %reduce_sum3A_376 : vector<512xf32> to vector<512x1xf32>
    %mul3A_378 = arith.mulf %slice3A_358, %slice3A_358 : vector<512x1xf32>
    %sub3A_379 = arith.subf %broadcast_in_dim3A_377, %mul3A_378 : vector<512x1xf32>
    %max3A_380 = arith.constant 9.99999993E-9 : f32
    %max3A_381 = vector.broadcast %max3A_380 : f32 to vector<512x1xf32>
    %max3A_382 = arith.maximumf %sub3A_379, %max3A_381 : vector<512x1xf32>
    %mul3A_383 = arith.mulf %add3A_373, %add3A_373 : vector<512x1xf32>
    %sub3A_384 = arith.constant 1.000000e+00 : f32
    %sub3A_385 = vector.broadcast %sub3A_384 : f32 to vector<512x1xf32>
    %sub3A_386 = arith.subf %mul3A_383, %sub3A_385 : vector<512x1xf32>
    %div3A_387 = arith.divf %sub3A_386, %max3A_382 : vector<512x1xf32>
    %sqrt3A_388 = math.sqrt %div3A_387 : vector<512x1xf32>
    %eq3A_389 = arith.constant 0 : i32
    %eq3A_390 = vector.broadcast %eq3A_389 : i32 to vector<512x128xi32>
    %eq3A_391 = arith.cmpi eq, %iota3A, %eq3A_390 : vector<512x128xi32>
    %mul3A_392 = vector.broadcast %sqrt3A_388 : vector<512x1xf32> to vector<512x128xf32>
    %mul3A_393 = arith.mulf %add3A_357, %mul3A_392 : vector<512x128xf32>
    %broadcast_in_dim3A_394 = vector.shape_cast %add3A_373 : vector<512x1xf32> to vector<512x1xf32>
    %broadcast_in_dim3A_395 = vector.broadcast %broadcast_in_dim3A_394 : vector<512x1xf32> to vector<512x128xf32>
    %select_n3A_396 = arith.select %eq3A_391, %broadcast_in_dim3A_395, %mul3A_393 : vector<512x128xi1>, vector<512x128xf32>
    %slice3A_397 = vector.extract_strided_slice %max3A_19 {offsets = [0, 6], sizes = [512, 1], strides = [1, 1]} : vector<512x8xf32> to vector<512x1xf32>
    %mul3A_398 = vector.broadcast %slice3A_397 : vector<512x1xf32> to vector<512x128xf32>
    %mul3A_399 = arith.mulf %mul3A_398, %select_n3A_396 : vector<512x128xf32>
    %add3A_400 = arith.addf %add3A_345, %mul3A_399 : vector<512x128xf32>
    %get3A_401 = arith.constant 7 : index
    %get3A_402 = arith.constant 0 : index
    %get3A_403 = arith.constant 0 : index
    %get3A_404 = vector.load %arg3[%get3A_401, %get3A_402, %get3A_403] : memref<8x128x128xf32, #tpu.memory_space<vmem>>, vector<1x128x128xf32>
    %get3A_405 = vector.shape_cast %get3A_404 : vector<1x128x128xf32> to vector<128x128xf32>
    %dot_general3A_406 = arith.constant dense<0.000000e+00> : vector<512x128xf32>
    %dot_general3A_407 = tpu.matmul %get3A_1, %get3A_405, %dot_general3A_406 {dimension_numbers = #tpu.dot_dimension_numbers<[1], [1], [0], [0], [0, 0, 1, 0], [], []>, transpose_lhs_hint = false} : vector<512x128xf32>, vector<128x128xf32>, vector<512x128xf32> -> vector<512x128xf32>
    %get3A_408 = arith.constant 7 : index
    %get3A_409 = arith.constant 0 : index
    %get3A_410 = vector.load %arg4[%get3A_408, %get3A_409] : memref<8x128xf32, #tpu.memory_space<vmem>>, vector<1x128xf32>
    %add3A_411 = vector.broadcast %get3A_410 : vector<1x128xf32> to vector<512x128xf32>
    %add3A_412 = arith.addf %dot_general3A_407, %add3A_411 : vector<512x128xf32>
    %slice3A_413 = vector.extract_strided_slice %add3A_412 {offsets = [0, 0], sizes = [512, 1], strides = [1, 1]} : vector<512x128xf32> to vector<512x1xf32>
    %get3A_414 = arith.constant 7 : index
    %get3A_415 = arith.constant 0 : index
    %get3A_416 = vector.load %arg5[%get3A_414, %get3A_415] : memref<8x128xf32, #tpu.memory_space<vmem>>, vector<1x1xf32>
    %neg3A_417 = arith.constant 0.000000e+00 : f32
    %neg3A_418 = vector.broadcast %neg3A_417 : f32 to vector<512x1xf32>
    %neg3A_419 = arith.subf %neg3A_418, %slice3A_413 : vector<512x1xf32>
    %exp3A_420 = math.exp %neg3A_419 : vector<512x1xf32>
    %add3A_421 = arith.constant 1.000000e+00 : f32
    %add3A_422 = vector.broadcast %add3A_421 : f32 to vector<512x1xf32>
    %add3A_423 = arith.addf %add3A_422, %exp3A_420 : vector<512x1xf32>
    %div3A_424 = vector.broadcast %get3A_416 : vector<1x1xf32> to vector<512x1xf32>
    %div3A_425 = arith.divf %div3A_424, %add3A_423 : vector<512x1xf32>
    %add3A_426 = arith.constant 1.000100e+00 : f32
    %add3A_427 = vector.broadcast %add3A_426 : f32 to vector<512x1xf32>
    %add3A_428 = arith.addf %div3A_425, %add3A_427 : vector<512x1xf32>
    %mul3A_429 = arith.mulf %add3A_412, %add3A_412 : vector<512x128xf32>
    %reduce_sum3A_430 = arith.constant dense<0.000000e+00> : vector<512xf32>
    %reduce_sum3A_431 = vector.multi_reduction <add>, %mul3A_429, %reduce_sum3A_430 [1] : vector<512x128xf32> to vector<512xf32>
    %broadcast_in_dim3A_432 = vector.shape_cast %reduce_sum3A_431 : vector<512xf32> to vector<512x1xf32>
    %mul3A_433 = arith.mulf %slice3A_413, %slice3A_413 : vector<512x1xf32>
    %sub3A_434 = arith.subf %broadcast_in_dim3A_432, %mul3A_433 : vector<512x1xf32>
    %max3A_435 = arith.constant 9.99999993E-9 : f32
    %max3A_436 = vector.broadcast %max3A_435 : f32 to vector<512x1xf32>
    %max3A_437 = arith.maximumf %sub3A_434, %max3A_436 : vector<512x1xf32>
    %mul3A_438 = arith.mulf %add3A_428, %add3A_428 : vector<512x1xf32>
    %sub3A_439 = arith.constant 1.000000e+00 : f32
    %sub3A_440 = vector.broadcast %sub3A_439 : f32 to vector<512x1xf32>
    %sub3A_441 = arith.subf %mul3A_438, %sub3A_440 : vector<512x1xf32>
    %div3A_442 = arith.divf %sub3A_441, %max3A_437 : vector<512x1xf32>
    %sqrt3A_443 = math.sqrt %div3A_442 : vector<512x1xf32>
    %eq3A_444 = arith.constant 0 : i32
    %eq3A_445 = vector.broadcast %eq3A_444 : i32 to vector<512x128xi32>
    %eq3A_446 = arith.cmpi eq, %iota3A, %eq3A_445 : vector<512x128xi32>
    %mul3A_447 = vector.broadcast %sqrt3A_443 : vector<512x1xf32> to vector<512x128xf32>
    %mul3A_448 = arith.mulf %add3A_412, %mul3A_447 : vector<512x128xf32>
    %broadcast_in_dim3A_449 = vector.shape_cast %add3A_428 : vector<512x1xf32> to vector<512x1xf32>
    %broadcast_in_dim3A_450 = vector.broadcast %broadcast_in_dim3A_449 : vector<512x1xf32> to vector<512x128xf32>
    %select_n3A_451 = arith.select %eq3A_446, %broadcast_in_dim3A_450, %mul3A_448 : vector<512x128xi1>, vector<512x128xf32>
    %slice3A_452 = vector.extract_strided_slice %max3A_19 {offsets = [0, 7], sizes = [512, 1], strides = [1, 1]} : vector<512x8xf32> to vector<512x1xf32>
    %mul3A_453 = vector.broadcast %slice3A_452 : vector<512x1xf32> to vector<512x128xf32>
    %mul3A_454 = arith.mulf %mul3A_453, %select_n3A_451 : vector<512x128xf32>
    %add3A_455 = arith.addf %add3A_400, %mul3A_454 : vector<512x128xf32>
    %swap3A = arith.constant 0 : index
    %swap3A_456 = arith.constant 0 : index
    %swap3A_457 = vector.load %arg6[%swap3A, %swap3A_456] : memref<512x128xf32, #tpu.memory_space<vmem>>, vector<512x128xf32>
    tpu.vector_store %arg6[%swap3A, %swap3A_456], %add3A_455 {strides = array<i32>} : memref<512x128xf32, #tpu.memory_space<vmem>>, vector<512x128xf32>,
    return
  }
  func.func @transform_0(%arg0: i32) -> (i32, i32) {
    %c0_i32 = arith.constant 0 : i32
    %c0_i32_0 = arith.constant 0 : i32
    return %arg0, %c0_i32 : i32, i32
  }
  func.func @transform_1(%arg0: i32) -> (i32, i32) {
    %c0_i32 = arith.constant 0 : i32
    %c0_i32_0 = arith.constant 0 : i32
    %c0_i32_1 = arith.constant 0 : i32
    return %c0_i32, %c0_i32_0 : i32, i32
  }
  func.func @transform_2(%arg0: i32) -> (i32, i32, i32) {
    %c0_i32 = arith.constant 0 : i32
    %c0_i32_0 = arith.constant 0 : i32
    %c0_i32_1 = arith.constant 0 : i32
    %c0_i32_2 = arith.constant 0 : i32
    return %c0_i32, %c0_i32_0, %c0_i32_1 : i32, i32, i32
  }
  func.func @transform_3(%arg0: i32) -> (i32, i32) {
    %c0_i32 = arith.constant 0 : i32
    %c0_i32_0 = arith.constant 0 : i32
    %c0_i32_1 = arith.constant 0 : i32
    return %c0_i32, %c0_i32_0 : i32, i32
  }
  func.func @transform_4(%arg0: i32) -> (i32, i32) {
    %c0_i32 = arith.constant 0 : i32
    %c0_i32_0 = arith.constant 0 : i32
    %c0_i32_1 = arith.constant 0 : i32
    return %c0_i32, %c0_i32_0 : i32, i32
  }
  func.func @transform_5(%arg0: i32) -> (i32, i32) {
    %c0_i32 = arith.constant 0 : i32
    %c0_i32_0 = arith.constant 0 : i32
    return %arg0, %c0_i32 : i32, i32
  }
}

module attributes {stable_mosaic.version = 14 : i64} {
  func.func @_norm_body(%arg0: i32, %arg1: memref<512x128xf32, #tpu.memory_space<vmem>>, %arg2: memref<512x128xf32, #tpu.memory_space<vmem>>) attributes {dimension_semantics = [#tpu.dimension_semantics<arbitrary>], iteration_bounds = array<i64: 20>, scalar_prefetch = 0 : i64, scratch_operands = 0 : i64, tpu.core_type = #tpu.core_type<tc>, window_params = [{transform_indices = @transform_0, window_bounds = array<i64: 512, 128>}, {transform_indices = @transform_1, window_bounds = array<i64: 512, 128>}]} {
    %get3A = arith.constant 0 : index
    %get3A_0 = arith.constant 0 : index
    %get3A_1 = vector.load %arg1[%get3A, %get3A_0] : memref<512x128xf32, #tpu.memory_space<vmem>>, vector<512x128xf32>
    %slice3A = vector.extract_strided_slice %get3A_1 {offsets = [0, 0], sizes = [512, 1], strides = [1, 1]} : vector<512x128xf32> to vector<512x1xf32>
    %mul3A = arith.mulf %get3A_1, %get3A_1 : vector<512x128xf32>
    %reduce_sum3A = arith.constant dense<0.000000e+00> : vector<512xf32>
    %reduce_sum3A_2 = vector.multi_reduction <add>, %mul3A, %reduce_sum3A [1] : vector<512x128xf32> to vector<512xf32>
    %broadcast_in_dim3A = vector.shape_cast %reduce_sum3A_2 : vector<512xf32> to vector<512x1xf32>
    %mul3A_3 = arith.constant 2.000000e+00 : f32
    %mul3A_4 = vector.broadcast %mul3A_3 : f32 to vector<512x1xf32>
    %mul3A_5 = arith.mulf %mul3A_4, %slice3A : vector<512x1xf32>
    %mul3A_6 = arith.mulf %mul3A_5, %slice3A : vector<512x1xf32>
    %sub3A = arith.subf %mul3A_6, %broadcast_in_dim3A : vector<512x1xf32>
    %max3A = arith.constant 9.99999993E-9 : f32
    %max3A_7 = vector.broadcast %max3A : f32 to vector<512x1xf32>
    %max3A_8 = arith.maximumf %sub3A, %max3A_7 : vector<512x1xf32>
    %rsqrt3A = math.rsqrt %max3A_8 : vector<512x1xf32>
    %mul3A_9 = vector.broadcast %rsqrt3A : vector<512x1xf32> to vector<512x128xf32>
    %mul3A_10 = arith.mulf %get3A_1, %mul3A_9 : vector<512x128xf32>
    %swap3A = arith.constant 0 : index
    %swap3A_11 = arith.constant 0 : index
    %swap3A_12 = vector.load %arg2[%swap3A, %swap3A_11] : memref<512x128xf32, #tpu.memory_space<vmem>>, vector<512x128xf32>
    tpu.vector_store %arg2[%swap3A, %swap3A_11], %mul3A_10 {strides = array<i32>} : memref<512x128xf32, #tpu.memory_space<vmem>>, vector<512x128xf32>,
    return
  }
  func.func @transform_0(%arg0: i32) -> (i32, i32) {
    %c0_i32 = arith.constant 0 : i32
    %c0_i32_0 = arith.constant 0 : i32
    return %arg0, %c0_i32 : i32, i32
  }
  func.func @transform_1(%arg0: i32) -> (i32, i32) {
    %c0_i32 = arith.constant 0 : i32
    %c0_i32_0 = arith.constant 0 : i32
    return %arg0, %c0_i32 : i32, i32
  }
}

</mosaic_0001>

<sc_bundles>
// kernel: kernel.5.cloned.1.call-start
scs
__scs_entry_jumppad:
0x0: {  	(pc) =	sbr.rel $0x88, $3  }
0x1: {  	(tag) =	ssettag $0x0;
	lr =	simm.s32 $0x1  }
0x2: {  	[smem:$0x3F9A] =	sst lr;
	_ =	strace $0xD0000000  }
0x3: {  	_ = 	snop  }
0x4: {  	_ = 	snop  }
0x5: {  	_ = 	snop  }
0x6: {  	_ = 	snop  }
0x7: {  	_ = 	snop  }
__scs_overlays_trampoline_lowered:
0x8: {  	[smem:$0x3FA9] =	sst s0  }
0x9: {  	[smem:$0x3FAA] =	sst s1  }
0xa: {  	[smem:$0x3FAB] =	sst s2  }
0xb: {  	[smem:$0x3FAC] =	sst s3  }
0xc: {  	[smem:$0x3FAD] =	sst s4  }
0xd: {  	[smem:$0x3FAE] =	sst s5  }
0xe: {  	[smem:$0x3FAF] =	sst s6  }
0xf: {  	[smem:$0x3FB0] =	sst s7  }
0x10: {  	[smem:$0x3FB1] =	sst s8  }
0x11: {  	[smem:$0x3FB2] =	sst s9;
	s0 =	simm.s32 @!p0 $0x0  }
0x12: {  	s1 =	sld [smem:$0x3F98];
	s0 =	simm.s32 @p0 $0x1  }
0x13: {  	[smem:$0x3FB3] =	sst s0;
	s0 =	simm.s32 @!p1 $0x0  }
0x14: {  	s2 =	sld [smem:$0x3F97];
	s0 =	simm.s32 @p1 $0x1  }
0x15: {  	[smem:$0x3FB4] =	sst s0;
	s0 =	simm.s32 @!p2 $0x0  }
0x16: {  	s3 =	sld [smem:$0x3FDB];
	s0 =	simm.s32 @p2 $0x1  }
0x17: {  	s4 =	simm.s32 $0x1BF5;
	[smem:$0x3FB6] =	sst s0  }
0x18: {  	s0 =	sld [smem:$0x3F99];
	_ =	swait.ge [sflag:s4], $0x0  }
0x19: {  	s7 =	sld [smem:$0x3F9A]  }
0x1a: {  	s8 =	sadd.s32 $0xFFFFE003, lr  }
0x1b: {  	s9 =	sadd.s32 $0xFFFFFEF7, lr;
	s5 =	simm.s32 $0xFFFFFFFF;
	p2 =	slt.u32 s8, $0xFFFFF086  }
0x1c: {  	p1 =	slt.u32 s9, $0xF7A;
	s5 =	simm.s32 @!p2 $0x0  }
0x1d: {  	s5 =	simm.s32 @p1 $0x1;
	p0 =	seq.s32 s7, s2  }
0x1e: {  	s7 =	smul.u32 @!p0 $0xF7A, s2;
	p2 =	seq.s32 @!p0 s5, $0x0  }
0x1f: {  	s9 =	smul.u32 $0xF7A, s1;
	s8 =	simm.s32 @!p0 $0x1BF5;
	p2 =	por !p2, p0  }
0x20: {  	[sflag:s8] =	ssyncset.s32 @!p0 $0xFFFFF086;
	s6 =	sadd.s32 @!p0 s3, s7;
	s7 =	simm.s32 @!p0 $0x108  }
0x21: {  	s3 =	sadd.s32 s3, s9;
	s6 =	sadd.s32 @!p0 $0x88, s6;
	s7 =	simm.s32 @p2 $0x1082  }
0x22: {  	[simem:s7], [sflag:s8] =	dma.local @!p0 [hbm:s6], $0xF7A  }
0x23: {  	s9 =	sor.u32 $0xD0000000, s2;
	s6 =	simm.s32 $0x108;
	_ =	swait.ge @!p0 [sflag:s8], $0x0  }
0x24: {  	s3 =	sadd.s32 $0x88, s3;
	s6 =	simm.s32 @!p1 $0x1082;
	[sflag:s4] =	ssyncset.s32 $0xFFFFF086  }
0x25: {  	[simem:s6], [sflag:s4] =	dma.local [hbm:s3], $0xF7A  }
0x26: {  	[smem:$0x3F9A] =	sst s1;
	(tag) =	ssettag s2;
	_ =	strace s9  }
0x27: {  	s1 =	sld [smem:$0x3FAA]  }
0x28: {  	s2 =	sld [smem:$0x3FAB]  }
0x29: {  	s4 =	sld [smem:$0x3FAD]  }
0x2a: {  	p0 =	seq.s32 s5, $0x0;
	s5 =	sld [smem:$0x3FAE]  }
0x2b: {  	s6 =	sld [smem:$0x3FAF]  }
0x2c: {  	s7 =	sld [smem:$0x3FB0]  }
0x2d: {  	s3 =	simm.s32 $0x108;
	s8 =	sld [smem:$0x3FB1]  }
0x2e: {  	s3 =	simm.s32 @!p0 $0x1082;
	s9 =	sld [smem:$0x3FB2]  }
0x2f: {  	lr =	sadd.s32 s0, s3;
	s0 =	sld [smem:$0x3FA9]  }
0x30: {  	s3 =	sld [smem:$0x3FAC]  }
0x31: {  	[smem:$0x3FB5] =	sst s10  }
0x32: {  	s10 =	sld [smem:$0x3FB3];
	_ =	sdelay $0x3  }
0x33: {  	p0 =	seq.s32 s10, $0x1;
	s10 =	sld [smem:$0x3FB5];
	_ =	sdelay $0x3  }
0x34: {  	[smem:$0x3FB5] =	sst s10  }
0x35: {  	s10 =	sld [smem:$0x3FB4];
	_ =	sdelay $0x3  }
0x36: {  	p1 =	seq.s32 s10, $0x1;
	s10 =	sld [smem:$0x3FB5];
	_ =	sdelay $0x3  }
0x37: {  	[smem:$0x3FB5] =	sst s10  }
0x38: {  	s10 =	sld [smem:$0x3FB6]  }
0x39: {  	_ = 	snop;
	(pc) =	sbr.ind lr, $3  }
0x3a: {  	_ = 	snop  }
0x3b: {  	_ = 	snop  }
0x3c: {  	p2 =	seq.s32 s10, $0x1;
	s10 =	sld [smem:$0x3FB5]  }
0x3d: {  	_ =	shalt  }
0x3e: {  	_ =	shalt  }
0x3f: {  	_ =	shalt  }
0x40: {  	_ =	shalt  }
0x41: {  	_ =	shalt  }
0x42: {  	_ =	shalt  }
0x43: {  	_ =	shalt  }
0x44: {  	_ =	shalt  }
0x45: {  	_ =	shalt  }
0x46: {  	_ =	shalt  }
0x47: {  	_ =	shalt  }
0x48: {  	_ =	shalt  }
0x49: {  	_ =	shalt  }
0x4a: {  	_ =	shalt  }
0x4b: {  	_ =	shalt  }
0x4c: {  	_ =	shalt  }
0x4d: {  	_ =	shalt  }
0x4e: {  	_ =	shalt  }
0x4f: {  	_ =	shalt  }
0x50: {  	_ =	shalt  }
0x51: {  	_ =	shalt  }
0x52: {  	_ =	shalt  }
0x53: {  	_ =	shalt  }
0x54: {  	_ =	shalt  }
0x55: {  	_ =	shalt  }
0x56: {  	_ =	shalt  }
0x57: {  	_ =	shalt  }
0x58: {  	_ =	shalt  }
0x59: {  	_ =	shalt  }
0x5a: {  	_ =	shalt  }
0x5b: {  	_ =	shalt  }
0x5c: {  	_ =	shalt  }
0x5d: {  	_ =	shalt  }
0x5e: {  	_ =	shalt  }
0x5f: {  	_ =	shalt  }
0x60: {  	_ =	shalt  }
0x61: {  	_ =	shalt  }
0x62: {  	_ =	shalt  }
0x63: {  	_ =	shalt  }
0x64: {  	_ =	shalt  }
0x65: {  	_ =	shalt  }
0x66: {  	_ =	shalt  }
0x67: {  	_ =	shalt  }
0x68: {  	_ =	shalt  }
0x69: {  	_ =	shalt  }
0x6a: {  	_ =	shalt  }
0x6b: {  	_ =	shalt  }
0x6c: {  	_ =	shalt  }
0x6d: {  	_ =	shalt  }
0x6e: {  	_ =	shalt  }
0x6f: {  	_ =	shalt  }
0x70: {  	_ =	shalt  }
0x71: {  	_ =	shalt  }
0x72: {  	_ =	shalt  }
0x73: {  	_ =	shalt  }
0x74: {  	_ =	shalt  }
0x75: {  	_ =	shalt  }
0x76: {  	_ =	shalt  }
0x77: {  	_ =	shalt  }
0x78: {  	_ =	shalt  }
0x79: {  	_ =	shalt  }
0x7a: {  	_ =	shalt  }
0x7b: {  	_ =	shalt  }
0x7c: {  	_ =	shalt  }
0x7d: {  	_ =	shalt  }
0x7e: {  	_ =	shalt  }
0x7f: {  	_ =	shalt  }
0x80: {  	_ =	shalt  }
0x81: {  	_ =	shalt  }
0x82: {  	_ =	shalt  }
0x83: {  	_ =	shalt  }
0x84: {  	_ =	shalt  }
0x85: {  	_ =	shalt  }
0x86: {  	_ =	shalt  }
0x87: {  	_ =	shalt  }
.Lfunc_end0:
.L_simem_size_0:
called_computation_lowered:
.L_overlay_start_0:
0x88: {  	s2 =	sld [smem:$0x3FD9]  }
0x89: {  	s3 =	sld [smem:$0x3FFE];
	_ =	sdelay $0x1  }
0x8a: {  	s1 =	srdreg.scid  }
0x8b: {  	s0 =	sand.u32 $0x1, s1  }
0x8c: {  	s17 =	sshll.u32 s0, $0xA;
	s2 =	sadd.s32 s3, s2  }
0x8d: {  	s2 =	sadd.s32 s2, s17  }
0x8e: {  	[smem:$0x3FC1] =	sst s2  }
0x8f: {  	_ = 	snop  }
0x90: {  	s2 =	sld [smem:$0x3FD0];
	(tm) =	ssettm $0x1  }
0x91: {  	s18 =	sld [smem:$0x3FFB];
	_ =	sdelay $0x3  }
0x92: {  	_ =	strace s18  }
0x93: {  	s3 =	sld [smem:$0x3FFC];
	_ =	sdelay $0x3  }
0x94: {  	_ =	strace s3  }
0x95: {  	s3 =	sld [smem:$0x3FFD];
	_ =	sdelay $0x3  }
0x96: {  	_ =	strace s3  }
0x97: {  	_ =	strace $0x8FFFFFFF  }
0x98: {  	s19 =	sld [smem:$0x3FDB];
	_ =	sdelay $0x1  }
0x99: {  	s4 =	simm.s32 $_scs_section_size  }
0x9a: {  	s5 =	simm.s32 $_size__tile_overlayer_lowered;
	s6 =	simm.s32 $_tile_overlayer_lowered  }
0x9b: {  	s22 =	simm.s32 $0x1BFF;
	s21 =	sshll.u32 s6, $0x1;
	s3 =	sadd.s32 s4, s19  }
0x9c: {  	s7 =	simm.s32 $0x0;
	s20 =	sshll.u32 s5, $0x1;
	s5 =	sadd.s32 s21, s3  }
0x9d: {  	[timem:s7], [sflag:s22] =	dma.local [hbm:s5], s20  }
0x9e: {  	_ =	swait.ge [sflag:s22], s20  }
0x9f: {  	s4 =	ssub.s32 $0x0, s20;
	[sflag:s22] =	ssyncset.done $0x0  }
0xa0: {  	[sflag:s22] =	ssyncadd.s32 s4;
	_ =	sdelay $0x1  }
0xa1: {  	s23 =	simm.s32 $0x1B8B  }
0xa2: {  	_ =	swait.ge [sflag:s23], $0x1  }
0xa3: {  	[sflag:s23] =	ssyncset.done $0x0  }
0xa4: {  	s25 =	simm.s32 $0x1B8E;
	s24 =	sld [smem:$0x3FFE];
	[sflag:s23] =	ssyncadd.s32 $0xFFFFFFFF  }
0xa5: {  	s26 =	simm.s32 $execute0_lowered;
	[smem:$0x3FD2] =	sst s25  }
0xa6: {  	s5 =	sshll.u32 s26, $0x1;
	_ =	strace $0x80000046;
	[dreg:$0x1] =	wrdreg $0xFFFFFFFF  }
0xa7: {  	s28 =	simm.s32 $_size_execute0_lowered;
	s3 =	sadd.s32 s3, s5;
	[dreg:$0x0] =	wrdreg $0x0  }
0xa8: {  	s5 =	sshll.u32 s28, $0x1;
	[dreg:$0x2] =	wrdreg s3  }
0xa9: {  	[dreg:$0x3] =	wrdreg s5  }
0xaa: {  	[dreg:$0x4] =	wrdreg $0xC0  }
0xab: {  	_ =	task [dreg:s7], $0x5FFFF  }
0xac: {  	[dreg:$0x1] =	wrdreg $0xFFFFFFFF  }
0xad: {  	[dreg:$0x0] =	wrdreg $0x60  }
0xae: {  	[dreg:$0x2] =	wrdreg s24  }
0xaf: {  	[dreg:$0x3] =	wrdreg s2  }
0xb0: {  	[dreg:$0x4] =	wrdreg $0x82000  }
0xb1: {  	[dreg:$0x5] =	wrdreg $0x9  }
0xb2: {  	_ =	task.clear_ibuf [dreg:s7], $0x6FFFF;
	_ =	strace $0x90000046  }
0xb3: {  	s29 =	simm.s32 $0x9;
	_ =	strace $0x80000048  }
0xb4: {  	_ =	swait.ge [sflag:s29], $0x1  }
0xb5: {  	[sflag:s29] =	ssyncadd.s32 $0xFFFFFFFF  }
0xb6: {  	_ =	strace $0x90000048  }
0xb7: {  	_ =	sfence  }
0xb8: {  	s30 =	sld [smem:$0x0];
	_ =	sdelay $0x2  }
0xb9: {  	s31 =	sshll.u32 s1, $0xD;
	s1 =	sshrl.u32 s1, $0x2  }
0xba: {  	s3 =	sand.u32 $0x4000, s31;
	s1 =	sadd.s32 s1, s30  }
0xbb: {  	s0 =	sor.u32 s3, s0;
	s1 =	sshll.u32 s1, $0x11  }
0xbc: {  	s0 =	sor.u32 s1, s0  }
0xbd: {  	s0 =	sadd.s32 $0x8F2B, s0  }
0xbe: {  	[sflag:s0] =	ssyncadd.remote.s32 $0x1  }
0xbf: {  	_ =	sfence.sel $0xFFFF  }
0xc0: {  	[dreg:$0x0] =	wrdreg $0xFFFFFFFF;
	(pc) =	sbr.abs _section_cstart, $3  }
0xc1: {  	[dreg:$0x1] =	wrdreg $0xFFFFFFFF  }
0xc2: {  	_ =	task.clear_ibuf [dreg:s7], $0x2FFFF;
	_ =	strace $0x9FFFFFFF  }
0xc3: {  	(tm) =	ssettm $0x7FFFFFFF  }
tec
execute0_lowered:
.L_overlay_start_1:
0x0: {  	(tag) =	ssettag $0x1  }
0x1: {  	s0 =	rddreg [dreg:$0x0]  }
0x2: {  	s2 =	rddreg [dreg:$0x1]  }
0x3: {  	s3 =	rddreg [dreg:$0x2];
	s11 =	stileid.u32;
	s4 =	simm.s32 $0x0  }
0x4: {  	s5 =	srdreg.scid;
	s20 =	simm.s32 $0x3;
	s22 =	simm.s32 $0x80  }
0x5: {  	s24 =	simm.s32 $0x180;
	s28 =	simm.s32 $0x1C200;
	s29 =	simm.s32 $0x2  }
0x6: {  	s30 =	simm.s32 $0x0;
	s1 =	smul.u32 $0x2800, s11;
	[smem:$0x7FF] =	sst s4  }
0x7: {  	s6 =	sand.u32 $0x1, s5;
	s5 =	sadd.s32 $0x1600, s0;
	s8 =	sshll.u32 s11, $0x1  }
0x8: {  	s10 =	smul.u32 $0x50000, s11;
	s26 =	sshll.u32 s11, $0x6;
	s8 =	sor.u32 s6, s8  }
0x9: {  	s16 =	sadd.s32 $0x33640, s0;
	_ =	strace $0x80000047;
	s12 =	smul.u32 $0x500, s8  }
0xa: {  	s7 =	ssub.s32 $0x2, s6;
	s6 =	sadd.s32 $0x33600, s0;
	s14 =	smul.u32 $0x28, s8  }
0xb: {  	s1 =	sadd.s32 s1, s0;
	s9 =	sshrl.u32 s7, $0x1;
	s15 =	smul.u32 $0xA000, s8  }
0xc: {  	s25 =	sshrl.u32 s10, $0x2;
	s18 =	ssub.s32 s7, s9;
	s7 =	smul.u32 $0x50, s8  }
.Ltmp0:
0xd: {  	s19 =	sadd.s32 s25, s3;
	s1 =	sadd.s32 $0xB600, s1;
	(pc) =	sbr.rel .LBB2_1-.Ltmp0, $4  }
0xe: {  	s9 =	sor.u32 $0x1C03, s26;
	s25 =	simm.s32 $0x4200;
	s26 =	simm.s32 $0x1  }
0xf: {  	[dreg:$0x4] =	wrdreg s1;
	s10 =	sadd.s32 s2, s12;
	s11 =	sadd.s32 s5, s12  }
0x10: {  	s31 =	sor.u32 $0x10, s12;
	s18 =	smax.u32 s18, $0x1;
	s19 =	sshrl.u32 s19, $0x3  }
0x11: {  	s12 =	sadd.s32 s2, s31;
	s13 =	sadd.s32 s5, s31;
	s17 =	sor.u32 $0x1, s7  }
.LBB2_8:
0x12: {  	s30 =	sadd.s32 $0x1, s30  }
0x13: {  	p0 =	sne.s32 s30, s18  }
.Ltmp1:
0x14: {  	_ = 	snop;
	(pc) =	sbr.rel @!p0 .LBB2_9-.Ltmp1, $1  }
0x15: {  	_ =	sdelay $0x3  }
.LBB2_1:
0x16: {  	s0 =	rddreg [dreg:$0x4]  }
0x17: {  	[spmem:s19], [sflag:s9] =	dma.local [hbm:s0], $0x2800  }
0x18: {  	_ =	swait.ge [sflag:s20], $0x2800  }
0x19: {  	[sflag:s20] =	ssyncset.done $0x0  }
0x1a: {  	[sflag:s20] =	ssyncadd.s32 $0xFFFFD800  }
0x1b: {  	[bflag:$0x0] =	sbarrier.arrive $0xFFFF  }
0x1c: {  	[tilespmem:s4], [sflag:$0x3] =	stream.linear.gather [hbm4b:s10+s4], $0x80, $0x38;
	[tilespmem:$0x1C400] =	vst v63  }
0x1d: {  	_ =	swait.ge [sflag:s20], $0x80  }
0x1e: {  	[sflag:s20] =	ssyncset.done $0x0  }
0x1f: {  	s21 =	simm.s32 $0x100;
	[sflag:s20] =	ssyncadd.s32 $0xFFFFFF80  }
0x20: {  	[tilespmem:s21], [sflag:$0x3] =	stream.linear.gather [hbm4b:s11+s4], $0x80, $0x38;
	[tilespmem:$0x1C400] =	vst v63  }
0x21: {  	_ =	swait.ge [sflag:s20], $0x80  }
0x22: {  	[sflag:s20] =	ssyncset.done $0x0  }
0x23: {  	s23 =	simm.s32 $0x200;
	[sflag:s20] =	ssyncadd.s32 $0xFFFFFF80  }
0x24: {  	[tilespmem:s23], [sflag:$0x1] =	stream.indirect.gather [spmem:s3], $0x80, s4, s22, $0xb8;
	[tilespmem:$0x1C400] =	vst v63  }
0x25: {  	_ = 	snop  }
0x26: {  	[tilespmem:s22], [sflag:$0x3] =	stream.linear.gather [hbm4b:s12+s4], $0x80, $0x38;
	[tilespmem:$0x1C400] =	vst v63  }
0x27: {  	_ =	swait.ge [sflag:s20], $0x80  }
0x28: {  	[sflag:s20] =	ssyncset.done $0x0  }
0x29: {  	[sflag:s20] =	ssyncadd.s32 $0xFFFFFF80  }
0x2a: {  	[tilespmem:s24], [sflag:$0x3] =	stream.linear.gather [hbm4b:s13+s4], $0x80, $0x38;
	[tilespmem:$0x1C400] =	vst v63  }
0x2b: {  	_ =	swait.ge [sflag:s20], $0x80  }
0x2c: {  	[sflag:s20] =	ssyncset.done $0x0  }
0x2d: {  	s31 =	simm.s32 $0x0;
	[sflag:s20] =	ssyncadd.s32 $0xFFFFFF80  }
0x2e: {  	[tilespmem:s25], [sflag:$0x2] =	stream.indirect.gather [spmem:s3], $0x80, s22, s22, $0xb8;
	[tilespmem:$0x1C400] =	vst v63  }
.LBB2_2:
0x2f: {  	_ =	swait.ge [sflag:s26], $0x4000  }
0x30: {  	[sflag:s26] =	ssyncset.done $0x0  }
0x31: {  	s0 =	simm.s32 $0x0;
	[sflag:s26] =	ssyncadd.s32 $0xFFFFC000  }
.LBB2_3:
0x32: {  	s23 =	sshll.u32 s0, $0xC  }
0x33: {  	s1 =	sand.u32 $0x3FFFF000, s23  }
0x34: {  	v58 =	vld [tilespmem:s1+$0x5C0];
	_ =	sdelay $0x4  }
0x35: {  	[tilespmem:$0x1FDE0] =	vst v58;
	v58 =	vld [tilespmem:s1+$0x5D0];
	_ =	sdelay $0x4  }
0x36: {  	[tilespmem:$0x1FDF0] =	vst v58;
	v58 =	vld [tilespmem:s1+$0x5E0];
	_ =	sdelay $0x4  }
0x37: {  	[tilespmem:$0x1FE00] =	vst v58;
	v58 =	vld [tilespmem:s1+$0x5F0];
	_ =	sdelay $0x4  }
0x38: {  	[tilespmem:$0x1FE10] =	vst v58;
	v58 =	vld [tilespmem:s1+$0x600];
	_ =	sdelay $0x4  }
0x39: {  	[tilespmem:$0x1FE20] =	vst v58;
	v58 =	vld [tilespmem:s1+$0x610];
	_ =	sdelay $0x4  }
0x3a: {  	[tilespmem:$0x1FE30] =	vst v58;
	v58 =	vld [tilespmem:s1+$0x620];
	_ =	sdelay $0x4  }
0x3b: {  	[tilespmem:$0x1FE40] =	vst v58;
	v58 =	vld [tilespmem:s1+$0x630];
	_ =	sdelay $0x4  }
0x3c: {  	[tilespmem:$0x1FE50] =	vst v58;
	v58 =	vld [tilespmem:s1+$0x640];
	_ =	sdelay $0x4  }
0x3d: {  	[tilespmem:$0x1FE60] =	vst v58;
	v58 =	vld [tilespmem:s1+$0x650];
	_ =	sdelay $0x4  }
0x3e: {  	[tilespmem:$0x1FE70] =	vst v58;
	v58 =	vld [tilespmem:s1+$0x660];
	_ =	sdelay $0x4  }
0x3f: {  	[tilespmem:$0x1FE80] =	vst v58;
	v58 =	vld [tilespmem:s1+$0x670];
	_ =	sdelay $0x4  }
0x40: {  	[tilespmem:$0x1FE90] =	vst v58;
	v58 =	vld [tilespmem:s1+$0x680];
	_ =	sdelay $0x4  }
0x41: {  	[tilespmem:$0x1FEA0] =	vst v58;
	v58 =	vld [tilespmem:s1+$0x690];
	_ =	sdelay $0x2  }
0x42: {  	s21 =	sshll.u32 s0, $0x5  }
0x43: {  	v17 =	vld [tilespmem:s21+$0x100]  }
0x44: {  	[tilespmem:$0x1FEB0] =	vst v58;
	v58 =	vld [tilespmem:s1+$0x6A0]  }
0x45: {  	v28 =	vld [tilespmem:s1+$0x200]  }
0x46: {  	v31 =	vld [tilespmem:s1+$0x210]  }
0x47: {  	v33 =	vld [tilespmem:s1+$0x220]  }
0x48: {  	v34 =	vld [tilespmem:s1+$0x230]  }
0x49: {  	[tilespmem:$0x1FEC0] =	vst v58;
	v58 =	vld [tilespmem:s1+$0x6B0]  }
0x4a: {  	v35 =	vld [tilespmem:s1+$0x240]  }
0x4b: {  	v36 =	vld [tilespmem:s1+$0x250]  }
0x4c: {  	v37 =	vld [tilespmem:s1+$0x260]  }
0x4d: {  	v39 =	vld [tilespmem:s1+$0x270]  }
0x4e: {  	[tilespmem:$0x1FED0] =	vst v58;
	v58 =	vld [tilespmem:s1+$0x6C0]  }
0x4f: {  	v0 =	vld [tilespmem:s1+$0x5B0]  }
0x50: {  	v42 =	vld [tilespmem:s1+$0x280]  }
0x51: {  	v45 =	vld [tilespmem:s1+$0x290]  }
0x52: {  	v46 =	vld [tilespmem:s1+$0x2A0]  }
0x53: {  	v47 =	vld [tilespmem:s1+$0x2B0];
	[tilespmem:$0x1FEE0] =	vst v58;
	v58 =	vimm.s32 $0x0  }
0x54: {  	[tilespmem:$0x1FDD0] =	vst v0;
	v0 =	vperm.xlane v17, v58;
	v58 =	vld [tilespmem:s1+$0x6E0]  }
0x55: {  	v1 =	vld [tilespmem:s1+$0x6D0]  }
0x56: {  	v48 =	vld [tilespmem:s1+$0x2C0]  }
0x57: {  	v2 =	vld [tilespmem:s1+$0x2D0]  }
0x58: {  	v3 =	vld [tilespmem:s1+$0x2E0]  }
0x59: {  	v4 =	vld [tilespmem:s1+$0x2F0];
	[tilespmem:$0x1FF00] =	vst v58;
	v58 =	vimm.s32 $0x1  }
0x5a: {  	[tilespmem:$0x1FEF0] =	vst v1;
	v1 =	vperm.xlane v17, v58;
	v58 =	vld [tilespmem:s1+$0x6F0]  }
0x5b: {  	v5 =	vld [tilespmem:s1+$0x300]  }
0x5c: {  	v6 =	vld [tilespmem:s1+$0x310]  }
0x5d: {  	v7 =	vld [tilespmem:s1+$0x320]  }
0x5e: {  	v8 =	vld [tilespmem:s1+$0x330]  }
0x5f: {  	[tilespmem:$0x1FF10] =	vst v58;
	v58 =	vld [tilespmem:s1+$0x700]  }
0x60: {  	v9 =	vld [tilespmem:s1+$0x340]  }
0x61: {  	v10 =	vld [tilespmem:s1+$0x350]  }
0x62: {  	v11 =	vld [tilespmem:s1+$0x360]  }
0x63: {  	v12 =	vld [tilespmem:s1+$0x370]  }
0x64: {  	[tilespmem:$0x1FF20] =	vst v58;
	v58 =	vld [tilespmem:s1+$0x710]  }
0x65: {  	v13 =	vld [tilespmem:s1+$0x380]  }
0x66: {  	v14 =	vld [tilespmem:s1+$0x390]  }
0x67: {  	v15 =	vld [tilespmem:s1+$0x3A0]  }
0x68: {  	v50 =	vld [tilespmem:s1+$0x3B0]  }
0x69: {  	[tilespmem:$0x1FF30] =	vst v58;
	v58 =	vld [tilespmem:s1+$0x720]  }
0x6a: {  	v16 =	vld [tilespmem:s1+$0x3C0]  }
0x6b: {  	v52 =	vld [tilespmem:s1+$0x3D0]  }
0x6c: {  	v51 =	vld [tilespmem:s1+$0x3E0]  }
0x6d: {  	v53 =	vld [tilespmem:s1+$0x3F0]  }
0x6e: {  	[tilespmem:$0x1FF40] =	vst v58;
	v58 =	vld [tilespmem:s1+$0x730]  }
0x6f: {  	v18 =	vld [tilespmem:s1+$0x400]  }
0x70: {  	v54 =	vld [tilespmem:s1+$0x410]  }
0x71: {  	v19 =	vld [tilespmem:s1+$0x420]  }
0x72: {  	v56 =	vld [tilespmem:s1+$0x430]  }
0x73: {  	[tilespmem:$0x1FF50] =	vst v58;
	v58 =	vld [tilespmem:s1+$0x740]  }
0x74: {  	v59 =	vld [tilespmem:s1+$0x440]  }
0x75: {  	v60 =	vld [tilespmem:s1+$0x450]  }
0x76: {  	v61 =	vld [tilespmem:s1+$0x460]  }
0x77: {  	v21 =	vld [tilespmem:s1+$0x470]  }
0x78: {  	[tilespmem:$0x1FF60] =	vst v58;
	v58 =	vld [tilespmem:s1+$0x750]  }
0x79: {  	v62 =	vld [tilespmem:s1+$0x480]  }
0x7a: {  	v22 =	vld [tilespmem:s1+$0x490];
	v28 =	vmul.f32 v28, v0  }
0x7b: {  	v20 =	vimm.s32 $0x2;
	v63 =	vld [tilespmem:s1+$0x4A0];
	v31 =	vmul.f32 v31, v0  }
0x7c: {  	v23 =	vld [tilespmem:s1+$0x4B0];
	v36 =	vmul.f32 v36, v0;
	v28 =	vadd.f32 $0.0e+00, v28;
	v42 =	vmul.f32 v42, v1  }
0x7d: {  	v37 =	vmul.f32 v37, v0;
	v31 =	vadd.f32 $0.0e+00, v31;
	v45 =	vmul.f32 v45, v1;
	[tilespmem:$0x1FF70] =	vst v58;
	v58 =	vld [tilespmem:s1+$0x760]  }
0x7e: {  	v24 =	vld [tilespmem:s1+$0x4C0];
	v46 =	vmul.f32 v46, v1;
	v42 =	vadd.f32 v42, v28;
	v28 =	vmul.f32 v33, v0  }
0x7f: {  	v25 =	vld [tilespmem:s1+$0x4D0];
	v36 =	vadd.f32 $0.0e+00, v36;
	v33 =	vmul.f32 v34, v0;
	v34 =	vmul.f32 v35, v0  }
0x80: {  	v26 =	vld [tilespmem:s1+$0x4E0];
	v47 =	vmul.f32 v47, v1;
	v48 =	vmul.f32 v48, v1;
	v35 =	vadd.f32 $0.0e+00, v28  }
0x81: {  	v29 =	vld [tilespmem:s1+$0x4F0];
	v2 =	vmul.f32 v2, v1;
	v33 =	vadd.f32 $0.0e+00, v33;
	v34 =	vadd.f32 $0.0e+00, v34  }
0x82: {  	v0 =	vmul.f32 v39, v0;
	v39 =	vadd.f32 v45, v31;
	v45 =	vadd.f32 v46, v35;
	[tilespmem:$0x1FF80] =	vst v58;
	v58 =	vld [tilespmem:s1+$0x770]  }
0x83: {  	v27 =	vld [tilespmem:s1+$0x500];
	v46 =	vadd.f32 v47, v33;
	v47 =	vadd.f32 v48, v34;
	v48 =	vperm.xlane v17, v20  }
0x84: {  	v30 =	vld [tilespmem:s1+$0x510];
	v3 =	vmul.f32 v3, v1;
	v1 =	vmul.f32 v4, v1;
	v0 =	vadd.f32 $0.0e+00, v0  }
0x85: {  	v32 =	vld [tilespmem:s1+$0x520];
	v2 =	vadd.f32 v2, v36;
	v5 =	vmul.f32 v5, v48  }
0x86: {  	v38 =	vld [tilespmem:s1+$0x530];
	v0 =	vadd.f32 v1, v0;
	v6 =	vmul.f32 v6, v48;
	v36 =	vmul.f32 v7, v48  }
0x87: {  	v4 =	vadd.f32 v5, v42;
	v42 =	vld [tilespmem:s1+$0x7F0];
	[tilespmem:$0x1FF90] =	vst v58;
	v58 =	vadd.f32 $0.0e+00, v37  }
0x88: {  	v40 =	vld [tilespmem:s1+$0x540];
	v20 =	vmul.f32 v9, v48;
	v5 =	vadd.f32 v6, v39;
	v1 =	vadd.f32 v36, v45  }
0x89: {  	v41 =	vld [tilespmem:s1+$0x550];
	v39 =	vimm.s32 $0x3;
	v3 =	vadd.f32 v3, v58;
	v58 =	vmul.f32 v8, v48  }
0x8a: {  	v43 =	vld [tilespmem:s1+$0x560];
	v45 =	vmul.f32 v10, v48;
	v7 =	vadd.f32 v20, v47;
	v8 =	vperm.xlane v17, v39  }
0x8b: {  	v49 =	vld [tilespmem:s1+$0x570];
	v6 =	vadd.f32 v58, v46;
	v46 =	vmul.f32 v11, v48;
	v58 =	vmul.f32 v12, v48  }
0x8c: {  	v44 =	vld [tilespmem:s1+$0x580];
	v2 =	vadd.f32 v45, v2;
	[tilespmem:$0x1FFC0] =	vst v42;
	v20 =	vmul.f32 v13, v8;
	v42 =	vmul.f32 v14, v8  }
0x8d: {  	v55 =	vld [tilespmem:s1+$0x590];
	v48 =	vmul.f32 v50, v8;
	v50 =	vmul.f32 v16, v8;
	v3 =	vadd.f32 v46, v3  }
0x8e: {  	v57 =	vld [tilespmem:s1+$0x5A0];
	v52 =	vmul.f32 v52, v8;
	v0 =	vadd.f32 v58, v0;
	v4 =	vadd.f32 v20, v4  }
0x8f: {  	v31 =	vld [tilespmem:s1+$0x7A0];
	v46 =	vmul.f32 v15, v8;
	v5 =	vadd.f32 v42, v5;
	v58 =	vimm.s32 $0x4  }
0x90: {  	v28 =	vld [tilespmem:s1+$0x780];
	v6 =	vadd.f32 v48, v6;
	v7 =	vadd.f32 v50, v7;
	v12 =	vperm.xlane v17, v58  }
0x91: {  	v33 =	vld [tilespmem:s1+$0x790];
	v15 =	vmul.f32 v51, v8;
	v2 =	vadd.f32 v52, v2;
	v8 =	vmul.f32 v53, v8  }
0x92: {  	v16 =	vld [tilespmem:s1+$0x860];
	v1 =	vadd.f32 v46, v1;
	v18 =	vmul.f32 v18, v12;
	v20 =	vmul.f32 v54, v12  }
0x93: {  	v35 =	vld [tilespmem:s1+$0x7B0];
	v3 =	vadd.f32 v15, v3;
	v50 =	vmul.f32 v19, v12;
	v51 =	vmul.f32 v56, v12  }
0x94: {  	v34 =	vld [tilespmem:s1+$0x7C0];
	v52 =	vmul.f32 v59, v12;
	v53 =	vmul.f32 v60, v12;
	v54 =	vimm.s32 $0x5  }
0x95: {  	v9 =	vld [tilespmem:$0x1FE00];
	v0 =	vadd.f32 v8, v0;
	v56 =	vmul.f32 v61, v12;
	v10 =	vperm.xlane v17, v54  }
0x96: {  	v47 =	vld [tilespmem:s1+$0x830];
	v58 =	vmul.f32 v21, v12;
	v4 =	vadd.f32 v18, v4;
	v5 =	vadd.f32 v20, v5  }
0x97: {  	v45 =	vld [tilespmem:s1+$0x820];
	[tilespmem:$0x1FFF0] =	vst v16;
	v1 =	vadd.f32 v50, v1;
	v16 =	vmul.f32 v22, v10;
	v22 =	vimm.s32 $0x6  }
0x98: {  	v36 =	vld [tilespmem:s1+$0x800];
	v6 =	vadd.f32 v51, v6;
	v59 =	vmul.f32 v62, v10;
	v11 =	vperm.xlane v17, v22  }
0x99: {  	v37 =	vld [tilespmem:s1+$0x7D0];
	v7 =	vadd.f32 v52, v7;
	v20 =	vmul.f32 v24, v10;
	v24 =	vmul.f32 v26, v10  }
0x9a: {  	[tilespmem:$0x1FFA0] =	vst v35;
	v35 =	vld [tilespmem:s1+$0x7E0];
	v26 =	vmul.f32 v29, v10;
	v4 =	vadd.f32 v59, v4;
	v29 =	vmul.f32 v27, v11  }
0x9b: {  	[tilespmem:$0x1FFE0] =	vst v47;
	v47 =	vld [tilespmem:s1+$0x880];
	v0 =	vadd.f32 v58, v0;
	v5 =	vadd.f32 v16, v5;
	v30 =	vmul.f32 v30, v11  }
0x9c: {  	[tilespmem:$0x1FFD0] =	vst v45;
	v45 =	vld [tilespmem:s1+$0x8A0];
	v18 =	vmul.f32 v63, v10;
	v4 =	vadd.f32 v29, v4;
	v29 =	vimm.s32 $0x7  }
0x9d: {  	v39 =	vld [tilespmem:s1+$0x840];
	v19 =	vmul.f32 v23, v10;
	v5 =	vadd.f32 v30, v5;
	v30 =	vperm.xlane v17, v29  }
0x9e: {  	[tilespmem:$0x1FFB0] =	vst v37;
	v37 =	vld [tilespmem:s1+$0x810];
	v1 =	vadd.f32 v18, v1;
	v32 =	vmul.f32 v32, v11;
	v38 =	vmul.f32 v38, v11  }
0x9f: {  	v13 =	vadd.f32 v19, v6;
	v50 =	vmul.f32 v40, v11;
	v40 =	vmul.f32 v44, v30;
	v44 =	vld [tilespmem:$0x1FDD0]  }
0xa0: {  	v27 =	vmul.f32 v41, v11;
	v58 =	vadd.f32 v32, v1;
	v41 =	vmul.f32 v55, v30;
	v55 =	vld [tilespmem:$0x1FDE0]  }
0xa1: {  	v42 =	vld [tilespmem:s1+$0x850];
	v13 =	vadd.f32 v38, v13;
	v38 =	vmul.f32 v43, v11;
	v43 =	vmul.f32 v57, v30  }
0xa2: {  	v48 =	vld [tilespmem:s1+$0x870];
	v2 =	vadd.f32 v53, v2;
	v3 =	vadd.f32 v56, v3  }
0xa3: {  	v23 =	vmul.f32 v25, v10;
	v25 =	vadd.f32 v20, v7;
	v20 =	vadd.f32 v43, v58;
	v58 =	vld [tilespmem:$0x1FDF0]  }
0xa4: {  	v3 =	vadd.f32 v24, v3;
	v11 =	vmul.f32 v49, v11;
	v49 =	vmul.f32 v44, v30;
	v44 =	vld [tilespmem:$0x1FE40]  }
0xa5: {  	v2 =	vadd.f32 v23, v2;
	v57 =	vmul.f32 v55, v30;
	v55 =	vld [tilespmem:$0x1FE50]  }
0xa6: {  	v8 =	vimm.s32 $0x8;
	v23 =	vadd.f32 v38, v3;
	v38 =	vld [tilespmem:$0x1FE20]  }
0xa7: {  	v2 =	vadd.f32 v27, v2;
	v27 =	vperm.xlane v17, v8;
	v32 =	vld [tilespmem:$0x1FE10]  }
0xa8: {  	v14 =	vadd.f32 v50, v25;
	v25 =	vadd.f32 v41, v5;
	v5 =	vmul.f32 v58, v30;
	v58 =	vld [tilespmem:$0x1FE60]  }
0xa9: {  	v16 =	vadd.f32 v26, v0;
	v26 =	vadd.f32 v49, v13;
	v49 =	vmul.f32 v44, v27;
	v44 =	vld [tilespmem:$0x1FE70]  }
0xaa: {  	v24 =	vadd.f32 v57, v14;
	v57 =	vmul.f32 v55, v27;
	v55 =	vld [tilespmem:$0x1FE80]  }
0xab: {  	v10 =	vmul.f32 v9, v30;
	v4 =	vadd.f32 v40, v4;
	v41 =	vld [tilespmem:$0x1FE30];
	v40 =	vmul.f32 v38, v27  }
0xac: {  	v46 =	vld [tilespmem:s1+$0x890]  }
0xad: {  	v15 =	vld [tilespmem:s1+$0x980];
	v22 =	vmul.f32 v32, v30;
	v23 =	vadd.f32 v10, v23;
	v38 =	vadd.f32 v40, v4  }
0xae: {  	v4 =	vld [tilespmem:$0x1FEA0];
	v29 =	vadd.f32 v5, v2;
	v30 =	vadd.f32 v49, v20;
	v49 =	vmul.f32 v44, v27  }
0xaf: {  	v5 =	vmul.f32 v58, v27;
	v26 =	vadd.f32 v57, v26;
	v58 =	vld [tilespmem:$0x1FE90];
	v57 =	vmul.f32 v55, v27  }
0xb0: {  	v43 =	vmul.f32 v41, v27;
	v41 =	vadd.f32 v49, v29;
	v49 =	vld [tilespmem:$0x1FEB0]  }
0xb1: {  	v23 =	vadd.f32 v57, v23;
	v57 =	vld [tilespmem:$0x1FEC0]  }
0xb2: {  	v60 =	vld [tilespmem:s1+$0x8B0];
	v25 =	vadd.f32 v43, v25;
	v43 =	vimm.s32 $0x9  }
0xb3: {  	v61 =	vld [tilespmem:s1+$0x8C0];
	v40 =	vperm.xlane v17, v43  }
0xb4: {  	v21 =	vld [tilespmem:s1+$0x8F0]  }
0xb5: {  	v12 =	vld [tilespmem:s1+$0x9B0];
	v24 =	vadd.f32 v5, v24;
	v5 =	vmul.f32 v4, v40;
	v27 =	vmul.f32 v58, v27  }
0xb6: {  	v54 =	vld [tilespmem:s1+$0x950];
	v55 =	vmul.f32 v49, v40;
	v58 =	vmul.f32 v57, v40  }
0xb7: {  	v44 =	vadd.f32 v5, v38;
	v5 =	vld [tilespmem:$0x1FEE0]  }
0xb8: {  	v25 =	vadd.f32 v55, v25;
	v55 =	vadd.f32 v58, v30;
	v58 =	vld [tilespmem:$0x1FEF0]  }
0xb9: {  	v56 =	vld [tilespmem:s1+$0x930]  }
0xba: {  	v53 =	vld [tilespmem:s1+$0x940]  }
0xbb: {  	v4 =	vld [tilespmem:$0x1FED0]  }
0xbc: {  	v8 =	vmul.f32 v5, v40;
	v5 =	vld [tilespmem:$0x1FF00]  }
0xbd: {  	v52 =	vld [tilespmem:s1+$0x960];
	v57 =	vmul.f32 v58, v40  }
0xbe: {  	v51 =	vld [tilespmem:s1+$0x970]  }
0xbf: {  	v41 =	vadd.f32 v57, v41;
	v57 =	vld [tilespmem:$0x1FF20]  }
0xc0: {  	v62 =	vld [tilespmem:s1+$0x8D0];
	v38 =	vmul.f32 v4, v40  }
0xc1: {  	v4 =	vimm.s32 $0xA;
	v49 =	vadd.f32 v8, v24;
	v8 =	vmul.f32 v5, v40;
	v5 =	vld [tilespmem:$0x1FF30]  }
0xc2: {  	v63 =	vld [tilespmem:s1+$0x8E0];
	v58 =	vperm.xlane v17, v4  }
0xc3: {  	v59 =	vld [tilespmem:s1+$0x900]  }
0xc4: {  	v6 =	vld [tilespmem:s1+$0x910];
	v4 =	vmul.f32 v57, v58  }
0xc5: {  	v7 =	vld [tilespmem:s1+$0x920]  }
0xc6: {  	v2 =	vadd.f32 v8, v23;
	v8 =	vmul.f32 v5, v58;
	v44 =	vadd.f32 v4, v44;
	v4 =	vld [tilespmem:$0x1FF50]  }
0xc7: {  	v19 =	vld [tilespmem:s1+$0x9A0]  }
0xc8: {  	v23 =	vadd.f32 v8, v25;
	v25 =	vld [tilespmem:$0x1FF60]  }
0xc9: {  	v18 =	vld [tilespmem:s1+$0x9F0]  }
0xca: {  	s8 =	sor.u32 $0x800, s23;
	v50 =	vld [tilespmem:s1+$0x990]  }
0xcb: {  	s8 =	sand.u32 $0x3FFFF800, s8;
	v16 =	vadd.f32 v11, v16;
	v11 =	vld [tilespmem:s1+$0x9C0];
	v26 =	vadd.f32 v38, v26;
	v5 =	vmul.f32 v4, v58  }
0xcc: {  	v9 =	vld [tilespmem:s8+$0x220]  }
0xcd: {  	v4 =	vmul.f32 v25, v58;
	v57 =	vadd.f32 v5, v26;
	v5 =	vld [tilespmem:$0x1FF70]  }
0xce: {  	v38 =	vld [tilespmem:$0x1FF10]  }
0xcf: {  	v4 =	vadd.f32 v4, v49;
	v49 =	vld [tilespmem:$0x1FF80]  }
0xd0: {  	v24 =	vld [tilespmem:$0x1FF40]  }
0xd1: {  	v10 =	vld [tilespmem:s8+$0x200]  }
0xd2: {  	v32 =	vadd.f32 v22, v16;
	v26 =	vmul.f32 v5, v58;
	v5 =	vld [tilespmem:$0x1FF90]  }
0xd3: {  	v16 =	vld [tilespmem:s21+$0x110]  }
0xd4: {  	v22 =	vld [tilespmem:s8+$0x230];
	v43 =	vadd.f32 v27, v32;
	v40 =	vmul.f32 v38, v40;
	v49 =	vmul.f32 v49, v58  }
0xd5: {  	v14 =	vld [tilespmem:s1+$0x9D0];
	v0 =	vmul.f32 v24, v58  }
0xd6: {  	v43 =	vadd.f32 v40, v43;
	v25 =	vimm.s32 $0xB;
	v2 =	vadd.f32 v49, v2;
	v49 =	vld [tilespmem:$0x1FFA0]  }
0xd7: {  	v13 =	vld [tilespmem:s1+$0x9E0];
	v55 =	vadd.f32 v0, v55;
	v0 =	vperm.xlane v17, v25;
	v1 =	vmul.f32 v5, v58  }
0xd8: {  	v20 =	vld [tilespmem:s8+$0x210]  }
0xd9: {  	v29 =	vld [tilespmem:s8+$0x250];
	v3 =	vadd.f32 v1, v43;
	v43 =	vmul.f32 v31, v0  }
0xda: {  	v32 =	vld [tilespmem:s8+$0x240];
	v33 =	vmul.f32 v33, v0;
	v26 =	vadd.f32 v26, v41;
	v41 =	vmul.f32 v28, v0  }
0xdb: {  	v27 =	vld [tilespmem:s8+$0x260];
	v5 =	vmul.f32 v49, v0;
	v43 =	vadd.f32 v43, v55;
	v55 =	vimm.s32 $0xC  }
0xdc: {  	v30 =	vld [tilespmem:s8+$0x270];
	v1 =	vmul.f32 v35, v0;
	v55 =	vperm.xlane v17, v55  }
0xdd: {  	v41 =	vadd.f32 v41, v44;
	v44 =	vadd.f32 v5, v57;
	v5 =	vld [tilespmem:$0x1FFB0]  }
0xde: {  	v38 =	vld [tilespmem:s1+$0xA80];
	v23 =	vadd.f32 v33, v23;
	v1 =	vadd.f32 v1, v2;
	v2 =	vmul.f32 v37, v55  }
0xdf: {  	v24 =	vld [tilespmem:s1+$0xA90]  }
0xe0: {  	v49 =	vmul.f32 v34, v0;
	v2 =	vadd.f32 v2, v23;
	v23 =	vld [tilespmem:$0x1FFE0]  }
0xe1: {  	v40 =	vld [tilespmem:s1+$0xAA0]  }
0xe2: {  	v4 =	vadd.f32 v49, v4;
	v49 =	vld [tilespmem:$0x1FFC0];
	v57 =	vmul.f32 v5, v0  }
0xe3: {  	v8 =	vld [tilespmem:s1+$0xAB0]  }
0xe4: {  	v26 =	vadd.f32 v57, v26;
	v57 =	vld [tilespmem:$0x1FFD0]  }
0xe5: {  	v25 =	vld [tilespmem:s1+$0xAC0];
	v23 =	vmul.f32 v23, v55  }
0xe6: {  	v33 =	vld [tilespmem:s1+$0xB00]  }
0xe7: {  	v0 =	vmul.f32 v49, v0;
	v49 =	vmul.f32 v36, v55;
	v23 =	vadd.f32 v23, v44;
	v44 =	vld [tilespmem:$0x1FFF0]  }
0xe8: {  	v28 =	vld [tilespmem:s1+$0xAE0]  }
0xe9: {  	v58 =	vld [tilespmem:s1+$0xAD0];
	v5 =	vadd.f32 v0, v3;
	v3 =	vadd.f32 v49, v41;
	v49 =	vmul.f32 v57, v55  }
0xea: {  	v31 =	vld [tilespmem:s1+$0xAF0];
	v48 =	vmul.f32 v48, v55  }
0xeb: {  	v34 =	vld [tilespmem:s1+$0xB10];
	v49 =	vadd.f32 v49, v43;
	v43 =	vmul.f32 v42, v55;
	v42 =	vimm.s32 $0xD  }
0xec: {  	v35 =	vld [tilespmem:s1+$0xB20];
	v0 =	vperm.xlane v17, v42;
	v44 =	vmul.f32 v44, v55  }
0xed: {  	v37 =	vld [tilespmem:s1+$0xB40];
	v5 =	vadd.f32 v48, v5;
	v57 =	vmul.f32 v39, v55  }
0xee: {  	v36 =	vld [tilespmem:s1+$0xB30];
	v55 =	vmul.f32 v45, v0;
	v1 =	vadd.f32 v44, v1;
	v44 =	vmul.f32 v46, v0  }
0xef: {  	v41 =	vld [tilespmem:s1+$0xB50];
	v57 =	vadd.f32 v57, v4;
	v43 =	vadd.f32 v43, v26;
	v47 =	vmul.f32 v47, v0  }
0xf0: {  	v39 =	vld [tilespmem:s1+$0xB60];
	v48 =	vmul.f32 v60, v0;
	v2 =	vadd.f32 v44, v2;
	v44 =	vadd.f32 v55, v49  }
0xf1: {  	v4 =	vld [tilespmem:s1+$0xB80];
	v49 =	vmul.f32 v61, v0;
	v61 =	vimm.s32 $0xE;
	v55 =	vmul.f32 v62, v0  }
0xf2: {  	v42 =	vld [tilespmem:s1+$0xB70];
	v3 =	vadd.f32 v47, v3;
	v62 =	vmul.f32 v63, v0;
	v60 =	vperm.xlane v17, v61  }
0xf3: {  	v26 =	vld [tilespmem:s1+$0xB90];
	v23 =	vadd.f32 v48, v23;
	v0 =	vmul.f32 v21, v0;
	v49 =	vadd.f32 v49, v57  }
0xf4: {  	v45 =	vld [tilespmem:s1+$0xBA0];
	v43 =	vadd.f32 v55, v43;
	v1 =	vadd.f32 v62, v1;
	v55 =	vmul.f32 v59, v60  }
0xf5: {  	v46 =	vld [tilespmem:s1+$0xBB0];
	v57 =	vimm.s32 $0xF;
	v63 =	vmul.f32 v6, v60;
	v62 =	vmul.f32 v7, v60  }
0xf6: {  	v47 =	vld [tilespmem:s1+$0xBC0];
	v0 =	vadd.f32 v0, v5;
	v17 =	vperm.xlane v17, v57;
	v54 =	vmul.f32 v54, v60  }
0xf7: {  	v48 =	vld [tilespmem:s1+$0xBD0];
	v52 =	vmul.f32 v52, v60;
	v59 =	vimm.s32 $0x0;
	v2 =	vadd.f32 v63, v2  }
0xf8: {  	v21 =	vld [tilespmem:s1+$0xBE0];
	v63 =	vmul.f32 v56, v60;
	v5 =	vadd.f32 v62, v44;
	v62 =	vmul.f32 v53, v60  }
0xf9: {  	v6 =	vld [tilespmem:s1+$0xBF0];
	v3 =	vadd.f32 v55, v3;
	v15 =	vmul.f32 v15, v17;
	v50 =	vmul.f32 v50, v17  }
0xfa: {  	v7 =	vld [tilespmem:s1+$0xC00];
	v43 =	vadd.f32 v54, v43;
	v54 =	vmul.f32 v19, v17;
	v12 =	vmul.f32 v12, v17  }
0xfb: {  	v56 =	vld [tilespmem:s1+$0xC10];
	v1 =	vadd.f32 v52, v1;
	v11 =	vmul.f32 v11, v17;
	v14 =	vmul.f32 v14, v17  }
0xfc: {  	v53 =	vld [tilespmem:s1+$0xC20];
	v13 =	vmul.f32 v13, v17;
	v17 =	vmul.f32 v18, v17;
	v23 =	vadd.f32 v63, v23  }
0xfd: {  	v55 =	vld [tilespmem:s1+$0xC30];
	v44 =	vadd.f32 v62, v49;
	v63 =	vmul.f32 v51, v60;
	v3 =	vadd.f32 v15, v3  }
0xfe: {  	v52 =	vld [tilespmem:s1+$0xC50];
	v2 =	vadd.f32 v50, v2;
	v5 =	vadd.f32 v54, v5;
	v15 =	vperm.xlane v16, v59  }
0xff: {  	v19 =	vld [tilespmem:s1+$0xC60];
	v14 =	vadd.f32 v14, v43;
	v1 =	vadd.f32 v13, v1;
	v43 =	vimm.s32 $0x1  }
0x100: {  	v18 =	vld [tilespmem:s1+$0xCA0];
	v0 =	vadd.f32 v63, v0;
	v10 =	vmul.f32 v10, v15;
	v60 =	vmul.f32 v20, v15  }
0x101: {  	v51 =	vld [tilespmem:s1+$0xC40];
	v12 =	vadd.f32 v12, v23;
	v9 =	vmul.f32 v9, v15;
	v62 =	vmul.f32 v22, v15  }
0x102: {  	v49 =	vld [tilespmem:s1+$0xC70];
	v11 =	vadd.f32 v11, v44;
	v63 =	vmul.f32 v32, v15;
	v32 =	vmul.f32 v29, v15  }
0x103: {  	v50 =	vld [tilespmem:s1+$0xC80];
	v44 =	vimm.s32 $0x2;
	v22 =	vperm.xlane v16, v43;
	v54 =	vmul.f32 v27, v15  }
0x104: {  	v13 =	vld [tilespmem:s1+$0xCD0];
	v15 =	vmul.f32 v30, v15;
	v0 =	vadd.f32 v17, v0;
	v3 =	vadd.f32 v10, v3  }
0x105: {  	v23 =	vld [tilespmem:s1+$0xC90];
	v43 =	vimm.s32 $0x5;
	v2 =	vadd.f32 v60, v2;
	v5 =	vadd.f32 v9, v5  }
0x106: {  	v20 =	vld [tilespmem:s1+$0xCB0];
	v10 =	vadd.f32 v62, v12;
	v9 =	vadd.f32 v63, v11;
	v59 =	vmul.f32 v38, v22  }
0x107: {  	v29 =	vld [tilespmem:s1+$0xCE0];
	v12 =	vadd.f32 v32, v14;
	v24 =	vmul.f32 v24, v22;
	v60 =	vmul.f32 v40, v22  }
0x108: {  	v27 =	vld [tilespmem:s1+$0xCF0];
	v1 =	vadd.f32 v54, v1;
	v8 =	vmul.f32 v8, v22;
	v62 =	vmul.f32 v25, v22  }
0x109: {  	v30 =	vld [tilespmem:s1+$0xD00];
	v40 =	vimm.s32 $0x4;
	v38 =	vimm.s32 $0x3;
	v63 =	vmul.f32 v58, v22  }
0x10a: {  	v17 =	vld [tilespmem:s1+$0xCC0];
	v28 =	vmul.f32 v28, v22;
	v0 =	vadd.f32 v15, v0;
	v3 =	vadd.f32 v59, v3  }
0x10b: {  	v14 =	vld [tilespmem:s1+$0xD20];
	v2 =	vadd.f32 v24, v2;
	v5 =	vadd.f32 v60, v5;
	v24 =	vperm.xlane v16, v44  }
0x10c: {  	v25 =	vld [tilespmem:s1+$0xD30];
	v8 =	vadd.f32 v8, v10;
	v9 =	vadd.f32 v62, v9;
	v44 =	vmul.f32 v31, v22  }
0x10d: {  	v32 =	vld [tilespmem:s1+$0xD40];
	v10 =	vadd.f32 v63, v12;
	v54 =	vmul.f32 v33, v24;
	v58 =	vmul.f32 v34, v24  }
0x10e: {  	v11 =	vld [tilespmem:s1+$0xDD0];
	v1 =	vadd.f32 v28, v1;
	v59 =	vmul.f32 v35, v24;
	v60 =	vmul.f32 v36, v24  }
0x10f: {  	v15 =	vld [tilespmem:s1+$0xD10];
	v0 =	vadd.f32 v44, v0;
	v62 =	vmul.f32 v37, v24;
	v63 =	vmul.f32 v41, v24  }
0x110: {  	v31 =	vld [tilespmem:s1+$0xD50];
	v35 =	vperm.xlane v16, v38;
	v41 =	vmul.f32 v39, v24;
	v3 =	vadd.f32 v54, v3  }
0x111: {  	v28 =	vld [tilespmem:s1+$0xD60];
	v44 =	vmul.f32 v42, v24;
	v2 =	vadd.f32 v58, v2;
	v5 =	vadd.f32 v59, v5  }
0x112: {  	v22 =	vld [tilespmem:s1+$0xD70];
	v8 =	vadd.f32 v60, v8;
	v9 =	vadd.f32 v62, v9;
	v4 =	vmul.f32 v4, v35  }
0x113: {  	v12 =	vld [tilespmem:s1+$0xE20];
	v10 =	vadd.f32 v63, v10;
	v54 =	vmul.f32 v26, v35;
	v58 =	vmul.f32 v45, v35  }
0x114: {  	v34 =	vld [tilespmem:s1+$0xD80];
	v1 =	vadd.f32 v41, v1;
	v59 =	vmul.f32 v46, v35;
	v60 =	vmul.f32 v47, v35  }
0x115: {  	v36 =	vld [tilespmem:s1+$0xD90];
	v0 =	vadd.f32 v44, v0;
	v62 =	vmul.f32 v48, v35;
	v63 =	vperm.xlane v16, v40  }
0x116: {  	v33 =	vld [tilespmem:s1+$0xDA0];
	v41 =	vmul.f32 v21, v35;
	v6 =	vmul.f32 v6, v35;
	v3 =	vadd.f32 v4, v3  }
0x117: {  	v24 =	vld [tilespmem:s1+$0xDB0];
	v47 =	vperm.xlane v16, v43;
	v2 =	vadd.f32 v54, v2;
	v5 =	vadd.f32 v58, v5  }
0x118: {  	v37 =	vld [tilespmem:s1+$0xDC0];
	v4 =	vadd.f32 v59, v8;
	v7 =	vmul.f32 v7, v63;
	v42 =	vmul.f32 v56, v63  }
0x119: {  	v39 =	vld [tilespmem:s1+$0xDF0];
	v9 =	vadd.f32 v60, v9;
	v44 =	vmul.f32 v53, v63;
	v45 =	vmul.f32 v55, v63  }
0x11a: {  	v26 =	vld [tilespmem:s1+$0xDE0];
	v8 =	vadd.f32 v62, v10;
	v46 =	vmul.f32 v51, v63;
	v48 =	vmul.f32 v52, v63  }
0x11b: {  	v21 =	vld [tilespmem:s1+$0xE00];
	v1 =	vadd.f32 v41, v1;
	v19 =	vmul.f32 v19, v63;
	v51 =	vmul.f32 v49, v63  }
0x11c: {  	v35 =	vld [tilespmem:s1+$0xE10];
	v0 =	vadd.f32 v6, v0;
	v52 =	vmul.f32 v50, v47;
	v53 =	vmul.f32 v23, v47  }
0x11d: {  	v43 =	vld [tilespmem:s1+$0xE60];
	v54 =	vimm.s32 $0x7;
	v56 =	vmul.f32 v18, v47;
	v58 =	vmul.f32 v20, v47  }
0x11e: {  	v10 =	vld [tilespmem:s1+$0xE30];
	v55 =	vimm.s32 $0x6;
	v17 =	vmul.f32 v17, v47;
	v59 =	vmul.f32 v13, v47  }
0x11f: {  	v41 =	vld [tilespmem:s1+$0xE40];
	v62 =	vmul.f32 v29, v47;
	v63 =	vmul.f32 v27, v47;
	v3 =	vadd.f32 v7, v3  }
0x120: {  	v18 =	vld [tilespmem:s1+$0xE80];
	v60 =	vperm.xlane v16, v55;
	v2 =	vadd.f32 v42, v2;
	v5 =	vadd.f32 v44, v5  }
0x121: {  	v20 =	vld [tilespmem:s1+$0xE90];
	v4 =	vadd.f32 v45, v4;
	v7 =	vadd.f32 v48, v8;
	v48 =	vperm.xlane v16, v54  }
0x122: {  	v23 =	vld [tilespmem:s1+$0xEA0];
	v6 =	vadd.f32 v46, v9;
	v40 =	vmul.f32 v30, v60;
	v44 =	vmul.f32 v15, v60  }
0x123: {  	v29 =	vld [tilespmem:s1+$0xEC0];
	v1 =	vadd.f32 v19, v1;
	v14 =	vmul.f32 v14, v60;
	v45 =	vmul.f32 v25, v60  }
0x124: {  	v27 =	vld [tilespmem:s1+$0xF70];
	v0 =	vadd.f32 v51, v0;
	v46 =	vmul.f32 v32, v60;
	v47 =	vmul.f32 v31, v60  }
0x125: {  	v42 =	vld [tilespmem:s1+$0xE50];
	v49 =	vmul.f32 v28, v60;
	v3 =	vadd.f32 v52, v3;
	v2 =	vadd.f32 v53, v2  }
0x126: {  	v19 =	vld [tilespmem:s1+$0xE70];
	v13 =	vmul.f32 v22, v60;
	v5 =	vadd.f32 v56, v5;
	v4 =	vadd.f32 v58, v4  }
0x127: {  	v15 =	vld [tilespmem:s1+$0xED0];
	v6 =	vadd.f32 v17, v6;
	v7 =	vadd.f32 v59, v7;
	v50 =	vmul.f32 v34, v48  }
0x128: {  	v25 =	vld [tilespmem:s1+$0xEE0];
	v1 =	vadd.f32 v62, v1;
	v51 =	vmul.f32 v36, v48;
	v53 =	vmul.f32 v33, v48  }
0x129: {  	v30 =	vld [tilespmem:s1+$0xF00];
	v0 =	vadd.f32 v63, v0;
	v54 =	vmul.f32 v24, v48;
	v55 =	vmul.f32 v37, v48  }
0x12a: {  	v22 =	vld [tilespmem:s1+$0xF10];
	v52 =	vimm.s32 $0x8;
	v58 =	vmul.f32 v11, v48;
	v59 =	vmul.f32 v26, v48  }
0x12b: {  	v31 =	vld [tilespmem:s1+$0xF20];
	v60 =	vmul.f32 v39, v48;
	v63 =	vimm.s32 $0xA;
	v36 =	vimm.s32 $0x9  }
0x12c: {  	v32 =	vld [tilespmem:s1+$0xF50];
	v56 =	vperm.xlane v16, v52;
	v33 =	vperm.xlane v16, v36;
	v3 =	vadd.f32 v40, v3  }
0x12d: {  	v28 =	vld [tilespmem:s1+$0x1130];
	v36 =	vimm.s32 $0xC;
	v2 =	vadd.f32 v44, v2;
	v5 =	vadd.f32 v14, v5  }
0x12e: {  	v17 =	vld [tilespmem:s1+$0xEB0];
	v4 =	vadd.f32 v45, v4;
	v6 =	vadd.f32 v46, v6;
	v21 =	vmul.f32 v21, v56  }
0x12f: {  	v24 =	vld [tilespmem:s1+$0xF40];
	v7 =	vadd.f32 v47, v7;
	v62 =	vmul.f32 v35, v56;
	v37 =	vmul.f32 v12, v56  }
0x130: {  	v26 =	vld [tilespmem:s1+$0xF60];
	v1 =	vadd.f32 v49, v1;
	v38 =	vmul.f32 v10, v56;
	v39 =	vmul.f32 v41, v56  }
0x131: {  	v11 =	vld [tilespmem:s1+$0xF80];
	v0 =	vadd.f32 v13, v0;
	v41 =	vmul.f32 v42, v56;
	v42 =	vmul.f32 v43, v56  }
0x132: {  	v34 =	vld [tilespmem:s1+$0xFB0];
	v43 =	vmul.f32 v19, v56;
	v18 =	vmul.f32 v18, v33;
	v3 =	vadd.f32 v50, v3  }
0x133: {  	v14 =	vld [tilespmem:s1+$0xEF0];
	v45 =	vmul.f32 v20, v33;
	v2 =	vadd.f32 v51, v2;
	v5 =	vadd.f32 v53, v5  }
0x134: {  	v13 =	vld [tilespmem:s1+$0xF30];
	v46 =	vmul.f32 v23, v33;
	v4 =	vadd.f32 v54, v4;
	v6 =	vadd.f32 v55, v6  }
0x135: {  	v40 =	vld [tilespmem:s1+$0xFA0];
	v49 =	vmul.f32 v29, v33;
	v7 =	vadd.f32 v58, v7;
	v1 =	vadd.f32 v59, v1  }
0x136: {  	v44 =	vld [tilespmem:s1+$0xFD0];
	v0 =	vadd.f32 v60, v0;
	v50 =	vmul.f32 v15, v33;
	v51 =	vperm.xlane v16, v63  }
0x137: {  	v47 =	vld [tilespmem:s1+$0xFE0];
	v52 =	vmul.f32 v25, v33;
	v55 =	vimm.s32 $0xB;
	v48 =	vmul.f32 v17, v33  }
0x138: {  	v12 =	vld [tilespmem:s1+$0xF90];
	v63 =	vperm.xlane v16, v55;
	v3 =	vadd.f32 v21, v3;
	v2 =	vadd.f32 v62, v2  }
0x139: {  	v10 =	vld [tilespmem:s1+$0xFC0];
	v5 =	vadd.f32 v37, v5;
	v4 =	vadd.f32 v38, v4;
	v54 =	vmul.f32 v30, v51  }
0x13a: {  	v20 =	vld [tilespmem:s1+$0x1010];
	v6 =	vadd.f32 v39, v6;
	v22 =	vmul.f32 v22, v51;
	v58 =	vmul.f32 v31, v51  }
0x13b: {  	v56 =	vld [tilespmem:s1+$0x1030];
	v7 =	vadd.f32 v41, v7;
	v62 =	vmul.f32 v24, v51;
	v32 =	vmul.f32 v32, v51  }
0x13c: {  	v53 =	vld [tilespmem:s1+$0x1020];
	v1 =	vadd.f32 v42, v1;
	v26 =	vmul.f32 v26, v51;
	v35 =	vmul.f32 v27, v51  }
0x13d: {  	v59 =	vld [tilespmem:s1+$0x1040];
	v0 =	vadd.f32 v43, v0;
	v14 =	vmul.f32 v14, v33;
	v60 =	vmul.f32 v13, v51  }
0x13e: {  	v25 =	vld [tilespmem:s1+$0x1120];
	v11 =	vmul.f32 v11, v63;
	v40 =	vmul.f32 v40, v63;
	v3 =	vadd.f32 v18, v3  }
0x13f: {  	v17 =	vld [tilespmem:s1+$0xFF0];
	v42 =	vmul.f32 v34, v63;
	v2 =	vadd.f32 v45, v2;
	v5 =	vadd.f32 v46, v5  }
0x140: {  	v24 =	vld [tilespmem:s1+$0x1060];
	v44 =	vmul.f32 v44, v63;
	v4 =	vadd.f32 v48, v4;
	v6 =	vadd.f32 v49, v6  }
0x141: {  	v37 =	vld [tilespmem:s1+$0x1080];
	v47 =	vmul.f32 v47, v63;
	v7 =	vadd.f32 v50, v7;
	v1 =	vadd.f32 v52, v1  }
0x142: {  	v39 =	vld [tilespmem:s1+$0x1090];
	v38 =	vmul.f32 v12, v63;
	v0 =	vadd.f32 v14, v0;
	v3 =	vadd.f32 v54, v3  }
0x143: {  	v41 =	vld [tilespmem:s1+$0x10A0];
	v10 =	vmul.f32 v10, v63;
	v2 =	vadd.f32 v22, v2;
	v5 =	vadd.f32 v58, v5  }
0x144: {  	v13 =	vld [tilespmem:s1+$0x1050];
	v45 =	vperm.xlane v16, v36;
	v4 =	vadd.f32 v60, v4;
	v6 =	vadd.f32 v62, v6  }
0x145: {  	v33 =	vld [tilespmem:s1+$0x1070];
	v7 =	vadd.f32 v32, v7;
	v1 =	vadd.f32 v26, v1;
	v49 =	vmul.f32 v17, v63  }
0x146: {  	v18 =	vld [tilespmem:s1+$0x1000];
	v52 =	vmul.f32 v20, v45;
	v53 =	vmul.f32 v53, v45;
	v54 =	vimm.s32 $0xD  }
0x147: {  	v43 =	vld [tilespmem:s1+$0x10B0];
	v56 =	vmul.f32 v56, v45;
	v59 =	vmul.f32 v59, v45;
	v0 =	vadd.f32 v35, v0  }
0x148: {  	v46 =	vld [tilespmem:s1+$0x10C0];
	v63 =	vperm.xlane v16, v54;
	v27 =	vmul.f32 v24, v45;
	v3 =	vadd.f32 v11, v3  }
0x149: {  	v48 =	vld [tilespmem:s1+$0x10D0];
	v2 =	vadd.f32 v38, v2;
	v5 =	vadd.f32 v40, v5;
	v62 =	vmul.f32 v13, v45  }
0x14a: {  	v51 =	vld [tilespmem:s1+$0x10E0];
	v4 =	vadd.f32 v42, v4;
	v19 =	vmul.f32 v33, v45;
	v38 =	vperm.xlane v16, v61  }
0x14b: {  	v55 =	vld [tilespmem:s1+$0x10F0];
	v6 =	vadd.f32 v10, v6;
	v16 =	vperm.xlane v16, v57;
	v50 =	vmul.f32 v18, v45  }
0x14c: {  	v30 =	vld [tilespmem:s1+$0x1140];
	v7 =	vadd.f32 v44, v7;
	v29 =	vmul.f32 v37, v63;
	v12 =	vmul.f32 v39, v63  }
0x14d: {  	v34 =	vld [tilespmem:s1+$0x1160];
	v1 =	vadd.f32 v47, v1;
	v31 =	vmul.f32 v41, v63;
	v33 =	vmul.f32 v43, v63  }
0x14e: {  	v36 =	vld [tilespmem:s1+$0x1170];
	v0 =	vadd.f32 v49, v0;
	v35 =	vmul.f32 v46, v63;
	v10 =	vmul.f32 v48, v63  }
0x14f: {  	v58 =	vld [tilespmem:s1+$0x1100];
	v37 =	vmul.f32 v51, v63;
	v2 =	vadd.f32 v52, v2;
	v5 =	vadd.f32 v53, v5  }
0x150: {  	v60 =	vld [tilespmem:s1+$0x1110];
	v40 =	vmul.f32 v55, v63;
	v4 =	vadd.f32 v56, v4;
	v6 =	vadd.f32 v59, v6  }
0x151: {  	v32 =	vld [tilespmem:s1+$0x1150];
	v7 =	vadd.f32 v62, v7;
	v45 =	vmul.f32 v25, v38;
	v47 =	vmul.f32 v28, v38  }
0x152: {  	v41 =	vld [tilespmem:s1+$0x1190];
	v1 =	vadd.f32 v27, v1;
	v49 =	vmul.f32 v30, v38;
	v57 =	vmul.f32 v34, v38  }
0x153: {  	v44 =	vld [tilespmem:s1+$0x11A0];
	v59 =	vmul.f32 v36, v38;
	v3 =	vadd.f32 v50, v3;
	v0 =	vadd.f32 v19, v0  }
0x154: {  	v46 =	vld [tilespmem:s1+$0x11B0];
	v42 =	vmul.f32 v58, v38;
	v2 =	vadd.f32 v12, v2;
	v5 =	vadd.f32 v31, v5  }
0x155: {  	v48 =	vld [tilespmem:s1+$0x11C0];
	v43 =	vmul.f32 v60, v38;
	v4 =	vadd.f32 v33, v4;
	v6 =	vadd.f32 v35, v6  }
0x156: {  	v39 =	vld [tilespmem:s1+$0x1180];
	v52 =	vmul.f32 v32, v38;
	v7 =	vadd.f32 v10, v7;
	v1 =	vadd.f32 v37, v1  }
0x157: {  	v53 =	vld [tilespmem:s1+$0x11E0];
	v3 =	vadd.f32 v29, v3;
	v2 =	vadd.f32 v43, v2;
	v10 =	vmul.f32 v41, v16  }
0x158: {  	v55 =	vld [tilespmem:s1+$0x11F0];
	v0 =	vadd.f32 v40, v0;
	v54 =	vmul.f32 v44, v16;
	v5 =	vadd.f32 v45, v5  }
0x159: {  	s23 =	sshll.u32 s0, $0x7;
	v51 =	vld [tilespmem:s1+$0x11D0];
	v4 =	vadd.f32 v47, v4;
	v56 =	vmul.f32 v46, v16;
	v2 =	vadd.f32 v10, v2  }
0x15a: {  	s1 =	sand.u32 $0x3FFFFF80, s23;
	v6 =	vadd.f32 v49, v6;
	v58 =	vmul.f32 v48, v16;
	v5 =	vadd.f32 v54, v5  }
0x15b: {  	v50 =	vmul.f32 v39, v16;
	v3 =	vadd.f32 v42, v3;
	v4 =	vadd.f32 v56, v4;
	[tilespmem:s1+$0x1C210] =	vst v2  }
0x15c: {  	v1 =	vadd.f32 v57, v1;
	v62 =	vmul.f32 v53, v16;
	v61 =	vadd.f32 v58, v6;
	[tilespmem:s1+$0x1C220] =	vst v5  }
0x15d: {  	p0 =	sne.s32 s0, $0x3;
	v63 =	vmul.f32 v55, v16;
	v0 =	vadd.f32 v59, v0;
	v3 =	vadd.f32 v50, v3;
	[tilespmem:s1+$0x1C230] =	vst v4  }
.Ltmp2:
0x15e: {  	v7 =	vadd.f32 v52, v7;
	v60 =	vmul.f32 v51, v16;
	v1 =	vadd.f32 v62, v1;
	[tilespmem:s1+$0x1C240] =	vst v61;
	(pc) =	sbr.rel @p0 .LBB2_3-.Ltmp2, $4  }
0x15f: {  	v0 =	vadd.f32 v63, v0;
	[tilespmem:s1+$0x1C200] =	vst v3  }
0x160: {  	v2 =	vadd.f32 v60, v7;
	[tilespmem:s1+$0x1C260] =	vst v1  }
0x161: {  	[tilespmem:s1+$0x1C270] =	vst v0  }
0x162: {  	s0 =	sadd.s32 $0x1, s0;
	[tilespmem:s1+$0x1C250] =	vst v2  }
0x163: {  	s0 =	sadd.s32 s14, s31  }
0x164: {  	s0 =	sshll.u32 s0, $0x7  }
0x165: {  	s0 =	sadd.s32 s6, s0  }
0x166: {  	[hbm4b:s0+s4] =	stream.linear.scatter [tilespmem:s28], [sflag:$0x3], $0x200, $0x38;
	[tilespmem:$0x1C400] =	vst v63  }
0x167: {  	p0 =	seq.s32 s31, $0x27;
	s0 =	sshll.u32 s31, $0x1  }
0x168: {  	s1 =	sadd.s32 @!p0 s7, s0  }
0x169: {  	_ =	swait.ge [sflag:s20], $0x200;
	s1 =	sshll.u32 @!p0 s1, $0x4  }
0x16a: {  	[sflag:s20] =	ssyncset.done $0x0;
	s1 =	sadd.s32 @!p0 $0x20, s1  }
0x16b: {  	s21 =	simm.s32 @!p0 $0x0;
	[sflag:s20] =	ssyncadd.s32 $0xFFFFFE00;
	s8 =	sadd.s32 @!p0 s2, s1  }
0x16c: {  	[tilespmem:s21], [sflag:$0x3] =	stream.linear.gather @!p0 [hbm4b:s8+s21], $0x80, $0x38;
	[tilespmem:$0x1C400] =	vst v63  }
0x16d: {  	s8 =	simm.s32 @!p0 $0x3  }
0x16e: {  	_ =	swait.ge @!p0 [sflag:s8], $0x80  }
0x16f: {  	[sflag:s8] =	ssyncset.done @!p0 $0x0  }
0x170: {  	s23 =	simm.s32 @!p0 $0x100;
	s1 =	sadd.s32 @!p0 s5, s1;
	[sflag:s8] =	ssyncadd.s32 @!p0 $0xFFFFFF80  }
0x171: {  	[tilespmem:s23], [sflag:$0x3] =	stream.linear.gather @!p0 [hbm4b:s1+s21], $0x80, $0x38;
	[tilespmem:$0x1C400] =	vst v63  }
0x172: {  	_ =	swait.ge @!p0 [sflag:s8], $0x80  }
0x173: {  	[sflag:s8] =	ssyncset.done @!p0 $0x0  }
0x174: {  	s1 =	simm.s32 @!p0 $0x80;
	[sflag:s8] =	ssyncadd.s32 @!p0 $0xFFFFFF80;
	s8 =	simm.s32 @!p0 $0x200  }
0x175: {  	[tilespmem:s8], [sflag:$0x1] =	stream.indirect.gather @!p0 [spmem:s3], $0x80, s21, s1, $0xb8;
	[tilespmem:$0x1C400] =	vst v63  }
0x176: {  	_ =	swait.ge [sflag:s29], $0x4000  }
0x177: {  	[sflag:s29] =	ssyncset.done $0x0  }
0x178: {  	s1 =	simm.s32 $0x0;
	[sflag:s29] =	ssyncadd.s32 $0xFFFFC000  }
.LBB2_5:
0x179: {  	s8 =	sshll.u32 s1, $0xC  }
0x17a: {  	s21 =	sand.u32 $0x3FFFF000, s8  }
0x17b: {  	v58 =	vld [tilespmem:s21+$0x45C0];
	_ =	sdelay $0x4  }
0x17c: {  	[tilespmem:$0x1FBB0] =	vst v58;
	v58 =	vld [tilespmem:s21+$0x45D0];
	_ =	sdelay $0x4  }
0x17d: {  	[tilespmem:$0x1FBC0] =	vst v58;
	v58 =	vld [tilespmem:s21+$0x45E0];
	_ =	sdelay $0x4  }
0x17e: {  	[tilespmem:$0x1FBD0] =	vst v58;
	v58 =	vld [tilespmem:s21+$0x45F0];
	_ =	sdelay $0x4  }
0x17f: {  	[tilespmem:$0x1FBE0] =	vst v58;
	v58 =	vld [tilespmem:s21+$0x4600];
	_ =	sdelay $0x4  }
0x180: {  	[tilespmem:$0x1FBF0] =	vst v58;
	v58 =	vld [tilespmem:s21+$0x4610];
	_ =	sdelay $0x4  }
0x181: {  	[tilespmem:$0x1FC00] =	vst v58;
	v58 =	vld [tilespmem:s21+$0x4620];
	_ =	sdelay $0x4  }
0x182: {  	[tilespmem:$0x1FC10] =	vst v58;
	v58 =	vld [tilespmem:s21+$0x4630];
	_ =	sdelay $0x4  }
0x183: {  	[tilespmem:$0x1FC20] =	vst v58;
	v58 =	vld [tilespmem:s21+$0x4640];
	_ =	sdelay $0x4  }
0x184: {  	[tilespmem:$0x1FC30] =	vst v58;
	v58 =	vld [tilespmem:s21+$0x4650];
	_ =	sdelay $0x4  }
0x185: {  	[tilespmem:$0x1FC40] =	vst v58;
	v58 =	vld [tilespmem:s21+$0x4660];
	_ =	sdelay $0x4  }
0x186: {  	[tilespmem:$0x1FC50] =	vst v58;
	v58 =	vld [tilespmem:s21+$0x4670];
	_ =	sdelay $0x4  }
0x187: {  	[tilespmem:$0x1FC60] =	vst v58;
	v58 =	vld [tilespmem:s21+$0x4680];
	_ =	sdelay $0x4  }
0x188: {  	[tilespmem:$0x1FC70] =	vst v58;
	v58 =	vld [tilespmem:s21+$0x4690];
	_ =	sdelay $0x2  }
0x189: {  	s23 =	sshll.u32 s1, $0x5  }
0x18a: {  	v17 =	vld [tilespmem:s23+$0x180]  }
0x18b: {  	[tilespmem:$0x1FC80] =	vst v58;
	v58 =	vld [tilespmem:s21+$0x46A0]  }
0x18c: {  	v28 =	vld [tilespmem:s21+$0x4200]  }
0x18d: {  	v31 =	vld [tilespmem:s21+$0x4210]  }
0x18e: {  	v33 =	vld [tilespmem:s21+$0x4220]  }
0x18f: {  	v34 =	vld [tilespmem:s21+$0x4230]  }
0x190: {  	[tilespmem:$0x1FC90] =	vst v58;
	v58 =	vld [tilespmem:s21+$0x46B0]  }
0x191: {  	v35 =	vld [tilespmem:s21+$0x4240]  }
0x192: {  	v36 =	vld [tilespmem:s21+$0x4250]  }
0x193: {  	v37 =	vld [tilespmem:s21+$0x4260]  }
0x194: {  	v39 =	vld [tilespmem:s21+$0x4270]  }
0x195: {  	[tilespmem:$0x1FCA0] =	vst v58;
	v58 =	vld [tilespmem:s21+$0x46C0]  }
0x196: {  	v0 =	vld [tilespmem:s21+$0x45B0]  }
0x197: {  	v42 =	vld [tilespmem:s21+$0x4280]  }
0x198: {  	v45 =	vld [tilespmem:s21+$0x4290]  }
0x199: {  	v46 =	vld [tilespmem:s21+$0x42A0]  }
0x19a: {  	v47 =	vld [tilespmem:s21+$0x42B0];
	[tilespmem:$0x1FCB0] =	vst v58;
	v58 =	vimm.s32 $0x0  }
0x19b: {  	[tilespmem:$0x1FBA0] =	vst v0;
	v0 =	vperm.xlane v17, v58;
	v58 =	vld [tilespmem:s21+$0x46E0]  }
0x19c: {  	v1 =	vld [tilespmem:s21+$0x46D0]  }
0x19d: {  	v48 =	vld [tilespmem:s21+$0x42C0]  }
0x19e: {  	v2 =	vld [tilespmem:s21+$0x42D0]  }
0x19f: {  	v3 =	vld [tilespmem:s21+$0x42E0]  }
0x1a0: {  	v4 =	vld [tilespmem:s21+$0x42F0];
	[tilespmem:$0x1FCD0] =	vst v58;
	v58 =	vimm.s32 $0x1  }
0x1a1: {  	[tilespmem:$0x1FCC0] =	vst v1;
	v1 =	vperm.xlane v17, v58;
	v58 =	vld [tilespmem:s21+$0x46F0]  }
0x1a2: {  	v5 =	vld [tilespmem:s21+$0x4300]  }
0x1a3: {  	v6 =	vld [tilespmem:s21+$0x4310]  }
0x1a4: {  	v7 =	vld [tilespmem:s21+$0x4320]  }
0x1a5: {  	v8 =	vld [tilespmem:s21+$0x4330]  }
0x1a6: {  	[tilespmem:$0x1FCE0] =	vst v58;
	v58 =	vld [tilespmem:s21+$0x4700]  }
0x1a7: {  	v9 =	vld [tilespmem:s21+$0x4340]  }
0x1a8: {  	v10 =	vld [tilespmem:s21+$0x4350]  }
0x1a9: {  	v11 =	vld [tilespmem:s21+$0x4360]  }
0x1aa: {  	v12 =	vld [tilespmem:s21+$0x4370]  }
0x1ab: {  	[tilespmem:$0x1FCF0] =	vst v58;
	v58 =	vld [tilespmem:s21+$0x4710]  }
0x1ac: {  	v13 =	vld [tilespmem:s21+$0x4380]  }
0x1ad: {  	v14 =	vld [tilespmem:s21+$0x4390]  }
0x1ae: {  	v15 =	vld [tilespmem:s21+$0x43A0]  }
0x1af: {  	v50 =	vld [tilespmem:s21+$0x43B0]  }
0x1b0: {  	[tilespmem:$0x1FD00] =	vst v58;
	v58 =	vld [tilespmem:s21+$0x4720]  }
0x1b1: {  	v16 =	vld [tilespmem:s21+$0x43C0]  }
0x1b2: {  	v52 =	vld [tilespmem:s21+$0x43D0]  }
0x1b3: {  	v51 =	vld [tilespmem:s21+$0x43E0]  }
0x1b4: {  	v53 =	vld [tilespmem:s21+$0x43F0]  }
0x1b5: {  	[tilespmem:$0x1FD10] =	vst v58;
	v58 =	vld [tilespmem:s21+$0x4730]  }
0x1b6: {  	v18 =	vld [tilespmem:s21+$0x4400]  }
0x1b7: {  	v54 =	vld [tilespmem:s21+$0x4410]  }
0x1b8: {  	v19 =	vld [tilespmem:s21+$0x4420]  }
0x1b9: {  	v56 =	vld [tilespmem:s21+$0x4430]  }
0x1ba: {  	[tilespmem:$0x1FD20] =	vst v58;
	v58 =	vld [tilespmem:s21+$0x4740]  }
0x1bb: {  	v59 =	vld [tilespmem:s21+$0x4440]  }
0x1bc: {  	v60 =	vld [tilespmem:s21+$0x4450]  }
0x1bd: {  	v61 =	vld [tilespmem:s21+$0x4460]  }
0x1be: {  	v21 =	vld [tilespmem:s21+$0x4470]  }
0x1bf: {  	[tilespmem:$0x1FD30] =	vst v58;
	v58 =	vld [tilespmem:s21+$0x4750]  }
0x1c0: {  	v62 =	vld [tilespmem:s21+$0x4480]  }
0x1c1: {  	v22 =	vld [tilespmem:s21+$0x4490];
	v28 =	vmul.f32 v28, v0  }
0x1c2: {  	v20 =	vimm.s32 $0x2;
	v63 =	vld [tilespmem:s21+$0x44A0];
	v31 =	vmul.f32 v31, v0  }
0x1c3: {  	v23 =	vld [tilespmem:s21+$0x44B0];
	v36 =	vmul.f32 v36, v0;
	v28 =	vadd.f32 $0.0e+00, v28;
	v42 =	vmul.f32 v42, v1  }
0x1c4: {  	v37 =	vmul.f32 v37, v0;
	v31 =	vadd.f32 $0.0e+00, v31;
	v45 =	vmul.f32 v45, v1;
	[tilespmem:$0x1FD40] =	vst v58;
	v58 =	vld [tilespmem:s21+$0x4760]  }
0x1c5: {  	v24 =	vld [tilespmem:s21+$0x44C0];
	v46 =	vmul.f32 v46, v1;
	v42 =	vadd.f32 v42, v28;
	v28 =	vmul.f32 v33, v0  }
0x1c6: {  	v25 =	vld [tilespmem:s21+$0x44D0];
	v36 =	vadd.f32 $0.0e+00, v36;
	v33 =	vmul.f32 v34, v0;
	v34 =	vmul.f32 v35, v0  }
0x1c7: {  	v26 =	vld [tilespmem:s21+$0x44E0];
	v47 =	vmul.f32 v47, v1;
	v48 =	vmul.f32 v48, v1;
	v35 =	vadd.f32 $0.0e+00, v28  }
0x1c8: {  	v29 =	vld [tilespmem:s21+$0x44F0];
	v2 =	vmul.f32 v2, v1;
	v33 =	vadd.f32 $0.0e+00, v33;
	v34 =	vadd.f32 $0.0e+00, v34  }
0x1c9: {  	v0 =	vmul.f32 v39, v0;
	v39 =	vadd.f32 v45, v31;
	v45 =	vadd.f32 v46, v35;
	[tilespmem:$0x1FD50] =	vst v58;
	v58 =	vld [tilespmem:s21+$0x4770]  }
0x1ca: {  	v27 =	vld [tilespmem:s21+$0x4500];
	v46 =	vadd.f32 v47, v33;
	v47 =	vadd.f32 v48, v34;
	v48 =	vperm.xlane v17, v20  }
0x1cb: {  	v30 =	vld [tilespmem:s21+$0x4510];
	v3 =	vmul.f32 v3, v1;
	v1 =	vmul.f32 v4, v1;
	v0 =	vadd.f32 $0.0e+00, v0  }
0x1cc: {  	v32 =	vld [tilespmem:s21+$0x4520];
	v2 =	vadd.f32 v2, v36;
	v5 =	vmul.f32 v5, v48  }
0x1cd: {  	v38 =	vld [tilespmem:s21+$0x4530];
	v0 =	vadd.f32 v1, v0;
	v6 =	vmul.f32 v6, v48;
	v36 =	vmul.f32 v7, v48  }
0x1ce: {  	v4 =	vadd.f32 v5, v42;
	v42 =	vld [tilespmem:s21+$0x47F0];
	[tilespmem:$0x1FD60] =	vst v58;
	v58 =	vadd.f32 $0.0e+00, v37  }
0x1cf: {  	v40 =	vld [tilespmem:s21+$0x4540];
	v20 =	vmul.f32 v9, v48;
	v5 =	vadd.f32 v6, v39;
	v1 =	vadd.f32 v36, v45  }
0x1d0: {  	v41 =	vld [tilespmem:s21+$0x4550];
	v39 =	vimm.s32 $0x3;
	v3 =	vadd.f32 v3, v58;
	v58 =	vmul.f32 v8, v48  }
0x1d1: {  	v43 =	vld [tilespmem:s21+$0x4560];
	v45 =	vmul.f32 v10, v48;
	v7 =	vadd.f32 v20, v47;
	v8 =	vperm.xlane v17, v39  }
0x1d2: {  	v49 =	vld [tilespmem:s21+$0x4570];
	v6 =	vadd.f32 v58, v46;
	v46 =	vmul.f32 v11, v48;
	v58 =	vmul.f32 v12, v48  }
0x1d3: {  	v44 =	vld [tilespmem:s21+$0x4580];
	v2 =	vadd.f32 v45, v2;
	[tilespmem:$0x1FD90] =	vst v42;
	v20 =	vmul.f32 v13, v8;
	v42 =	vmul.f32 v14, v8  }
0x1d4: {  	v55 =	vld [tilespmem:s21+$0x4590];
	v48 =	vmul.f32 v50, v8;
	v50 =	vmul.f32 v16, v8;
	v3 =	vadd.f32 v46, v3  }
0x1d5: {  	v57 =	vld [tilespmem:s21+$0x45A0];
	v52 =	vmul.f32 v52, v8;
	v0 =	vadd.f32 v58, v0;
	v4 =	vadd.f32 v20, v4  }
0x1d6: {  	v31 =	vld [tilespmem:s21+$0x47A0];
	v46 =	vmul.f32 v15, v8;
	v5 =	vadd.f32 v42, v5;
	v58 =	vimm.s32 $0x4  }
0x1d7: {  	v28 =	vld [tilespmem:s21+$0x4780];
	v6 =	vadd.f32 v48, v6;
	v7 =	vadd.f32 v50, v7;
	v12 =	vperm.xlane v17, v58  }
0x1d8: {  	v33 =	vld [tilespmem:s21+$0x4790];
	v15 =	vmul.f32 v51, v8;
	v2 =	vadd.f32 v52, v2;
	v8 =	vmul.f32 v53, v8  }
0x1d9: {  	v16 =	vld [tilespmem:s21+$0x4860];
	v1 =	vadd.f32 v46, v1;
	v18 =	vmul.f32 v18, v12;
	v20 =	vmul.f32 v54, v12  }
0x1da: {  	v35 =	vld [tilespmem:s21+$0x47B0];
	v3 =	vadd.f32 v15, v3;
	v50 =	vmul.f32 v19, v12;
	v51 =	vmul.f32 v56, v12  }
0x1db: {  	v34 =	vld [tilespmem:s21+$0x47C0];
	v52 =	vmul.f32 v59, v12;
	v53 =	vmul.f32 v60, v12;
	v54 =	vimm.s32 $0x5  }
0x1dc: {  	v9 =	vld [tilespmem:$0x1FBD0];
	v0 =	vadd.f32 v8, v0;
	v56 =	vmul.f32 v61, v12;
	v10 =	vperm.xlane v17, v54  }
0x1dd: {  	v47 =	vld [tilespmem:s21+$0x4830];
	v58 =	vmul.f32 v21, v12;
	v4 =	vadd.f32 v18, v4;
	v5 =	vadd.f32 v20, v5  }
0x1de: {  	v45 =	vld [tilespmem:s21+$0x4820];
	[tilespmem:$0x1FDC0] =	vst v16;
	v1 =	vadd.f32 v50, v1;
	v16 =	vmul.f32 v22, v10;
	v22 =	vimm.s32 $0x6  }
0x1df: {  	v36 =	vld [tilespmem:s21+$0x4800];
	v6 =	vadd.f32 v51, v6;
	v59 =	vmul.f32 v62, v10;
	v11 =	vperm.xlane v17, v22  }
0x1e0: {  	v37 =	vld [tilespmem:s21+$0x47D0];
	v7 =	vadd.f32 v52, v7;
	v20 =	vmul.f32 v24, v10;
	v24 =	vmul.f32 v26, v10  }
0x1e1: {  	[tilespmem:$0x1FD70] =	vst v35;
	v35 =	vld [tilespmem:s21+$0x47E0];
	v26 =	vmul.f32 v29, v10;
	v4 =	vadd.f32 v59, v4;
	v29 =	vmul.f32 v27, v11  }
0x1e2: {  	[tilespmem:$0x1FDB0] =	vst v47;
	v47 =	vld [tilespmem:s21+$0x4880];
	v0 =	vadd.f32 v58, v0;
	v5 =	vadd.f32 v16, v5;
	v30 =	vmul.f32 v30, v11  }
0x1e3: {  	[tilespmem:$0x1FDA0] =	vst v45;
	v45 =	vld [tilespmem:s21+$0x48A0];
	v18 =	vmul.f32 v63, v10;
	v4 =	vadd.f32 v29, v4;
	v29 =	vimm.s32 $0x7  }
0x1e4: {  	v39 =	vld [tilespmem:s21+$0x4840];
	v19 =	vmul.f32 v23, v10;
	v5 =	vadd.f32 v30, v5;
	v30 =	vperm.xlane v17, v29  }
0x1e5: {  	[tilespmem:$0x1FD80] =	vst v37;
	v37 =	vld [tilespmem:s21+$0x4810];
	v1 =	vadd.f32 v18, v1;
	v32 =	vmul.f32 v32, v11;
	v38 =	vmul.f32 v38, v11  }
0x1e6: {  	v13 =	vadd.f32 v19, v6;
	v50 =	vmul.f32 v40, v11;
	v40 =	vmul.f32 v44, v30;
	v44 =	vld [tilespmem:$0x1FBA0]  }
0x1e7: {  	v27 =	vmul.f32 v41, v11;
	v58 =	vadd.f32 v32, v1;
	v41 =	vmul.f32 v55, v30;
	v55 =	vld [tilespmem:$0x1FBB0]  }
0x1e8: {  	v42 =	vld [tilespmem:s21+$0x4850];
	v13 =	vadd.f32 v38, v13;
	v38 =	vmul.f32 v43, v11;
	v43 =	vmul.f32 v57, v30  }
0x1e9: {  	v48 =	vld [tilespmem:s21+$0x4870];
	v2 =	vadd.f32 v53, v2;
	v3 =	vadd.f32 v56, v3  }
0x1ea: {  	v23 =	vmul.f32 v25, v10;
	v25 =	vadd.f32 v20, v7;
	v20 =	vadd.f32 v43, v58;
	v58 =	vld [tilespmem:$0x1FBC0]  }
0x1eb: {  	v3 =	vadd.f32 v24, v3;
	v11 =	vmul.f32 v49, v11;
	v49 =	vmul.f32 v44, v30;
	v44 =	vld [tilespmem:$0x1FC10]  }
0x1ec: {  	v2 =	vadd.f32 v23, v2;
	v57 =	vmul.f32 v55, v30;
	v55 =	vld [tilespmem:$0x1FC20]  }
0x1ed: {  	v8 =	vimm.s32 $0x8;
	v23 =	vadd.f32 v38, v3;
	v38 =	vld [tilespmem:$0x1FBF0]  }
0x1ee: {  	v2 =	vadd.f32 v27, v2;
	v27 =	vperm.xlane v17, v8;
	v32 =	vld [tilespmem:$0x1FBE0]  }
0x1ef: {  	v14 =	vadd.f32 v50, v25;
	v25 =	vadd.f32 v41, v5;
	v5 =	vmul.f32 v58, v30;
	v58 =	vld [tilespmem:$0x1FC30]  }
0x1f0: {  	v16 =	vadd.f32 v26, v0;
	v26 =	vadd.f32 v49, v13;
	v49 =	vmul.f32 v44, v27;
	v44 =	vld [tilespmem:$0x1FC40]  }
0x1f1: {  	v24 =	vadd.f32 v57, v14;
	v57 =	vmul.f32 v55, v27;
	v55 =	vld [tilespmem:$0x1FC50]  }
0x1f2: {  	v10 =	vmul.f32 v9, v30;
	v4 =	vadd.f32 v40, v4;
	v41 =	vld [tilespmem:$0x1FC00];
	v40 =	vmul.f32 v38, v27  }
0x1f3: {  	v46 =	vld [tilespmem:s21+$0x4890]  }
0x1f4: {  	v15 =	vld [tilespmem:s21+$0x4980];
	v22 =	vmul.f32 v32, v30;
	v23 =	vadd.f32 v10, v23;
	v38 =	vadd.f32 v40, v4  }
0x1f5: {  	v4 =	vld [tilespmem:$0x1FC70];
	v29 =	vadd.f32 v5, v2;
	v30 =	vadd.f32 v49, v20;
	v49 =	vmul.f32 v44, v27  }
0x1f6: {  	v5 =	vmul.f32 v58, v27;
	v26 =	vadd.f32 v57, v26;
	v58 =	vld [tilespmem:$0x1FC60];
	v57 =	vmul.f32 v55, v27  }
0x1f7: {  	v43 =	vmul.f32 v41, v27;
	v41 =	vadd.f32 v49, v29;
	v49 =	vld [tilespmem:$0x1FC80]  }
0x1f8: {  	v23 =	vadd.f32 v57, v23;
	v57 =	vld [tilespmem:$0x1FC90]  }
0x1f9: {  	v60 =	vld [tilespmem:s21+$0x48B0];
	v25 =	vadd.f32 v43, v25;
	v43 =	vimm.s32 $0x9  }
0x1fa: {  	v61 =	vld [tilespmem:s21+$0x48C0];
	v40 =	vperm.xlane v17, v43  }
0x1fb: {  	v21 =	vld [tilespmem:s21+$0x48F0]  }
0x1fc: {  	v12 =	vld [tilespmem:s21+$0x49B0];
	v24 =	vadd.f32 v5, v24;
	v5 =	vmul.f32 v4, v40;
	v27 =	vmul.f32 v58, v27  }
0x1fd: {  	v54 =	vld [tilespmem:s21+$0x4950];
	v55 =	vmul.f32 v49, v40;
	v58 =	vmul.f32 v57, v40  }
0x1fe: {  	v44 =	vadd.f32 v5, v38;
	v5 =	vld [tilespmem:$0x1FCB0]  }
0x1ff: {  	v25 =	vadd.f32 v55, v25;
	v55 =	vadd.f32 v58, v30;
	v58 =	vld [tilespmem:$0x1FCC0]  }
0x200: {  	v56 =	vld [tilespmem:s21+$0x4930]  }
0x201: {  	v53 =	vld [tilespmem:s21+$0x4940]  }
0x202: {  	v4 =	vld [tilespmem:$0x1FCA0]  }
0x203: {  	v8 =	vmul.f32 v5, v40;
	v5 =	vld [tilespmem:$0x1FCD0]  }
0x204: {  	v52 =	vld [tilespmem:s21+$0x4960];
	v57 =	vmul.f32 v58, v40  }
0x205: {  	v51 =	vld [tilespmem:s21+$0x4970]  }
0x206: {  	v41 =	vadd.f32 v57, v41;
	v57 =	vld [tilespmem:$0x1FCF0]  }
0x207: {  	v62 =	vld [tilespmem:s21+$0x48D0];
	v38 =	vmul.f32 v4, v40  }
0x208: {  	v4 =	vimm.s32 $0xA;
	v49 =	vadd.f32 v8, v24;
	v8 =	vmul.f32 v5, v40;
	v5 =	vld [tilespmem:$0x1FD00]  }
0x209: {  	v63 =	vld [tilespmem:s21+$0x48E0];
	v58 =	vperm.xlane v17, v4  }
0x20a: {  	v59 =	vld [tilespmem:s21+$0x4900]  }
0x20b: {  	v6 =	vld [tilespmem:s21+$0x4910];
	v4 =	vmul.f32 v57, v58  }
0x20c: {  	v7 =	vld [tilespmem:s21+$0x4920]  }
0x20d: {  	v2 =	vadd.f32 v8, v23;
	v8 =	vmul.f32 v5, v58;
	v44 =	vadd.f32 v4, v44;
	v4 =	vld [tilespmem:$0x1FD20]  }
0x20e: {  	v19 =	vld [tilespmem:s21+$0x49A0]  }
0x20f: {  	v23 =	vadd.f32 v8, v25;
	v25 =	vld [tilespmem:$0x1FD30]  }
0x210: {  	v18 =	vld [tilespmem:s21+$0x49F0]  }
0x211: {  	s8 =	sor.u32 $0x800, s8;
	v50 =	vld [tilespmem:s21+$0x4990]  }
0x212: {  	s8 =	sand.u32 $0x3FFFF800, s8;
	v16 =	vadd.f32 v11, v16;
	v11 =	vld [tilespmem:s21+$0x49C0];
	v26 =	vadd.f32 v38, v26;
	v5 =	vmul.f32 v4, v58  }
0x213: {  	v9 =	vld [tilespmem:s8+$0x4220]  }
0x214: {  	v4 =	vmul.f32 v25, v58;
	v57 =	vadd.f32 v5, v26;
	v5 =	vld [tilespmem:$0x1FD40]  }
0x215: {  	v38 =	vld [tilespmem:$0x1FCE0]  }
0x216: {  	v4 =	vadd.f32 v4, v49;
	v49 =	vld [tilespmem:$0x1FD50]  }
0x217: {  	v24 =	vld [tilespmem:$0x1FD10]  }
0x218: {  	v10 =	vld [tilespmem:s8+$0x4200]  }
0x219: {  	v32 =	vadd.f32 v22, v16;
	v26 =	vmul.f32 v5, v58;
	v5 =	vld [tilespmem:$0x1FD60]  }
0x21a: {  	v16 =	vld [tilespmem:s23+$0x190]  }
0x21b: {  	v22 =	vld [tilespmem:s8+$0x4230];
	v43 =	vadd.f32 v27, v32;
	v40 =	vmul.f32 v38, v40;
	v49 =	vmul.f32 v49, v58  }
0x21c: {  	v14 =	vld [tilespmem:s21+$0x49D0];
	v0 =	vmul.f32 v24, v58  }
0x21d: {  	v43 =	vadd.f32 v40, v43;
	v25 =	vimm.s32 $0xB;
	v2 =	vadd.f32 v49, v2;
	v49 =	vld [tilespmem:$0x1FD70]  }
0x21e: {  	v13 =	vld [tilespmem:s21+$0x49E0];
	v55 =	vadd.f32 v0, v55;
	v0 =	vperm.xlane v17, v25;
	v1 =	vmul.f32 v5, v58  }
0x21f: {  	v20 =	vld [tilespmem:s8+$0x4210]  }
0x220: {  	v29 =	vld [tilespmem:s8+$0x4250];
	v3 =	vadd.f32 v1, v43;
	v43 =	vmul.f32 v31, v0  }
0x221: {  	v32 =	vld [tilespmem:s8+$0x4240];
	v33 =	vmul.f32 v33, v0;
	v26 =	vadd.f32 v26, v41;
	v41 =	vmul.f32 v28, v0  }
0x222: {  	v27 =	vld [tilespmem:s8+$0x4260];
	v5 =	vmul.f32 v49, v0;
	v43 =	vadd.f32 v43, v55;
	v55 =	vimm.s32 $0xC  }
0x223: {  	v30 =	vld [tilespmem:s8+$0x4270];
	v1 =	vmul.f32 v35, v0;
	v55 =	vperm.xlane v17, v55  }
0x224: {  	v41 =	vadd.f32 v41, v44;
	v44 =	vadd.f32 v5, v57;
	v5 =	vld [tilespmem:$0x1FD80]  }
0x225: {  	v38 =	vld [tilespmem:s21+$0x4A80];
	v23 =	vadd.f32 v33, v23;
	v1 =	vadd.f32 v1, v2;
	v2 =	vmul.f32 v37, v55  }
0x226: {  	v24 =	vld [tilespmem:s21+$0x4A90]  }
0x227: {  	v49 =	vmul.f32 v34, v0;
	v2 =	vadd.f32 v2, v23;
	v23 =	vld [tilespmem:$0x1FDB0]  }
0x228: {  	v40 =	vld [tilespmem:s21+$0x4AA0]  }
0x229: {  	v4 =	vadd.f32 v49, v4;
	v49 =	vld [tilespmem:$0x1FD90];
	v57 =	vmul.f32 v5, v0  }
0x22a: {  	v8 =	vld [tilespmem:s21+$0x4AB0]  }
0x22b: {  	v26 =	vadd.f32 v57, v26;
	v57 =	vld [tilespmem:$0x1FDA0]  }
0x22c: {  	v25 =	vld [tilespmem:s21+$0x4AC0];
	v23 =	vmul.f32 v23, v55  }
0x22d: {  	v33 =	vld [tilespmem:s21+$0x4B00]  }
0x22e: {  	v0 =	vmul.f32 v49, v0;
	v49 =	vmul.f32 v36, v55;
	v23 =	vadd.f32 v23, v44;
	v44 =	vld [tilespmem:$0x1FDC0]  }
0x22f: {  	v28 =	vld [tilespmem:s21+$0x4AE0]  }
0x230: {  	v58 =	vld [tilespmem:s21+$0x4AD0];
	v5 =	vadd.f32 v0, v3;
	v3 =	vadd.f32 v49, v41;
	v49 =	vmul.f32 v57, v55  }
0x231: {  	v31 =	vld [tilespmem:s21+$0x4AF0];
	v48 =	vmul.f32 v48, v55  }
0x232: {  	v34 =	vld [tilespmem:s21+$0x4B10];
	v49 =	vadd.f32 v49, v43;
	v43 =	vmul.f32 v42, v55;
	v42 =	vimm.s32 $0xD  }
0x233: {  	v35 =	vld [tilespmem:s21+$0x4B20];
	v0 =	vperm.xlane v17, v42;
	v44 =	vmul.f32 v44, v55  }
0x234: {  	v37 =	vld [tilespmem:s21+$0x4B40];
	v5 =	vadd.f32 v48, v5;
	v57 =	vmul.f32 v39, v55  }
0x235: {  	v36 =	vld [tilespmem:s21+$0x4B30];
	v55 =	vmul.f32 v45, v0;
	v1 =	vadd.f32 v44, v1;
	v44 =	vmul.f32 v46, v0  }
0x236: {  	v41 =	vld [tilespmem:s21+$0x4B50];
	v57 =	vadd.f32 v57, v4;
	v43 =	vadd.f32 v43, v26;
	v47 =	vmul.f32 v47, v0  }
0x237: {  	v39 =	vld [tilespmem:s21+$0x4B60];
	v48 =	vmul.f32 v60, v0;
	v2 =	vadd.f32 v44, v2;
	v44 =	vadd.f32 v55, v49  }
0x238: {  	v4 =	vld [tilespmem:s21+$0x4B80];
	v49 =	vmul.f32 v61, v0;
	v61 =	vimm.s32 $0xE;
	v55 =	vmul.f32 v62, v0  }
0x239: {  	v42 =	vld [tilespmem:s21+$0x4B70];
	v3 =	vadd.f32 v47, v3;
	v62 =	vmul.f32 v63, v0;
	v60 =	vperm.xlane v17, v61  }
0x23a: {  	v26 =	vld [tilespmem:s21+$0x4B90];
	v23 =	vadd.f32 v48, v23;
	v0 =	vmul.f32 v21, v0;
	v49 =	vadd.f32 v49, v57  }
0x23b: {  	v45 =	vld [tilespmem:s21+$0x4BA0];
	v43 =	vadd.f32 v55, v43;
	v1 =	vadd.f32 v62, v1;
	v55 =	vmul.f32 v59, v60  }
0x23c: {  	v46 =	vld [tilespmem:s21+$0x4BB0];
	v57 =	vimm.s32 $0xF;
	v63 =	vmul.f32 v6, v60;
	v62 =	vmul.f32 v7, v60  }
0x23d: {  	v47 =	vld [tilespmem:s21+$0x4BC0];
	v0 =	vadd.f32 v0, v5;
	v17 =	vperm.xlane v17, v57;
	v54 =	vmul.f32 v54, v60  }
0x23e: {  	v48 =	vld [tilespmem:s21+$0x4BD0];
	v52 =	vmul.f32 v52, v60;
	v59 =	vimm.s32 $0x0;
	v2 =	vadd.f32 v63, v2  }
0x23f: {  	v21 =	vld [tilespmem:s21+$0x4BE0];
	v63 =	vmul.f32 v56, v60;
	v5 =	vadd.f32 v62, v44;
	v62 =	vmul.f32 v53, v60  }
0x240: {  	v6 =	vld [tilespmem:s21+$0x4BF0];
	v3 =	vadd.f32 v55, v3;
	v15 =	vmul.f32 v15, v17;
	v50 =	vmul.f32 v50, v17  }
0x241: {  	v7 =	vld [tilespmem:s21+$0x4C00];
	v43 =	vadd.f32 v54, v43;
	v54 =	vmul.f32 v19, v17;
	v12 =	vmul.f32 v12, v17  }
0x242: {  	v56 =	vld [tilespmem:s21+$0x4C10];
	v1 =	vadd.f32 v52, v1;
	v11 =	vmul.f32 v11, v17;
	v14 =	vmul.f32 v14, v17  }
0x243: {  	v53 =	vld [tilespmem:s21+$0x4C20];
	v13 =	vmul.f32 v13, v17;
	v17 =	vmul.f32 v18, v17;
	v23 =	vadd.f32 v63, v23  }
0x244: {  	v55 =	vld [tilespmem:s21+$0x4C30];
	v44 =	vadd.f32 v62, v49;
	v63 =	vmul.f32 v51, v60;
	v3 =	vadd.f32 v15, v3  }
0x245: {  	v52 =	vld [tilespmem:s21+$0x4C50];
	v2 =	vadd.f32 v50, v2;
	v5 =	vadd.f32 v54, v5;
	v15 =	vperm.xlane v16, v59  }
0x246: {  	v19 =	vld [tilespmem:s21+$0x4C60];
	v14 =	vadd.f32 v14, v43;
	v1 =	vadd.f32 v13, v1;
	v43 =	vimm.s32 $0x1  }
0x247: {  	v18 =	vld [tilespmem:s21+$0x4CA0];
	v0 =	vadd.f32 v63, v0;
	v10 =	vmul.f32 v10, v15;
	v60 =	vmul.f32 v20, v15  }
0x248: {  	v51 =	vld [tilespmem:s21+$0x4C40];
	v12 =	vadd.f32 v12, v23;
	v9 =	vmul.f32 v9, v15;
	v62 =	vmul.f32 v22, v15  }
0x249: {  	v49 =	vld [tilespmem:s21+$0x4C70];
	v11 =	vadd.f32 v11, v44;
	v63 =	vmul.f32 v32, v15;
	v32 =	vmul.f32 v29, v15  }
0x24a: {  	v50 =	vld [tilespmem:s21+$0x4C80];
	v44 =	vimm.s32 $0x2;
	v22 =	vperm.xlane v16, v43;
	v54 =	vmul.f32 v27, v15  }
0x24b: {  	v13 =	vld [tilespmem:s21+$0x4CD0];
	v15 =	vmul.f32 v30, v15;
	v0 =	vadd.f32 v17, v0;
	v3 =	vadd.f32 v10, v3  }
0x24c: {  	v23 =	vld [tilespmem:s21+$0x4C90];
	v43 =	vimm.s32 $0x5;
	v2 =	vadd.f32 v60, v2;
	v5 =	vadd.f32 v9, v5  }
0x24d: {  	v20 =	vld [tilespmem:s21+$0x4CB0];
	v10 =	vadd.f32 v62, v12;
	v9 =	vadd.f32 v63, v11;
	v59 =	vmul.f32 v38, v22  }
0x24e: {  	v29 =	vld [tilespmem:s21+$0x4CE0];
	v12 =	vadd.f32 v32, v14;
	v24 =	vmul.f32 v24, v22;
	v60 =	vmul.f32 v40, v22  }
0x24f: {  	v27 =	vld [tilespmem:s21+$0x4CF0];
	v1 =	vadd.f32 v54, v1;
	v8 =	vmul.f32 v8, v22;
	v62 =	vmul.f32 v25, v22  }
0x250: {  	v30 =	vld [tilespmem:s21+$0x4D00];
	v40 =	vimm.s32 $0x4;
	v38 =	vimm.s32 $0x3;
	v63 =	vmul.f32 v58, v22  }
0x251: {  	v17 =	vld [tilespmem:s21+$0x4CC0];
	v28 =	vmul.f32 v28, v22;
	v0 =	vadd.f32 v15, v0;
	v3 =	vadd.f32 v59, v3  }
0x252: {  	v14 =	vld [tilespmem:s21+$0x4D20];
	v2 =	vadd.f32 v24, v2;
	v5 =	vadd.f32 v60, v5;
	v24 =	vperm.xlane v16, v44  }
0x253: {  	v25 =	vld [tilespmem:s21+$0x4D30];
	v8 =	vadd.f32 v8, v10;
	v9 =	vadd.f32 v62, v9;
	v44 =	vmul.f32 v31, v22  }
0x254: {  	v32 =	vld [tilespmem:s21+$0x4D40];
	v10 =	vadd.f32 v63, v12;
	v54 =	vmul.f32 v33, v24;
	v58 =	vmul.f32 v34, v24  }
0x255: {  	v11 =	vld [tilespmem:s21+$0x4DD0];
	v1 =	vadd.f32 v28, v1;
	v59 =	vmul.f32 v35, v24;
	v60 =	vmul.f32 v36, v24  }
0x256: {  	v15 =	vld [tilespmem:s21+$0x4D10];
	v0 =	vadd.f32 v44, v0;
	v62 =	vmul.f32 v37, v24;
	v63 =	vmul.f32 v41, v24  }
0x257: {  	v31 =	vld [tilespmem:s21+$0x4D50];
	v35 =	vperm.xlane v16, v38;
	v41 =	vmul.f32 v39, v24;
	v3 =	vadd.f32 v54, v3  }
0x258: {  	v28 =	vld [tilespmem:s21+$0x4D60];
	v44 =	vmul.f32 v42, v24;
	v2 =	vadd.f32 v58, v2;
	v5 =	vadd.f32 v59, v5  }
0x259: {  	v22 =	vld [tilespmem:s21+$0x4D70];
	v8 =	vadd.f32 v60, v8;
	v9 =	vadd.f32 v62, v9;
	v4 =	vmul.f32 v4, v35  }
0x25a: {  	v12 =	vld [tilespmem:s21+$0x4E20];
	v10 =	vadd.f32 v63, v10;
	v54 =	vmul.f32 v26, v35;
	v58 =	vmul.f32 v45, v35  }
0x25b: {  	v34 =	vld [tilespmem:s21+$0x4D80];
	v1 =	vadd.f32 v41, v1;
	v59 =	vmul.f32 v46, v35;
	v60 =	vmul.f32 v47, v35  }
0x25c: {  	v36 =	vld [tilespmem:s21+$0x4D90];
	v0 =	vadd.f32 v44, v0;
	v62 =	vmul.f32 v48, v35;
	v63 =	vperm.xlane v16, v40  }
0x25d: {  	v33 =	vld [tilespmem:s21+$0x4DA0];
	v41 =	vmul.f32 v21, v35;
	v6 =	vmul.f32 v6, v35;
	v3 =	vadd.f32 v4, v3  }
0x25e: {  	v24 =	vld [tilespmem:s21+$0x4DB0];
	v47 =	vperm.xlane v16, v43;
	v2 =	vadd.f32 v54, v2;
	v5 =	vadd.f32 v58, v5  }
0x25f: {  	v37 =	vld [tilespmem:s21+$0x4DC0];
	v4 =	vadd.f32 v59, v8;
	v7 =	vmul.f32 v7, v63;
	v42 =	vmul.f32 v56, v63  }
0x260: {  	v39 =	vld [tilespmem:s21+$0x4DF0];
	v9 =	vadd.f32 v60, v9;
	v44 =	vmul.f32 v53, v63;
	v45 =	vmul.f32 v55, v63  }
0x261: {  	v26 =	vld [tilespmem:s21+$0x4DE0];
	v8 =	vadd.f32 v62, v10;
	v46 =	vmul.f32 v51, v63;
	v48 =	vmul.f32 v52, v63  }
0x262: {  	v21 =	vld [tilespmem:s21+$0x4E00];
	v1 =	vadd.f32 v41, v1;
	v19 =	vmul.f32 v19, v63;
	v51 =	vmul.f32 v49, v63  }
0x263: {  	v35 =	vld [tilespmem:s21+$0x4E10];
	v0 =	vadd.f32 v6, v0;
	v52 =	vmul.f32 v50, v47;
	v53 =	vmul.f32 v23, v47  }
0x264: {  	v43 =	vld [tilespmem:s21+$0x4E60];
	v54 =	vimm.s32 $0x7;
	v56 =	vmul.f32 v18, v47;
	v58 =	vmul.f32 v20, v47  }
0x265: {  	v10 =	vld [tilespmem:s21+$0x4E30];
	v55 =	vimm.s32 $0x6;
	v17 =	vmul.f32 v17, v47;
	v59 =	vmul.f32 v13, v47  }
0x266: {  	v41 =	vld [tilespmem:s21+$0x4E40];
	v62 =	vmul.f32 v29, v47;
	v63 =	vmul.f32 v27, v47;
	v3 =	vadd.f32 v7, v3  }
0x267: {  	v18 =	vld [tilespmem:s21+$0x4E80];
	v60 =	vperm.xlane v16, v55;
	v2 =	vadd.f32 v42, v2;
	v5 =	vadd.f32 v44, v5  }
0x268: {  	v20 =	vld [tilespmem:s21+$0x4E90];
	v4 =	vadd.f32 v45, v4;
	v7 =	vadd.f32 v48, v8;
	v48 =	vperm.xlane v16, v54  }
0x269: {  	v23 =	vld [tilespmem:s21+$0x4EA0];
	v6 =	vadd.f32 v46, v9;
	v40 =	vmul.f32 v30, v60;
	v44 =	vmul.f32 v15, v60  }
0x26a: {  	v29 =	vld [tilespmem:s21+$0x4EC0];
	v1 =	vadd.f32 v19, v1;
	v14 =	vmul.f32 v14, v60;
	v45 =	vmul.f32 v25, v60  }
0x26b: {  	v27 =	vld [tilespmem:s21+$0x4F70];
	v0 =	vadd.f32 v51, v0;
	v46 =	vmul.f32 v32, v60;
	v47 =	vmul.f32 v31, v60  }
0x26c: {  	v42 =	vld [tilespmem:s21+$0x4E50];
	v49 =	vmul.f32 v28, v60;
	v3 =	vadd.f32 v52, v3;
	v2 =	vadd.f32 v53, v2  }
0x26d: {  	v19 =	vld [tilespmem:s21+$0x4E70];
	v13 =	vmul.f32 v22, v60;
	v5 =	vadd.f32 v56, v5;
	v4 =	vadd.f32 v58, v4  }
0x26e: {  	v15 =	vld [tilespmem:s21+$0x4ED0];
	v6 =	vadd.f32 v17, v6;
	v7 =	vadd.f32 v59, v7;
	v50 =	vmul.f32 v34, v48  }
0x26f: {  	v25 =	vld [tilespmem:s21+$0x4EE0];
	v1 =	vadd.f32 v62, v1;
	v51 =	vmul.f32 v36, v48;
	v53 =	vmul.f32 v33, v48  }
0x270: {  	v30 =	vld [tilespmem:s21+$0x4F00];
	v0 =	vadd.f32 v63, v0;
	v54 =	vmul.f32 v24, v48;
	v55 =	vmul.f32 v37, v48  }
0x271: {  	v22 =	vld [tilespmem:s21+$0x4F10];
	v52 =	vimm.s32 $0x8;
	v58 =	vmul.f32 v11, v48;
	v59 =	vmul.f32 v26, v48  }
0x272: {  	v31 =	vld [tilespmem:s21+$0x4F20];
	v60 =	vmul.f32 v39, v48;
	v63 =	vimm.s32 $0xA;
	v36 =	vimm.s32 $0x9  }
0x273: {  	v32 =	vld [tilespmem:s21+$0x4F50];
	v56 =	vperm.xlane v16, v52;
	v33 =	vperm.xlane v16, v36;
	v3 =	vadd.f32 v40, v3  }
0x274: {  	v28 =	vld [tilespmem:s21+$0x5130];
	v36 =	vimm.s32 $0xC;
	v2 =	vadd.f32 v44, v2;
	v5 =	vadd.f32 v14, v5  }
0x275: {  	v17 =	vld [tilespmem:s21+$0x4EB0];
	v4 =	vadd.f32 v45, v4;
	v6 =	vadd.f32 v46, v6;
	v21 =	vmul.f32 v21, v56  }
0x276: {  	v24 =	vld [tilespmem:s21+$0x4F40];
	v7 =	vadd.f32 v47, v7;
	v62 =	vmul.f32 v35, v56;
	v37 =	vmul.f32 v12, v56  }
0x277: {  	v26 =	vld [tilespmem:s21+$0x4F60];
	v1 =	vadd.f32 v49, v1;
	v38 =	vmul.f32 v10, v56;
	v39 =	vmul.f32 v41, v56  }
0x278: {  	v11 =	vld [tilespmem:s21+$0x4F80];
	v0 =	vadd.f32 v13, v0;
	v41 =	vmul.f32 v42, v56;
	v42 =	vmul.f32 v43, v56  }
0x279: {  	v34 =	vld [tilespmem:s21+$0x4FB0];
	v43 =	vmul.f32 v19, v56;
	v18 =	vmul.f32 v18, v33;
	v3 =	vadd.f32 v50, v3  }
0x27a: {  	v14 =	vld [tilespmem:s21+$0x4EF0];
	v45 =	vmul.f32 v20, v33;
	v2 =	vadd.f32 v51, v2;
	v5 =	vadd.f32 v53, v5  }
0x27b: {  	v13 =	vld [tilespmem:s21+$0x4F30];
	v46 =	vmul.f32 v23, v33;
	v4 =	vadd.f32 v54, v4;
	v6 =	vadd.f32 v55, v6  }
0x27c: {  	v40 =	vld [tilespmem:s21+$0x4FA0];
	v49 =	vmul.f32 v29, v33;
	v7 =	vadd.f32 v58, v7;
	v1 =	vadd.f32 v59, v1  }
0x27d: {  	v44 =	vld [tilespmem:s21+$0x4FD0];
	v0 =	vadd.f32 v60, v0;
	v50 =	vmul.f32 v15, v33;
	v51 =	vperm.xlane v16, v63  }
0x27e: {  	v47 =	vld [tilespmem:s21+$0x4FE0];
	v52 =	vmul.f32 v25, v33;
	v55 =	vimm.s32 $0xB;
	v48 =	vmul.f32 v17, v33  }
0x27f: {  	v12 =	vld [tilespmem:s21+$0x4F90];
	v63 =	vperm.xlane v16, v55;
	v3 =	vadd.f32 v21, v3;
	v2 =	vadd.f32 v62, v2  }
0x280: {  	v10 =	vld [tilespmem:s21+$0x4FC0];
	v5 =	vadd.f32 v37, v5;
	v4 =	vadd.f32 v38, v4;
	v54 =	vmul.f32 v30, v51  }
0x281: {  	v20 =	vld [tilespmem:s21+$0x5010];
	v6 =	vadd.f32 v39, v6;
	v22 =	vmul.f32 v22, v51;
	v58 =	vmul.f32 v31, v51  }
0x282: {  	v56 =	vld [tilespmem:s21+$0x5030];
	v7 =	vadd.f32 v41, v7;
	v62 =	vmul.f32 v24, v51;
	v32 =	vmul.f32 v32, v51  }
0x283: {  	v53 =	vld [tilespmem:s21+$0x5020];
	v1 =	vadd.f32 v42, v1;
	v26 =	vmul.f32 v26, v51;
	v35 =	vmul.f32 v27, v51  }
0x284: {  	v59 =	vld [tilespmem:s21+$0x5040];
	v0 =	vadd.f32 v43, v0;
	v14 =	vmul.f32 v14, v33;
	v60 =	vmul.f32 v13, v51  }
0x285: {  	v25 =	vld [tilespmem:s21+$0x5120];
	v11 =	vmul.f32 v11, v63;
	v40 =	vmul.f32 v40, v63;
	v3 =	vadd.f32 v18, v3  }
0x286: {  	v17 =	vld [tilespmem:s21+$0x4FF0];
	v42 =	vmul.f32 v34, v63;
	v2 =	vadd.f32 v45, v2;
	v5 =	vadd.f32 v46, v5  }
0x287: {  	v24 =	vld [tilespmem:s21+$0x5060];
	v44 =	vmul.f32 v44, v63;
	v4 =	vadd.f32 v48, v4;
	v6 =	vadd.f32 v49, v6  }
0x288: {  	v37 =	vld [tilespmem:s21+$0x5080];
	v47 =	vmul.f32 v47, v63;
	v7 =	vadd.f32 v50, v7;
	v1 =	vadd.f32 v52, v1  }
0x289: {  	v39 =	vld [tilespmem:s21+$0x5090];
	v38 =	vmul.f32 v12, v63;
	v0 =	vadd.f32 v14, v0;
	v3 =	vadd.f32 v54, v3  }
0x28a: {  	v41 =	vld [tilespmem:s21+$0x50A0];
	v10 =	vmul.f32 v10, v63;
	v2 =	vadd.f32 v22, v2;
	v5 =	vadd.f32 v58, v5  }
0x28b: {  	v13 =	vld [tilespmem:s21+$0x5050];
	v45 =	vperm.xlane v16, v36;
	v4 =	vadd.f32 v60, v4;
	v6 =	vadd.f32 v62, v6  }
0x28c: {  	v33 =	vld [tilespmem:s21+$0x5070];
	v7 =	vadd.f32 v32, v7;
	v1 =	vadd.f32 v26, v1;
	v49 =	vmul.f32 v17, v63  }
0x28d: {  	v18 =	vld [tilespmem:s21+$0x5000];
	v52 =	vmul.f32 v20, v45;
	v53 =	vmul.f32 v53, v45;
	v54 =	vimm.s32 $0xD  }
0x28e: {  	v43 =	vld [tilespmem:s21+$0x50B0];
	v56 =	vmul.f32 v56, v45;
	v59 =	vmul.f32 v59, v45;
	v0 =	vadd.f32 v35, v0  }
0x28f: {  	v46 =	vld [tilespmem:s21+$0x50C0];
	v63 =	vperm.xlane v16, v54;
	v27 =	vmul.f32 v24, v45;
	v3 =	vadd.f32 v11, v3  }
0x290: {  	v48 =	vld [tilespmem:s21+$0x50D0];
	v2 =	vadd.f32 v38, v2;
	v5 =	vadd.f32 v40, v5;
	v62 =	vmul.f32 v13, v45  }
0x291: {  	v51 =	vld [tilespmem:s21+$0x50E0];
	v4 =	vadd.f32 v42, v4;
	v19 =	vmul.f32 v33, v45;
	v38 =	vperm.xlane v16, v61  }
0x292: {  	v55 =	vld [tilespmem:s21+$0x50F0];
	v6 =	vadd.f32 v10, v6;
	v16 =	vperm.xlane v16, v57;
	v50 =	vmul.f32 v18, v45  }
0x293: {  	v30 =	vld [tilespmem:s21+$0x5140];
	v7 =	vadd.f32 v44, v7;
	v29 =	vmul.f32 v37, v63;
	v12 =	vmul.f32 v39, v63  }
0x294: {  	v34 =	vld [tilespmem:s21+$0x5160];
	v1 =	vadd.f32 v47, v1;
	v31 =	vmul.f32 v41, v63;
	v33 =	vmul.f32 v43, v63  }
0x295: {  	v36 =	vld [tilespmem:s21+$0x5170];
	v0 =	vadd.f32 v49, v0;
	v35 =	vmul.f32 v46, v63;
	v10 =	vmul.f32 v48, v63  }
0x296: {  	v58 =	vld [tilespmem:s21+$0x5100];
	v37 =	vmul.f32 v51, v63;
	v2 =	vadd.f32 v52, v2;
	v5 =	vadd.f32 v53, v5  }
0x297: {  	v60 =	vld [tilespmem:s21+$0x5110];
	v40 =	vmul.f32 v55, v63;
	v4 =	vadd.f32 v56, v4;
	v6 =	vadd.f32 v59, v6  }
0x298: {  	v32 =	vld [tilespmem:s21+$0x5150];
	v7 =	vadd.f32 v62, v7;
	v45 =	vmul.f32 v25, v38;
	v47 =	vmul.f32 v28, v38  }
0x299: {  	v41 =	vld [tilespmem:s21+$0x5190];
	v1 =	vadd.f32 v27, v1;
	v49 =	vmul.f32 v30, v38;
	v57 =	vmul.f32 v34, v38  }
0x29a: {  	v44 =	vld [tilespmem:s21+$0x51A0];
	v59 =	vmul.f32 v36, v38;
	v3 =	vadd.f32 v50, v3;
	v0 =	vadd.f32 v19, v0  }
0x29b: {  	v46 =	vld [tilespmem:s21+$0x51B0];
	v42 =	vmul.f32 v58, v38;
	v2 =	vadd.f32 v12, v2;
	v5 =	vadd.f32 v31, v5  }
0x29c: {  	v48 =	vld [tilespmem:s21+$0x51C0];
	v43 =	vmul.f32 v60, v38;
	v4 =	vadd.f32 v33, v4;
	v6 =	vadd.f32 v35, v6  }
0x29d: {  	v39 =	vld [tilespmem:s21+$0x5180];
	v52 =	vmul.f32 v32, v38;
	v7 =	vadd.f32 v10, v7;
	v1 =	vadd.f32 v37, v1  }
0x29e: {  	v53 =	vld [tilespmem:s21+$0x51E0];
	v3 =	vadd.f32 v29, v3;
	v2 =	vadd.f32 v43, v2;
	v10 =	vmul.f32 v41, v16  }
0x29f: {  	v55 =	vld [tilespmem:s21+$0x51F0];
	v0 =	vadd.f32 v40, v0;
	v54 =	vmul.f32 v44, v16;
	v5 =	vadd.f32 v45, v5  }
0x2a0: {  	s23 =	sshll.u32 s1, $0x7;
	v51 =	vld [tilespmem:s21+$0x51D0];
	v4 =	vadd.f32 v47, v4;
	v56 =	vmul.f32 v46, v16;
	v2 =	vadd.f32 v10, v2  }
0x2a1: {  	s8 =	sand.u32 $0x3FFFFF80, s23;
	v6 =	vadd.f32 v49, v6;
	v58 =	vmul.f32 v48, v16;
	v5 =	vadd.f32 v54, v5  }
0x2a2: {  	v50 =	vmul.f32 v39, v16;
	v3 =	vadd.f32 v42, v3;
	v4 =	vadd.f32 v56, v4;
	[tilespmem:s8+$0x1C210] =	vst v2  }
0x2a3: {  	v1 =	vadd.f32 v57, v1;
	v62 =	vmul.f32 v53, v16;
	v61 =	vadd.f32 v58, v6;
	[tilespmem:s8+$0x1C220] =	vst v5  }
0x2a4: {  	p1 =	sne.s32 s1, $0x3;
	v63 =	vmul.f32 v55, v16;
	v0 =	vadd.f32 v59, v0;
	v3 =	vadd.f32 v50, v3;
	[tilespmem:s8+$0x1C230] =	vst v4  }
.Ltmp3:
0x2a5: {  	v7 =	vadd.f32 v52, v7;
	v60 =	vmul.f32 v51, v16;
	v1 =	vadd.f32 v62, v1;
	[tilespmem:s8+$0x1C240] =	vst v61;
	(pc) =	sbr.rel @p1 .LBB2_5-.Ltmp3, $4  }
0x2a6: {  	v0 =	vadd.f32 v63, v0;
	[tilespmem:s8+$0x1C200] =	vst v3  }
0x2a7: {  	v2 =	vadd.f32 v60, v7;
	[tilespmem:s8+$0x1C260] =	vst v1  }
0x2a8: {  	[tilespmem:s8+$0x1C270] =	vst v0  }
0x2a9: {  	s1 =	sadd.s32 $0x1, s1;
	[tilespmem:s8+$0x1C250] =	vst v2  }
0x2aa: {  	s1 =	sshll.u32 s31, $0xA  }
0x2ab: {  	s1 =	sadd.s32 s15, s1  }
0x2ac: {  	s1 =	sshrl.u32 s1, $0x3  }
.Ltmp4:
0x2ad: {  	s1 =	sadd.s32 s1, s16;
	(pc) =	sbr.rel @p0 .LBB2_8-.Ltmp4, $4  }
0x2ae: {  	[hbm4b:s1+s4] =	stream.linear.scatter [tilespmem:s28], [sflag:$0x3], $0x200, $0x38;
	[tilespmem:$0x1C400] =	vst v63  }
0x2af: {  	_ =	swait.ge [sflag:s20], $0x200  }
0x2b0: {  	[sflag:s20] =	ssyncset.done $0x0  }
0x2b1: {  	[sflag:s20] =	ssyncadd.s32 $0xFFFFFE00  }
0x2b2: {  	s0 =	sadd.s32 s0, s17  }
0x2b3: {  	s0 =	sshll.u32 s0, $0x4  }
0x2b4: {  	s0 =	sadd.s32 $0x20, s0  }
0x2b5: {  	s1 =	sadd.s32 s2, s0  }
0x2b6: {  	[tilespmem:s22], [sflag:$0x3] =	stream.linear.gather [hbm4b:s1+s4], $0x80, $0x38;
	[tilespmem:$0x1C400] =	vst v63  }
0x2b7: {  	_ =	swait.ge [sflag:s20], $0x80  }
0x2b8: {  	[sflag:s20] =	ssyncset.done $0x0  }
0x2b9: {  	s0 =	sadd.s32 s5, s0;
	[sflag:s20] =	ssyncadd.s32 $0xFFFFFF80  }
0x2ba: {  	[tilespmem:s24], [sflag:$0x3] =	stream.linear.gather [hbm4b:s0+s4], $0x80, $0x38;
	[tilespmem:$0x1C400] =	vst v63  }
.Ltmp5:
0x2bb: {  	_ = 	snop;
	(pc) =	sbr.rel .LBB2_2-.Ltmp5, $4  }
0x2bc: {  	_ =	swait.ge [sflag:s20], $0x80  }
0x2bd: {  	[sflag:s20] =	ssyncset.done $0x0  }
0x2be: {  	s31 =	sadd.s32 $0x1, s31;
	[sflag:s20] =	ssyncadd.s32 $0xFFFFFF80  }
0x2bf: {  	[tilespmem:s25], [sflag:$0x2] =	stream.indirect.gather [spmem:s3], $0x80, s22, s22, $0xb8;
	[tilespmem:$0x1C400] =	vst v63  }
.LBB2_9:
0x2c0: {  	_ =	sfence.sel $0x180000  }
0x2c1: {  	[bflag:$0x0] =	sbarrier.arrive $0xFFFF  }
0x2c2: {  	_ =	strace $0x90000047  }
0x2c3: {  	s0 =	stileid.u32;
	[bflag:$0x2] =	sbarrier.arrive $0xFFFF  }
0x2c4: {  	p0 =	sne.s32 s0, $0x0;
	s0 =	rddreg [dreg:$0x3]  }
0x2c5: {  	s0 =	sadd.s32 @!p0 $0x100000, s0  }
0x2c6: {  	[sflag:s0] =	ssyncadd.tile.s32 @!p0 $0x1;
	_ =	shalt  }
.Lfunc_end2:
_tile_overlayer_lowered:
.L_overlay_start_2:
0x2c7: {  	(tag) =	ssettag $0x2  }
0x2c8: {  	s0 =	rddreg [dreg:$0x0];
	s2 =	stileid.u32  }
0x2c9: {  	s1 =	rddreg [dreg:$0x1];
	p0 =	sne.s32 s2, $0x0  }
0x2ca: {  	s3 =	rddreg [dreg:$0x2];
	[bflag:$0x3] =	sbarrier.arrive $0xFFFF;
	s2 =	simm.s32 @!p0 $0x1C03  }
0x2cb: {  	[timem:s3], [sflag:s2] =	dma.local @!p0 [hbm:s0], s1  }
0x2cc: {  	s0 =	simm.s32 @!p0 $0x3  }
0x2cd: {  	_ =	swait.ge @!p0 [sflag:s0], s1  }
0x2ce: {  	s1 =	ssub.s32 @!p0 $0x0, s1;
	[sflag:s0] =	ssyncset.done @!p0 $0x0  }
0x2cf: {  	[sflag:s0] =	ssyncadd.s32 @!p0 s1  }
0x2d0: {  	[bflag:$0x3] =	sbarrier.arrive $0xFFFF  }
0x2d1: {  	_ =	shalt  }

</sc_bundles>
